<compile_context>
chip_gen: v7x
topology: tpu7x:2x2x1
jax: 0.10.2.dev20260603
libtpu: 0.0.44.dev20260713+nightly
codegen_flags: <defaults>
</compile_context>

<pallas_src>
import functools

import jax
import jax.numpy as jnp
from jax import lax
from jax.experimental import pallas as pl
from jax.experimental.pallas import tpu as pltpu
from jax.experimental.pallas import tpu_sc as plsc

N = 10000
NP = 10240
E = 320000
D = 128
H1, F1, F2 = 4, 32, 64

NC, NS = 2, 16
NW = NC * NS
RPT = NP // NS
RB = 128
NSUP = 5


def _make_edge_kernel(H, F, with_stats, split_heads, CH):
    HF = H * F
    KV = HF // 16
    VPH = KV // H
    EPT = E // NS if split_heads else E // NW
    SUP = EPT // NSUP
    NCHS = SUP // CH
    assert NCHS % 2 == 0 and SUP % CH == 0 and CH % 8 == 0
    assert not split_heads or CH % 16 == 0
    mesh = plsc.VectorSubcoreMesh(core_axis_name="c", subcore_axis_name="s")

    @functools.partial(
        pl.kernel,
        out_type=[
            jax.ShapeDtypeStruct((NC * NP, HF), jnp.float32),
            jax.ShapeDtypeStruct((NC * NP, 16), jnp.float32),
        ],
        mesh=mesh,
        compiler_params=pltpu.CompilerParams(needs_layout_passes=False,
                                             use_tc_tiling_on_sc=False),
        scratch_types=[
            pltpu.VMEM((NCHS, CH), jnp.int32),
            pltpu.VMEM((NCHS, CH), jnp.int32),
            pltpu.VMEM((NCHS, CH), jnp.int32),
            pltpu.VMEM((SUP,), jnp.float32),
            pltpu.VMEM((SUP,), jnp.float32),
            pltpu.VMEM((CH, HF), jnp.float32),
            pltpu.VMEM((CH, HF), jnp.float32),
            pltpu.VMEM((CH, HF), jnp.float32),
            pltpu.VMEM((CH, 16), jnp.float32),
            pltpu.VMEM((CH, HF), jnp.float32),
            pltpu.VMEM((CH, HF), jnp.float32),
            pltpu.VMEM((CH, HF), jnp.float32),
            pltpu.VMEM((CH, 16), jnp.float32),
            pltpu.VMEM((1, 2, HF), jnp.float32),
            pltpu.VMEM((1, HF), jnp.float32),
            pltpu.VMEM((RB, HF), jnp.float32),
            pltpu.VMEM((RB, 16), jnp.float32),
            pltpu.VMEM_SHARED((NP, HF), jnp.float32),
            pltpu.VMEM_SHARED((NP, 16), jnp.float32),
            pltpu.SemaphoreType.DMA,
            pltpu.SemaphoreType.DMA,
            pltpu.SemaphoreType.DMA,
            pltpu.SemaphoreType.DMA,
        ],
    )
    def ek(xl_hbm, xr_hbm, src_hbm, dst_hbm, attr_hbm, we_hbm, att_hbm,
           acc_out, small_out,
           sidx, didx, didxg, a0sb, a1sb, xlA, xrA, msgA, smallA,
           xlB, xrB, msgB, smallB, webuf, attbuf, zbuf, zsbuf,
           acc_sh, small_sh, semgA, semgB, semsA, semsB):
        cid = lax.axis_index("c")
        sid = lax.axis_index("s")
        wid = cid * NS + sid
        iota16 = lax.broadcasted_iota(jnp.int32, (16,), 0)
        zf = jnp.zeros((16,), jnp.float32)

        wsel = cid if split_heads else 0
        pltpu.sync_copy(we_hbm.at[pl.ds(wsel, 1)], webuf)
        pltpu.sync_copy(att_hbm.at[pl.ds(wsel, 1)], attbuf)
        we0v = [webuf[0, 0, pl.ds(16 * k, 16)] for k in range(KV)]
        we1v = [webuf[0, 1, pl.ds(16 * k, 16)] for k in range(KV)]
        attv = [attbuf[0, pl.ds(16 * k, 16)] for k in range(KV)]
        hmask = [iota16 == h for h in range(H)]
        smask = [iota16 == H + j for j in range(3)]

        def zrow(r, _):
            for k in range(KV):
                zbuf[r, pl.ds(16 * k, 16)] = zf
            zsbuf[r, :] = zf
            return 0
        lax.fori_loop(0, RB, zrow, 0)
        r0 = sid * RPT

        def zcp(j, _):
            rr = pl.multiple_of(r0 + j * RB, 8)
            pltpu.sync_copy(zbuf, acc_sh.at[pl.ds(rr, RB)])
            pltpu.sync_copy(zsbuf, small_sh.at[pl.ds(rr, RB)])
            return 0
        lax.fori_loop(0, RPT // RB, zcp, 0)
        plsc.subcore_barrier()

        base_row = (sid if split_heads else wid) * (EPT // CH)
        gidx = didxg if split_heads else didx

        def compute_chunk(xl_b, xr_b, msg_b, small_b, ab):
            def edge_pair(e2, _):
                for un in range(4):
                    e = e2 * 4 + un
                    ev = jnp.zeros((16,), jnp.int32) + (ab + e)
                    a0 = plsc.load_gather(a0sb, [ev])
                    a1 = plsc.load_gather(a1sb, [ev])
                    xls = []
                    ts = []
                    for k in range(KV):
                        sl = pl.ds(16 * k, 16)
                        xlk = xl_b[e, sl]
                        xrk = xr_b[e, sl]
                        m = xlk + xrk + a0 * we0v[k] + a1 * we1v[k]
                        m = jnp.maximum(m, 0.2 * m)
                        ts.append(m * attv[k])
                        xls.append(xlk)
                    exs = []
                    for h in range(H):
                        u = ts[VPH * h]
                        for k in range(1, VPH):
                            u = u + ts[VPH * h + k]
                        cs = plsc.cumsum(u)
                        rcs = plsc.cumsum(lax.rev(u, (0,)))
                        exs.append(jnp.exp(cs + lax.rev(rcs, (0,)) - u))
                    for k in range(KV):
                        msg_b[e, pl.ds(16 * k, 16)] = xls[k] * exs[k // VPH]
                    sr = jnp.zeros((16,), jnp.float32)
                    for h in range(H):
                        sr = jnp.where(hmask[h], exs[h], sr)
                    if with_stats:
                        sr = jnp.where(smask[0], 1.0, sr)
                        sr = jnp.where(smask[1], a0, sr)
                        sr = jnp.where(smask[2], a1, sr)
                    small_b[e, :] = sr
                return 0
            lax.fori_loop(0, CH // 4, edge_pair, 0)

        def gissue(c, xl_b, xr_b, semg):
            pltpu.async_copy(xl_hbm.at[sidx.at[c]], xl_b, semg)
            pltpu.async_copy(xr_hbm.at[gidx.at[c]], xr_b, semg)

        def gwait(c, xl_b, xr_b, semg):
            pltpu.make_async_copy(xl_hbm.at[sidx.at[c]], xl_b, semg).wait()
            pltpu.make_async_copy(xr_hbm.at[gidx.at[c]], xr_b, semg).wait()

        def sissue(c, msg_b, small_b, sems):
            pltpu.async_copy(msg_b, acc_sh.at[didx.at[c]], sems, add=True)
            pltpu.async_copy(small_b, small_sh.at[didx.at[c]], sems, add=True)

        def swait(c, msg_b, small_b, sems):
            pltpu.make_async_copy(msg_b, acc_sh.at[didx.at[c]], sems).wait()
            pltpu.make_async_copy(small_b, small_sh.at[didx.at[c]], sems).wait()

        def superchunk(s, _):
            row0 = base_row + s * NCHS
            e0 = row0 * CH
            pltpu.sync_copy(src_hbm.at[pl.ds(row0, NCHS)], sidx)
            pltpu.sync_copy(dst_hbm.at[pl.ds(row0, NCHS)], didx)
            pltpu.sync_copy(attr_hbm.at[0, pl.ds(e0, SUP)], a0sb)
            pltpu.sync_copy(attr_hbm.at[1, pl.ds(e0, SUP)], a1sb)
            if split_heads:
                off = cid * N
                def offrow(c, _):
                    for k in range(CH // 16):
                        sl = pl.ds(16 * k, 16)
                        sidx[c, sl] = sidx[c, sl] + off
                        didxg[c, sl] = didx[c, sl] + off
                    return 0
                lax.fori_loop(0, NCHS, offrow, 0)

            gissue(0, xlA, xrA, semgA)

            def step(i, _):
                c0 = i * 2
                c1 = c0 + 1
                gissue(c1, xlB, xrB, semgB)
                gwait(c0, xlA, xrA, semgA)

                @pl.when(i >= 1)
                def _():
                    swait(c0 - 2, msgA, smallA, semsA)
                compute_chunk(xlA, xrA, msgA, smallA, c0 * CH)
                sissue(c0, msgA, smallA, semsA)

                @pl.when(c0 + 2 < NCHS)
                def _():
                    gissue(c0 + 2, xlA, xrA, semgA)
                gwait(c1, xlB, xrB, semgB)

                @pl.when(i >= 1)
                def _():
                    swait(c1 - 2, msgB, smallB, semsB)
                compute_chunk(xlB, xrB, msgB, smallB, c1 * CH)
                sissue(c1, msgB, smallB, semsB)
                return 0
            lax.fori_loop(0, NCHS // 2, step, 0)
            swait(NCHS - 2, msgA, smallA, semsA)
            swait(NCHS - 1, msgB, smallB, semsB)
            return 0
        lax.fori_loop(0, NSUP, superchunk, 0)
        plsc.subcore_barrier()

        def dump(j, _):
            rr = pl.multiple_of(r0 + j * RB, 8)
            pltpu.sync_copy(acc_sh.at[pl.ds(rr, RB)], zbuf)
            pltpu.sync_copy(zbuf, acc_out.at[pl.ds(pl.multiple_of(cid * NP + rr, 8), RB)])
            pltpu.sync_copy(small_sh.at[pl.ds(rr, RB)], zsbuf)
            pltpu.sync_copy(zsbuf, small_out.at[pl.ds(pl.multiple_of(cid * NP + rr, 8), RB)])
            return 0
        lax.fori_loop(0, RPT // RB, dump, 0)

    return ek


_CH1, _CH2 = 80, 40
_edge1 = _make_edge_kernel(H1 // NC, F1, with_stats=True, split_heads=True,
                           CH=_CH1)
_edge2 = _make_edge_kernel(1, F2, with_stats=False, split_heads=False,
                           CH=_CH2)



_MMB = 1000


def _mm2_body(x_ref, wl_ref, bl_ref, wr_ref, br_ref, ol_ref, or_ref):
    xb = x_ref[...]
    ol_ref[...] = jnp.dot(xb, wl_ref[...],
                          preferred_element_type=jnp.float32) + bl_ref[...]
    or_ref[...] = jnp.dot(xb, wr_ref[...],
                          preferred_element_type=jnp.float32) + br_ref[...]


def _mm2(x, Wl, bl, Wr, br):
    n, d = x.shape
    f = Wl.shape[1]
    return pl.pallas_call(
        _mm2_body,
        grid=(n // _MMB,),
        in_specs=[
            pl.BlockSpec((_MMB, d), lambda i: (i, 0)),
            pl.BlockSpec((d, f), lambda i: (0, 0)),
            pl.BlockSpec((1, f), lambda i: (0, 0)),
            pl.BlockSpec((d, f), lambda i: (0, 0)),
            pl.BlockSpec((1, f), lambda i: (0, 0)),
        ],
        out_specs=[pl.BlockSpec((_MMB, f), lambda i: (i, 0)),
                   pl.BlockSpec((_MMB, f), lambda i: (i, 0))],
        out_shape=[jax.ShapeDtypeStruct((n, f), jnp.float32)] * 2,
    )(x, Wl, bl[None], Wr, br[None])


def _combine1_body(acc0_ref, acc1_ref, sm0_ref, sm1_ref, xl_ref, xr_ref,
                   we1_ref, att1_ref, b1_ref, wl2_ref, bl2_ref, wr2_ref,
                   br2_ref, we2_ref, xl2_ref, xr2_ref, me2_ref):
    acc = jnp.concatenate([acc0_ref[...], acc1_ref[...]], axis=1)
    sm0 = sm0_ref[...]
    sm1 = sm1_ref[...]
    Hs = H1 // NC
    exh = jnp.concatenate([sm0[:, 0:Hs], sm1[:, 0:Hs]], axis=1)
    deg = sm0[:, Hs:Hs + 1]
    asum = sm0[:, Hs + 1:Hs + 3]
    mean_attr = asum / jnp.maximum(deg, 1.0)
    xl = xl_ref[...]
    we1 = we1_ref[...]
    mloop = (xl + xr_ref[...]
             + mean_attr[:, 0:1] * we1[0:1, :]
             + mean_attr[:, 1:2] * we1[1:2, :])
    mloop = jnp.maximum(mloop, 0.2 * mloop)
    t = mloop * att1_ref[...]
    r = lax.broadcasted_iota(jnp.int32, (H1 * F1, H1), 0) // F1
    c = lax.broadcasted_iota(jnp.int32, (H1 * F1, H1), 1)
    S = (r == c).astype(jnp.float32)
    alpha = jnp.dot(t, S, preferred_element_type=jnp.float32)
    exl = jnp.exp(alpha)
    den = exh + exl
    r2 = lax.broadcasted_iota(jnp.int32, (H1, H1 * F1), 0)
    c2 = lax.broadcasted_iota(jnp.int32, (H1, H1 * F1), 1) // F1
    S2 = (r2 == c2).astype(jnp.float32)
    exl_e = jnp.dot(exl, S2, preferred_element_type=jnp.float32)
    den_e = jnp.dot(den, S2, preferred_element_type=jnp.float32)
    out1 = (acc + exl_e * xl) / den_e + b1_ref[...]
    h = jnp.maximum(out1, 0.0)
    xl2_ref[...] = jnp.dot(h, wl2_ref[...],
                           preferred_element_type=jnp.float32) + bl2_ref[...]
    xr2_ref[...] = jnp.dot(h, wr2_ref[...],
                           preferred_element_type=jnp.float32) + br2_ref[...]
    we2 = we2_ref[...]
    me2_ref[...] = (mean_attr[:, 0:1] * we2[0:1, :]
                    + mean_attr[:, 1:2] * we2[1:2, :])


def _combine1(acc0, acc1, sm0, sm1, xl1, xr1, We1, att1f, bias1,
              Wl2, bl2, Wr2, br2, We2):
    HF = H1 * F1
    HFh = HF // NC
    bcast = lambda i: (0, 0)
    row = lambda i: (i, 0)
    return pl.pallas_call(
        _combine1_body,
        grid=(N // _MMB,),
        in_specs=[
            pl.BlockSpec((_MMB, HFh), row), pl.BlockSpec((_MMB, HFh), row),
            pl.BlockSpec((_MMB, 16), row), pl.BlockSpec((_MMB, 16), row),
            pl.BlockSpec((_MMB, HF), row), pl.BlockSpec((_MMB, HF), row),
            pl.BlockSpec((2, HF), bcast), pl.BlockSpec((1, HF), bcast),
            pl.BlockSpec((1, HF), bcast),
            pl.BlockSpec((HF, F2), bcast), pl.BlockSpec((1, F2), bcast),
            pl.BlockSpec((HF, F2), bcast), pl.BlockSpec((1, F2), bcast),
            pl.BlockSpec((2, F2), bcast),
        ],
        out_specs=[pl.BlockSpec((_MMB, F2), row)] * 3,
        out_shape=[jax.ShapeDtypeStruct((N, F2), jnp.float32)] * 3,
    )(acc0, acc1, sm0, sm1, xl1, xr1, We1, att1f[None], bias1[None],
      Wl2, bl2[None], Wr2, br2[None], We2)


def _combine2_body(acc0_ref, acc1_ref, sm0_ref, sm1_ref, xl_ref, xr_ref,
                   me_ref, att_ref, b_ref, o_ref):
    acc = acc0_ref[...] + acc1_ref[...]
    ex_e = sm0_ref[...][:, 0:1] + sm1_ref[...][:, 0:1]
    xl = xl_ref[...]
    m = xl + xr_ref[...] + me_ref[...]
    m = jnp.maximum(m, 0.2 * m)
    t = m * att_ref[...]
    alpha = jnp.sum(t, axis=1, keepdims=True)
    exl = jnp.exp(alpha)
    o_ref[...] = (acc + exl * xl) / (ex_e + exl) + b_ref[...]


def _combine2(acc0, acc1, sm0, sm1, xl2, xr2, me2, att2f, bias2):
    bcast = lambda i: (0, 0)
    row = lambda i: (i, 0)
    return pl.pallas_call(
        _combine2_body,
        grid=(N // _MMB,),
        in_specs=[
            pl.BlockSpec((_MMB, F2), row), pl.BlockSpec((_MMB, F2), row),
            pl.BlockSpec((_MMB, 16), row), pl.BlockSpec((_MMB, 16), row),
            pl.BlockSpec((_MMB, F2), row), pl.BlockSpec((_MMB, F2), row),
            pl.BlockSpec((_MMB, F2), row),
            pl.BlockSpec((1, F2), bcast), pl.BlockSpec((1, F2), bcast),
        ],
        out_specs=pl.BlockSpec((_MMB, F2), row),
        out_shape=jax.ShapeDtypeStruct((N, F2), jnp.float32),
    )(acc0, acc1, sm0, sm1, xl2, xr2, me2, att2f[None], bias2[None])


def kernel(x, edge_index, edge_attr, W_l1, b_l1, W_r1, b_r1, W_e1, att1, bias1,
           W_l2, b_l2, W_r2, b_r2, W_e2, att2, bias2):
    src = edge_index[0].astype(jnp.int32)
    dst = edge_index[1].astype(jnp.int32)
    attr_t = edge_attr.T.reshape(2, E)
    HF = H1 * F1
    HFh = HF // NC

    xl1, xr1 = _mm2(x, W_l1, b_l1, W_r1, b_r1)
    xl1_t = jnp.concatenate([xl1[:, :HFh], xl1[:, HFh:]], axis=0)
    xr1_t = jnp.concatenate([xr1[:, :HFh], xr1[:, HFh:]], axis=0)
    we1_t = jnp.stack([W_e1[:, :HFh], W_e1[:, HFh:]])
    att1_t = att1.reshape(NC, HFh)
    accp1, smp1 = _edge1(xl1_t, xr1_t,
                         src.reshape(E // _CH1, _CH1),
                         dst.reshape(E // _CH1, _CH1),
                         attr_t, we1_t, att1_t)
    xl2, xr2, me2 = _combine1(accp1[:N], accp1[NP:NP + N], smp1[:N], smp1[NP:NP + N],
                              xl1, xr1, W_e1, att1.reshape(-1), bias1,
                              W_l2, b_l2, W_r2, b_r2, W_e2)
    accp2, smp2 = _edge2(xl2, xr2,
                         src.reshape(E // _CH2, _CH2),
                         dst.reshape(E // _CH2, _CH2),
                         attr_t, W_e2[None], att2.reshape(1, F2))
    out = _combine2(accp2[:N], accp2[NP:NP + N], smp2[:N], smp2[NP:NP + N],
                    xl2, xr2, me2, att2.reshape(-1), bias2)
    return out

# --- scband reference (transcript-rebuilt; emitter-appended) ---
"""Pipeline reference for scband-gat-20933670600831 (READ-ONLY COPY).

The authoritative reference and input builder live on the scoring server;
editing this copy changes nothing except your own understanding.
"""

import jax, jax.numpy as jnp
import numpy as np

N = 10000
E = 320000
D = 128
H1 = 4
F1 = 32
F2 = 64
ED = 2


def gatv2_layer(x, edge_index, edge_attr, W_l, b_l, W_r, b_r, W_e, att, bias, H, F):
    # Faithful GATv2Conv (PyG semantics): separate lin_l (source) / lin_r (target),
    # edge features via lin_edge, add_self_loops=True with fill_value='mean',
    # leaky_relu(0.2), per-dst softmax, message = alpha * lin_l(x_src).
    n = x.shape[0]
    src = edge_index[0]
    dst = edge_index[1]
    e_cnt = src.shape[0]
    # self loops with mean incoming edge_attr per node (fill_value='mean')
    deg = jax.ops.segment_sum(jnp.ones((e_cnt,), jnp.float32), dst, num_segments=n)
    mean_attr = jax.ops.segment_sum(edge_attr, dst, num_segments=n) / jnp.maximum(deg, 1.0)[:, None]
    loop = jnp.arange(n, dtype=src.dtype)
    src = jnp.concatenate([src, loop])
    dst = jnp.concatenate([dst, loop])
    ea = jnp.concatenate([edge_attr, mean_attr], axis=0)
    x_l = (x @ W_l + b_l).reshape(n, H, F)
    x_r = (x @ W_r + b_r).reshape(n, H, F)
    e_feat = (ea @ W_e).reshape(-1, H, F)
    m = x_l[src] + x_r[dst] + e_feat
    m = jax.nn.leaky_relu(m, negative_slope=0.2)
    alpha = (m * att[None, :, :]).sum(-1)  # [E', H]
    amax = jax.ops.segment_max(alpha, dst, num_segments=n)
    amax = jnp.where(jnp.isfinite(amax), amax, 0.0)
    ex = jnp.exp(alpha - amax[dst])
    denom = jax.ops.segment_sum(ex, dst, num_segments=n)
    a = ex / (denom[dst] + 1e-16)
    out = jax.ops.segment_sum(x_l[src] * a[:, :, None], dst, num_segments=n)
    return out.reshape(n, H * F) + bias


def setup_inputs(seed: int = 0):
    key = jax.random.key(seed)
    ks = jax.random.split(key, 12)
    inp = {}
    inp["x"] = jax.random.normal(ks[0], (N, D), dtype=jnp.float32)
    inp["edge_index"] = jax.random.randint(ks[1], (2, E), 0, N)
    inp["edge_attr"] = jax.random.normal(ks[2], (E, ED), dtype=jnp.float32)
    inp["W_l1"] = jax.random.normal(ks[3], (D, H1 * F1), dtype=jnp.float32) * 0.08
    inp["b_l1"] = jnp.zeros((H1 * F1,), jnp.float32)
    inp["W_r1"] = jax.random.normal(ks[4], (D, H1 * F1), dtype=jnp.float32) * 0.08
    inp["b_r1"] = jnp.zeros((H1 * F1,), jnp.float32)
    inp["W_e1"] = jax.random.normal(ks[5], (ED, H1 * F1), dtype=jnp.float32) * 0.08
    inp["att1"] = jax.random.normal(ks[6], (H1, F1), dtype=jnp.float32) * 0.1
    inp["bias1"] = jnp.zeros((H1 * F1,), jnp.float32)
    inp["W_l2"] = jax.random.normal(ks[7], (H1 * F1, F2), dtype=jnp.float32) * 0.08
    inp["b_l2"] = jnp.zeros((F2,), jnp.float32)
    inp["W_r2"] = jax.random.normal(ks[8], (H1 * F1, F2), dtype=jnp.float32) * 0.08
    inp["b_r2"] = jnp.zeros((F2,), jnp.float32)
    inp["W_e2"] = jax.random.normal(ks[9], (ED, F2), dtype=jnp.float32) * 0.08
    inp["att2"] = jax.random.normal(ks[10], (1, F2), dtype=jnp.float32) * 0.1
    inp["bias2"] = jnp.zeros((F2,), jnp.float32)
    return inp


def reference(x, edge_index, edge_attr, W_l1, b_l1, W_r1, b_r1, W_e1, att1, bias1,
              W_l2, b_l2, W_r2, b_r2, W_e2, att2, bias2):
    # dropout(p=0.4) is identity in eval mode
    h = gatv2_layer(x, edge_index, edge_attr, W_l1, b_l1, W_r1, b_r1, W_e1, att1, bias1, H1, F1)
    h = jax.nn.relu(h)
    out = gatv2_layer(h, edge_index, edge_attr, W_l2, b_l2, W_r2, b_r2, W_e2, att2, bias2, 1, F2)
    return out

if __name__ == "__main__":
    import jax
    _d = setup_inputs()
    print(jax.jit(kernel)(*tuple(_d.values())))

</pallas_src>

<mosaic_0001>
#map = affine_map<(d0, d1) -> (0, 0)>
#map1 = affine_map<(d0, d1) -> (0, 0, 0)>
module attributes {stable_mosaic.version = 14 : i64} {
  func.func @ek(%arg0: i32, %arg1: i32, %arg2: memref<20000x64xf32, #tpu.memory_space<hbm>>, %arg3: memref<20000x64xf32, #tpu.memory_space<hbm>>, %arg4: memref<4000x80xi32, #tpu.memory_space<hbm>>, %arg5: memref<4000x80xi32, #tpu.memory_space<hbm>>, %arg6: memref<2x320000xf32, #tpu.memory_space<hbm>>, %arg7: memref<2x2x64xf32, #tpu.memory_space<hbm>>, %arg8: memref<2x64xf32, #tpu.memory_space<hbm>>, %arg9: memref<20480x64xf32, #tpu.memory_space<hbm>>, %arg10: memref<20480x16xf32, #tpu.memory_space<hbm>>, %arg11: memref<50x80xi32, #tpu.memory_space<vmem>>, %arg12: memref<50x80xi32, #tpu.memory_space<vmem>>, %arg13: memref<50x80xi32, #tpu.memory_space<vmem>>, %arg14: memref<4000xf32, #tpu.memory_space<vmem>>, %arg15: memref<4000xf32, #tpu.memory_space<vmem>>, %arg16: memref<80x64xf32, #tpu.memory_space<vmem>>, %arg17: memref<80x64xf32, #tpu.memory_space<vmem>>, %arg18: memref<80x64xf32, #tpu.memory_space<vmem>>, %arg19: memref<80x16xf32, #tpu.memory_space<vmem>>, %arg20: memref<80x64xf32, #tpu.memory_space<vmem>>, %arg21: memref<80x64xf32, #tpu.memory_space<vmem>>, %arg22: memref<80x64xf32, #tpu.memory_space<vmem>>, %arg23: memref<80x16xf32, #tpu.memory_space<vmem>>, %arg24: memref<1x2x64xf32, #tpu.memory_space<vmem>>, %arg25: memref<1x64xf32, #tpu.memory_space<vmem>>, %arg26: memref<128x64xf32, #tpu.memory_space<vmem>>, %arg27: memref<128x16xf32, #tpu.memory_space<vmem>>, %arg28: memref<10240x64xf32, #tpu.memory_space<vmem_shared>>, %arg29: memref<10240x16xf32, #tpu.memory_space<vmem_shared>>, %arg30: memref<!tpu.dma_semaphore, #tpu.memory_space<semaphore_mem>>, %arg31: memref<!tpu.dma_semaphore, #tpu.memory_space<semaphore_mem>>, %arg32: memref<!tpu.dma_semaphore, #tpu.memory_space<semaphore_mem>>, %arg33: memref<!tpu.dma_semaphore, #tpu.memory_space<semaphore_mem>>) attributes {dimension_semantics = [#tpu.dimension_semantics<core_parallel>, #tpu.dimension_semantics<subcore_parallel>], iteration_bounds = array<i64: 2, 16>, scalar_prefetch = 0 : i64, scratch_operands = 23 : i64, tpu.core_type = #tpu.core_type<sc_vector_subcore>, window_params = [{transform_indices = #map}, {transform_indices = #map}, {transform_indices = #map}, {transform_indices = #map}, {transform_indices = #map}, {transform_indices = #map1}, {transform_indices = #map}, {transform_indices = #map}, {transform_indices = #map}]} {
    %mul3A = arith.constant 16 : i32
    %mul3A_0 = arith.muli %arg0, %mul3A : i32
    %add3A = arith.addi %mul3A_0, %arg1 : i32
    %iota3A = tpu.iota {dimensions = array<i32: 0>} : vector<16xi32>
    %broadcast_in_dim3A = arith.constant 0.000000e+00 : f32
    %broadcast_in_dim3A_1 = vector.broadcast %broadcast_in_dim3A : f32 to vector<16xf32>
    "tpu.region"() ({
      %run_scoped3A = tpu.sem_alloc : memref<!tpu.dma_semaphore, #tpu.memory_space<semaphore_mem>>
      %dma_start3A = arith.constant 0 : i32
      %dma_start3A_111 = arith.constant 0 : i32
      %dma_start3A_112 = tpu.memref_slice %arg7[%arg0, %dma_start3A, %dma_start3A_111] : memref<2x2x64xf32, #tpu.memory_space<hbm>> -> memref<1x2x64xf32, #tpu.memory_space<hbm>>
      %dma_start3A_113 = arith.constant 0 : i32
      %dma_start3A_114 = arith.constant 0 : i32
      %dma_start3A_115 = tpu.memref_slice %arg7[%arg0, %dma_start3A_113, %dma_start3A_114] : memref<2x2x64xf32, #tpu.memory_space<hbm>> -> memref<1x2x64xf32, #tpu.memory_space<hbm>>
      tpu.enqueue_dma source(%dma_start3A_115 : memref<1x2x64xf32, #tpu.memory_space<hbm>>) target(%arg24 : memref<1x2x64xf32, #tpu.memory_space<vmem>>) target_semaphore(%run_scoped3A : memref<!tpu.dma_semaphore, #tpu.memory_space<semaphore_mem>>)
      %dma_wait3A = arith.constant 0 : i32
      %dma_wait3A_116 = arith.constant 0 : i32
      %dma_wait3A_117 = tpu.memref_slice %arg7[%arg0, %dma_wait3A, %dma_wait3A_116] : memref<2x2x64xf32, #tpu.memory_space<hbm>> -> memref<1x2x64xf32, #tpu.memory_space<hbm>>
      %dma_wait3A_118 = arith.constant 0 : i32
      %dma_wait3A_119 = arith.constant 0 : i32
      %dma_wait3A_120 = tpu.memref_slice %arg7[%arg0, %dma_wait3A_118, %dma_wait3A_119] : memref<2x2x64xf32, #tpu.memory_space<hbm>> -> memref<1x2x64xf32, #tpu.memory_space<hbm>>
      tpu.wait_dma2 semaphore(%run_scoped3A : memref<!tpu.dma_semaphore, #tpu.memory_space<semaphore_mem>>) src(%dma_wait3A_120 : memref<1x2x64xf32, #tpu.memory_space<hbm>>) dst(%arg24 : memref<1x2x64xf32, #tpu.memory_space<vmem>>)
      tpu.yield
    }) : () -> ()
    "tpu.region"() ({
      %run_scoped3A = tpu.sem_alloc : memref<!tpu.dma_semaphore, #tpu.memory_space<semaphore_mem>>
      %dma_start3A = arith.constant 0 : i32
      %dma_start3A_111 = tpu.memref_slice %arg8[%arg0, %dma_start3A] : memref<2x64xf32, #tpu.memory_space<hbm>> -> memref<1x64xf32, #tpu.memory_space<hbm>>
      %dma_start3A_112 = arith.constant 0 : i32
      %dma_start3A_113 = tpu.memref_slice %arg8[%arg0, %dma_start3A_112] : memref<2x64xf32, #tpu.memory_space<hbm>> -> memref<1x64xf32, #tpu.memory_space<hbm>>
      tpu.enqueue_dma source(%dma_start3A_113 : memref<1x64xf32, #tpu.memory_space<hbm>>) target(%arg25 : memref<1x64xf32, #tpu.memory_space<vmem>>) target_semaphore(%run_scoped3A : memref<!tpu.dma_semaphore, #tpu.memory_space<semaphore_mem>>)
      %dma_wait3A = arith.constant 0 : i32
      %dma_wait3A_114 = tpu.memref_slice %arg8[%arg0, %dma_wait3A] : memref<2x64xf32, #tpu.memory_space<hbm>> -> memref<1x64xf32, #tpu.memory_space<hbm>>
      %dma_wait3A_115 = arith.constant 0 : i32
      %dma_wait3A_116 = tpu.memref_slice %arg8[%arg0, %dma_wait3A_115] : memref<2x64xf32, #tpu.memory_space<hbm>> -> memref<1x64xf32, #tpu.memory_space<hbm>>
      tpu.wait_dma2 semaphore(%run_scoped3A : memref<!tpu.dma_semaphore, #tpu.memory_space<semaphore_mem>>) src(%dma_wait3A_116 : memref<1x64xf32, #tpu.memory_space<hbm>>) dst(%arg25 : memref<1x64xf32, #tpu.memory_space<vmem>>)
      tpu.yield
    }) : () -> ()
    %get3A = arith.constant 0 : i32
    %get3A_2 = arith.constant 0 : i32
    %get3A_3 = arith.index_cast %get3A : i32 to index
    %get3A_4 = arith.index_cast %get3A_2 : i32 to index
    %get3A_5 = arith.constant 0 : index
    %get3A_6 = tpu.vector_load %arg24[%get3A_3, %get3A_4, %get3A_5] {strides = array<i32>} : memref<1x2x64xf32, #tpu.memory_space<vmem>>, vector<16xf32>,
    %get3A_7 = arith.constant 0 : i32
    %get3A_8 = arith.constant 0 : i32
    %get3A_9 = arith.index_cast %get3A_7 : i32 to index
    %get3A_10 = arith.index_cast %get3A_8 : i32 to index
    %get3A_11 = arith.constant 16 : index
    %get3A_12 = tpu.vector_load %arg24[%get3A_9, %get3A_10, %get3A_11] {strides = array<i32>} : memref<1x2x64xf32, #tpu.memory_space<vmem>>, vector<16xf32>,
    %get3A_13 = arith.constant 0 : i32
    %get3A_14 = arith.constant 0 : i32
    %get3A_15 = arith.index_cast %get3A_13 : i32 to index
    %get3A_16 = arith.index_cast %get3A_14 : i32 to index
    %get3A_17 = arith.constant 32 : index
    %get3A_18 = tpu.vector_load %arg24[%get3A_15, %get3A_16, %get3A_17] {strides = array<i32>} : memref<1x2x64xf32, #tpu.memory_space<vmem>>, vector<16xf32>,
    %get3A_19 = arith.constant 0 : i32
    %get3A_20 = arith.constant 0 : i32
    %get3A_21 = arith.index_cast %get3A_19 : i32 to index
    %get3A_22 = arith.index_cast %get3A_20 : i32 to index
    %get3A_23 = arith.constant 48 : index
    %get3A_24 = tpu.vector_load %arg24[%get3A_21, %get3A_22, %get3A_23] {strides = array<i32>} : memref<1x2x64xf32, #tpu.memory_space<vmem>>, vector<16xf32>,
    %get3A_25 = arith.constant 0 : i32
    %get3A_26 = arith.constant 1 : i32
    %get3A_27 = arith.index_cast %get3A_25 : i32 to index
    %get3A_28 = arith.index_cast %get3A_26 : i32 to index
    %get3A_29 = arith.constant 0 : index
    %get3A_30 = tpu.vector_load %arg24[%get3A_27, %get3A_28, %get3A_29] {strides = array<i32>} : memref<1x2x64xf32, #tpu.memory_space<vmem>>, vector<16xf32>,
    %get3A_31 = arith.constant 0 : i32
    %get3A_32 = arith.constant 1 : i32
    %get3A_33 = arith.index_cast %get3A_31 : i32 to index
    %get3A_34 = arith.index_cast %get3A_32 : i32 to index
    %get3A_35 = arith.constant 16 : index
    %get3A_36 = tpu.vector_load %arg24[%get3A_33, %get3A_34, %get3A_35] {strides = array<i32>} : memref<1x2x64xf32, #tpu.memory_space<vmem>>, vector<16xf32>,
    %get3A_37 = arith.constant 0 : i32
    %get3A_38 = arith.constant 1 : i32
    %get3A_39 = arith.index_cast %get3A_37 : i32 to index
    %get3A_40 = arith.index_cast %get3A_38 : i32 to index
    %get3A_41 = arith.constant 32 : index
    %get3A_42 = tpu.vector_load %arg24[%get3A_39, %get3A_40, %get3A_41] {strides = array<i32>} : memref<1x2x64xf32, #tpu.memory_space<vmem>>, vector<16xf32>,
    %get3A_43 = arith.constant 0 : i32
    %get3A_44 = arith.constant 1 : i32
    %get3A_45 = arith.index_cast %get3A_43 : i32 to index
    %get3A_46 = arith.index_cast %get3A_44 : i32 to index
    %get3A_47 = arith.constant 48 : index
    %get3A_48 = tpu.vector_load %arg24[%get3A_45, %get3A_46, %get3A_47] {strides = array<i32>} : memref<1x2x64xf32, #tpu.memory_space<vmem>>, vector<16xf32>,
    %get3A_49 = arith.constant 0 : i32
    %get3A_50 = arith.index_cast %get3A_49 : i32 to index
    %get3A_51 = arith.constant 0 : index
    %get3A_52 = tpu.vector_load %arg25[%get3A_50, %get3A_51] {strides = array<i32>} : memref<1x64xf32, #tpu.memory_space<vmem>>, vector<16xf32>,
    %get3A_53 = arith.constant 0 : i32
    %get3A_54 = arith.index_cast %get3A_53 : i32 to index
    %get3A_55 = arith.constant 16 : index
    %get3A_56 = tpu.vector_load %arg25[%get3A_54, %get3A_55] {strides = array<i32>} : memref<1x64xf32, #tpu.memory_space<vmem>>, vector<16xf32>,
    %get3A_57 = arith.constant 0 : i32
    %get3A_58 = arith.index_cast %get3A_57 : i32 to index
    %get3A_59 = arith.constant 32 : index
    %get3A_60 = tpu.vector_load %arg25[%get3A_58, %get3A_59] {strides = array<i32>} : memref<1x64xf32, #tpu.memory_space<vmem>>, vector<16xf32>,
    %get3A_61 = arith.constant 0 : i32
    %get3A_62 = arith.index_cast %get3A_61 : i32 to index
    %get3A_63 = arith.constant 48 : index
    %get3A_64 = tpu.vector_load %arg25[%get3A_62, %get3A_63] {strides = array<i32>} : memref<1x64xf32, #tpu.memory_space<vmem>>, vector<16xf32>,
    %eq3A = arith.constant 0 : i32
    %eq3A_65 = vector.broadcast %eq3A : i32 to vector<16xi32>
    %eq3A_66 = arith.cmpi eq, %iota3A, %eq3A_65 : vector<16xi32>
    %eq3A_67 = arith.constant 1 : i32
    %eq3A_68 = vector.broadcast %eq3A_67 : i32 to vector<16xi32>
    %eq3A_69 = arith.cmpi eq, %iota3A, %eq3A_68 : vector<16xi32>
    %eq3A_70 = arith.constant 2 : i32
    %eq3A_71 = vector.broadcast %eq3A_70 : i32 to vector<16xi32>
    %eq3A_72 = arith.cmpi eq, %iota3A, %eq3A_71 : vector<16xi32>
    %eq3A_73 = arith.constant 3 : i32
    %eq3A_74 = vector.broadcast %eq3A_73 : i32 to vector<16xi32>
    %eq3A_75 = arith.cmpi eq, %iota3A, %eq3A_74 : vector<16xi32>
    %eq3A_76 = arith.constant 4 : i32
    %eq3A_77 = vector.broadcast %eq3A_76 : i32 to vector<16xi32>
    %eq3A_78 = arith.cmpi eq, %iota3A, %eq3A_77 : vector<16xi32>
    %scan3A = arith.constant 0 : i32
    %scan3A_79 = arith.constant 0 : i32
    %scan3A_80 = arith.constant 128 : i32
    %scan3A_81 = arith.addi %scan3A_79, %scan3A_80 : i32
    %scan3A_82 = arith.constant 1 : i32
    %scan3A_83 = scf.for %scan3A_111 = %scan3A_79 to %scan3A_81 step %scan3A_82 iter_args(%scan3A_112 = %scan3A) -> (i32)  : i32 {
      %swap3A = arith.index_cast %scan3A_111 : i32 to index
      %swap3A_113 = arith.constant 0 : index
      %swap3A_114 = tpu.vector_load %arg26[%swap3A, %swap3A_113] {strides = array<i32>} : memref<128x64xf32, #tpu.memory_space<vmem>>, vector<16xf32>,
      tpu.vector_store %arg26[%swap3A, %swap3A_113], %broadcast_in_dim3A_1 {strides = array<i32>} : memref<128x64xf32, #tpu.memory_space<vmem>>, vector<16xf32>,
      %swap3A_115 = arith.index_cast %scan3A_111 : i32 to index
      %swap3A_116 = arith.constant 16 : index
      %swap3A_117 = tpu.vector_load %arg26[%swap3A_115, %swap3A_116] {strides = array<i32>} : memref<128x64xf32, #tpu.memory_space<vmem>>, vector<16xf32>,
      tpu.vector_store %arg26[%swap3A_115, %swap3A_116], %broadcast_in_dim3A_1 {strides = array<i32>} : memref<128x64xf32, #tpu.memory_space<vmem>>, vector<16xf32>,
      %swap3A_118 = arith.index_cast %scan3A_111 : i32 to index
      %swap3A_119 = arith.constant 32 : index
      %swap3A_120 = tpu.vector_load %arg26[%swap3A_118, %swap3A_119] {strides = array<i32>} : memref<128x64xf32, #tpu.memory_space<vmem>>, vector<16xf32>,
      tpu.vector_store %arg26[%swap3A_118, %swap3A_119], %broadcast_in_dim3A_1 {strides = array<i32>} : memref<128x64xf32, #tpu.memory_space<vmem>>, vector<16xf32>,
      %swap3A_121 = arith.index_cast %scan3A_111 : i32 to index
      %swap3A_122 = arith.constant 48 : index
      %swap3A_123 = tpu.vector_load %arg26[%swap3A_121, %swap3A_122] {strides = array<i32>} : memref<128x64xf32, #tpu.memory_space<vmem>>, vector<16xf32>,
      tpu.vector_store %arg26[%swap3A_121, %swap3A_122], %broadcast_in_dim3A_1 {strides = array<i32>} : memref<128x64xf32, #tpu.memory_space<vmem>>, vector<16xf32>,
      %swap3A_124 = arith.index_cast %scan3A_111 : i32 to index
      %swap3A_125 = arith.constant 0 : index
      %swap3A_126 = tpu.vector_load %arg27[%swap3A_124, %swap3A_125] {strides = array<i32>} : memref<128x16xf32, #tpu.memory_space<vmem>>, vector<16xf32>,
      tpu.vector_store %arg27[%swap3A_124, %swap3A_125], %broadcast_in_dim3A_1 {strides = array<i32>} : memref<128x16xf32, #tpu.memory_space<vmem>>, vector<16xf32>,
      %scan3A_127 = arith.constant 0 : i32
      scf.yield %scan3A_127 : i32
    }
    %scan3A_84 = arith.constant 128 : i32
    %mul3A_85 = arith.constant 640 : i32
    %mul3A_86 = arith.muli %arg1, %mul3A_85 : i32
    %scan3A_87 = arith.constant 0 : i32
    %scan3A_88 = arith.constant 0 : i32
    %scan3A_89 = arith.constant 5 : i32
    %scan3A_90 = arith.addi %scan3A_88, %scan3A_89 : i32
    %scan3A_91 = arith.constant 1 : i32
    %scan3A_92 = scf.for %scan3A_111 = %scan3A_88 to %scan3A_90 step %scan3A_91 iter_args(%scan3A_112 = %scan3A_87) -> (i32)  : i32 {
      %mul3A_113 = arith.constant 128 : i32
      %mul3A_114 = arith.muli %scan3A_111, %mul3A_113 : i32
      %add3A_115 = arith.addi %mul3A_86, %mul3A_114 : i32
      %multiple_of3A = tpu.assume_multiple %add3A_115, 8 : i32
      "tpu.region"() ({
        %run_scoped3A = tpu.sem_alloc : memref<!tpu.dma_semaphore, #tpu.memory_space<semaphore_mem>>
        %dma_start3A = arith.constant 0 : i32
        %dma_start3A_117 = tpu.memref_slice %arg28[%multiple_of3A, %dma_start3A] : memref<10240x64xf32, #tpu.memory_space<vmem_shared>> -> memref<128x64xf32, #tpu.memory_space<vmem_shared>>
        %dma_start3A_118 = arith.constant 0 : i32
        %dma_start3A_119 = tpu.memref_slice %arg28[%multiple_of3A, %dma_start3A_118] : memref<10240x64xf32, #tpu.memory_space<vmem_shared>> -> memref<128x64xf32, #tpu.memory_space<vmem_shared>>
        tpu.enqueue_dma source(%arg26 : memref<128x64xf32, #tpu.memory_space<vmem>>) target(%dma_start3A_119 : memref<128x64xf32, #tpu.memory_space<vmem_shared>>) target_semaphore(%run_scoped3A : memref<!tpu.dma_semaphore, #tpu.memory_space<semaphore_mem>>)
        %dma_wait3A = arith.constant 0 : i32
        %dma_wait3A_120 = tpu.memref_slice %arg28[%multiple_of3A, %dma_wait3A] : memref<10240x64xf32, #tpu.memory_space<vmem_shared>> -> memref<128x64xf32, #tpu.memory_space<vmem_shared>>
        %dma_wait3A_121 = arith.constant 0 : i32
        %dma_wait3A_122 = tpu.memref_slice %arg28[%multiple_of3A, %dma_wait3A_121] : memref<10240x64xf32, #tpu.memory_space<vmem_shared>> -> memref<128x64xf32, #tpu.memory_space<vmem_shared>>
        tpu.wait_dma2 semaphore(%run_scoped3A : memref<!tpu.dma_semaphore, #tpu.memory_space<semaphore_mem>>) src(%arg26 : memref<128x64xf32, #tpu.memory_space<vmem>>) dst(%dma_wait3A_122 : memref<128x64xf32, #tpu.memory_space<vmem_shared>>)
        tpu.yield
      }) : () -> ()
      "tpu.region"() ({
        %run_scoped3A = tpu.sem_alloc : memref<!tpu.dma_semaphore, #tpu.memory_space<semaphore_mem>>
        %dma_start3A = arith.constant 0 : i32
        %dma_start3A_117 = tpu.memref_slice %arg29[%multiple_of3A, %dma_start3A] : memref<10240x16xf32, #tpu.memory_space<vmem_shared>> -> memref<128x16xf32, #tpu.memory_space<vmem_shared>>
        %dma_start3A_118 = arith.constant 0 : i32
        %dma_start3A_119 = tpu.memref_slice %arg29[%multiple_of3A, %dma_start3A_118] : memref<10240x16xf32, #tpu.memory_space<vmem_shared>> -> memref<128x16xf32, #tpu.memory_space<vmem_shared>>
        tpu.enqueue_dma source(%arg27 : memref<128x16xf32, #tpu.memory_space<vmem>>) target(%dma_start3A_119 : memref<128x16xf32, #tpu.memory_space<vmem_shared>>) target_semaphore(%run_scoped3A : memref<!tpu.dma_semaphore, #tpu.memory_space<semaphore_mem>>)
        %dma_wait3A = arith.constant 0 : i32
        %dma_wait3A_120 = tpu.memref_slice %arg29[%multiple_of3A, %dma_wait3A] : memref<10240x16xf32, #tpu.memory_space<vmem_shared>> -> memref<128x16xf32, #tpu.memory_space<vmem_shared>>
        %dma_wait3A_121 = arith.constant 0 : i32
        %dma_wait3A_122 = tpu.memref_slice %arg29[%multiple_of3A, %dma_wait3A_121] : memref<10240x16xf32, #tpu.memory_space<vmem_shared>> -> memref<128x16xf32, #tpu.memory_space<vmem_shared>>
        tpu.wait_dma2 semaphore(%run_scoped3A : memref<!tpu.dma_semaphore, #tpu.memory_space<semaphore_mem>>) src(%arg27 : memref<128x16xf32, #tpu.memory_space<vmem>>) dst(%dma_wait3A_122 : memref<128x16xf32, #tpu.memory_space<vmem_shared>>)
        tpu.yield
      }) : () -> ()
      %scan3A_116 = arith.constant 0 : i32
      scf.yield %scan3A_116 : i32
    }
    %scan3A_93 = arith.constant 5 : i32
    %barrier3A = arith.constant 0 : index
    tpu.barrier barrier_id(%barrier3A)
    %mul3A_94 = arith.constant 250 : i32
    %mul3A_95 = arith.muli %arg1, %mul3A_94 : i32
    %scan3A_96 = arith.constant 0 : i32
    %scan3A_97 = arith.constant 0 : i32
    %scan3A_98 = arith.constant 5 : i32
    %scan3A_99 = arith.addi %scan3A_97, %scan3A_98 : i32
    %scan3A_100 = arith.constant 1 : i32
    %scan3A_101 = scf.for %scan3A_111 = %scan3A_97 to %scan3A_99 step %scan3A_100 iter_args(%scan3A_112 = %scan3A_96) -> (i32)  : i32 {
      %mul3A_113 = arith.constant 50 : i32
      %mul3A_114 = arith.muli %scan3A_111, %mul3A_113 : i32
      %add3A_115 = arith.addi %mul3A_95, %mul3A_114 : i32
      %mul3A_116 = arith.constant 80 : i32
      %mul3A_117 = arith.muli %add3A_115, %mul3A_116 : i32
      "tpu.region"() ({
        %run_scoped3A_176 = tpu.sem_alloc : memref<!tpu.dma_semaphore, #tpu.memory_space<semaphore_mem>>
        %dma_start3A_177 = arith.constant 0 : i32
        %dma_start3A_178 = tpu.memref_slice %arg4[%add3A_115, %dma_start3A_177] : memref<4000x80xi32, #tpu.memory_space<hbm>> -> memref<50x80xi32, #tpu.memory_space<hbm>>
        %dma_start3A_179 = arith.constant 0 : i32
        %dma_start3A_180 = tpu.memref_slice %arg4[%add3A_115, %dma_start3A_179] : memref<4000x80xi32, #tpu.memory_space<hbm>> -> memref<50x80xi32, #tpu.memory_space<hbm>>
        tpu.enqueue_dma source(%dma_start3A_180 : memref<50x80xi32, #tpu.memory_space<hbm>>) target(%arg11 : memref<50x80xi32, #tpu.memory_space<vmem>>) target_semaphore(%run_scoped3A_176 : memref<!tpu.dma_semaphore, #tpu.memory_space<semaphore_mem>>)
        %dma_wait3A_181 = arith.constant 0 : i32
        %dma_wait3A_182 = tpu.memref_slice %arg4[%add3A_115, %dma_wait3A_181] : memref<4000x80xi32, #tpu.memory_space<hbm>> -> memref<50x80xi32, #tpu.memory_space<hbm>>
        %dma_wait3A_183 = arith.constant 0 : i32
        %dma_wait3A_184 = tpu.memref_slice %arg4[%add3A_115, %dma_wait3A_183] : memref<4000x80xi32, #tpu.memory_space<hbm>> -> memref<50x80xi32, #tpu.memory_space<hbm>>
        tpu.wait_dma2 semaphore(%run_scoped3A_176 : memref<!tpu.dma_semaphore, #tpu.memory_space<semaphore_mem>>) src(%dma_wait3A_184 : memref<50x80xi32, #tpu.memory_space<hbm>>) dst(%arg11 : memref<50x80xi32, #tpu.memory_space<vmem>>)
        tpu.yield
      }) : () -> ()
      "tpu.region"() ({
        %run_scoped3A_176 = tpu.sem_alloc : memref<!tpu.dma_semaphore, #tpu.memory_space<semaphore_mem>>
        %dma_start3A_177 = arith.constant 0 : i32
        %dma_start3A_178 = tpu.memref_slice %arg5[%add3A_115, %dma_start3A_177] : memref<4000x80xi32, #tpu.memory_space<hbm>> -> memref<50x80xi32, #tpu.memory_space<hbm>>
        %dma_start3A_179 = arith.constant 0 : i32
        %dma_start3A_180 = tpu.memref_slice %arg5[%add3A_115, %dma_start3A_179] : memref<4000x80xi32, #tpu.memory_space<hbm>> -> memref<50x80xi32, #tpu.memory_space<hbm>>
        tpu.enqueue_dma source(%dma_start3A_180 : memref<50x80xi32, #tpu.memory_space<hbm>>) target(%arg12 : memref<50x80xi32, #tpu.memory_space<vmem>>) target_semaphore(%run_scoped3A_176 : memref<!tpu.dma_semaphore, #tpu.memory_space<semaphore_mem>>)
        %dma_wait3A_181 = arith.constant 0 : i32
        %dma_wait3A_182 = tpu.memref_slice %arg5[%add3A_115, %dma_wait3A_181] : memref<4000x80xi32, #tpu.memory_space<hbm>> -> memref<50x80xi32, #tpu.memory_space<hbm>>
        %dma_wait3A_183 = arith.constant 0 : i32
        %dma_wait3A_184 = tpu.memref_slice %arg5[%add3A_115, %dma_wait3A_183] : memref<4000x80xi32, #tpu.memory_space<hbm>> -> memref<50x80xi32, #tpu.memory_space<hbm>>
        tpu.wait_dma2 semaphore(%run_scoped3A_176 : memref<!tpu.dma_semaphore, #tpu.memory_space<semaphore_mem>>) src(%dma_wait3A_184 : memref<50x80xi32, #tpu.memory_space<hbm>>) dst(%arg12 : memref<50x80xi32, #tpu.memory_space<vmem>>)
        tpu.yield
      }) : () -> ()
      %run_scoped3A = arith.constant 0 : i32
      "tpu.region"() ({
        %run_scoped3A_176 = tpu.sem_alloc : memref<!tpu.dma_semaphore, #tpu.memory_space<semaphore_mem>>
        %dma_start3A_177 = tpu.memref_slice %arg6[%run_scoped3A, %mul3A_117] : memref<2x320000xf32, #tpu.memory_space<hbm>> -> memref<1x4000xf32, #tpu.memory_space<hbm>>
        %dma_start3A_178 = tpu.memref_squeeze %dma_start3A_177 : memref<1x4000xf32, #tpu.memory_space<hbm>> -> memref<4000xf32, #tpu.memory_space<hbm>>
        %dma_start3A_179 = tpu.memref_slice %arg6[%run_scoped3A, %mul3A_117] : memref<2x320000xf32, #tpu.memory_space<hbm>> -> memref<1x4000xf32, #tpu.memory_space<hbm>>
        %dma_start3A_180 = tpu.memref_squeeze %dma_start3A_179 : memref<1x4000xf32, #tpu.memory_space<hbm>> -> memref<4000xf32, #tpu.memory_space<hbm>>
        tpu.enqueue_dma source(%dma_start3A_180 : memref<4000xf32, #tpu.memory_space<hbm>>) target(%arg14 : memref<4000xf32, #tpu.memory_space<vmem>>) target_semaphore(%run_scoped3A_176 : memref<!tpu.dma_semaphore, #tpu.memory_space<semaphore_mem>>)
        %dma_wait3A_181 = tpu.memref_slice %arg6[%run_scoped3A, %mul3A_117] : memref<2x320000xf32, #tpu.memory_space<hbm>> -> memref<1x4000xf32, #tpu.memory_space<hbm>>
        %dma_wait3A_182 = tpu.memref_squeeze %dma_wait3A_181 : memref<1x4000xf32, #tpu.memory_space<hbm>> -> memref<4000xf32, #tpu.memory_space<hbm>>
        %dma_wait3A_183 = tpu.memref_slice %arg6[%run_scoped3A, %mul3A_117] : memref<2x320000xf32, #tpu.memory_space<hbm>> -> memref<1x4000xf32, #tpu.memory_space<hbm>>
        %dma_wait3A_184 = tpu.memref_squeeze %dma_wait3A_183 : memref<1x4000xf32, #tpu.memory_space<hbm>> -> memref<4000xf32, #tpu.memory_space<hbm>>
        tpu.wait_dma2 semaphore(%run_scoped3A_176 : memref<!tpu.dma_semaphore, #tpu.memory_space<semaphore_mem>>) src(%dma_wait3A_184 : memref<4000xf32, #tpu.memory_space<hbm>>) dst(%arg14 : memref<4000xf32, #tpu.memory_space<vmem>>)
        tpu.yield
      }) : () -> ()
      %run_scoped3A_118 = arith.constant 1 : i32
      "tpu.region"() ({
        %run_scoped3A_176 = tpu.sem_alloc : memref<!tpu.dma_semaphore, #tpu.memory_space<semaphore_mem>>
        %dma_start3A_177 = tpu.memref_slice %arg6[%run_scoped3A_118, %mul3A_117] : memref<2x320000xf32, #tpu.memory_space<hbm>> -> memref<1x4000xf32, #tpu.memory_space<hbm>>
        %dma_start3A_178 = tpu.memref_squeeze %dma_start3A_177 : memref<1x4000xf32, #tpu.memory_space<hbm>> -> memref<4000xf32, #tpu.memory_space<hbm>>
        %dma_start3A_179 = tpu.memref_slice %arg6[%run_scoped3A_118, %mul3A_117] : memref<2x320000xf32, #tpu.memory_space<hbm>> -> memref<1x4000xf32, #tpu.memory_space<hbm>>
        %dma_start3A_180 = tpu.memref_squeeze %dma_start3A_179 : memref<1x4000xf32, #tpu.memory_space<hbm>> -> memref<4000xf32, #tpu.memory_space<hbm>>
        tpu.enqueue_dma source(%dma_start3A_180 : memref<4000xf32, #tpu.memory_space<hbm>>) target(%arg15 : memref<4000xf32, #tpu.memory_space<vmem>>) target_semaphore(%run_scoped3A_176 : memref<!tpu.dma_semaphore, #tpu.memory_space<semaphore_mem>>)
        %dma_wait3A_181 = tpu.memref_slice %arg6[%run_scoped3A_118, %mul3A_117] : memref<2x320000xf32, #tpu.memory_space<hbm>> -> memref<1x4000xf32, #tpu.memory_space<hbm>>
        %dma_wait3A_182 = tpu.memref_squeeze %dma_wait3A_181 : memref<1x4000xf32, #tpu.memory_space<hbm>> -> memref<4000xf32, #tpu.memory_space<hbm>>
        %dma_wait3A_183 = tpu.memref_slice %arg6[%run_scoped3A_118, %mul3A_117] : memref<2x320000xf32, #tpu.memory_space<hbm>> -> memref<1x4000xf32, #tpu.memory_space<hbm>>
        %dma_wait3A_184 = tpu.memref_squeeze %dma_wait3A_183 : memref<1x4000xf32, #tpu.memory_space<hbm>> -> memref<4000xf32, #tpu.memory_space<hbm>>
        tpu.wait_dma2 semaphore(%run_scoped3A_176 : memref<!tpu.dma_semaphore, #tpu.memory_space<semaphore_mem>>) src(%dma_wait3A_184 : memref<4000xf32, #tpu.memory_space<hbm>>) dst(%arg15 : memref<4000xf32, #tpu.memory_space<vmem>>)
        tpu.yield
      }) : () -> ()
      %mul3A_119 = arith.constant 10000 : i32
      %mul3A_120 = arith.muli %arg0, %mul3A_119 : i32
      %scan3A_121 = arith.constant 0 : i32
      %scan3A_122 = arith.constant 0 : i32
      %scan3A_123 = arith.constant 50 : i32
      %scan3A_124 = arith.addi %scan3A_122, %scan3A_123 : i32
      %scan3A_125 = arith.constant 1 : i32
      %scan3A_126 = scf.for %scan3A_176 = %scan3A_122 to %scan3A_124 step %scan3A_125 iter_args(%scan3A_177 = %scan3A_121) -> (i32)  : i32 {
        %get3A_178 = arith.index_cast %scan3A_176 : i32 to index
        %get3A_179 = arith.constant 0 : index
        %get3A_180 = tpu.vector_load %arg11[%get3A_178, %get3A_179] {strides = array<i32>} : memref<50x80xi32, #tpu.memory_space<vmem>>, vector<16xi32>,
        %add3A_181 = vector.broadcast %mul3A_120 : i32 to vector<16xi32>
        %add3A_182 = arith.addi %get3A_180, %add3A_181 : vector<16xi32>
        %swap3A = arith.index_cast %scan3A_176 : i32 to index
        %swap3A_183 = arith.constant 0 : index
        %swap3A_184 = tpu.vector_load %arg11[%swap3A, %swap3A_183] {strides = array<i32>} : memref<50x80xi32, #tpu.memory_space<vmem>>, vector<16xi32>,
        tpu.vector_store %arg11[%swap3A, %swap3A_183], %add3A_182 {strides = array<i32>} : memref<50x80xi32, #tpu.memory_space<vmem>>, vector<16xi32>,
        %get3A_185 = arith.index_cast %scan3A_176 : i32 to index
        %get3A_186 = arith.constant 0 : index
        %get3A_187 = tpu.vector_load %arg12[%get3A_185, %get3A_186] {strides = array<i32>} : memref<50x80xi32, #tpu.memory_space<vmem>>, vector<16xi32>,
        %add3A_188 = vector.broadcast %mul3A_120 : i32 to vector<16xi32>
        %add3A_189 = arith.addi %get3A_187, %add3A_188 : vector<16xi32>
        %swap3A_190 = arith.index_cast %scan3A_176 : i32 to index
        %swap3A_191 = arith.constant 0 : index
        %swap3A_192 = tpu.vector_load %arg13[%swap3A_190, %swap3A_191] {strides = array<i32>} : memref<50x80xi32, #tpu.memory_space<vmem>>, vector<16xi32>,
        tpu.vector_store %arg13[%swap3A_190, %swap3A_191], %add3A_189 {strides = array<i32>} : memref<50x80xi32, #tpu.memory_space<vmem>>, vector<16xi32>,
        %get3A_193 = arith.index_cast %scan3A_176 : i32 to index
        %get3A_194 = arith.constant 16 : index
        %get3A_195 = tpu.vector_load %arg11[%get3A_193, %get3A_194] {strides = array<i32>} : memref<50x80xi32, #tpu.memory_space<vmem>>, vector<16xi32>,
        %add3A_196 = vector.broadcast %mul3A_120 : i32 to vector<16xi32>
        %add3A_197 = arith.addi %get3A_195, %add3A_196 : vector<16xi32>
        %swap3A_198 = arith.index_cast %scan3A_176 : i32 to index
        %swap3A_199 = arith.constant 16 : index
        %swap3A_200 = tpu.vector_load %arg11[%swap3A_198, %swap3A_199] {strides = array<i32>} : memref<50x80xi32, #tpu.memory_space<vmem>>, vector<16xi32>,
        tpu.vector_store %arg11[%swap3A_198, %swap3A_199], %add3A_197 {strides = array<i32>} : memref<50x80xi32, #tpu.memory_space<vmem>>, vector<16xi32>,
        %get3A_201 = arith.index_cast %scan3A_176 : i32 to index
        %get3A_202 = arith.constant 16 : index
        %get3A_203 = tpu.vector_load %arg12[%get3A_201, %get3A_202] {strides = array<i32>} : memref<50x80xi32, #tpu.memory_space<vmem>>, vector<16xi32>,
        %add3A_204 = vector.broadcast %mul3A_120 : i32 to vector<16xi32>
        %add3A_205 = arith.addi %get3A_203, %add3A_204 : vector<16xi32>
        %swap3A_206 = arith.index_cast %scan3A_176 : i32 to index
        %swap3A_207 = arith.constant 16 : index
        %swap3A_208 = tpu.vector_load %arg13[%swap3A_206, %swap3A_207] {strides = array<i32>} : memref<50x80xi32, #tpu.memory_space<vmem>>, vector<16xi32>,
        tpu.vector_store %arg13[%swap3A_206, %swap3A_207], %add3A_205 {strides = array<i32>} : memref<50x80xi32, #tpu.memory_space<vmem>>, vector<16xi32>,
        %get3A_209 = arith.index_cast %scan3A_176 : i32 to index
        %get3A_210 = arith.constant 32 : index
        %get3A_211 = tpu.vector_load %arg11[%get3A_209, %get3A_210] {strides = array<i32>} : memref<50x80xi32, #tpu.memory_space<vmem>>, vector<16xi32>,
        %add3A_212 = vector.broadcast %mul3A_120 : i32 to vector<16xi32>
        %add3A_213 = arith.addi %get3A_211, %add3A_212 : vector<16xi32>
        %swap3A_214 = arith.index_cast %scan3A_176 : i32 to index
        %swap3A_215 = arith.constant 32 : index
        %swap3A_216 = tpu.vector_load %arg11[%swap3A_214, %swap3A_215] {strides = array<i32>} : memref<50x80xi32, #tpu.memory_space<vmem>>, vector<16xi32>,
        tpu.vector_store %arg11[%swap3A_214, %swap3A_215], %add3A_213 {strides = array<i32>} : memref<50x80xi32, #tpu.memory_space<vmem>>, vector<16xi32>,
        %get3A_217 = arith.index_cast %scan3A_176 : i32 to index
        %get3A_218 = arith.constant 32 : index
        %get3A_219 = tpu.vector_load %arg12[%get3A_217, %get3A_218] {strides = array<i32>} : memref<50x80xi32, #tpu.memory_space<vmem>>, vector<16xi32>,
        %add3A_220 = vector.broadcast %mul3A_120 : i32 to vector<16xi32>
        %add3A_221 = arith.addi %get3A_219, %add3A_220 : vector<16xi32>
        %swap3A_222 = arith.index_cast %scan3A_176 : i32 to index
        %swap3A_223 = arith.constant 32 : index
        %swap3A_224 = tpu.vector_load %arg13[%swap3A_222, %swap3A_223] {strides = array<i32>} : memref<50x80xi32, #tpu.memory_space<vmem>>, vector<16xi32>,
        tpu.vector_store %arg13[%swap3A_222, %swap3A_223], %add3A_221 {strides = array<i32>} : memref<50x80xi32, #tpu.memory_space<vmem>>, vector<16xi32>,
        %get3A_225 = arith.index_cast %scan3A_176 : i32 to index
        %get3A_226 = arith.constant 48 : index
        %get3A_227 = tpu.vector_load %arg11[%get3A_225, %get3A_226] {strides = array<i32>} : memref<50x80xi32, #tpu.memory_space<vmem>>, vector<16xi32>,
        %add3A_228 = vector.broadcast %mul3A_120 : i32 to vector<16xi32>
        %add3A_229 = arith.addi %get3A_227, %add3A_228 : vector<16xi32>
        %swap3A_230 = arith.index_cast %scan3A_176 : i32 to index
        %swap3A_231 = arith.constant 48 : index
        %swap3A_232 = tpu.vector_load %arg11[%swap3A_230, %swap3A_231] {strides = array<i32>} : memref<50x80xi32, #tpu.memory_space<vmem>>, vector<16xi32>,
        tpu.vector_store %arg11[%swap3A_230, %swap3A_231], %add3A_229 {strides = array<i32>} : memref<50x80xi32, #tpu.memory_space<vmem>>, vector<16xi32>,
        %get3A_233 = arith.index_cast %scan3A_176 : i32 to index
        %get3A_234 = arith.constant 48 : index
        %get3A_235 = tpu.vector_load %arg12[%get3A_233, %get3A_234] {strides = array<i32>} : memref<50x80xi32, #tpu.memory_space<vmem>>, vector<16xi32>,
        %add3A_236 = vector.broadcast %mul3A_120 : i32 to vector<16xi32>
        %add3A_237 = arith.addi %get3A_235, %add3A_236 : vector<16xi32>
        %swap3A_238 = arith.index_cast %scan3A_176 : i32 to index
        %swap3A_239 = arith.constant 48 : index
        %swap3A_240 = tpu.vector_load %arg13[%swap3A_238, %swap3A_239] {strides = array<i32>} : memref<50x80xi32, #tpu.memory_space<vmem>>, vector<16xi32>,
        tpu.vector_store %arg13[%swap3A_238, %swap3A_239], %add3A_237 {strides = array<i32>} : memref<50x80xi32, #tpu.memory_space<vmem>>, vector<16xi32>,
        %get3A_241 = arith.index_cast %scan3A_176 : i32 to index
        %get3A_242 = arith.constant 64 : index
        %get3A_243 = tpu.vector_load %arg11[%get3A_241, %get3A_242] {strides = array<i32>} : memref<50x80xi32, #tpu.memory_space<vmem>>, vector<16xi32>,
        %add3A_244 = vector.broadcast %mul3A_120 : i32 to vector<16xi32>
        %add3A_245 = arith.addi %get3A_243, %add3A_244 : vector<16xi32>
        %swap3A_246 = arith.index_cast %scan3A_176 : i32 to index
        %swap3A_247 = arith.constant 64 : index
        %swap3A_248 = tpu.vector_load %arg11[%swap3A_246, %swap3A_247] {strides = array<i32>} : memref<50x80xi32, #tpu.memory_space<vmem>>, vector<16xi32>,
        tpu.vector_store %arg11[%swap3A_246, %swap3A_247], %add3A_245 {strides = array<i32>} : memref<50x80xi32, #tpu.memory_space<vmem>>, vector<16xi32>,
        %get3A_249 = arith.index_cast %scan3A_176 : i32 to index
        %get3A_250 = arith.constant 64 : index
        %get3A_251 = tpu.vector_load %arg12[%get3A_249, %get3A_250] {strides = array<i32>} : memref<50x80xi32, #tpu.memory_space<vmem>>, vector<16xi32>,
        %add3A_252 = vector.broadcast %mul3A_120 : i32 to vector<16xi32>
        %add3A_253 = arith.addi %get3A_251, %add3A_252 : vector<16xi32>
        %swap3A_254 = arith.index_cast %scan3A_176 : i32 to index
        %swap3A_255 = arith.constant 64 : index
        %swap3A_256 = tpu.vector_load %arg13[%swap3A_254, %swap3A_255] {strides = array<i32>} : memref<50x80xi32, #tpu.memory_space<vmem>>, vector<16xi32>,
        tpu.vector_store %arg13[%swap3A_254, %swap3A_255], %add3A_253 {strides = array<i32>} : memref<50x80xi32, #tpu.memory_space<vmem>>, vector<16xi32>,
        %scan3A_257 = arith.constant 0 : i32
        scf.yield %scan3A_257 : i32
      }
      %scan3A_127 = arith.constant 50 : i32
      %dma_start3A = arith.constant 0 : i32
      %dma_start3A_128 = arith.constant 0 : i32
      %dma_start3A_129 = tpu.memref_slice %arg11[%dma_start3A, %dma_start3A_128] : memref<50x80xi32, #tpu.memory_space<vmem>> -> memref<1x80xi32, #tpu.memory_space<vmem>>
      %dma_start3A_130 = tpu.memref_squeeze %dma_start3A_129 : memref<1x80xi32, #tpu.memory_space<vmem>> -> memref<80xi32, #tpu.memory_space<vmem>>
      %dma_start3A_131 = arith.constant 0 : i32
      %dma_start3A_132 = arith.constant 0 : i32
      %dma_start3A_133 = tpu.memref_slice %arg2[%dma_start3A_131, %dma_start3A_132] : memref<20000x64xf32, #tpu.memory_space<hbm>> -> memref<20000x64xf32, #tpu.memory_space<hbm>>
      tpu.enqueue_indirect_dma source(%dma_start3A_133 : memref<20000x64xf32, #tpu.memory_space<hbm>>) target(%arg16 : memref<80x64xf32, #tpu.memory_space<vmem>>) offsets(%dma_start3A_130 : memref<80xi32, #tpu.memory_space<vmem>>) semaphore(%arg30 : memref<!tpu.dma_semaphore, #tpu.memory_space<semaphore_mem>>)
      %dma_start3A_134 = arith.constant 0 : i32
      %dma_start3A_135 = arith.constant 0 : i32
      %dma_start3A_136 = tpu.memref_slice %arg13[%dma_start3A_134, %dma_start3A_135] : memref<50x80xi32, #tpu.memory_space<vmem>> -> memref<1x80xi32, #tpu.memory_space<vmem>>
      %dma_start3A_137 = tpu.memref_squeeze %dma_start3A_136 : memref<1x80xi32, #tpu.memory_space<vmem>> -> memref<80xi32, #tpu.memory_space<vmem>>
      %dma_start3A_138 = arith.constant 0 : i32
      %dma_start3A_139 = arith.constant 0 : i32
      %dma_start3A_140 = tpu.memref_slice %arg3[%dma_start3A_138, %dma_start3A_139] : memref<20000x64xf32, #tpu.memory_space<hbm>> -> memref<20000x64xf32, #tpu.memory_space<hbm>>
      tpu.enqueue_indirect_dma source(%dma_start3A_140 : memref<20000x64xf32, #tpu.memory_space<hbm>>) target(%arg17 : memref<80x64xf32, #tpu.memory_space<vmem>>) offsets(%dma_start3A_137 : memref<80xi32, #tpu.memory_space<vmem>>) semaphore(%arg30 : memref<!tpu.dma_semaphore, #tpu.memory_space<semaphore_mem>>)
      %scan3A_141 = arith.constant 0 : i32
      %scan3A_142 = arith.constant 0 : i32
      %scan3A_143 = arith.constant 25 : i32
      %scan3A_144 = arith.addi %scan3A_142, %scan3A_143 : i32
      %scan3A_145 = arith.constant 1 : i32
      %scan3A_146 = scf.for %scan3A_176 = %scan3A_142 to %scan3A_144 step %scan3A_145 iter_args(%scan3A_177 = %scan3A_141) -> (i32)  : i32 {
        %mul3A_178 = arith.constant 2 : i32
        %mul3A_179 = arith.muli %scan3A_176, %mul3A_178 : i32
        %add3A_180 = arith.constant 1 : i32
        %add3A_181 = arith.addi %mul3A_179, %add3A_180 : i32
        %dma_start3A_182 = arith.constant 0 : i32
        %dma_start3A_183 = tpu.memref_slice %arg11[%add3A_181, %dma_start3A_182] : memref<50x80xi32, #tpu.memory_space<vmem>> -> memref<1x80xi32, #tpu.memory_space<vmem>>
        %dma_start3A_184 = tpu.memref_squeeze %dma_start3A_183 : memref<1x80xi32, #tpu.memory_space<vmem>> -> memref<80xi32, #tpu.memory_space<vmem>>
        %dma_start3A_185 = arith.constant 0 : i32
        %dma_start3A_186 = arith.constant 0 : i32
        %dma_start3A_187 = tpu.memref_slice %arg2[%dma_start3A_185, %dma_start3A_186] : memref<20000x64xf32, #tpu.memory_space<hbm>> -> memref<20000x64xf32, #tpu.memory_space<hbm>>
        tpu.enqueue_indirect_dma source(%dma_start3A_187 : memref<20000x64xf32, #tpu.memory_space<hbm>>) target(%arg20 : memref<80x64xf32, #tpu.memory_space<vmem>>) offsets(%dma_start3A_184 : memref<80xi32, #tpu.memory_space<vmem>>) semaphore(%arg31 : memref<!tpu.dma_semaphore, #tpu.memory_space<semaphore_mem>>)
        %dma_start3A_188 = arith.constant 0 : i32
        %dma_start3A_189 = tpu.memref_slice %arg13[%add3A_181, %dma_start3A_188] : memref<50x80xi32, #tpu.memory_space<vmem>> -> memref<1x80xi32, #tpu.memory_space<vmem>>
        %dma_start3A_190 = tpu.memref_squeeze %dma_start3A_189 : memref<1x80xi32, #tpu.memory_space<vmem>> -> memref<80xi32, #tpu.memory_space<vmem>>
        %dma_start3A_191 = arith.constant 0 : i32
        %dma_start3A_192 = arith.constant 0 : i32
        %dma_start3A_193 = tpu.memref_slice %arg3[%dma_start3A_191, %dma_start3A_192] : memref<20000x64xf32, #tpu.memory_space<hbm>> -> memref<20000x64xf32, #tpu.memory_space<hbm>>
        tpu.enqueue_indirect_dma source(%dma_start3A_193 : memref<20000x64xf32, #tpu.memory_space<hbm>>) target(%arg21 : memref<80x64xf32, #tpu.memory_space<vmem>>) offsets(%dma_start3A_190 : memref<80xi32, #tpu.memory_space<vmem>>) semaphore(%arg31 : memref<!tpu.dma_semaphore, #tpu.memory_space<semaphore_mem>>)
        %dma_wait3A_194 = arith.constant 0 : i32
        %dma_wait3A_195 = tpu.memref_slice %arg11[%mul3A_179, %dma_wait3A_194] : memref<50x80xi32, #tpu.memory_space<vmem>> -> memref<1x80xi32, #tpu.memory_space<vmem>>
        %dma_wait3A_196 = tpu.memref_squeeze %dma_wait3A_195 : memref<1x80xi32, #tpu.memory_space<vmem>> -> memref<80xi32, #tpu.memory_space<vmem>>
        %dma_wait3A_197 = arith.constant 0 : i32
        %dma_wait3A_198 = arith.constant 0 : i32
        %dma_wait3A_199 = tpu.memref_slice %arg2[%dma_wait3A_197, %dma_wait3A_198] : memref<20000x64xf32, #tpu.memory_space<hbm>> -> memref<20000x64xf32, #tpu.memory_space<hbm>>
        tpu.wait_indirect_dma semaphore(%arg30 : memref<!tpu.dma_semaphore, #tpu.memory_space<semaphore_mem>>) src(%dma_wait3A_199 : memref<20000x64xf32, #tpu.memory_space<hbm>>) dst(%arg16 : memref<80x64xf32, #tpu.memory_space<vmem>>)
        %dma_wait3A_200 = arith.constant 0 : i32
        %dma_wait3A_201 = tpu.memref_slice %arg13[%mul3A_179, %dma_wait3A_200] : memref<50x80xi32, #tpu.memory_space<vmem>> -> memref<1x80xi32, #tpu.memory_space<vmem>>
        %dma_wait3A_202 = tpu.memref_squeeze %dma_wait3A_201 : memref<1x80xi32, #tpu.memory_space<vmem>> -> memref<80xi32, #tpu.memory_space<vmem>>
        %dma_wait3A_203 = arith.constant 0 : i32
        %dma_wait3A_204 = arith.constant 0 : i32
        %dma_wait3A_205 = tpu.memref_slice %arg3[%dma_wait3A_203, %dma_wait3A_204] : memref<20000x64xf32, #tpu.memory_space<hbm>> -> memref<20000x64xf32, #tpu.memory_space<hbm>>
        tpu.wait_indirect_dma semaphore(%arg30 : memref<!tpu.dma_semaphore, #tpu.memory_space<semaphore_mem>>) src(%dma_wait3A_205 : memref<20000x64xf32, #tpu.memory_space<hbm>>) dst(%arg17 : memref<80x64xf32, #tpu.memory_space<vmem>>)
        %ge3A = arith.constant 1 : i32
        %ge3A_206 = arith.cmpi sge, %scan3A_176, %ge3A : i32
        %convert_element_type3A = arith.extui %ge3A_206 : i1 to i32
        %cond3A = arith.constant 0 : i32
        %cond3A_207 = arith.cmpi ne, %convert_element_type3A, %cond3A : i32
        scf.if %cond3A_207 {
          %sub3A = arith.constant 2 : i32
          %sub3A_274 = arith.subi %mul3A_179, %sub3A : i32
          %dma_wait3A_275 = arith.constant 0 : i32
          %dma_wait3A_276 = tpu.memref_slice %arg12[%sub3A_274, %dma_wait3A_275] : memref<50x80xi32, #tpu.memory_space<vmem>> -> memref<1x80xi32, #tpu.memory_space<vmem>>
          %dma_wait3A_277 = tpu.memref_squeeze %dma_wait3A_276 : memref<1x80xi32, #tpu.memory_space<vmem>> -> memref<80xi32, #tpu.memory_space<vmem>>
          %dma_wait3A_278 = arith.constant 0 : i32
          %dma_wait3A_279 = arith.constant 0 : i32
          %dma_wait3A_280 = tpu.memref_slice %arg28[%dma_wait3A_278, %dma_wait3A_279] : memref<10240x64xf32, #tpu.memory_space<vmem_shared>> -> memref<10240x64xf32, #tpu.memory_space<vmem_shared>>
          tpu.wait_indirect_dma semaphore(%arg32 : memref<!tpu.dma_semaphore, #tpu.memory_space<semaphore_mem>>) src(%arg18 : memref<80x64xf32, #tpu.memory_space<vmem>>) dst(%dma_wait3A_280 : memref<10240x64xf32, #tpu.memory_space<vmem_shared>>)
          %dma_wait3A_281 = arith.constant 0 : i32
          %dma_wait3A_282 = tpu.memref_slice %arg12[%sub3A_274, %dma_wait3A_281] : memref<50x80xi32, #tpu.memory_space<vmem>> -> memref<1x80xi32, #tpu.memory_space<vmem>>
          %dma_wait3A_283 = tpu.memref_squeeze %dma_wait3A_282 : memref<1x80xi32, #tpu.memory_space<vmem>> -> memref<80xi32, #tpu.memory_space<vmem>>
          %dma_wait3A_284 = arith.constant 0 : i32
          %dma_wait3A_285 = arith.constant 0 : i32
          %dma_wait3A_286 = tpu.memref_slice %arg29[%dma_wait3A_284, %dma_wait3A_285] : memref<10240x16xf32, #tpu.memory_space<vmem_shared>> -> memref<10240x16xf32, #tpu.memory_space<vmem_shared>>
          tpu.wait_indirect_dma semaphore(%arg32 : memref<!tpu.dma_semaphore, #tpu.memory_space<semaphore_mem>>) src(%arg19 : memref<80x16xf32, #tpu.memory_space<vmem>>) dst(%dma_wait3A_286 : memref<10240x16xf32, #tpu.memory_space<vmem_shared>>)
        } else {
        }
        %mul3A_208 = arith.constant 80 : i32
        %mul3A_209 = arith.muli %mul3A_179, %mul3A_208 : i32
        %scan3A_210 = arith.constant 0 : i32
        %scan3A_211 = arith.constant 0 : i32
        %scan3A_212 = arith.constant 20 : i32
        %scan3A_213 = arith.addi %scan3A_211, %scan3A_212 : i32
        %scan3A_214 = arith.constant 1 : i32
        %scan3A_215 = scf.for %scan3A_274 = %scan3A_211 to %scan3A_213 step %scan3A_214 iter_args(%scan3A_275 = %scan3A_210) -> (i32)  : i32 {
          %mul3A_276 = arith.constant 4 : i32
          %mul3A_277 = arith.muli %scan3A_274, %mul3A_276 : i32
          %add3A_278 = arith.constant 0 : i32
          %add3A_279 = arith.addi %mul3A_277, %add3A_278 : i32
          %broadcast_in_dim3A_280 = arith.constant 0 : i32
          %broadcast_in_dim3A_281 = vector.broadcast %broadcast_in_dim3A_280 : i32 to vector<16xi32>
          %add3A_282 = arith.addi %mul3A_209, %add3A_279 : i32
          %add3A_283 = vector.broadcast %add3A_282 : i32 to vector<16xi32>
          %add3A_284 = arith.addi %broadcast_in_dim3A_281, %add3A_283 : vector<16xi32>
          %gather3A = tpu.vector_load_idx %arg14[%add3A_284] : memref<4000xf32, #tpu.memory_space<vmem>>[vector<16xi32>], vector<16xf32>,
          %gather3A_285 = tpu.vector_load_idx %arg15[%add3A_284] : memref<4000xf32, #tpu.memory_space<vmem>>[vector<16xi32>], vector<16xf32>,
          %get3A_286 = arith.index_cast %add3A_279 : i32 to index
          %get3A_287 = arith.constant 0 : index
          %get3A_288 = tpu.vector_load %arg16[%get3A_286, %get3A_287] {strides = array<i32>} : memref<80x64xf32, #tpu.memory_space<vmem>>, vector<16xf32>,
          %get3A_289 = arith.index_cast %add3A_279 : i32 to index
          %get3A_290 = arith.constant 0 : index
          %get3A_291 = tpu.vector_load %arg17[%get3A_289, %get3A_290] {strides = array<i32>} : memref<80x64xf32, #tpu.memory_space<vmem>>, vector<16xf32>,
          %add3A_292 = arith.addf %get3A_288, %get3A_291 : vector<16xf32>
          %mul3A_293 = arith.mulf %gather3A, %get3A_6 : vector<16xf32>
          %add3A_294 = arith.addf %add3A_292, %mul3A_293 : vector<16xf32>
          %mul3A_295 = arith.mulf %gather3A_285, %get3A_30 : vector<16xf32>
          %add3A_296 = arith.addf %add3A_294, %mul3A_295 : vector<16xf32>
          %mul3A_297 = arith.constant 2.000000e-01 : f32
          %mul3A_298 = vector.broadcast %mul3A_297 : f32 to vector<16xf32>
          %mul3A_299 = arith.mulf %mul3A_298, %add3A_296 : vector<16xf32>
          %max3A = arith.maximumf %add3A_296, %mul3A_299 : vector<16xf32>
          %mul3A_300 = arith.mulf %max3A, %get3A_52 : vector<16xf32>
          %get3A_301 = arith.index_cast %add3A_279 : i32 to index
          %get3A_302 = arith.constant 16 : index
          %get3A_303 = tpu.vector_load %arg16[%get3A_301, %get3A_302] {strides = array<i32>} : memref<80x64xf32, #tpu.memory_space<vmem>>, vector<16xf32>,
          %get3A_304 = arith.index_cast %add3A_279 : i32 to index
          %get3A_305 = arith.constant 16 : index
          %get3A_306 = tpu.vector_load %arg17[%get3A_304, %get3A_305] {strides = array<i32>} : memref<80x64xf32, #tpu.memory_space<vmem>>, vector<16xf32>,
          %add3A_307 = arith.addf %get3A_303, %get3A_306 : vector<16xf32>
          %mul3A_308 = arith.mulf %gather3A, %get3A_12 : vector<16xf32>
          %add3A_309 = arith.addf %add3A_307, %mul3A_308 : vector<16xf32>
          %mul3A_310 = arith.mulf %gather3A_285, %get3A_36 : vector<16xf32>
          %add3A_311 = arith.addf %add3A_309, %mul3A_310 : vector<16xf32>
          %mul3A_312 = arith.constant 2.000000e-01 : f32
          %mul3A_313 = vector.broadcast %mul3A_312 : f32 to vector<16xf32>
          %mul3A_314 = arith.mulf %mul3A_313, %add3A_311 : vector<16xf32>
          %max3A_315 = arith.maximumf %add3A_311, %mul3A_314 : vector<16xf32>
          %mul3A_316 = arith.mulf %max3A_315, %get3A_56 : vector<16xf32>
          %get3A_317 = arith.index_cast %add3A_279 : i32 to index
          %get3A_318 = arith.constant 32 : index
          %get3A_319 = tpu.vector_load %arg16[%get3A_317, %get3A_318] {strides = array<i32>} : memref<80x64xf32, #tpu.memory_space<vmem>>, vector<16xf32>,
          %get3A_320 = arith.index_cast %add3A_279 : i32 to index
          %get3A_321 = arith.constant 32 : index
          %get3A_322 = tpu.vector_load %arg17[%get3A_320, %get3A_321] {strides = array<i32>} : memref<80x64xf32, #tpu.memory_space<vmem>>, vector<16xf32>,
          %add3A_323 = arith.addf %get3A_319, %get3A_322 : vector<16xf32>
          %mul3A_324 = arith.mulf %gather3A, %get3A_18 : vector<16xf32>
          %add3A_325 = arith.addf %add3A_323, %mul3A_324 : vector<16xf32>
          %mul3A_326 = arith.mulf %gather3A_285, %get3A_42 : vector<16xf32>
          %add3A_327 = arith.addf %add3A_325, %mul3A_326 : vector<16xf32>
          %mul3A_328 = arith.constant 2.000000e-01 : f32
          %mul3A_329 = vector.broadcast %mul3A_328 : f32 to vector<16xf32>
          %mul3A_330 = arith.mulf %mul3A_329, %add3A_327 : vector<16xf32>
          %max3A_331 = arith.maximumf %add3A_327, %mul3A_330 : vector<16xf32>
          %mul3A_332 = arith.mulf %max3A_331, %get3A_60 : vector<16xf32>
          %get3A_333 = arith.index_cast %add3A_279 : i32 to index
          %get3A_334 = arith.constant 48 : index
          %get3A_335 = tpu.vector_load %arg16[%get3A_333, %get3A_334] {strides = array<i32>} : memref<80x64xf32, #tpu.memory_space<vmem>>, vector<16xf32>,
          %get3A_336 = arith.index_cast %add3A_279 : i32 to index
          %get3A_337 = arith.constant 48 : index
          %get3A_338 = tpu.vector_load %arg17[%get3A_336, %get3A_337] {strides = array<i32>} : memref<80x64xf32, #tpu.memory_space<vmem>>, vector<16xf32>,
          %add3A_339 = arith.addf %get3A_335, %get3A_338 : vector<16xf32>
          %mul3A_340 = arith.mulf %gather3A, %get3A_24 : vector<16xf32>
          %add3A_341 = arith.addf %add3A_339, %mul3A_340 : vector<16xf32>
          %mul3A_342 = arith.mulf %gather3A_285, %get3A_48 : vector<16xf32>
          %add3A_343 = arith.addf %add3A_341, %mul3A_342 : vector<16xf32>
          %mul3A_344 = arith.constant 2.000000e-01 : f32
          %mul3A_345 = vector.broadcast %mul3A_344 : f32 to vector<16xf32>
          %mul3A_346 = arith.mulf %mul3A_345, %add3A_343 : vector<16xf32>
          %max3A_347 = arith.maximumf %add3A_343, %mul3A_346 : vector<16xf32>
          %mul3A_348 = arith.mulf %max3A_347, %get3A_64 : vector<16xf32>
          %add3A_349 = arith.addf %mul3A_300, %mul3A_316 : vector<16xf32>
          %broadcast_in_dim3A_350 = arith.constant true
          %broadcast_in_dim3A_351 = vector.broadcast %broadcast_in_dim3A_350 : i1 to vector<16xi1>
          %masked_cumsum3A = tpu.scan <sum>, %add3A_349 masked %broadcast_in_dim3A_351 : vector<16xf32>, vector<16xi1> -> vector<16xf32>
          %rev3A = arith.constant 15 : i32
          %rev3A_352 = vector.broadcast %rev3A : i32 to vector<16xi32>
          %rev3A_353 = tpu.iota {dimensions = array<i32: 0>} : vector<16xi32>
          %rev3A_354 = arith.subi %rev3A_352, %rev3A_353 : vector<16xi32>
          %rev3A_355 = tpu.dynamic_gather %add3A_349[%rev3A_354] in [0] : vector<16xf32>, vector<16xi32> -> vector<16xf32>
          %broadcast_in_dim3A_356 = arith.constant true
          %broadcast_in_dim3A_357 = vector.broadcast %broadcast_in_dim3A_356 : i1 to vector<16xi1>
          %masked_cumsum3A_358 = tpu.scan <sum>, %rev3A_355 masked %broadcast_in_dim3A_357 : vector<16xf32>, vector<16xi1> -> vector<16xf32>
          %rev3A_359 = arith.constant 15 : i32
          %rev3A_360 = vector.broadcast %rev3A_359 : i32 to vector<16xi32>
          %rev3A_361 = tpu.iota {dimensions = array<i32: 0>} : vector<16xi32>
          %rev3A_362 = arith.subi %rev3A_360, %rev3A_361 : vector<16xi32>
          %rev3A_363 = tpu.dynamic_gather %masked_cumsum3A_358[%rev3A_362] in [0] : vector<16xf32>, vector<16xi32> -> vector<16xf32>
          %add3A_364 = arith.addf %masked_cumsum3A, %rev3A_363 : vector<16xf32>
          %sub3A = arith.subf %add3A_364, %add3A_349 : vector<16xf32>
          %exp3A = math.exp %sub3A : vector<16xf32>
          %add3A_365 = arith.addf %mul3A_332, %mul3A_348 : vector<16xf32>
          %broadcast_in_dim3A_366 = arith.constant true
          %broadcast_in_dim3A_367 = vector.broadcast %broadcast_in_dim3A_366 : i1 to vector<16xi1>
          %masked_cumsum3A_368 = tpu.scan <sum>, %add3A_365 masked %broadcast_in_dim3A_367 : vector<16xf32>, vector<16xi1> -> vector<16xf32>
          %rev3A_369 = arith.constant 15 : i32
          %rev3A_370 = vector.broadcast %rev3A_369 : i32 to vector<16xi32>
          %rev3A_371 = tpu.iota {dimensions = array<i32: 0>} : vector<16xi32>
          %rev3A_372 = arith.subi %rev3A_370, %rev3A_371 : vector<16xi32>
          %rev3A_373 = tpu.dynamic_gather %add3A_365[%rev3A_372] in [0] : vector<16xf32>, vector<16xi32> -> vector<16xf32>
          %broadcast_in_dim3A_374 = arith.constant true
          %broadcast_in_dim3A_375 = vector.broadcast %broadcast_in_dim3A_374 : i1 to vector<16xi1>
          %masked_cumsum3A_376 = tpu.scan <sum>, %rev3A_373 masked %broadcast_in_dim3A_375 : vector<16xf32>, vector<16xi1> -> vector<16xf32>
          %rev3A_377 = arith.constant 15 : i32
          %rev3A_378 = vector.broadcast %rev3A_377 : i32 to vector<16xi32>
          %rev3A_379 = tpu.iota {dimensions = array<i32: 0>} : vector<16xi32>
          %rev3A_380 = arith.subi %rev3A_378, %rev3A_379 : vector<16xi32>
          %rev3A_381 = tpu.dynamic_gather %masked_cumsum3A_376[%rev3A_380] in [0] : vector<16xf32>, vector<16xi32> -> vector<16xf32>
          %add3A_382 = arith.addf %masked_cumsum3A_368, %rev3A_381 : vector<16xf32>
          %sub3A_383 = arith.subf %add3A_382, %add3A_365 : vector<16xf32>
          %exp3A_384 = math.exp %sub3A_383 : vector<16xf32>
          %mul3A_385 = arith.mulf %get3A_288, %exp3A : vector<16xf32>
          %swap3A = arith.index_cast %add3A_279 : i32 to index
          %swap3A_386 = arith.constant 0 : index
          %swap3A_387 = tpu.vector_load %arg18[%swap3A, %swap3A_386] {strides = array<i32>} : memref<80x64xf32, #tpu.memory_space<vmem>>, vector<16xf32>,
          tpu.vector_store %arg18[%swap3A, %swap3A_386], %mul3A_385 {strides = array<i32>} : memref<80x64xf32, #tpu.memory_space<vmem>>, vector<16xf32>,
          %mul3A_388 = arith.mulf %get3A_303, %exp3A : vector<16xf32>
          %swap3A_389 = arith.index_cast %add3A_279 : i32 to index
          %swap3A_390 = arith.constant 16 : index
          %swap3A_391 = tpu.vector_load %arg18[%swap3A_389, %swap3A_390] {strides = array<i32>} : memref<80x64xf32, #tpu.memory_space<vmem>>, vector<16xf32>,
          tpu.vector_store %arg18[%swap3A_389, %swap3A_390], %mul3A_388 {strides = array<i32>} : memref<80x64xf32, #tpu.memory_space<vmem>>, vector<16xf32>,
          %mul3A_392 = arith.mulf %get3A_319, %exp3A_384 : vector<16xf32>
          %swap3A_393 = arith.index_cast %add3A_279 : i32 to index
          %swap3A_394 = arith.constant 32 : index
          %swap3A_395 = tpu.vector_load %arg18[%swap3A_393, %swap3A_394] {strides = array<i32>} : memref<80x64xf32, #tpu.memory_space<vmem>>, vector<16xf32>,
          tpu.vector_store %arg18[%swap3A_393, %swap3A_394], %mul3A_392 {strides = array<i32>} : memref<80x64xf32, #tpu.memory_space<vmem>>, vector<16xf32>,
          %mul3A_396 = arith.mulf %get3A_335, %exp3A_384 : vector<16xf32>
          %swap3A_397 = arith.index_cast %add3A_279 : i32 to index
          %swap3A_398 = arith.constant 48 : index
          %swap3A_399 = tpu.vector_load %arg18[%swap3A_397, %swap3A_398] {strides = array<i32>} : memref<80x64xf32, #tpu.memory_space<vmem>>, vector<16xf32>,
          tpu.vector_store %arg18[%swap3A_397, %swap3A_398], %mul3A_396 {strides = array<i32>} : memref<80x64xf32, #tpu.memory_space<vmem>>, vector<16xf32>,
          %broadcast_in_dim3A_400 = arith.constant 0.000000e+00 : f32
          %broadcast_in_dim3A_401 = vector.broadcast %broadcast_in_dim3A_400 : f32 to vector<16xf32>
          %select_n3A = arith.select %eq3A_66, %exp3A, %broadcast_in_dim3A_401 : vector<16xi1>, vector<16xf32>
          %select_n3A_402 = arith.select %eq3A_69, %exp3A_384, %select_n3A : vector<16xi1>, vector<16xf32>
          %jit3A = arith.constant 1.000000e+00 : f32
          %broadcast_in_dim3A_403 = vector.broadcast %jit3A : f32 to vector<16xf32>
          %select_n3A_404 = arith.select %eq3A_72, %broadcast_in_dim3A_403, %select_n3A_402 : vector<16xi1>, vector<16xf32>
          %select_n3A_405 = arith.select %eq3A_75, %gather3A, %select_n3A_404 : vector<16xi1>, vector<16xf32>
          %select_n3A_406 = arith.select %eq3A_78, %gather3A_285, %select_n3A_405 : vector<16xi1>, vector<16xf32>
          %swap3A_407 = arith.index_cast %add3A_279 : i32 to index
          %swap3A_408 = arith.constant 0 : index
          %swap3A_409 = tpu.vector_load %arg19[%swap3A_407, %swap3A_408] {strides = array<i32>} : memref<80x16xf32, #tpu.memory_space<vmem>>, vector<16xf32>,
          tpu.vector_store %arg19[%swap3A_407, %swap3A_408], %select_n3A_406 {strides = array<i32>} : memref<80x16xf32, #tpu.memory_space<vmem>>, vector<16xf32>,
          %mul3A_410 = arith.constant 4 : i32
          %mul3A_411 = arith.muli %scan3A_274, %mul3A_410 : i32
          %add3A_412 = arith.constant 1 : i32
          %add3A_413 = arith.addi %mul3A_411, %add3A_412 : i32
          %broadcast_in_dim3A_414 = arith.constant 0 : i32
          %broadcast_in_dim3A_415 = vector.broadcast %broadcast_in_dim3A_414 : i32 to vector<16xi32>
          %add3A_416 = arith.addi %mul3A_209, %add3A_413 : i32
          %add3A_417 = vector.broadcast %add3A_416 : i32 to vector<16xi32>
          %add3A_418 = arith.addi %broadcast_in_dim3A_415, %add3A_417 : vector<16xi32>
          %gather3A_419 = tpu.vector_load_idx %arg14[%add3A_418] : memref<4000xf32, #tpu.memory_space<vmem>>[vector<16xi32>], vector<16xf32>,
          %gather3A_420 = tpu.vector_load_idx %arg15[%add3A_418] : memref<4000xf32, #tpu.memory_space<vmem>>[vector<16xi32>], vector<16xf32>,
          %get3A_421 = arith.index_cast %add3A_413 : i32 to index
          %get3A_422 = arith.constant 0 : index
          %get3A_423 = tpu.vector_load %arg16[%get3A_421, %get3A_422] {strides = array<i32>} : memref<80x64xf32, #tpu.memory_space<vmem>>, vector<16xf32>,
          %get3A_424 = arith.index_cast %add3A_413 : i32 to index
          %get3A_425 = arith.constant 0 : index
          %get3A_426 = tpu.vector_load %arg17[%get3A_424, %get3A_425] {strides = array<i32>} : memref<80x64xf32, #tpu.memory_space<vmem>>, vector<16xf32>,
          %add3A_427 = arith.addf %get3A_423, %get3A_426 : vector<16xf32>
          %mul3A_428 = arith.mulf %gather3A_419, %get3A_6 : vector<16xf32>
          %add3A_429 = arith.addf %add3A_427, %mul3A_428 : vector<16xf32>
          %mul3A_430 = arith.mulf %gather3A_420, %get3A_30 : vector<16xf32>
          %add3A_431 = arith.addf %add3A_429, %mul3A_430 : vector<16xf32>
          %mul3A_432 = arith.constant 2.000000e-01 : f32
          %mul3A_433 = vector.broadcast %mul3A_432 : f32 to vector<16xf32>
          %mul3A_434 = arith.mulf %mul3A_433, %add3A_431 : vector<16xf32>
          %max3A_435 = arith.maximumf %add3A_431, %mul3A_434 : vector<16xf32>
          %mul3A_436 = arith.mulf %max3A_435, %get3A_52 : vector<16xf32>
          %get3A_437 = arith.index_cast %add3A_413 : i32 to index
          %get3A_438 = arith.constant 16 : index
          %get3A_439 = tpu.vector_load %arg16[%get3A_437, %get3A_438] {strides = array<i32>} : memref<80x64xf32, #tpu.memory_space<vmem>>, vector<16xf32>,
          %get3A_440 = arith.index_cast %add3A_413 : i32 to index
          %get3A_441 = arith.constant 16 : index
          %get3A_442 = tpu.vector_load %arg17[%get3A_440, %get3A_441] {strides = array<i32>} : memref<80x64xf32, #tpu.memory_space<vmem>>, vector<16xf32>,
          %add3A_443 = arith.addf %get3A_439, %get3A_442 : vector<16xf32>
          %mul3A_444 = arith.mulf %gather3A_419, %get3A_12 : vector<16xf32>
          %add3A_445 = arith.addf %add3A_443, %mul3A_444 : vector<16xf32>
          %mul3A_446 = arith.mulf %gather3A_420, %get3A_36 : vector<16xf32>
          %add3A_447 = arith.addf %add3A_445, %mul3A_446 : vector<16xf32>
          %mul3A_448 = arith.constant 2.000000e-01 : f32
          %mul3A_449 = vector.broadcast %mul3A_448 : f32 to vector<16xf32>
          %mul3A_450 = arith.mulf %mul3A_449, %add3A_447 : vector<16xf32>
          %max3A_451 = arith.maximumf %add3A_447, %mul3A_450 : vector<16xf32>
          %mul3A_452 = arith.mulf %max3A_451, %get3A_56 : vector<16xf32>
          %get3A_453 = arith.index_cast %add3A_413 : i32 to index
          %get3A_454 = arith.constant 32 : index
          %get3A_455 = tpu.vector_load %arg16[%get3A_453, %get3A_454] {strides = array<i32>} : memref<80x64xf32, #tpu.memory_space<vmem>>, vector<16xf32>,
          %get3A_456 = arith.index_cast %add3A_413 : i32 to index
          %get3A_457 = arith.constant 32 : index
          %get3A_458 = tpu.vector_load %arg17[%get3A_456, %get3A_457] {strides = array<i32>} : memref<80x64xf32, #tpu.memory_space<vmem>>, vector<16xf32>,
          %add3A_459 = arith.addf %get3A_455, %get3A_458 : vector<16xf32>
          %mul3A_460 = arith.mulf %gather3A_419, %get3A_18 : vector<16xf32>
          %add3A_461 = arith.addf %add3A_459, %mul3A_460 : vector<16xf32>
          %mul3A_462 = arith.mulf %gather3A_420, %get3A_42 : vector<16xf32>
          %add3A_463 = arith.addf %add3A_461, %mul3A_462 : vector<16xf32>
          %mul3A_464 = arith.constant 2.000000e-01 : f32
          %mul3A_465 = vector.broadcast %mul3A_464 : f32 to vector<16xf32>
          %mul3A_466 = arith.mulf %mul3A_465, %add3A_463 : vector<16xf32>
          %max3A_467 = arith.maximumf %add3A_463, %mul3A_466 : vector<16xf32>
          %mul3A_468 = arith.mulf %max3A_467, %get3A_60 : vector<16xf32>
          %get3A_469 = arith.index_cast %add3A_413 : i32 to index
          %get3A_470 = arith.constant 48 : index
          %get3A_471 = tpu.vector_load %arg16[%get3A_469, %get3A_470] {strides = array<i32>} : memref<80x64xf32, #tpu.memory_space<vmem>>, vector<16xf32>,
          %get3A_472 = arith.index_cast %add3A_413 : i32 to index
          %get3A_473 = arith.constant 48 : index
          %get3A_474 = tpu.vector_load %arg17[%get3A_472, %get3A_473] {strides = array<i32>} : memref<80x64xf32, #tpu.memory_space<vmem>>, vector<16xf32>,
          %add3A_475 = arith.addf %get3A_471, %get3A_474 : vector<16xf32>
          %mul3A_476 = arith.mulf %gather3A_419, %get3A_24 : vector<16xf32>
          %add3A_477 = arith.addf %add3A_475, %mul3A_476 : vector<16xf32>
          %mul3A_478 = arith.mulf %gather3A_420, %get3A_48 : vector<16xf32>
          %add3A_479 = arith.addf %add3A_477, %mul3A_478 : vector<16xf32>
          %mul3A_480 = arith.constant 2.000000e-01 : f32
          %mul3A_481 = vector.broadcast %mul3A_480 : f32 to vector<16xf32>
          %mul3A_482 = arith.mulf %mul3A_481, %add3A_479 : vector<16xf32>
          %max3A_483 = arith.maximumf %add3A_479, %mul3A_482 : vector<16xf32>
          %mul3A_484 = arith.mulf %max3A_483, %get3A_64 : vector<16xf32>
          %add3A_485 = arith.addf %mul3A_436, %mul3A_452 : vector<16xf32>
          %broadcast_in_dim3A_486 = arith.constant true
          %broadcast_in_dim3A_487 = vector.broadcast %broadcast_in_dim3A_486 : i1 to vector<16xi1>
          %masked_cumsum3A_488 = tpu.scan <sum>, %add3A_485 masked %broadcast_in_dim3A_487 : vector<16xf32>, vector<16xi1> -> vector<16xf32>
          %rev3A_489 = arith.constant 15 : i32
          %rev3A_490 = vector.broadcast %rev3A_489 : i32 to vector<16xi32>
          %rev3A_491 = tpu.iota {dimensions = array<i32: 0>} : vector<16xi32>
          %rev3A_492 = arith.subi %rev3A_490, %rev3A_491 : vector<16xi32>
          %rev3A_493 = tpu.dynamic_gather %add3A_485[%rev3A_492] in [0] : vector<16xf32>, vector<16xi32> -> vector<16xf32>
          %broadcast_in_dim3A_494 = arith.constant true
          %broadcast_in_dim3A_495 = vector.broadcast %broadcast_in_dim3A_494 : i1 to vector<16xi1>
          %masked_cumsum3A_496 = tpu.scan <sum>, %rev3A_493 masked %broadcast_in_dim3A_495 : vector<16xf32>, vector<16xi1> -> vector<16xf32>
          %rev3A_497 = arith.constant 15 : i32
          %rev3A_498 = vector.broadcast %rev3A_497 : i32 to vector<16xi32>
          %rev3A_499 = tpu.iota {dimensions = array<i32: 0>} : vector<16xi32>
          %rev3A_500 = arith.subi %rev3A_498, %rev3A_499 : vector<16xi32>
          %rev3A_501 = tpu.dynamic_gather %masked_cumsum3A_496[%rev3A_500] in [0] : vector<16xf32>, vector<16xi32> -> vector<16xf32>
          %add3A_502 = arith.addf %masked_cumsum3A_488, %rev3A_501 : vector<16xf32>
          %sub3A_503 = arith.subf %add3A_502, %add3A_485 : vector<16xf32>
          %exp3A_504 = math.exp %sub3A_503 : vector<16xf32>
          %add3A_505 = arith.addf %mul3A_468, %mul3A_484 : vector<16xf32>
          %broadcast_in_dim3A_506 = arith.constant true
          %broadcast_in_dim3A_507 = vector.broadcast %broadcast_in_dim3A_506 : i1 to vector<16xi1>
          %masked_cumsum3A_508 = tpu.scan <sum>, %add3A_505 masked %broadcast_in_dim3A_507 : vector<16xf32>, vector<16xi1> -> vector<16xf32>
          %rev3A_509 = arith.constant 15 : i32
          %rev3A_510 = vector.broadcast %rev3A_509 : i32 to vector<16xi32>
          %rev3A_511 = tpu.iota {dimensions = array<i32: 0>} : vector<16xi32>
          %rev3A_512 = arith.subi %rev3A_510, %rev3A_511 : vector<16xi32>
          %rev3A_513 = tpu.dynamic_gather %add3A_505[%rev3A_512] in [0] : vector<16xf32>, vector<16xi32> -> vector<16xf32>
          %broadcast_in_dim3A_514 = arith.constant true
          %broadcast_in_dim3A_515 = vector.broadcast %broadcast_in_dim3A_514 : i1 to vector<16xi1>
          %masked_cumsum3A_516 = tpu.scan <sum>, %rev3A_513 masked %broadcast_in_dim3A_515 : vector<16xf32>, vector<16xi1> -> vector<16xf32>
          %rev3A_517 = arith.constant 15 : i32
          %rev3A_518 = vector.broadcast %rev3A_517 : i32 to vector<16xi32>
          %rev3A_519 = tpu.iota {dimensions = array<i32: 0>} : vector<16xi32>
          %rev3A_520 = arith.subi %rev3A_518, %rev3A_519 : vector<16xi32>
          %rev3A_521 = tpu.dynamic_gather %masked_cumsum3A_516[%rev3A_520] in [0] : vector<16xf32>, vector<16xi32> -> vector<16xf32>
          %add3A_522 = arith.addf %masked_cumsum3A_508, %rev3A_521 : vector<16xf32>
          %sub3A_523 = arith.subf %add3A_522, %add3A_505 : vector<16xf32>
          %exp3A_524 = math.exp %sub3A_523 : vector<16xf32>
          %mul3A_525 = arith.mulf %get3A_423, %exp3A_504 : vector<16xf32>
          %swap3A_526 = arith.index_cast %add3A_413 : i32 to index
          %swap3A_527 = arith.constant 0 : index
          %swap3A_528 = tpu.vector_load %arg18[%swap3A_526, %swap3A_527] {strides = array<i32>} : memref<80x64xf32, #tpu.memory_space<vmem>>, vector<16xf32>,
          tpu.vector_store %arg18[%swap3A_526, %swap3A_527], %mul3A_525 {strides = array<i32>} : memref<80x64xf32, #tpu.memory_space<vmem>>, vector<16xf32>,
          %mul3A_529 = arith.mulf %get3A_439, %exp3A_504 : vector<16xf32>
          %swap3A_530 = arith.index_cast %add3A_413 : i32 to index
          %swap3A_531 = arith.constant 16 : index
          %swap3A_532 = tpu.vector_load %arg18[%swap3A_530, %swap3A_531] {strides = array<i32>} : memref<80x64xf32, #tpu.memory_space<vmem>>, vector<16xf32>,
          tpu.vector_store %arg18[%swap3A_530, %swap3A_531], %mul3A_529 {strides = array<i32>} : memref<80x64xf32, #tpu.memory_space<vmem>>, vector<16xf32>,
          %mul3A_533 = arith.mulf %get3A_455, %exp3A_524 : vector<16xf32>
          %swap3A_534 = arith.index_cast %add3A_413 : i32 to index
          %swap3A_535 = arith.constant 32 : index
          %swap3A_536 = tpu.vector_load %arg18[%swap3A_534, %swap3A_535] {strides = array<i32>} : memref<80x64xf32, #tpu.memory_space<vmem>>, vector<16xf32>,
          tpu.vector_store %arg18[%swap3A_534, %swap3A_535], %mul3A_533 {strides = array<i32>} : memref<80x64xf32, #tpu.memory_space<vmem>>, vector<16xf32>,
          %mul3A_537 = arith.mulf %get3A_471, %exp3A_524 : vector<16xf32>
          %swap3A_538 = arith.index_cast %add3A_413 : i32 to index
          %swap3A_539 = arith.constant 48 : index
          %swap3A_540 = tpu.vector_load %arg18[%swap3A_538, %swap3A_539] {strides = array<i32>} : memref<80x64xf32, #tpu.memory_space<vmem>>, vector<16xf32>,
          tpu.vector_store %arg18[%swap3A_538, %swap3A_539], %mul3A_537 {strides = array<i32>} : memref<80x64xf32, #tpu.memory_space<vmem>>, vector<16xf32>,
          %broadcast_in_dim3A_541 = arith.constant 0.000000e+00 : f32
          %broadcast_in_dim3A_542 = vector.broadcast %broadcast_in_dim3A_541 : f32 to vector<16xf32>
          %select_n3A_543 = arith.select %eq3A_66, %exp3A_504, %broadcast_in_dim3A_542 : vector<16xi1>, vector<16xf32>
          %select_n3A_544 = arith.select %eq3A_69, %exp3A_524, %select_n3A_543 : vector<16xi1>, vector<16xf32>
          %jit3A_545 = arith.constant 1.000000e+00 : f32
          %broadcast_in_dim3A_546 = vector.broadcast %jit3A_545 : f32 to vector<16xf32>
          %select_n3A_547 = arith.select %eq3A_72, %broadcast_in_dim3A_546, %select_n3A_544 : vector<16xi1>, vector<16xf32>
          %select_n3A_548 = arith.select %eq3A_75, %gather3A_419, %select_n3A_547 : vector<16xi1>, vector<16xf32>
          %select_n3A_549 = arith.select %eq3A_78, %gather3A_420, %select_n3A_548 : vector<16xi1>, vector<16xf32>
          %swap3A_550 = arith.index_cast %add3A_413 : i32 to index
          %swap3A_551 = arith.constant 0 : index
          %swap3A_552 = tpu.vector_load %arg19[%swap3A_550, %swap3A_551] {strides = array<i32>} : memref<80x16xf32, #tpu.memory_space<vmem>>, vector<16xf32>,
          tpu.vector_store %arg19[%swap3A_550, %swap3A_551], %select_n3A_549 {strides = array<i32>} : memref<80x16xf32, #tpu.memory_space<vmem>>, vector<16xf32>,
          %mul3A_553 = arith.constant 4 : i32
          %mul3A_554 = arith.muli %scan3A_274, %mul3A_553 : i32
          %add3A_555 = arith.constant 2 : i32
          %add3A_556 = arith.addi %mul3A_554, %add3A_555 : i32
          %broadcast_in_dim3A_557 = arith.constant 0 : i32
          %broadcast_in_dim3A_558 = vector.broadcast %broadcast_in_dim3A_557 : i32 to vector<16xi32>
          %add3A_559 = arith.addi %mul3A_209, %add3A_556 : i32
          %add3A_560 = vector.broadcast %add3A_559 : i32 to vector<16xi32>
          %add3A_561 = arith.addi %broadcast_in_dim3A_558, %add3A_560 : vector<16xi32>
          %gather3A_562 = tpu.vector_load_idx %arg14[%add3A_561] : memref<4000xf32, #tpu.memory_space<vmem>>[vector<16xi32>], vector<16xf32>,
          %gather3A_563 = tpu.vector_load_idx %arg15[%add3A_561] : memref<4000xf32, #tpu.memory_space<vmem>>[vector<16xi32>], vector<16xf32>,
          %get3A_564 = arith.index_cast %add3A_556 : i32 to index
          %get3A_565 = arith.constant 0 : index
          %get3A_566 = tpu.vector_load %arg16[%get3A_564, %get3A_565] {strides = array<i32>} : memref<80x64xf32, #tpu.memory_space<vmem>>, vector<16xf32>,
          %get3A_567 = arith.index_cast %add3A_556 : i32 to index
          %get3A_568 = arith.constant 0 : index
          %get3A_569 = tpu.vector_load %arg17[%get3A_567, %get3A_568] {strides = array<i32>} : memref<80x64xf32, #tpu.memory_space<vmem>>, vector<16xf32>,
          %add3A_570 = arith.addf %get3A_566, %get3A_569 : vector<16xf32>
          %mul3A_571 = arith.mulf %gather3A_562, %get3A_6 : vector<16xf32>
          %add3A_572 = arith.addf %add3A_570, %mul3A_571 : vector<16xf32>
          %mul3A_573 = arith.mulf %gather3A_563, %get3A_30 : vector<16xf32>
          %add3A_574 = arith.addf %add3A_572, %mul3A_573 : vector<16xf32>
          %mul3A_575 = arith.constant 2.000000e-01 : f32
          %mul3A_576 = vector.broadcast %mul3A_575 : f32 to vector<16xf32>
          %mul3A_577 = arith.mulf %mul3A_576, %add3A_574 : vector<16xf32>
          %max3A_578 = arith.maximumf %add3A_574, %mul3A_577 : vector<16xf32>
          %mul3A_579 = arith.mulf %max3A_578, %get3A_52 : vector<16xf32>
          %get3A_580 = arith.index_cast %add3A_556 : i32 to index
          %get3A_581 = arith.constant 16 : index
          %get3A_582 = tpu.vector_load %arg16[%get3A_580, %get3A_581] {strides = array<i32>} : memref<80x64xf32, #tpu.memory_space<vmem>>, vector<16xf32>,
          %get3A_583 = arith.index_cast %add3A_556 : i32 to index
          %get3A_584 = arith.constant 16 : index
          %get3A_585 = tpu.vector_load %arg17[%get3A_583, %get3A_584] {strides = array<i32>} : memref<80x64xf32, #tpu.memory_space<vmem>>, vector<16xf32>,
          %add3A_586 = arith.addf %get3A_582, %get3A_585 : vector<16xf32>
          %mul3A_587 = arith.mulf %gather3A_562, %get3A_12 : vector<16xf32>
          %add3A_588 = arith.addf %add3A_586, %mul3A_587 : vector<16xf32>
          %mul3A_589 = arith.mulf %gather3A_563, %get3A_36 : vector<16xf32>
          %add3A_590 = arith.addf %add3A_588, %mul3A_589 : vector<16xf32>
          %mul3A_591 = arith.constant 2.000000e-01 : f32
          %mul3A_592 = vector.broadcast %mul3A_591 : f32 to vector<16xf32>
          %mul3A_593 = arith.mulf %mul3A_592, %add3A_590 : vector<16xf32>
          %max3A_594 = arith.maximumf %add3A_590, %mul3A_593 : vector<16xf32>
          %mul3A_595 = arith.mulf %max3A_594, %get3A_56 : vector<16xf32>
          %get3A_596 = arith.index_cast %add3A_556 : i32 to index
          %get3A_597 = arith.constant 32 : index
          %get3A_598 = tpu.vector_load %arg16[%get3A_596, %get3A_597] {strides = array<i32>} : memref<80x64xf32, #tpu.memory_space<vmem>>, vector<16xf32>,
          %get3A_599 = arith.index_cast %add3A_556 : i32 to index
          %get3A_600 = arith.constant 32 : index
          %get3A_601 = tpu.vector_load %arg17[%get3A_599, %get3A_600] {strides = array<i32>} : memref<80x64xf32, #tpu.memory_space<vmem>>, vector<16xf32>,
          %add3A_602 = arith.addf %get3A_598, %get3A_601 : vector<16xf32>
          %mul3A_603 = arith.mulf %gather3A_562, %get3A_18 : vector<16xf32>
          %add3A_604 = arith.addf %add3A_602, %mul3A_603 : vector<16xf32>
          %mul3A_605 = arith.mulf %gather3A_563, %get3A_42 : vector<16xf32>
          %add3A_606 = arith.addf %add3A_604, %mul3A_605 : vector<16xf32>
          %mul3A_607 = arith.constant 2.000000e-01 : f32
          %mul3A_608 = vector.broadcast %mul3A_607 : f32 to vector<16xf32>
          %mul3A_609 = arith.mulf %mul3A_608, %add3A_606 : vector<16xf32>
          %max3A_610 = arith.maximumf %add3A_606, %mul3A_609 : vector<16xf32>
          %mul3A_611 = arith.mulf %max3A_610, %get3A_60 : vector<16xf32>
          %get3A_612 = arith.index_cast %add3A_556 : i32 to index
          %get3A_613 = arith.constant 48 : index
          %get3A_614 = tpu.vector_load %arg16[%get3A_612, %get3A_613] {strides = array<i32>} : memref<80x64xf32, #tpu.memory_space<vmem>>, vector<16xf32>,
          %get3A_615 = arith.index_cast %add3A_556 : i32 to index
          %get3A_616 = arith.constant 48 : index
          %get3A_617 = tpu.vector_load %arg17[%get3A_615, %get3A_616] {strides = array<i32>} : memref<80x64xf32, #tpu.memory_space<vmem>>, vector<16xf32>,
          %add3A_618 = arith.addf %get3A_614, %get3A_617 : vector<16xf32>
          %mul3A_619 = arith.mulf %gather3A_562, %get3A_24 : vector<16xf32>
          %add3A_620 = arith.addf %add3A_618, %mul3A_619 : vector<16xf32>
          %mul3A_621 = arith.mulf %gather3A_563, %get3A_48 : vector<16xf32>
          %add3A_622 = arith.addf %add3A_620, %mul3A_621 : vector<16xf32>
          %mul3A_623 = arith.constant 2.000000e-01 : f32
          %mul3A_624 = vector.broadcast %mul3A_623 : f32 to vector<16xf32>
          %mul3A_625 = arith.mulf %mul3A_624, %add3A_622 : vector<16xf32>
          %max3A_626 = arith.maximumf %add3A_622, %mul3A_625 : vector<16xf32>
          %mul3A_627 = arith.mulf %max3A_626, %get3A_64 : vector<16xf32>
          %add3A_628 = arith.addf %mul3A_579, %mul3A_595 : vector<16xf32>
          %broadcast_in_dim3A_629 = arith.constant true
          %broadcast_in_dim3A_630 = vector.broadcast %broadcast_in_dim3A_629 : i1 to vector<16xi1>
          %masked_cumsum3A_631 = tpu.scan <sum>, %add3A_628 masked %broadcast_in_dim3A_630 : vector<16xf32>, vector<16xi1> -> vector<16xf32>
          %rev3A_632 = arith.constant 15 : i32
          %rev3A_633 = vector.broadcast %rev3A_632 : i32 to vector<16xi32>
          %rev3A_634 = tpu.iota {dimensions = array<i32: 0>} : vector<16xi32>
          %rev3A_635 = arith.subi %rev3A_633, %rev3A_634 : vector<16xi32>
          %rev3A_636 = tpu.dynamic_gather %add3A_628[%rev3A_635] in [0] : vector<16xf32>, vector<16xi32> -> vector<16xf32>
          %broadcast_in_dim3A_637 = arith.constant true
          %broadcast_in_dim3A_638 = vector.broadcast %broadcast_in_dim3A_637 : i1 to vector<16xi1>
          %masked_cumsum3A_639 = tpu.scan <sum>, %rev3A_636 masked %broadcast_in_dim3A_638 : vector<16xf32>, vector<16xi1> -> vector<16xf32>
          %rev3A_640 = arith.constant 15 : i32
          %rev3A_641 = vector.broadcast %rev3A_640 : i32 to vector<16xi32>
          %rev3A_642 = tpu.iota {dimensions = array<i32: 0>} : vector<16xi32>
          %rev3A_643 = arith.subi %rev3A_641, %rev3A_642 : vector<16xi32>
          %rev3A_644 = tpu.dynamic_gather %masked_cumsum3A_639[%rev3A_643] in [0] : vector<16xf32>, vector<16xi32> -> vector<16xf32>
          %add3A_645 = arith.addf %masked_cumsum3A_631, %rev3A_644 : vector<16xf32>
          %sub3A_646 = arith.subf %add3A_645, %add3A_628 : vector<16xf32>
          %exp3A_647 = math.exp %sub3A_646 : vector<16xf32>
          %add3A_648 = arith.addf %mul3A_611, %mul3A_627 : vector<16xf32>
          %broadcast_in_dim3A_649 = arith.constant true
          %broadcast_in_dim3A_650 = vector.broadcast %broadcast_in_dim3A_649 : i1 to vector<16xi1>
          %masked_cumsum3A_651 = tpu.scan <sum>, %add3A_648 masked %broadcast_in_dim3A_650 : vector<16xf32>, vector<16xi1> -> vector<16xf32>
          %rev3A_652 = arith.constant 15 : i32
          %rev3A_653 = vector.broadcast %rev3A_652 : i32 to vector<16xi32>
          %rev3A_654 = tpu.iota {dimensions = array<i32: 0>} : vector<16xi32>
          %rev3A_655 = arith.subi %rev3A_653, %rev3A_654 : vector<16xi32>
          %rev3A_656 = tpu.dynamic_gather %add3A_648[%rev3A_655] in [0] : vector<16xf32>, vector<16xi32> -> vector<16xf32>
          %broadcast_in_dim3A_657 = arith.constant true
          %broadcast_in_dim3A_658 = vector.broadcast %broadcast_in_dim3A_657 : i1 to vector<16xi1>
          %masked_cumsum3A_659 = tpu.scan <sum>, %rev3A_656 masked %broadcast_in_dim3A_658 : vector<16xf32>, vector<16xi1> -> vector<16xf32>
          %rev3A_660 = arith.constant 15 : i32
          %rev3A_661 = vector.broadcast %rev3A_660 : i32 to vector<16xi32>
          %rev3A_662 = tpu.iota {dimensions = array<i32: 0>} : vector<16xi32>
          %rev3A_663 = arith.subi %rev3A_661, %rev3A_662 : vector<16xi32>
          %rev3A_664 = tpu.dynamic_gather %masked_cumsum3A_659[%rev3A_663] in [0] : vector<16xf32>, vector<16xi32> -> vector<16xf32>
          %add3A_665 = arith.addf %masked_cumsum3A_651, %rev3A_664 : vector<16xf32>
          %sub3A_666 = arith.subf %add3A_665, %add3A_648 : vector<16xf32>
          %exp3A_667 = math.exp %sub3A_666 : vector<16xf32>
          %mul3A_668 = arith.mulf %get3A_566, %exp3A_647 : vector<16xf32>
          %swap3A_669 = arith.index_cast %add3A_556 : i32 to index
          %swap3A_670 = arith.constant 0 : index
          %swap3A_671 = tpu.vector_load %arg18[%swap3A_669, %swap3A_670] {strides = array<i32>} : memref<80x64xf32, #tpu.memory_space<vmem>>, vector<16xf32>,
          tpu.vector_store %arg18[%swap3A_669, %swap3A_670], %mul3A_668 {strides = array<i32>} : memref<80x64xf32, #tpu.memory_space<vmem>>, vector<16xf32>,
          %mul3A_672 = arith.mulf %get3A_582, %exp3A_647 : vector<16xf32>
          %swap3A_673 = arith.index_cast %add3A_556 : i32 to index
          %swap3A_674 = arith.constant 16 : index
          %swap3A_675 = tpu.vector_load %arg18[%swap3A_673, %swap3A_674] {strides = array<i32>} : memref<80x64xf32, #tpu.memory_space<vmem>>, vector<16xf32>,
          tpu.vector_store %arg18[%swap3A_673, %swap3A_674], %mul3A_672 {strides = array<i32>} : memref<80x64xf32, #tpu.memory_space<vmem>>, vector<16xf32>,
          %mul3A_676 = arith.mulf %get3A_598, %exp3A_667 : vector<16xf32>
          %swap3A_677 = arith.index_cast %add3A_556 : i32 to index
          %swap3A_678 = arith.constant 32 : index
          %swap3A_679 = tpu.vector_load %arg18[%swap3A_677, %swap3A_678] {strides = array<i32>} : memref<80x64xf32, #tpu.memory_space<vmem>>, vector<16xf32>,
          tpu.vector_store %arg18[%swap3A_677, %swap3A_678], %mul3A_676 {strides = array<i32>} : memref<80x64xf32, #tpu.memory_space<vmem>>, vector<16xf32>,
          %mul3A_680 = arith.mulf %get3A_614, %exp3A_667 : vector<16xf32>
          %swap3A_681 = arith.index_cast %add3A_556 : i32 to index
          %swap3A_682 = arith.constant 48 : index
          %swap3A_683 = tpu.vector_load %arg18[%swap3A_681, %swap3A_682] {strides = array<i32>} : memref<80x64xf32, #tpu.memory_space<vmem>>, vector<16xf32>,
          tpu.vector_store %arg18[%swap3A_681, %swap3A_682], %mul3A_680 {strides = array<i32>} : memref<80x64xf32, #tpu.memory_space<vmem>>, vector<16xf32>,
          %broadcast_in_dim3A_684 = arith.constant 0.000000e+00 : f32
          %broadcast_in_dim3A_685 = vector.broadcast %broadcast_in_dim3A_684 : f32 to vector<16xf32>
          %select_n3A_686 = arith.select %eq3A_66, %exp3A_647, %broadcast_in_dim3A_685 : vector<16xi1>, vector<16xf32>
          %select_n3A_687 = arith.select %eq3A_69, %exp3A_667, %select_n3A_686 : vector<16xi1>, vector<16xf32>
          %jit3A_688 = arith.constant 1.000000e+00 : f32
          %broadcast_in_dim3A_689 = vector.broadcast %jit3A_688 : f32 to vector<16xf32>
          %select_n3A_690 = arith.select %eq3A_72, %broadcast_in_dim3A_689, %select_n3A_687 : vector<16xi1>, vector<16xf32>
          %select_n3A_691 = arith.select %eq3A_75, %gather3A_562, %select_n3A_690 : vector<16xi1>, vector<16xf32>
          %select_n3A_692 = arith.select %eq3A_78, %gather3A_563, %select_n3A_691 : vector<16xi1>, vector<16xf32>
          %swap3A_693 = arith.index_cast %add3A_556 : i32 to index
          %swap3A_694 = arith.constant 0 : index
          %swap3A_695 = tpu.vector_load %arg19[%swap3A_693, %swap3A_694] {strides = array<i32>} : memref<80x16xf32, #tpu.memory_space<vmem>>, vector<16xf32>,
          tpu.vector_store %arg19[%swap3A_693, %swap3A_694], %select_n3A_692 {strides = array<i32>} : memref<80x16xf32, #tpu.memory_space<vmem>>, vector<16xf32>,
          %mul3A_696 = arith.constant 4 : i32
          %mul3A_697 = arith.muli %scan3A_274, %mul3A_696 : i32
          %add3A_698 = arith.constant 3 : i32
          %add3A_699 = arith.addi %mul3A_697, %add3A_698 : i32
          %broadcast_in_dim3A_700 = arith.constant 0 : i32
          %broadcast_in_dim3A_701 = vector.broadcast %broadcast_in_dim3A_700 : i32 to vector<16xi32>
          %add3A_702 = arith.addi %mul3A_209, %add3A_699 : i32
          %add3A_703 = vector.broadcast %add3A_702 : i32 to vector<16xi32>
          %add3A_704 = arith.addi %broadcast_in_dim3A_701, %add3A_703 : vector<16xi32>
          %gather3A_705 = tpu.vector_load_idx %arg14[%add3A_704] : memref<4000xf32, #tpu.memory_space<vmem>>[vector<16xi32>], vector<16xf32>,
          %gather3A_706 = tpu.vector_load_idx %arg15[%add3A_704] : memref<4000xf32, #tpu.memory_space<vmem>>[vector<16xi32>], vector<16xf32>,
          %get3A_707 = arith.index_cast %add3A_699 : i32 to index
          %get3A_708 = arith.constant 0 : index
          %get3A_709 = tpu.vector_load %arg16[%get3A_707, %get3A_708] {strides = array<i32>} : memref<80x64xf32, #tpu.memory_space<vmem>>, vector<16xf32>,
          %get3A_710 = arith.index_cast %add3A_699 : i32 to index
          %get3A_711 = arith.constant 0 : index
          %get3A_712 = tpu.vector_load %arg17[%get3A_710, %get3A_711] {strides = array<i32>} : memref<80x64xf32, #tpu.memory_space<vmem>>, vector<16xf32>,
          %add3A_713 = arith.addf %get3A_709, %get3A_712 : vector<16xf32>
          %mul3A_714 = arith.mulf %gather3A_705, %get3A_6 : vector<16xf32>
          %add3A_715 = arith.addf %add3A_713, %mul3A_714 : vector<16xf32>
          %mul3A_716 = arith.mulf %gather3A_706, %get3A_30 : vector<16xf32>
          %add3A_717 = arith.addf %add3A_715, %mul3A_716 : vector<16xf32>
          %mul3A_718 = arith.constant 2.000000e-01 : f32
          %mul3A_719 = vector.broadcast %mul3A_718 : f32 to vector<16xf32>
          %mul3A_720 = arith.mulf %mul3A_719, %add3A_717 : vector<16xf32>
          %max3A_721 = arith.maximumf %add3A_717, %mul3A_720 : vector<16xf32>
          %mul3A_722 = arith.mulf %max3A_721, %get3A_52 : vector<16xf32>
          %get3A_723 = arith.index_cast %add3A_699 : i32 to index
          %get3A_724 = arith.constant 16 : index
          %get3A_725 = tpu.vector_load %arg16[%get3A_723, %get3A_724] {strides = array<i32>} : memref<80x64xf32, #tpu.memory_space<vmem>>, vector<16xf32>,
          %get3A_726 = arith.index_cast %add3A_699 : i32 to index
          %get3A_727 = arith.constant 16 : index
          %get3A_728 = tpu.vector_load %arg17[%get3A_726, %get3A_727] {strides = array<i32>} : memref<80x64xf32, #tpu.memory_space<vmem>>, vector<16xf32>,
          %add3A_729 = arith.addf %get3A_725, %get3A_728 : vector<16xf32>
          %mul3A_730 = arith.mulf %gather3A_705, %get3A_12 : vector<16xf32>
          %add3A_731 = arith.addf %add3A_729, %mul3A_730 : vector<16xf32>
          %mul3A_732 = arith.mulf %gather3A_706, %get3A_36 : vector<16xf32>
          %add3A_733 = arith.addf %add3A_731, %mul3A_732 : vector<16xf32>
          %mul3A_734 = arith.constant 2.000000e-01 : f32
          %mul3A_735 = vector.broadcast %mul3A_734 : f32 to vector<16xf32>
          %mul3A_736 = arith.mulf %mul3A_735, %add3A_733 : vector<16xf32>
          %max3A_737 = arith.maximumf %add3A_733, %mul3A_736 : vector<16xf32>
          %mul3A_738 = arith.mulf %max3A_737, %get3A_56 : vector<16xf32>
          %get3A_739 = arith.index_cast %add3A_699 : i32 to index
          %get3A_740 = arith.constant 32 : index
          %get3A_741 = tpu.vector_load %arg16[%get3A_739, %get3A_740] {strides = array<i32>} : memref<80x64xf32, #tpu.memory_space<vmem>>, vector<16xf32>,
          %get3A_742 = arith.index_cast %add3A_699 : i32 to index
          %get3A_743 = arith.constant 32 : index
          %get3A_744 = tpu.vector_load %arg17[%get3A_742, %get3A_743] {strides = array<i32>} : memref<80x64xf32, #tpu.memory_space<vmem>>, vector<16xf32>,
          %add3A_745 = arith.addf %get3A_741, %get3A_744 : vector<16xf32>
          %mul3A_746 = arith.mulf %gather3A_705, %get3A_18 : vector<16xf32>
          %add3A_747 = arith.addf %add3A_745, %mul3A_746 : vector<16xf32>
          %mul3A_748 = arith.mulf %gather3A_706, %get3A_42 : vector<16xf32>
          %add3A_749 = arith.addf %add3A_747, %mul3A_748 : vector<16xf32>
          %mul3A_750 = arith.constant 2.000000e-01 : f32
          %mul3A_751 = vector.broadcast %mul3A_750 : f32 to vector<16xf32>
          %mul3A_752 = arith.mulf %mul3A_751, %add3A_749 : vector<16xf32>
          %max3A_753 = arith.maximumf %add3A_749, %mul3A_752 : vector<16xf32>
          %mul3A_754 = arith.mulf %max3A_753, %get3A_60 : vector<16xf32>
          %get3A_755 = arith.index_cast %add3A_699 : i32 to index
          %get3A_756 = arith.constant 48 : index
          %get3A_757 = tpu.vector_load %arg16[%get3A_755, %get3A_756] {strides = array<i32>} : memref<80x64xf32, #tpu.memory_space<vmem>>, vector<16xf32>,
          %get3A_758 = arith.index_cast %add3A_699 : i32 to index
          %get3A_759 = arith.constant 48 : index
          %get3A_760 = tpu.vector_load %arg17[%get3A_758, %get3A_759] {strides = array<i32>} : memref<80x64xf32, #tpu.memory_space<vmem>>, vector<16xf32>,
          %add3A_761 = arith.addf %get3A_757, %get3A_760 : vector<16xf32>
          %mul3A_762 = arith.mulf %gather3A_705, %get3A_24 : vector<16xf32>
          %add3A_763 = arith.addf %add3A_761, %mul3A_762 : vector<16xf32>
          %mul3A_764 = arith.mulf %gather3A_706, %get3A_48 : vector<16xf32>
          %add3A_765 = arith.addf %add3A_763, %mul3A_764 : vector<16xf32>
          %mul3A_766 = arith.constant 2.000000e-01 : f32
          %mul3A_767 = vector.broadcast %mul3A_766 : f32 to vector<16xf32>
          %mul3A_768 = arith.mulf %mul3A_767, %add3A_765 : vector<16xf32>
          %max3A_769 = arith.maximumf %add3A_765, %mul3A_768 : vector<16xf32>
          %mul3A_770 = arith.mulf %max3A_769, %get3A_64 : vector<16xf32>
          %add3A_771 = arith.addf %mul3A_722, %mul3A_738 : vector<16xf32>
          %broadcast_in_dim3A_772 = arith.constant true
          %broadcast_in_dim3A_773 = vector.broadcast %broadcast_in_dim3A_772 : i1 to vector<16xi1>
          %masked_cumsum3A_774 = tpu.scan <sum>, %add3A_771 masked %broadcast_in_dim3A_773 : vector<16xf32>, vector<16xi1> -> vector<16xf32>
          %rev3A_775 = arith.constant 15 : i32
          %rev3A_776 = vector.broadcast %rev3A_775 : i32 to vector<16xi32>
          %rev3A_777 = tpu.iota {dimensions = array<i32: 0>} : vector<16xi32>
          %rev3A_778 = arith.subi %rev3A_776, %rev3A_777 : vector<16xi32>
          %rev3A_779 = tpu.dynamic_gather %add3A_771[%rev3A_778] in [0] : vector<16xf32>, vector<16xi32> -> vector<16xf32>
          %broadcast_in_dim3A_780 = arith.constant true
          %broadcast_in_dim3A_781 = vector.broadcast %broadcast_in_dim3A_780 : i1 to vector<16xi1>
          %masked_cumsum3A_782 = tpu.scan <sum>, %rev3A_779 masked %broadcast_in_dim3A_781 : vector<16xf32>, vector<16xi1> -> vector<16xf32>
          %rev3A_783 = arith.constant 15 : i32
          %rev3A_784 = vector.broadcast %rev3A_783 : i32 to vector<16xi32>
          %rev3A_785 = tpu.iota {dimensions = array<i32: 0>} : vector<16xi32>
          %rev3A_786 = arith.subi %rev3A_784, %rev3A_785 : vector<16xi32>
          %rev3A_787 = tpu.dynamic_gather %masked_cumsum3A_782[%rev3A_786] in [0] : vector<16xf32>, vector<16xi32> -> vector<16xf32>
          %add3A_788 = arith.addf %masked_cumsum3A_774, %rev3A_787 : vector<16xf32>
          %sub3A_789 = arith.subf %add3A_788, %add3A_771 : vector<16xf32>
          %exp3A_790 = math.exp %sub3A_789 : vector<16xf32>
          %add3A_791 = arith.addf %mul3A_754, %mul3A_770 : vector<16xf32>
          %broadcast_in_dim3A_792 = arith.constant true
          %broadcast_in_dim3A_793 = vector.broadcast %broadcast_in_dim3A_792 : i1 to vector<16xi1>
          %masked_cumsum3A_794 = tpu.scan <sum>, %add3A_791 masked %broadcast_in_dim3A_793 : vector<16xf32>, vector<16xi1> -> vector<16xf32>
          %rev3A_795 = arith.constant 15 : i32
          %rev3A_796 = vector.broadcast %rev3A_795 : i32 to vector<16xi32>
          %rev3A_797 = tpu.iota {dimensions = array<i32: 0>} : vector<16xi32>
          %rev3A_798 = arith.subi %rev3A_796, %rev3A_797 : vector<16xi32>
          %rev3A_799 = tpu.dynamic_gather %add3A_791[%rev3A_798] in [0] : vector<16xf32>, vector<16xi32> -> vector<16xf32>
          %broadcast_in_dim3A_800 = arith.constant true
          %broadcast_in_dim3A_801 = vector.broadcast %broadcast_in_dim3A_800 : i1 to vector<16xi1>
          %masked_cumsum3A_802 = tpu.scan <sum>, %rev3A_799 masked %broadcast_in_dim3A_801 : vector<16xf32>, vector<16xi1> -> vector<16xf32>
          %rev3A_803 = arith.constant 15 : i32
          %rev3A_804 = vector.broadcast %rev3A_803 : i32 to vector<16xi32>
          %rev3A_805 = tpu.iota {dimensions = array<i32: 0>} : vector<16xi32>
          %rev3A_806 = arith.subi %rev3A_804, %rev3A_805 : vector<16xi32>
          %rev3A_807 = tpu.dynamic_gather %masked_cumsum3A_802[%rev3A_806] in [0] : vector<16xf32>, vector<16xi32> -> vector<16xf32>
          %add3A_808 = arith.addf %masked_cumsum3A_794, %rev3A_807 : vector<16xf32>
          %sub3A_809 = arith.subf %add3A_808, %add3A_791 : vector<16xf32>
          %exp3A_810 = math.exp %sub3A_809 : vector<16xf32>
          %mul3A_811 = arith.mulf %get3A_709, %exp3A_790 : vector<16xf32>
          %swap3A_812 = arith.index_cast %add3A_699 : i32 to index
          %swap3A_813 = arith.constant 0 : index
          %swap3A_814 = tpu.vector_load %arg18[%swap3A_812, %swap3A_813] {strides = array<i32>} : memref<80x64xf32, #tpu.memory_space<vmem>>, vector<16xf32>,
          tpu.vector_store %arg18[%swap3A_812, %swap3A_813], %mul3A_811 {strides = array<i32>} : memref<80x64xf32, #tpu.memory_space<vmem>>, vector<16xf32>,
          %mul3A_815 = arith.mulf %get3A_725, %exp3A_790 : vector<16xf32>
          %swap3A_816 = arith.index_cast %add3A_699 : i32 to index
          %swap3A_817 = arith.constant 16 : index
          %swap3A_818 = tpu.vector_load %arg18[%swap3A_816, %swap3A_817] {strides = array<i32>} : memref<80x64xf32, #tpu.memory_space<vmem>>, vector<16xf32>,
          tpu.vector_store %arg18[%swap3A_816, %swap3A_817], %mul3A_815 {strides = array<i32>} : memref<80x64xf32, #tpu.memory_space<vmem>>, vector<16xf32>,
          %mul3A_819 = arith.mulf %get3A_741, %exp3A_810 : vector<16xf32>
          %swap3A_820 = arith.index_cast %add3A_699 : i32 to index
          %swap3A_821 = arith.constant 32 : index
          %swap3A_822 = tpu.vector_load %arg18[%swap3A_820, %swap3A_821] {strides = array<i32>} : memref<80x64xf32, #tpu.memory_space<vmem>>, vector<16xf32>,
          tpu.vector_store %arg18[%swap3A_820, %swap3A_821], %mul3A_819 {strides = array<i32>} : memref<80x64xf32, #tpu.memory_space<vmem>>, vector<16xf32>,
          %mul3A_823 = arith.mulf %get3A_757, %exp3A_810 : vector<16xf32>
          %swap3A_824 = arith.index_cast %add3A_699 : i32 to index
          %swap3A_825 = arith.constant 48 : index
          %swap3A_826 = tpu.vector_load %arg18[%swap3A_824, %swap3A_825] {strides = array<i32>} : memref<80x64xf32, #tpu.memory_space<vmem>>, vector<16xf32>,
          tpu.vector_store %arg18[%swap3A_824, %swap3A_825], %mul3A_823 {strides = array<i32>} : memref<80x64xf32, #tpu.memory_space<vmem>>, vector<16xf32>,
          %broadcast_in_dim3A_827 = arith.constant 0.000000e+00 : f32
          %broadcast_in_dim3A_828 = vector.broadcast %broadcast_in_dim3A_827 : f32 to vector<16xf32>
          %select_n3A_829 = arith.select %eq3A_66, %exp3A_790, %broadcast_in_dim3A_828 : vector<16xi1>, vector<16xf32>
          %select_n3A_830 = arith.select %eq3A_69, %exp3A_810, %select_n3A_829 : vector<16xi1>, vector<16xf32>
          %jit3A_831 = arith.constant 1.000000e+00 : f32
          %broadcast_in_dim3A_832 = vector.broadcast %jit3A_831 : f32 to vector<16xf32>
          %select_n3A_833 = arith.select %eq3A_72, %broadcast_in_dim3A_832, %select_n3A_830 : vector<16xi1>, vector<16xf32>
          %select_n3A_834 = arith.select %eq3A_75, %gather3A_705, %select_n3A_833 : vector<16xi1>, vector<16xf32>
          %select_n3A_835 = arith.select %eq3A_78, %gather3A_706, %select_n3A_834 : vector<16xi1>, vector<16xf32>
          %swap3A_836 = arith.index_cast %add3A_699 : i32 to index
          %swap3A_837 = arith.constant 0 : index
          %swap3A_838 = tpu.vector_load %arg19[%swap3A_836, %swap3A_837] {strides = array<i32>} : memref<80x16xf32, #tpu.memory_space<vmem>>, vector<16xf32>,
          tpu.vector_store %arg19[%swap3A_836, %swap3A_837], %select_n3A_835 {strides = array<i32>} : memref<80x16xf32, #tpu.memory_space<vmem>>, vector<16xf32>,
          %scan3A_839 = arith.constant 0 : i32
          scf.yield %scan3A_839 : i32
        }
        %scan3A_216 = arith.constant 20 : i32
        %dma_start3A_217 = arith.constant 0 : i32
        %dma_start3A_218 = tpu.memref_slice %arg12[%mul3A_179, %dma_start3A_217] : memref<50x80xi32, #tpu.memory_space<vmem>> -> memref<1x80xi32, #tpu.memory_space<vmem>>
        %dma_start3A_219 = tpu.memref_squeeze %dma_start3A_218 : memref<1x80xi32, #tpu.memory_space<vmem>> -> memref<80xi32, #tpu.memory_space<vmem>>
        %dma_start3A_220 = arith.constant 0 : i32
        %dma_start3A_221 = arith.constant 0 : i32
        %dma_start3A_222 = tpu.memref_slice %arg28[%dma_start3A_220, %dma_start3A_221] : memref<10240x64xf32, #tpu.memory_space<vmem_shared>> -> memref<10240x64xf32, #tpu.memory_space<vmem_shared>>
        tpu.enqueue_indirect_dma source(%arg18 : memref<80x64xf32, #tpu.memory_space<vmem>>) target(%dma_start3A_222 : memref<10240x64xf32, #tpu.memory_space<vmem_shared>>) offsets(%dma_start3A_219 : memref<80xi32, #tpu.memory_space<vmem>>) semaphore(%arg32 : memref<!tpu.dma_semaphore, #tpu.memory_space<semaphore_mem>>) {add = true}
        %dma_start3A_223 = arith.constant 0 : i32
        %dma_start3A_224 = tpu.memref_slice %arg12[%mul3A_179, %dma_start3A_223] : memref<50x80xi32, #tpu.memory_space<vmem>> -> memref<1x80xi32, #tpu.memory_space<vmem>>
        %dma_start3A_225 = tpu.memref_squeeze %dma_start3A_224 : memref<1x80xi32, #tpu.memory_space<vmem>> -> memref<80xi32, #tpu.memory_space<vmem>>
        %dma_start3A_226 = arith.constant 0 : i32
        %dma_start3A_227 = arith.constant 0 : i32
        %dma_start3A_228 = tpu.memref_slice %arg29[%dma_start3A_226, %dma_start3A_227] : memref<10240x16xf32, #tpu.memory_space<vmem_shared>> -> memref<10240x16xf32, #tpu.memory_space<vmem_shared>>
        tpu.enqueue_indirect_dma source(%arg19 : memref<80x16xf32, #tpu.memory_space<vmem>>) target(%dma_start3A_228 : memref<10240x16xf32, #tpu.memory_space<vmem_shared>>) offsets(%dma_start3A_225 : memref<80xi32, #tpu.memory_space<vmem>>) semaphore(%arg32 : memref<!tpu.dma_semaphore, #tpu.memory_space<semaphore_mem>>) {add = true}
        %add3A_229 = arith.constant 2 : i32
        %add3A_230 = arith.addi %mul3A_179, %add3A_229 : i32
        %lt3A = arith.constant 50 : i32
        %lt3A_231 = arith.cmpi slt, %add3A_230, %lt3A : i32
        %convert_element_type3A_232 = arith.extui %lt3A_231 : i1 to i32
        %cond3A_233 = arith.constant 0 : i32
        %cond3A_234 = arith.cmpi ne, %convert_element_type3A_232, %cond3A_233 : i32
        scf.if %cond3A_234 {
          %add3A_274 = arith.constant 2 : i32
          %add3A_275 = arith.addi %mul3A_179, %add3A_274 : i32
          %dma_start3A_276 = arith.constant 0 : i32
          %dma_start3A_277 = tpu.memref_slice %arg11[%add3A_275, %dma_start3A_276] : memref<50x80xi32, #tpu.memory_space<vmem>> -> memref<1x80xi32, #tpu.memory_space<vmem>>
          %dma_start3A_278 = tpu.memref_squeeze %dma_start3A_277 : memref<1x80xi32, #tpu.memory_space<vmem>> -> memref<80xi32, #tpu.memory_space<vmem>>
          %dma_start3A_279 = arith.constant 0 : i32
          %dma_start3A_280 = arith.constant 0 : i32
          %dma_start3A_281 = tpu.memref_slice %arg2[%dma_start3A_279, %dma_start3A_280] : memref<20000x64xf32, #tpu.memory_space<hbm>> -> memref<20000x64xf32, #tpu.memory_space<hbm>>
          tpu.enqueue_indirect_dma source(%dma_start3A_281 : memref<20000x64xf32, #tpu.memory_space<hbm>>) target(%arg16 : memref<80x64xf32, #tpu.memory_space<vmem>>) offsets(%dma_start3A_278 : memref<80xi32, #tpu.memory_space<vmem>>) semaphore(%arg30 : memref<!tpu.dma_semaphore, #tpu.memory_space<semaphore_mem>>)
          %dma_start3A_282 = arith.constant 0 : i32
          %dma_start3A_283 = tpu.memref_slice %arg13[%add3A_275, %dma_start3A_282] : memref<50x80xi32, #tpu.memory_space<vmem>> -> memref<1x80xi32, #tpu.memory_space<vmem>>
          %dma_start3A_284 = tpu.memref_squeeze %dma_start3A_283 : memref<1x80xi32, #tpu.memory_space<vmem>> -> memref<80xi32, #tpu.memory_space<vmem>>
          %dma_start3A_285 = arith.constant 0 : i32
          %dma_start3A_286 = arith.constant 0 : i32
          %dma_start3A_287 = tpu.memref_slice %arg3[%dma_start3A_285, %dma_start3A_286] : memref<20000x64xf32, #tpu.memory_space<hbm>> -> memref<20000x64xf32, #tpu.memory_space<hbm>>
          tpu.enqueue_indirect_dma source(%dma_start3A_287 : memref<20000x64xf32, #tpu.memory_space<hbm>>) target(%arg17 : memref<80x64xf32, #tpu.memory_space<vmem>>) offsets(%dma_start3A_284 : memref<80xi32, #tpu.memory_space<vmem>>) semaphore(%arg30 : memref<!tpu.dma_semaphore, #tpu.memory_space<semaphore_mem>>)
        } else {
        }
        %dma_wait3A_235 = arith.constant 0 : i32
        %dma_wait3A_236 = tpu.memref_slice %arg11[%add3A_181, %dma_wait3A_235] : memref<50x80xi32, #tpu.memory_space<vmem>> -> memref<1x80xi32, #tpu.memory_space<vmem>>
        %dma_wait3A_237 = tpu.memref_squeeze %dma_wait3A_236 : memref<1x80xi32, #tpu.memory_space<vmem>> -> memref<80xi32, #tpu.memory_space<vmem>>
        %dma_wait3A_238 = arith.constant 0 : i32
        %dma_wait3A_239 = arith.constant 0 : i32
        %dma_wait3A_240 = tpu.memref_slice %arg2[%dma_wait3A_238, %dma_wait3A_239] : memref<20000x64xf32, #tpu.memory_space<hbm>> -> memref<20000x64xf32, #tpu.memory_space<hbm>>
        tpu.wait_indirect_dma semaphore(%arg31 : memref<!tpu.dma_semaphore, #tpu.memory_space<semaphore_mem>>) src(%dma_wait3A_240 : memref<20000x64xf32, #tpu.memory_space<hbm>>) dst(%arg20 : memref<80x64xf32, #tpu.memory_space<vmem>>)
        %dma_wait3A_241 = arith.constant 0 : i32
        %dma_wait3A_242 = tpu.memref_slice %arg13[%add3A_181, %dma_wait3A_241] : memref<50x80xi32, #tpu.memory_space<vmem>> -> memref<1x80xi32, #tpu.memory_space<vmem>>
        %dma_wait3A_243 = tpu.memref_squeeze %dma_wait3A_242 : memref<1x80xi32, #tpu.memory_space<vmem>> -> memref<80xi32, #tpu.memory_space<vmem>>
        %dma_wait3A_244 = arith.constant 0 : i32
        %dma_wait3A_245 = arith.constant 0 : i32
        %dma_wait3A_246 = tpu.memref_slice %arg3[%dma_wait3A_244, %dma_wait3A_245] : memref<20000x64xf32, #tpu.memory_space<hbm>> -> memref<20000x64xf32, #tpu.memory_space<hbm>>
        tpu.wait_indirect_dma semaphore(%arg31 : memref<!tpu.dma_semaphore, #tpu.memory_space<semaphore_mem>>) src(%dma_wait3A_246 : memref<20000x64xf32, #tpu.memory_space<hbm>>) dst(%arg21 : memref<80x64xf32, #tpu.memory_space<vmem>>)
        %ge3A_247 = arith.constant 1 : i32
        %ge3A_248 = arith.cmpi sge, %scan3A_176, %ge3A_247 : i32
        %convert_element_type3A_249 = arith.extui %ge3A_248 : i1 to i32
        %cond3A_250 = arith.constant 0 : i32
        %cond3A_251 = arith.cmpi ne, %convert_element_type3A_249, %cond3A_250 : i32
        scf.if %cond3A_251 {
          %sub3A = arith.constant 2 : i32
          %sub3A_274 = arith.subi %add3A_181, %sub3A : i32
          %dma_wait3A_275 = arith.constant 0 : i32
          %dma_wait3A_276 = tpu.memref_slice %arg12[%sub3A_274, %dma_wait3A_275] : memref<50x80xi32, #tpu.memory_space<vmem>> -> memref<1x80xi32, #tpu.memory_space<vmem>>
          %dma_wait3A_277 = tpu.memref_squeeze %dma_wait3A_276 : memref<1x80xi32, #tpu.memory_space<vmem>> -> memref<80xi32, #tpu.memory_space<vmem>>
          %dma_wait3A_278 = arith.constant 0 : i32
          %dma_wait3A_279 = arith.constant 0 : i32
          %dma_wait3A_280 = tpu.memref_slice %arg28[%dma_wait3A_278, %dma_wait3A_279] : memref<10240x64xf32, #tpu.memory_space<vmem_shared>> -> memref<10240x64xf32, #tpu.memory_space<vmem_shared>>
          tpu.wait_indirect_dma semaphore(%arg33 : memref<!tpu.dma_semaphore, #tpu.memory_space<semaphore_mem>>) src(%arg22 : memref<80x64xf32, #tpu.memory_space<vmem>>) dst(%dma_wait3A_280 : memref<10240x64xf32, #tpu.memory_space<vmem_shared>>)
          %dma_wait3A_281 = arith.constant 0 : i32
          %dma_wait3A_282 = tpu.memref_slice %arg12[%sub3A_274, %dma_wait3A_281] : memref<50x80xi32, #tpu.memory_space<vmem>> -> memref<1x80xi32, #tpu.memory_space<vmem>>
          %dma_wait3A_283 = tpu.memref_squeeze %dma_wait3A_282 : memref<1x80xi32, #tpu.memory_space<vmem>> -> memref<80xi32, #tpu.memory_space<vmem>>
          %dma_wait3A_284 = arith.constant 0 : i32
          %dma_wait3A_285 = arith.constant 0 : i32
          %dma_wait3A_286 = tpu.memref_slice %arg29[%dma_wait3A_284, %dma_wait3A_285] : memref<10240x16xf32, #tpu.memory_space<vmem_shared>> -> memref<10240x16xf32, #tpu.memory_space<vmem_shared>>
          tpu.wait_indirect_dma semaphore(%arg33 : memref<!tpu.dma_semaphore, #tpu.memory_space<semaphore_mem>>) src(%arg23 : memref<80x16xf32, #tpu.memory_space<vmem>>) dst(%dma_wait3A_286 : memref<10240x16xf32, #tpu.memory_space<vmem_shared>>)
        } else {
        }
        %mul3A_252 = arith.constant 80 : i32
        %mul3A_253 = arith.muli %add3A_181, %mul3A_252 : i32
        %scan3A_254 = arith.constant 0 : i32
        %scan3A_255 = arith.constant 0 : i32
        %scan3A_256 = arith.constant 20 : i32
        %scan3A_257 = arith.addi %scan3A_255, %scan3A_256 : i32
        %scan3A_258 = arith.constant 1 : i32
        %scan3A_259 = scf.for %scan3A_274 = %scan3A_255 to %scan3A_257 step %scan3A_258 iter_args(%scan3A_275 = %scan3A_254) -> (i32)  : i32 {
          %mul3A_276 = arith.constant 4 : i32
          %mul3A_277 = arith.muli %scan3A_274, %mul3A_276 : i32
          %add3A_278 = arith.constant 0 : i32
          %add3A_279 = arith.addi %mul3A_277, %add3A_278 : i32
          %broadcast_in_dim3A_280 = arith.constant 0 : i32
          %broadcast_in_dim3A_281 = vector.broadcast %broadcast_in_dim3A_280 : i32 to vector<16xi32>
          %add3A_282 = arith.addi %mul3A_253, %add3A_279 : i32
          %add3A_283 = vector.broadcast %add3A_282 : i32 to vector<16xi32>
          %add3A_284 = arith.addi %broadcast_in_dim3A_281, %add3A_283 : vector<16xi32>
          %gather3A = tpu.vector_load_idx %arg14[%add3A_284] : memref<4000xf32, #tpu.memory_space<vmem>>[vector<16xi32>], vector<16xf32>,
          %gather3A_285 = tpu.vector_load_idx %arg15[%add3A_284] : memref<4000xf32, #tpu.memory_space<vmem>>[vector<16xi32>], vector<16xf32>,
          %get3A_286 = arith.index_cast %add3A_279 : i32 to index
          %get3A_287 = arith.constant 0 : index
          %get3A_288 = tpu.vector_load %arg20[%get3A_286, %get3A_287] {strides = array<i32>} : memref<80x64xf32, #tpu.memory_space<vmem>>, vector<16xf32>,
          %get3A_289 = arith.index_cast %add3A_279 : i32 to index
          %get3A_290 = arith.constant 0 : index
          %get3A_291 = tpu.vector_load %arg21[%get3A_289, %get3A_290] {strides = array<i32>} : memref<80x64xf32, #tpu.memory_space<vmem>>, vector<16xf32>,
          %add3A_292 = arith.addf %get3A_288, %get3A_291 : vector<16xf32>
          %mul3A_293 = arith.mulf %gather3A, %get3A_6 : vector<16xf32>
          %add3A_294 = arith.addf %add3A_292, %mul3A_293 : vector<16xf32>
          %mul3A_295 = arith.mulf %gather3A_285, %get3A_30 : vector<16xf32>
          %add3A_296 = arith.addf %add3A_294, %mul3A_295 : vector<16xf32>
          %mul3A_297 = arith.constant 2.000000e-01 : f32
          %mul3A_298 = vector.broadcast %mul3A_297 : f32 to vector<16xf32>
          %mul3A_299 = arith.mulf %mul3A_298, %add3A_296 : vector<16xf32>
          %max3A = arith.maximumf %add3A_296, %mul3A_299 : vector<16xf32>
          %mul3A_300 = arith.mulf %max3A, %get3A_52 : vector<16xf32>
          %get3A_301 = arith.index_cast %add3A_279 : i32 to index
          %get3A_302 = arith.constant 16 : index
          %get3A_303 = tpu.vector_load %arg20[%get3A_301, %get3A_302] {strides = array<i32>} : memref<80x64xf32, #tpu.memory_space<vmem>>, vector<16xf32>,
          %get3A_304 = arith.index_cast %add3A_279 : i32 to index
          %get3A_305 = arith.constant 16 : index
          %get3A_306 = tpu.vector_load %arg21[%get3A_304, %get3A_305] {strides = array<i32>} : memref<80x64xf32, #tpu.memory_space<vmem>>, vector<16xf32>,
          %add3A_307 = arith.addf %get3A_303, %get3A_306 : vector<16xf32>
          %mul3A_308 = arith.mulf %gather3A, %get3A_12 : vector<16xf32>
          %add3A_309 = arith.addf %add3A_307, %mul3A_308 : vector<16xf32>
          %mul3A_310 = arith.mulf %gather3A_285, %get3A_36 : vector<16xf32>
          %add3A_311 = arith.addf %add3A_309, %mul3A_310 : vector<16xf32>
          %mul3A_312 = arith.constant 2.000000e-01 : f32
          %mul3A_313 = vector.broadcast %mul3A_312 : f32 to vector<16xf32>
          %mul3A_314 = arith.mulf %mul3A_313, %add3A_311 : vector<16xf32>
          %max3A_315 = arith.maximumf %add3A_311, %mul3A_314 : vector<16xf32>
          %mul3A_316 = arith.mulf %max3A_315, %get3A_56 : vector<16xf32>
          %get3A_317 = arith.index_cast %add3A_279 : i32 to index
          %get3A_318 = arith.constant 32 : index
          %get3A_319 = tpu.vector_load %arg20[%get3A_317, %get3A_318] {strides = array<i32>} : memref<80x64xf32, #tpu.memory_space<vmem>>, vector<16xf32>,
          %get3A_320 = arith.index_cast %add3A_279 : i32 to index
          %get3A_321 = arith.constant 32 : index
          %get3A_322 = tpu.vector_load %arg21[%get3A_320, %get3A_321] {strides = array<i32>} : memref<80x64xf32, #tpu.memory_space<vmem>>, vector<16xf32>,
          %add3A_323 = arith.addf %get3A_319, %get3A_322 : vector<16xf32>
          %mul3A_324 = arith.mulf %gather3A, %get3A_18 : vector<16xf32>
          %add3A_325 = arith.addf %add3A_323, %mul3A_324 : vector<16xf32>
          %mul3A_326 = arith.mulf %gather3A_285, %get3A_42 : vector<16xf32>
          %add3A_327 = arith.addf %add3A_325, %mul3A_326 : vector<16xf32>
          %mul3A_328 = arith.constant 2.000000e-01 : f32
          %mul3A_329 = vector.broadcast %mul3A_328 : f32 to vector<16xf32>
          %mul3A_330 = arith.mulf %mul3A_329, %add3A_327 : vector<16xf32>
          %max3A_331 = arith.maximumf %add3A_327, %mul3A_330 : vector<16xf32>
          %mul3A_332 = arith.mulf %max3A_331, %get3A_60 : vector<16xf32>
          %get3A_333 = arith.index_cast %add3A_279 : i32 to index
          %get3A_334 = arith.constant 48 : index
          %get3A_335 = tpu.vector_load %arg20[%get3A_333, %get3A_334] {strides = array<i32>} : memref<80x64xf32, #tpu.memory_space<vmem>>, vector<16xf32>,
          %get3A_336 = arith.index_cast %add3A_279 : i32 to index
          %get3A_337 = arith.constant 48 : index
          %get3A_338 = tpu.vector_load %arg21[%get3A_336, %get3A_337] {strides = array<i32>} : memref<80x64xf32, #tpu.memory_space<vmem>>, vector<16xf32>,
          %add3A_339 = arith.addf %get3A_335, %get3A_338 : vector<16xf32>
          %mul3A_340 = arith.mulf %gather3A, %get3A_24 : vector<16xf32>
          %add3A_341 = arith.addf %add3A_339, %mul3A_340 : vector<16xf32>
          %mul3A_342 = arith.mulf %gather3A_285, %get3A_48 : vector<16xf32>
          %add3A_343 = arith.addf %add3A_341, %mul3A_342 : vector<16xf32>
          %mul3A_344 = arith.constant 2.000000e-01 : f32
          %mul3A_345 = vector.broadcast %mul3A_344 : f32 to vector<16xf32>
          %mul3A_346 = arith.mulf %mul3A_345, %add3A_343 : vector<16xf32>
          %max3A_347 = arith.maximumf %add3A_343, %mul3A_346 : vector<16xf32>
          %mul3A_348 = arith.mulf %max3A_347, %get3A_64 : vector<16xf32>
          %add3A_349 = arith.addf %mul3A_300, %mul3A_316 : vector<16xf32>
          %broadcast_in_dim3A_350 = arith.constant true
          %broadcast_in_dim3A_351 = vector.broadcast %broadcast_in_dim3A_350 : i1 to vector<16xi1>
          %masked_cumsum3A = tpu.scan <sum>, %add3A_349 masked %broadcast_in_dim3A_351 : vector<16xf32>, vector<16xi1> -> vector<16xf32>
          %rev3A = arith.constant 15 : i32
          %rev3A_352 = vector.broadcast %rev3A : i32 to vector<16xi32>
          %rev3A_353 = tpu.iota {dimensions = array<i32: 0>} : vector<16xi32>
          %rev3A_354 = arith.subi %rev3A_352, %rev3A_353 : vector<16xi32>
          %rev3A_355 = tpu.dynamic_gather %add3A_349[%rev3A_354] in [0] : vector<16xf32>, vector<16xi32> -> vector<16xf32>
          %broadcast_in_dim3A_356 = arith.constant true
          %broadcast_in_dim3A_357 = vector.broadcast %broadcast_in_dim3A_356 : i1 to vector<16xi1>
          %masked_cumsum3A_358 = tpu.scan <sum>, %rev3A_355 masked %broadcast_in_dim3A_357 : vector<16xf32>, vector<16xi1> -> vector<16xf32>
          %rev3A_359 = arith.constant 15 : i32
          %rev3A_360 = vector.broadcast %rev3A_359 : i32 to vector<16xi32>
          %rev3A_361 = tpu.iota {dimensions = array<i32: 0>} : vector<16xi32>
          %rev3A_362 = arith.subi %rev3A_360, %rev3A_361 : vector<16xi32>
          %rev3A_363 = tpu.dynamic_gather %masked_cumsum3A_358[%rev3A_362] in [0] : vector<16xf32>, vector<16xi32> -> vector<16xf32>
          %add3A_364 = arith.addf %masked_cumsum3A, %rev3A_363 : vector<16xf32>
          %sub3A = arith.subf %add3A_364, %add3A_349 : vector<16xf32>
          %exp3A = math.exp %sub3A : vector<16xf32>
          %add3A_365 = arith.addf %mul3A_332, %mul3A_348 : vector<16xf32>
          %broadcast_in_dim3A_366 = arith.constant true
          %broadcast_in_dim3A_367 = vector.broadcast %broadcast_in_dim3A_366 : i1 to vector<16xi1>
          %masked_cumsum3A_368 = tpu.scan <sum>, %add3A_365 masked %broadcast_in_dim3A_367 : vector<16xf32>, vector<16xi1> -> vector<16xf32>
          %rev3A_369 = arith.constant 15 : i32
          %rev3A_370 = vector.broadcast %rev3A_369 : i32 to vector<16xi32>
          %rev3A_371 = tpu.iota {dimensions = array<i32: 0>} : vector<16xi32>
          %rev3A_372 = arith.subi %rev3A_370, %rev3A_371 : vector<16xi32>
          %rev3A_373 = tpu.dynamic_gather %add3A_365[%rev3A_372] in [0] : vector<16xf32>, vector<16xi32> -> vector<16xf32>
          %broadcast_in_dim3A_374 = arith.constant true
          %broadcast_in_dim3A_375 = vector.broadcast %broadcast_in_dim3A_374 : i1 to vector<16xi1>
          %masked_cumsum3A_376 = tpu.scan <sum>, %rev3A_373 masked %broadcast_in_dim3A_375 : vector<16xf32>, vector<16xi1> -> vector<16xf32>
          %rev3A_377 = arith.constant 15 : i32
          %rev3A_378 = vector.broadcast %rev3A_377 : i32 to vector<16xi32>
          %rev3A_379 = tpu.iota {dimensions = array<i32: 0>} : vector<16xi32>
          %rev3A_380 = arith.subi %rev3A_378, %rev3A_379 : vector<16xi32>
          %rev3A_381 = tpu.dynamic_gather %masked_cumsum3A_376[%rev3A_380] in [0] : vector<16xf32>, vector<16xi32> -> vector<16xf32>
          %add3A_382 = arith.addf %masked_cumsum3A_368, %rev3A_381 : vector<16xf32>
          %sub3A_383 = arith.subf %add3A_382, %add3A_365 : vector<16xf32>
          %exp3A_384 = math.exp %sub3A_383 : vector<16xf32>
          %mul3A_385 = arith.mulf %get3A_288, %exp3A : vector<16xf32>
          %swap3A = arith.index_cast %add3A_279 : i32 to index
          %swap3A_386 = arith.constant 0 : index
          %swap3A_387 = tpu.vector_load %arg22[%swap3A, %swap3A_386] {strides = array<i32>} : memref<80x64xf32, #tpu.memory_space<vmem>>, vector<16xf32>,
          tpu.vector_store %arg22[%swap3A, %swap3A_386], %mul3A_385 {strides = array<i32>} : memref<80x64xf32, #tpu.memory_space<vmem>>, vector<16xf32>,
          %mul3A_388 = arith.mulf %get3A_303, %exp3A : vector<16xf32>
          %swap3A_389 = arith.index_cast %add3A_279 : i32 to index
          %swap3A_390 = arith.constant 16 : index
          %swap3A_391 = tpu.vector_load %arg22[%swap3A_389, %swap3A_390] {strides = array<i32>} : memref<80x64xf32, #tpu.memory_space<vmem>>, vector<16xf32>,
          tpu.vector_store %arg22[%swap3A_389, %swap3A_390], %mul3A_388 {strides = array<i32>} : memref<80x64xf32, #tpu.memory_space<vmem>>, vector<16xf32>,
          %mul3A_392 = arith.mulf %get3A_319, %exp3A_384 : vector<16xf32>
          %swap3A_393 = arith.index_cast %add3A_279 : i32 to index
          %swap3A_394 = arith.constant 32 : index
          %swap3A_395 = tpu.vector_load %arg22[%swap3A_393, %swap3A_394] {strides = array<i32>} : memref<80x64xf32, #tpu.memory_space<vmem>>, vector<16xf32>,
          tpu.vector_store %arg22[%swap3A_393, %swap3A_394], %mul3A_392 {strides = array<i32>} : memref<80x64xf32, #tpu.memory_space<vmem>>, vector<16xf32>,
          %mul3A_396 = arith.mulf %get3A_335, %exp3A_384 : vector<16xf32>
          %swap3A_397 = arith.index_cast %add3A_279 : i32 to index
          %swap3A_398 = arith.constant 48 : index
          %swap3A_399 = tpu.vector_load %arg22[%swap3A_397, %swap3A_398] {strides = array<i32>} : memref<80x64xf32, #tpu.memory_space<vmem>>, vector<16xf32>,
          tpu.vector_store %arg22[%swap3A_397, %swap3A_398], %mul3A_396 {strides = array<i32>} : memref<80x64xf32, #tpu.memory_space<vmem>>, vector<16xf32>,
          %broadcast_in_dim3A_400 = arith.constant 0.000000e+00 : f32
          %broadcast_in_dim3A_401 = vector.broadcast %broadcast_in_dim3A_400 : f32 to vector<16xf32>
          %select_n3A = arith.select %eq3A_66, %exp3A, %broadcast_in_dim3A_401 : vector<16xi1>, vector<16xf32>
          %select_n3A_402 = arith.select %eq3A_69, %exp3A_384, %select_n3A : vector<16xi1>, vector<16xf32>
          %jit3A = arith.constant 1.000000e+00 : f32
          %broadcast_in_dim3A_403 = vector.broadcast %jit3A : f32 to vector<16xf32>
          %select_n3A_404 = arith.select %eq3A_72, %broadcast_in_dim3A_403, %select_n3A_402 : vector<16xi1>, vector<16xf32>
          %select_n3A_405 = arith.select %eq3A_75, %gather3A, %select_n3A_404 : vector<16xi1>, vector<16xf32>
          %select_n3A_406 = arith.select %eq3A_78, %gather3A_285, %select_n3A_405 : vector<16xi1>, vector<16xf32>
          %swap3A_407 = arith.index_cast %add3A_279 : i32 to index
          %swap3A_408 = arith.constant 0 : index
          %swap3A_409 = tpu.vector_load %arg23[%swap3A_407, %swap3A_408] {strides = array<i32>} : memref<80x16xf32, #tpu.memory_space<vmem>>, vector<16xf32>,
          tpu.vector_store %arg23[%swap3A_407, %swap3A_408], %select_n3A_406 {strides = array<i32>} : memref<80x16xf32, #tpu.memory_space<vmem>>, vector<16xf32>,
          %mul3A_410 = arith.constant 4 : i32
          %mul3A_411 = arith.muli %scan3A_274, %mul3A_410 : i32
          %add3A_412 = arith.constant 1 : i32
          %add3A_413 = arith.addi %mul3A_411, %add3A_412 : i32
          %broadcast_in_dim3A_414 = arith.constant 0 : i32
          %broadcast_in_dim3A_415 = vector.broadcast %broadcast_in_dim3A_414 : i32 to vector<16xi32>
          %add3A_416 = arith.addi %mul3A_253, %add3A_413 : i32
          %add3A_417 = vector.broadcast %add3A_416 : i32 to vector<16xi32>
          %add3A_418 = arith.addi %broadcast_in_dim3A_415, %add3A_417 : vector<16xi32>
          %gather3A_419 = tpu.vector_load_idx %arg14[%add3A_418] : memref<4000xf32, #tpu.memory_space<vmem>>[vector<16xi32>], vector<16xf32>,
          %gather3A_420 = tpu.vector_load_idx %arg15[%add3A_418] : memref<4000xf32, #tpu.memory_space<vmem>>[vector<16xi32>], vector<16xf32>,
          %get3A_421 = arith.index_cast %add3A_413 : i32 to index
          %get3A_422 = arith.constant 0 : index
          %get3A_423 = tpu.vector_load %arg20[%get3A_421, %get3A_422] {strides = array<i32>} : memref<80x64xf32, #tpu.memory_space<vmem>>, vector<16xf32>,
          %get3A_424 = arith.index_cast %add3A_413 : i32 to index
          %get3A_425 = arith.constant 0 : index
          %get3A_426 = tpu.vector_load %arg21[%get3A_424, %get3A_425] {strides = array<i32>} : memref<80x64xf32, #tpu.memory_space<vmem>>, vector<16xf32>,
          %add3A_427 = arith.addf %get3A_423, %get3A_426 : vector<16xf32>
          %mul3A_428 = arith.mulf %gather3A_419, %get3A_6 : vector<16xf32>
          %add3A_429 = arith.addf %add3A_427, %mul3A_428 : vector<16xf32>
          %mul3A_430 = arith.mulf %gather3A_420, %get3A_30 : vector<16xf32>
          %add3A_431 = arith.addf %add3A_429, %mul3A_430 : vector<16xf32>
          %mul3A_432 = arith.constant 2.000000e-01 : f32
          %mul3A_433 = vector.broadcast %mul3A_432 : f32 to vector<16xf32>
          %mul3A_434 = arith.mulf %mul3A_433, %add3A_431 : vector<16xf32>
          %max3A_435 = arith.maximumf %add3A_431, %mul3A_434 : vector<16xf32>
          %mul3A_436 = arith.mulf %max3A_435, %get3A_52 : vector<16xf32>
          %get3A_437 = arith.index_cast %add3A_413 : i32 to index
          %get3A_438 = arith.constant 16 : index
          %get3A_439 = tpu.vector_load %arg20[%get3A_437, %get3A_438] {strides = array<i32>} : memref<80x64xf32, #tpu.memory_space<vmem>>, vector<16xf32>,
          %get3A_440 = arith.index_cast %add3A_413 : i32 to index
          %get3A_441 = arith.constant 16 : index
          %get3A_442 = tpu.vector_load %arg21[%get3A_440, %get3A_441] {strides = array<i32>} : memref<80x64xf32, #tpu.memory_space<vmem>>, vector<16xf32>,
          %add3A_443 = arith.addf %get3A_439, %get3A_442 : vector<16xf32>
          %mul3A_444 = arith.mulf %gather3A_419, %get3A_12 : vector<16xf32>
          %add3A_445 = arith.addf %add3A_443, %mul3A_444 : vector<16xf32>
          %mul3A_446 = arith.mulf %gather3A_420, %get3A_36 : vector<16xf32>
          %add3A_447 = arith.addf %add3A_445, %mul3A_446 : vector<16xf32>
          %mul3A_448 = arith.constant 2.000000e-01 : f32
          %mul3A_449 = vector.broadcast %mul3A_448 : f32 to vector<16xf32>
          %mul3A_450 = arith.mulf %mul3A_449, %add3A_447 : vector<16xf32>
          %max3A_451 = arith.maximumf %add3A_447, %mul3A_450 : vector<16xf32>
          %mul3A_452 = arith.mulf %max3A_451, %get3A_56 : vector<16xf32>
          %get3A_453 = arith.index_cast %add3A_413 : i32 to index
          %get3A_454 = arith.constant 32 : index
          %get3A_455 = tpu.vector_load %arg20[%get3A_453, %get3A_454] {strides = array<i32>} : memref<80x64xf32, #tpu.memory_space<vmem>>, vector<16xf32>,
          %get3A_456 = arith.index_cast %add3A_413 : i32 to index
          %get3A_457 = arith.constant 32 : index
          %get3A_458 = tpu.vector_load %arg21[%get3A_456, %get3A_457] {strides = array<i32>} : memref<80x64xf32, #tpu.memory_space<vmem>>, vector<16xf32>,
          %add3A_459 = arith.addf %get3A_455, %get3A_458 : vector<16xf32>
          %mul3A_460 = arith.mulf %gather3A_419, %get3A_18 : vector<16xf32>
          %add3A_461 = arith.addf %add3A_459, %mul3A_460 : vector<16xf32>
          %mul3A_462 = arith.mulf %gather3A_420, %get3A_42 : vector<16xf32>
          %add3A_463 = arith.addf %add3A_461, %mul3A_462 : vector<16xf32>
          %mul3A_464 = arith.constant 2.000000e-01 : f32
          %mul3A_465 = vector.broadcast %mul3A_464 : f32 to vector<16xf32>
          %mul3A_466 = arith.mulf %mul3A_465, %add3A_463 : vector<16xf32>
          %max3A_467 = arith.maximumf %add3A_463, %mul3A_466 : vector<16xf32>
          %mul3A_468 = arith.mulf %max3A_467, %get3A_60 : vector<16xf32>
          %get3A_469 = arith.index_cast %add3A_413 : i32 to index
          %get3A_470 = arith.constant 48 : index
          %get3A_471 = tpu.vector_load %arg20[%get3A_469, %get3A_470] {strides = array<i32>} : memref<80x64xf32, #tpu.memory_space<vmem>>, vector<16xf32>,
          %get3A_472 = arith.index_cast %add3A_413 : i32 to index
          %get3A_473 = arith.constant 48 : index
          %get3A_474 = tpu.vector_load %arg21[%get3A_472, %get3A_473] {strides = array<i32>} : memref<80x64xf32, #tpu.memory_space<vmem>>, vector<16xf32>,
          %add3A_475 = arith.addf %get3A_471, %get3A_474 : vector<16xf32>
          %mul3A_476 = arith.mulf %gather3A_419, %get3A_24 : vector<16xf32>
          %add3A_477 = arith.addf %add3A_475, %mul3A_476 : vector<16xf32>
          %mul3A_478 = arith.mulf %gather3A_420, %get3A_48 : vector<16xf32>
          %add3A_479 = arith.addf %add3A_477, %mul3A_478 : vector<16xf32>
          %mul3A_480 = arith.constant 2.000000e-01 : f32
          %mul3A_481 = vector.broadcast %mul3A_480 : f32 to vector<16xf32>
          %mul3A_482 = arith.mulf %mul3A_481, %add3A_479 : vector<16xf32>
          %max3A_483 = arith.maximumf %add3A_479, %mul3A_482 : vector<16xf32>
          %mul3A_484 = arith.mulf %max3A_483, %get3A_64 : vector<16xf32>
          %add3A_485 = arith.addf %mul3A_436, %mul3A_452 : vector<16xf32>
          %broadcast_in_dim3A_486 = arith.constant true
          %broadcast_in_dim3A_487 = vector.broadcast %broadcast_in_dim3A_486 : i1 to vector<16xi1>
          %masked_cumsum3A_488 = tpu.scan <sum>, %add3A_485 masked %broadcast_in_dim3A_487 : vector<16xf32>, vector<16xi1> -> vector<16xf32>
          %rev3A_489 = arith.constant 15 : i32
          %rev3A_490 = vector.broadcast %rev3A_489 : i32 to vector<16xi32>
          %rev3A_491 = tpu.iota {dimensions = array<i32: 0>} : vector<16xi32>
          %rev3A_492 = arith.subi %rev3A_490, %rev3A_491 : vector<16xi32>
          %rev3A_493 = tpu.dynamic_gather %add3A_485[%rev3A_492] in [0] : vector<16xf32>, vector<16xi32> -> vector<16xf32>
          %broadcast_in_dim3A_494 = arith.constant true
          %broadcast_in_dim3A_495 = vector.broadcast %broadcast_in_dim3A_494 : i1 to vector<16xi1>
          %masked_cumsum3A_496 = tpu.scan <sum>, %rev3A_493 masked %broadcast_in_dim3A_495 : vector<16xf32>, vector<16xi1> -> vector<16xf32>
          %rev3A_497 = arith.constant 15 : i32
          %rev3A_498 = vector.broadcast %rev3A_497 : i32 to vector<16xi32>
          %rev3A_499 = tpu.iota {dimensions = array<i32: 0>} : vector<16xi32>
          %rev3A_500 = arith.subi %rev3A_498, %rev3A_499 : vector<16xi32>
          %rev3A_501 = tpu.dynamic_gather %masked_cumsum3A_496[%rev3A_500] in [0] : vector<16xf32>, vector<16xi32> -> vector<16xf32>
          %add3A_502 = arith.addf %masked_cumsum3A_488, %rev3A_501 : vector<16xf32>
          %sub3A_503 = arith.subf %add3A_502, %add3A_485 : vector<16xf32>
          %exp3A_504 = math.exp %sub3A_503 : vector<16xf32>
          %add3A_505 = arith.addf %mul3A_468, %mul3A_484 : vector<16xf32>
          %broadcast_in_dim3A_506 = arith.constant true
          %broadcast_in_dim3A_507 = vector.broadcast %broadcast_in_dim3A_506 : i1 to vector<16xi1>
          %masked_cumsum3A_508 = tpu.scan <sum>, %add3A_505 masked %broadcast_in_dim3A_507 : vector<16xf32>, vector<16xi1> -> vector<16xf32>
          %rev3A_509 = arith.constant 15 : i32
          %rev3A_510 = vector.broadcast %rev3A_509 : i32 to vector<16xi32>
          %rev3A_511 = tpu.iota {dimensions = array<i32: 0>} : vector<16xi32>
          %rev3A_512 = arith.subi %rev3A_510, %rev3A_511 : vector<16xi32>
          %rev3A_513 = tpu.dynamic_gather %add3A_505[%rev3A_512] in [0] : vector<16xf32>, vector<16xi32> -> vector<16xf32>
          %broadcast_in_dim3A_514 = arith.constant true
          %broadcast_in_dim3A_515 = vector.broadcast %broadcast_in_dim3A_514 : i1 to vector<16xi1>
          %masked_cumsum3A_516 = tpu.scan <sum>, %rev3A_513 masked %broadcast_in_dim3A_515 : vector<16xf32>, vector<16xi1> -> vector<16xf32>
          %rev3A_517 = arith.constant 15 : i32
          %rev3A_518 = vector.broadcast %rev3A_517 : i32 to vector<16xi32>
          %rev3A_519 = tpu.iota {dimensions = array<i32: 0>} : vector<16xi32>
          %rev3A_520 = arith.subi %rev3A_518, %rev3A_519 : vector<16xi32>
          %rev3A_521 = tpu.dynamic_gather %masked_cumsum3A_516[%rev3A_520] in [0] : vector<16xf32>, vector<16xi32> -> vector<16xf32>
          %add3A_522 = arith.addf %masked_cumsum3A_508, %rev3A_521 : vector<16xf32>
          %sub3A_523 = arith.subf %add3A_522, %add3A_505 : vector<16xf32>
          %exp3A_524 = math.exp %sub3A_523 : vector<16xf32>
          %mul3A_525 = arith.mulf %get3A_423, %exp3A_504 : vector<16xf32>
          %swap3A_526 = arith.index_cast %add3A_413 : i32 to index
          %swap3A_527 = arith.constant 0 : index
          %swap3A_528 = tpu.vector_load %arg22[%swap3A_526, %swap3A_527] {strides = array<i32>} : memref<80x64xf32, #tpu.memory_space<vmem>>, vector<16xf32>,
          tpu.vector_store %arg22[%swap3A_526, %swap3A_527], %mul3A_525 {strides = array<i32>} : memref<80x64xf32, #tpu.memory_space<vmem>>, vector<16xf32>,
          %mul3A_529 = arith.mulf %get3A_439, %exp3A_504 : vector<16xf32>
          %swap3A_530 = arith.index_cast %add3A_413 : i32 to index
          %swap3A_531 = arith.constant 16 : index
          %swap3A_532 = tpu.vector_load %arg22[%swap3A_530, %swap3A_531] {strides = array<i32>} : memref<80x64xf32, #tpu.memory_space<vmem>>, vector<16xf32>,
          tpu.vector_store %arg22[%swap3A_530, %swap3A_531], %mul3A_529 {strides = array<i32>} : memref<80x64xf32, #tpu.memory_space<vmem>>, vector<16xf32>,
          %mul3A_533 = arith.mulf %get3A_455, %exp3A_524 : vector<16xf32>
          %swap3A_534 = arith.index_cast %add3A_413 : i32 to index
          %swap3A_535 = arith.constant 32 : index
          %swap3A_536 = tpu.vector_load %arg22[%swap3A_534, %swap3A_535] {strides = array<i32>} : memref<80x64xf32, #tpu.memory_space<vmem>>, vector<16xf32>,
          tpu.vector_store %arg22[%swap3A_534, %swap3A_535], %mul3A_533 {strides = array<i32>} : memref<80x64xf32, #tpu.memory_space<vmem>>, vector<16xf32>,
          %mul3A_537 = arith.mulf %get3A_471, %exp3A_524 : vector<16xf32>
          %swap3A_538 = arith.index_cast %add3A_413 : i32 to index
          %swap3A_539 = arith.constant 48 : index
          %swap3A_540 = tpu.vector_load %arg22[%swap3A_538, %swap3A_539] {strides = array<i32>} : memref<80x64xf32, #tpu.memory_space<vmem>>, vector<16xf32>,
          tpu.vector_store %arg22[%swap3A_538, %swap3A_539], %mul3A_537 {strides = array<i32>} : memref<80x64xf32, #tpu.memory_space<vmem>>, vector<16xf32>,
          %broadcast_in_dim3A_541 = arith.constant 0.000000e+00 : f32
          %broadcast_in_dim3A_542 = vector.broadcast %broadcast_in_dim3A_541 : f32 to vector<16xf32>
          %select_n3A_543 = arith.select %eq3A_66, %exp3A_504, %broadcast_in_dim3A_542 : vector<16xi1>, vector<16xf32>
          %select_n3A_544 = arith.select %eq3A_69, %exp3A_524, %select_n3A_543 : vector<16xi1>, vector<16xf32>
          %jit3A_545 = arith.constant 1.000000e+00 : f32
          %broadcast_in_dim3A_546 = vector.broadcast %jit3A_545 : f32 to vector<16xf32>
          %select_n3A_547 = arith.select %eq3A_72, %broadcast_in_dim3A_546, %select_n3A_544 : vector<16xi1>, vector<16xf32>
          %select_n3A_548 = arith.select %eq3A_75, %gather3A_419, %select_n3A_547 : vector<16xi1>, vector<16xf32>
          %select_n3A_549 = arith.select %eq3A_78, %gather3A_420, %select_n3A_548 : vector<16xi1>, vector<16xf32>
          %swap3A_550 = arith.index_cast %add3A_413 : i32 to index
          %swap3A_551 = arith.constant 0 : index
          %swap3A_552 = tpu.vector_load %arg23[%swap3A_550, %swap3A_551] {strides = array<i32>} : memref<80x16xf32, #tpu.memory_space<vmem>>, vector<16xf32>,
          tpu.vector_store %arg23[%swap3A_550, %swap3A_551], %select_n3A_549 {strides = array<i32>} : memref<80x16xf32, #tpu.memory_space<vmem>>, vector<16xf32>,
          %mul3A_553 = arith.constant 4 : i32
          %mul3A_554 = arith.muli %scan3A_274, %mul3A_553 : i32
          %add3A_555 = arith.constant 2 : i32
          %add3A_556 = arith.addi %mul3A_554, %add3A_555 : i32
          %broadcast_in_dim3A_557 = arith.constant 0 : i32
          %broadcast_in_dim3A_558 = vector.broadcast %broadcast_in_dim3A_557 : i32 to vector<16xi32>
          %add3A_559 = arith.addi %mul3A_253, %add3A_556 : i32
          %add3A_560 = vector.broadcast %add3A_559 : i32 to vector<16xi32>
          %add3A_561 = arith.addi %broadcast_in_dim3A_558, %add3A_560 : vector<16xi32>
          %gather3A_562 = tpu.vector_load_idx %arg14[%add3A_561] : memref<4000xf32, #tpu.memory_space<vmem>>[vector<16xi32>], vector<16xf32>,
          %gather3A_563 = tpu.vector_load_idx %arg15[%add3A_561] : memref<4000xf32, #tpu.memory_space<vmem>>[vector<16xi32>], vector<16xf32>,
          %get3A_564 = arith.index_cast %add3A_556 : i32 to index
          %get3A_565 = arith.constant 0 : index
          %get3A_566 = tpu.vector_load %arg20[%get3A_564, %get3A_565] {strides = array<i32>} : memref<80x64xf32, #tpu.memory_space<vmem>>, vector<16xf32>,
          %get3A_567 = arith.index_cast %add3A_556 : i32 to index
          %get3A_568 = arith.constant 0 : index
          %get3A_569 = tpu.vector_load %arg21[%get3A_567, %get3A_568] {strides = array<i32>} : memref<80x64xf32, #tpu.memory_space<vmem>>, vector<16xf32>,
          %add3A_570 = arith.addf %get3A_566, %get3A_569 : vector<16xf32>
          %mul3A_571 = arith.mulf %gather3A_562, %get3A_6 : vector<16xf32>
          %add3A_572 = arith.addf %add3A_570, %mul3A_571 : vector<16xf32>
          %mul3A_573 = arith.mulf %gather3A_563, %get3A_30 : vector<16xf32>
          %add3A_574 = arith.addf %add3A_572, %mul3A_573 : vector<16xf32>
          %mul3A_575 = arith.constant 2.000000e-01 : f32
          %mul3A_576 = vector.broadcast %mul3A_575 : f32 to vector<16xf32>
          %mul3A_577 = arith.mulf %mul3A_576, %add3A_574 : vector<16xf32>
          %max3A_578 = arith.maximumf %add3A_574, %mul3A_577 : vector<16xf32>
          %mul3A_579 = arith.mulf %max3A_578, %get3A_52 : vector<16xf32>
          %get3A_580 = arith.index_cast %add3A_556 : i32 to index
          %get3A_581 = arith.constant 16 : index
          %get3A_582 = tpu.vector_load %arg20[%get3A_580, %get3A_581] {strides = array<i32>} : memref<80x64xf32, #tpu.memory_space<vmem>>, vector<16xf32>,
          %get3A_583 = arith.index_cast %add3A_556 : i32 to index
          %get3A_584 = arith.constant 16 : index
          %get3A_585 = tpu.vector_load %arg21[%get3A_583, %get3A_584] {strides = array<i32>} : memref<80x64xf32, #tpu.memory_space<vmem>>, vector<16xf32>,
          %add3A_586 = arith.addf %get3A_582, %get3A_585 : vector<16xf32>
          %mul3A_587 = arith.mulf %gather3A_562, %get3A_12 : vector<16xf32>
          %add3A_588 = arith.addf %add3A_586, %mul3A_587 : vector<16xf32>
          %mul3A_589 = arith.mulf %gather3A_563, %get3A_36 : vector<16xf32>
          %add3A_590 = arith.addf %add3A_588, %mul3A_589 : vector<16xf32>
          %mul3A_591 = arith.constant 2.000000e-01 : f32
          %mul3A_592 = vector.broadcast %mul3A_591 : f32 to vector<16xf32>
          %mul3A_593 = arith.mulf %mul3A_592, %add3A_590 : vector<16xf32>
          %max3A_594 = arith.maximumf %add3A_590, %mul3A_593 : vector<16xf32>
          %mul3A_595 = arith.mulf %max3A_594, %get3A_56 : vector<16xf32>
          %get3A_596 = arith.index_cast %add3A_556 : i32 to index
          %get3A_597 = arith.constant 32 : index
          %get3A_598 = tpu.vector_load %arg20[%get3A_596, %get3A_597] {strides = array<i32>} : memref<80x64xf32, #tpu.memory_space<vmem>>, vector<16xf32>,
          %get3A_599 = arith.index_cast %add3A_556 : i32 to index
          %get3A_600 = arith.constant 32 : index
          %get3A_601 = tpu.vector_load %arg21[%get3A_599, %get3A_600] {strides = array<i32>} : memref<80x64xf32, #tpu.memory_space<vmem>>, vector<16xf32>,
          %add3A_602 = arith.addf %get3A_598, %get3A_601 : vector<16xf32>
          %mul3A_603 = arith.mulf %gather3A_562, %get3A_18 : vector<16xf32>
          %add3A_604 = arith.addf %add3A_602, %mul3A_603 : vector<16xf32>
          %mul3A_605 = arith.mulf %gather3A_563, %get3A_42 : vector<16xf32>
          %add3A_606 = arith.addf %add3A_604, %mul3A_605 : vector<16xf32>
          %mul3A_607 = arith.constant 2.000000e-01 : f32
          %mul3A_608 = vector.broadcast %mul3A_607 : f32 to vector<16xf32>
          %mul3A_609 = arith.mulf %mul3A_608, %add3A_606 : vector<16xf32>
          %max3A_610 = arith.maximumf %add3A_606, %mul3A_609 : vector<16xf32>
          %mul3A_611 = arith.mulf %max3A_610, %get3A_60 : vector<16xf32>
          %get3A_612 = arith.index_cast %add3A_556 : i32 to index
          %get3A_613 = arith.constant 48 : index
          %get3A_614 = tpu.vector_load %arg20[%get3A_612, %get3A_613] {strides = array<i32>} : memref<80x64xf32, #tpu.memory_space<vmem>>, vector<16xf32>,
          %get3A_615 = arith.index_cast %add3A_556 : i32 to index
          %get3A_616 = arith.constant 48 : index
          %get3A_617 = tpu.vector_load %arg21[%get3A_615, %get3A_616] {strides = array<i32>} : memref<80x64xf32, #tpu.memory_space<vmem>>, vector<16xf32>,
          %add3A_618 = arith.addf %get3A_614, %get3A_617 : vector<16xf32>
          %mul3A_619 = arith.mulf %gather3A_562, %get3A_24 : vector<16xf32>
          %add3A_620 = arith.addf %add3A_618, %mul3A_619 : vector<16xf32>
          %mul3A_621 = arith.mulf %gather3A_563, %get3A_48 : vector<16xf32>
          %add3A_622 = arith.addf %add3A_620, %mul3A_621 : vector<16xf32>
          %mul3A_623 = arith.constant 2.000000e-01 : f32
          %mul3A_624 = vector.broadcast %mul3A_623 : f32 to vector<16xf32>
          %mul3A_625 = arith.mulf %mul3A_624, %add3A_622 : vector<16xf32>
          %max3A_626 = arith.maximumf %add3A_622, %mul3A_625 : vector<16xf32>
          %mul3A_627 = arith.mulf %max3A_626, %get3A_64 : vector<16xf32>
          %add3A_628 = arith.addf %mul3A_579, %mul3A_595 : vector<16xf32>
          %broadcast_in_dim3A_629 = arith.constant true
          %broadcast_in_dim3A_630 = vector.broadcast %broadcast_in_dim3A_629 : i1 to vector<16xi1>
          %masked_cumsum3A_631 = tpu.scan <sum>, %add3A_628 masked %broadcast_in_dim3A_630 : vector<16xf32>, vector<16xi1> -> vector<16xf32>
          %rev3A_632 = arith.constant 15 : i32
          %rev3A_633 = vector.broadcast %rev3A_632 : i32 to vector<16xi32>
          %rev3A_634 = tpu.iota {dimensions = array<i32: 0>} : vector<16xi32>
          %rev3A_635 = arith.subi %rev3A_633, %rev3A_634 : vector<16xi32>
          %rev3A_636 = tpu.dynamic_gather %add3A_628[%rev3A_635] in [0] : vector<16xf32>, vector<16xi32> -> vector<16xf32>
          %broadcast_in_dim3A_637 = arith.constant true
          %broadcast_in_dim3A_638 = vector.broadcast %broadcast_in_dim3A_637 : i1 to vector<16xi1>
          %masked_cumsum3A_639 = tpu.scan <sum>, %rev3A_636 masked %broadcast_in_dim3A_638 : vector<16xf32>, vector<16xi1> -> vector<16xf32>
          %rev3A_640 = arith.constant 15 : i32
          %rev3A_641 = vector.broadcast %rev3A_640 : i32 to vector<16xi32>
          %rev3A_642 = tpu.iota {dimensions = array<i32: 0>} : vector<16xi32>
          %rev3A_643 = arith.subi %rev3A_641, %rev3A_642 : vector<16xi32>
          %rev3A_644 = tpu.dynamic_gather %masked_cumsum3A_639[%rev3A_643] in [0] : vector<16xf32>, vector<16xi32> -> vector<16xf32>
          %add3A_645 = arith.addf %masked_cumsum3A_631, %rev3A_644 : vector<16xf32>
          %sub3A_646 = arith.subf %add3A_645, %add3A_628 : vector<16xf32>
          %exp3A_647 = math.exp %sub3A_646 : vector<16xf32>
          %add3A_648 = arith.addf %mul3A_611, %mul3A_627 : vector<16xf32>
          %broadcast_in_dim3A_649 = arith.constant true
          %broadcast_in_dim3A_650 = vector.broadcast %broadcast_in_dim3A_649 : i1 to vector<16xi1>
          %masked_cumsum3A_651 = tpu.scan <sum>, %add3A_648 masked %broadcast_in_dim3A_650 : vector<16xf32>, vector<16xi1> -> vector<16xf32>
          %rev3A_652 = arith.constant 15 : i32
          %rev3A_653 = vector.broadcast %rev3A_652 : i32 to vector<16xi32>
          %rev3A_654 = tpu.iota {dimensions = array<i32: 0>} : vector<16xi32>
          %rev3A_655 = arith.subi %rev3A_653, %rev3A_654 : vector<16xi32>
          %rev3A_656 = tpu.dynamic_gather %add3A_648[%rev3A_655] in [0] : vector<16xf32>, vector<16xi32> -> vector<16xf32>
          %broadcast_in_dim3A_657 = arith.constant true
          %broadcast_in_dim3A_658 = vector.broadcast %broadcast_in_dim3A_657 : i1 to vector<16xi1>
          %masked_cumsum3A_659 = tpu.scan <sum>, %rev3A_656 masked %broadcast_in_dim3A_658 : vector<16xf32>, vector<16xi1> -> vector<16xf32>
          %rev3A_660 = arith.constant 15 : i32
          %rev3A_661 = vector.broadcast %rev3A_660 : i32 to vector<16xi32>
          %rev3A_662 = tpu.iota {dimensions = array<i32: 0>} : vector<16xi32>
          %rev3A_663 = arith.subi %rev3A_661, %rev3A_662 : vector<16xi32>
          %rev3A_664 = tpu.dynamic_gather %masked_cumsum3A_659[%rev3A_663] in [0] : vector<16xf32>, vector<16xi32> -> vector<16xf32>
          %add3A_665 = arith.addf %masked_cumsum3A_651, %rev3A_664 : vector<16xf32>
          %sub3A_666 = arith.subf %add3A_665, %add3A_648 : vector<16xf32>
          %exp3A_667 = math.exp %sub3A_666 : vector<16xf32>
          %mul3A_668 = arith.mulf %get3A_566, %exp3A_647 : vector<16xf32>
          %swap3A_669 = arith.index_cast %add3A_556 : i32 to index
          %swap3A_670 = arith.constant 0 : index
          %swap3A_671 = tpu.vector_load %arg22[%swap3A_669, %swap3A_670] {strides = array<i32>} : memref<80x64xf32, #tpu.memory_space<vmem>>, vector<16xf32>,
          tpu.vector_store %arg22[%swap3A_669, %swap3A_670], %mul3A_668 {strides = array<i32>} : memref<80x64xf32, #tpu.memory_space<vmem>>, vector<16xf32>,
          %mul3A_672 = arith.mulf %get3A_582, %exp3A_647 : vector<16xf32>
          %swap3A_673 = arith.index_cast %add3A_556 : i32 to index
          %swap3A_674 = arith.constant 16 : index
          %swap3A_675 = tpu.vector_load %arg22[%swap3A_673, %swap3A_674] {strides = array<i32>} : memref<80x64xf32, #tpu.memory_space<vmem>>, vector<16xf32>,
          tpu.vector_store %arg22[%swap3A_673, %swap3A_674], %mul3A_672 {strides = array<i32>} : memref<80x64xf32, #tpu.memory_space<vmem>>, vector<16xf32>,
          %mul3A_676 = arith.mulf %get3A_598, %exp3A_667 : vector<16xf32>
          %swap3A_677 = arith.index_cast %add3A_556 : i32 to index
          %swap3A_678 = arith.constant 32 : index
          %swap3A_679 = tpu.vector_load %arg22[%swap3A_677, %swap3A_678] {strides = array<i32>} : memref<80x64xf32, #tpu.memory_space<vmem>>, vector<16xf32>,
          tpu.vector_store %arg22[%swap3A_677, %swap3A_678], %mul3A_676 {strides = array<i32>} : memref<80x64xf32, #tpu.memory_space<vmem>>, vector<16xf32>,
          %mul3A_680 = arith.mulf %get3A_614, %exp3A_667 : vector<16xf32>
          %swap3A_681 = arith.index_cast %add3A_556 : i32 to index
          %swap3A_682 = arith.constant 48 : index
          %swap3A_683 = tpu.vector_load %arg22[%swap3A_681, %swap3A_682] {strides = array<i32>} : memref<80x64xf32, #tpu.memory_space<vmem>>, vector<16xf32>,
          tpu.vector_store %arg22[%swap3A_681, %swap3A_682], %mul3A_680 {strides = array<i32>} : memref<80x64xf32, #tpu.memory_space<vmem>>, vector<16xf32>,
          %broadcast_in_dim3A_684 = arith.constant 0.000000e+00 : f32
          %broadcast_in_dim3A_685 = vector.broadcast %broadcast_in_dim3A_684 : f32 to vector<16xf32>
          %select_n3A_686 = arith.select %eq3A_66, %exp3A_647, %broadcast_in_dim3A_685 : vector<16xi1>, vector<16xf32>
          %select_n3A_687 = arith.select %eq3A_69, %exp3A_667, %select_n3A_686 : vector<16xi1>, vector<16xf32>
          %jit3A_688 = arith.constant 1.000000e+00 : f32
          %broadcast_in_dim3A_689 = vector.broadcast %jit3A_688 : f32 to vector<16xf32>
          %select_n3A_690 = arith.select %eq3A_72, %broadcast_in_dim3A_689, %select_n3A_687 : vector<16xi1>, vector<16xf32>
          %select_n3A_691 = arith.select %eq3A_75, %gather3A_562, %select_n3A_690 : vector<16xi1>, vector<16xf32>
          %select_n3A_692 = arith.select %eq3A_78, %gather3A_563, %select_n3A_691 : vector<16xi1>, vector<16xf32>
          %swap3A_693 = arith.index_cast %add3A_556 : i32 to index
          %swap3A_694 = arith.constant 0 : index
          %swap3A_695 = tpu.vector_load %arg23[%swap3A_693, %swap3A_694] {strides = array<i32>} : memref<80x16xf32, #tpu.memory_space<vmem>>, vector<16xf32>,
          tpu.vector_store %arg23[%swap3A_693, %swap3A_694], %select_n3A_692 {strides = array<i32>} : memref<80x16xf32, #tpu.memory_space<vmem>>, vector<16xf32>,
          %mul3A_696 = arith.constant 4 : i32
          %mul3A_697 = arith.muli %scan3A_274, %mul3A_696 : i32
          %add3A_698 = arith.constant 3 : i32
          %add3A_699 = arith.addi %mul3A_697, %add3A_698 : i32
          %broadcast_in_dim3A_700 = arith.constant 0 : i32
          %broadcast_in_dim3A_701 = vector.broadcast %broadcast_in_dim3A_700 : i32 to vector<16xi32>
          %add3A_702 = arith.addi %mul3A_253, %add3A_699 : i32
          %add3A_703 = vector.broadcast %add3A_702 : i32 to vector<16xi32>
          %add3A_704 = arith.addi %broadcast_in_dim3A_701, %add3A_703 : vector<16xi32>
          %gather3A_705 = tpu.vector_load_idx %arg14[%add3A_704] : memref<4000xf32, #tpu.memory_space<vmem>>[vector<16xi32>], vector<16xf32>,
          %gather3A_706 = tpu.vector_load_idx %arg15[%add3A_704] : memref<4000xf32, #tpu.memory_space<vmem>>[vector<16xi32>], vector<16xf32>,
          %get3A_707 = arith.index_cast %add3A_699 : i32 to index
          %get3A_708 = arith.constant 0 : index
          %get3A_709 = tpu.vector_load %arg20[%get3A_707, %get3A_708] {strides = array<i32>} : memref<80x64xf32, #tpu.memory_space<vmem>>, vector<16xf32>,
          %get3A_710 = arith.index_cast %add3A_699 : i32 to index
          %get3A_711 = arith.constant 0 : index
          %get3A_712 = tpu.vector_load %arg21[%get3A_710, %get3A_711] {strides = array<i32>} : memref<80x64xf32, #tpu.memory_space<vmem>>, vector<16xf32>,
          %add3A_713 = arith.addf %get3A_709, %get3A_712 : vector<16xf32>
          %mul3A_714 = arith.mulf %gather3A_705, %get3A_6 : vector<16xf32>
          %add3A_715 = arith.addf %add3A_713, %mul3A_714 : vector<16xf32>
          %mul3A_716 = arith.mulf %gather3A_706, %get3A_30 : vector<16xf32>
          %add3A_717 = arith.addf %add3A_715, %mul3A_716 : vector<16xf32>
          %mul3A_718 = arith.constant 2.000000e-01 : f32
          %mul3A_719 = vector.broadcast %mul3A_718 : f32 to vector<16xf32>
          %mul3A_720 = arith.mulf %mul3A_719, %add3A_717 : vector<16xf32>
          %max3A_721 = arith.maximumf %add3A_717, %mul3A_720 : vector<16xf32>
          %mul3A_722 = arith.mulf %max3A_721, %get3A_52 : vector<16xf32>
          %get3A_723 = arith.index_cast %add3A_699 : i32 to index
          %get3A_724 = arith.constant 16 : index
          %get3A_725 = tpu.vector_load %arg20[%get3A_723, %get3A_724] {strides = array<i32>} : memref<80x64xf32, #tpu.memory_space<vmem>>, vector<16xf32>,
          %get3A_726 = arith.index_cast %add3A_699 : i32 to index
          %get3A_727 = arith.constant 16 : index
          %get3A_728 = tpu.vector_load %arg21[%get3A_726, %get3A_727] {strides = array<i32>} : memref<80x64xf32, #tpu.memory_space<vmem>>, vector<16xf32>,
          %add3A_729 = arith.addf %get3A_725, %get3A_728 : vector<16xf32>
          %mul3A_730 = arith.mulf %gather3A_705, %get3A_12 : vector<16xf32>
          %add3A_731 = arith.addf %add3A_729, %mul3A_730 : vector<16xf32>
          %mul3A_732 = arith.mulf %gather3A_706, %get3A_36 : vector<16xf32>
          %add3A_733 = arith.addf %add3A_731, %mul3A_732 : vector<16xf32>
          %mul3A_734 = arith.constant 2.000000e-01 : f32
          %mul3A_735 = vector.broadcast %mul3A_734 : f32 to vector<16xf32>
          %mul3A_736 = arith.mulf %mul3A_735, %add3A_733 : vector<16xf32>
          %max3A_737 = arith.maximumf %add3A_733, %mul3A_736 : vector<16xf32>
          %mul3A_738 = arith.mulf %max3A_737, %get3A_56 : vector<16xf32>
          %get3A_739 = arith.index_cast %add3A_699 : i32 to index
          %get3A_740 = arith.constant 32 : index
          %get3A_741 = tpu.vector_load %arg20[%get3A_739, %get3A_740] {strides = array<i32>} : memref<80x64xf32, #tpu.memory_space<vmem>>, vector<16xf32>,
          %get3A_742 = arith.index_cast %add3A_699 : i32 to index
          %get3A_743 = arith.constant 32 : index
          %get3A_744 = tpu.vector_load %arg21[%get3A_742, %get3A_743] {strides = array<i32>} : memref<80x64xf32, #tpu.memory_space<vmem>>, vector<16xf32>,
          %add3A_745 = arith.addf %get3A_741, %get3A_744 : vector<16xf32>
          %mul3A_746 = arith.mulf %gather3A_705, %get3A_18 : vector<16xf32>
          %add3A_747 = arith.addf %add3A_745, %mul3A_746 : vector<16xf32>
          %mul3A_748 = arith.mulf %gather3A_706, %get3A_42 : vector<16xf32>
          %add3A_749 = arith.addf %add3A_747, %mul3A_748 : vector<16xf32>
          %mul3A_750 = arith.constant 2.000000e-01 : f32
          %mul3A_751 = vector.broadcast %mul3A_750 : f32 to vector<16xf32>
          %mul3A_752 = arith.mulf %mul3A_751, %add3A_749 : vector<16xf32>
          %max3A_753 = arith.maximumf %add3A_749, %mul3A_752 : vector<16xf32>
          %mul3A_754 = arith.mulf %max3A_753, %get3A_60 : vector<16xf32>
          %get3A_755 = arith.index_cast %add3A_699 : i32 to index
          %get3A_756 = arith.constant 48 : index
          %get3A_757 = tpu.vector_load %arg20[%get3A_755, %get3A_756] {strides = array<i32>} : memref<80x64xf32, #tpu.memory_space<vmem>>, vector<16xf32>,
          %get3A_758 = arith.index_cast %add3A_699 : i32 to index
          %get3A_759 = arith.constant 48 : index
          %get3A_760 = tpu.vector_load %arg21[%get3A_758, %get3A_759] {strides = array<i32>} : memref<80x64xf32, #tpu.memory_space<vmem>>, vector<16xf32>,
          %add3A_761 = arith.addf %get3A_757, %get3A_760 : vector<16xf32>
          %mul3A_762 = arith.mulf %gather3A_705, %get3A_24 : vector<16xf32>
          %add3A_763 = arith.addf %add3A_761, %mul3A_762 : vector<16xf32>
          %mul3A_764 = arith.mulf %gather3A_706, %get3A_48 : vector<16xf32>
          %add3A_765 = arith.addf %add3A_763, %mul3A_764 : vector<16xf32>
          %mul3A_766 = arith.constant 2.000000e-01 : f32
          %mul3A_767 = vector.broadcast %mul3A_766 : f32 to vector<16xf32>
          %mul3A_768 = arith.mulf %mul3A_767, %add3A_765 : vector<16xf32>
          %max3A_769 = arith.maximumf %add3A_765, %mul3A_768 : vector<16xf32>
          %mul3A_770 = arith.mulf %max3A_769, %get3A_64 : vector<16xf32>
          %add3A_771 = arith.addf %mul3A_722, %mul3A_738 : vector<16xf32>
          %broadcast_in_dim3A_772 = arith.constant true
          %broadcast_in_dim3A_773 = vector.broadcast %broadcast_in_dim3A_772 : i1 to vector<16xi1>
          %masked_cumsum3A_774 = tpu.scan <sum>, %add3A_771 masked %broadcast_in_dim3A_773 : vector<16xf32>, vector<16xi1> -> vector<16xf32>
          %rev3A_775 = arith.constant 15 : i32
          %rev3A_776 = vector.broadcast %rev3A_775 : i32 to vector<16xi32>
          %rev3A_777 = tpu.iota {dimensions = array<i32: 0>} : vector<16xi32>
          %rev3A_778 = arith.subi %rev3A_776, %rev3A_777 : vector<16xi32>
          %rev3A_779 = tpu.dynamic_gather %add3A_771[%rev3A_778] in [0] : vector<16xf32>, vector<16xi32> -> vector<16xf32>
          %broadcast_in_dim3A_780 = arith.constant true
          %broadcast_in_dim3A_781 = vector.broadcast %broadcast_in_dim3A_780 : i1 to vector<16xi1>
          %masked_cumsum3A_782 = tpu.scan <sum>, %rev3A_779 masked %broadcast_in_dim3A_781 : vector<16xf32>, vector<16xi1> -> vector<16xf32>
          %rev3A_783 = arith.constant 15 : i32
          %rev3A_784 = vector.broadcast %rev3A_783 : i32 to vector<16xi32>
          %rev3A_785 = tpu.iota {dimensions = array<i32: 0>} : vector<16xi32>
          %rev3A_786 = arith.subi %rev3A_784, %rev3A_785 : vector<16xi32>
          %rev3A_787 = tpu.dynamic_gather %masked_cumsum3A_782[%rev3A_786] in [0] : vector<16xf32>, vector<16xi32> -> vector<16xf32>
          %add3A_788 = arith.addf %masked_cumsum3A_774, %rev3A_787 : vector<16xf32>
          %sub3A_789 = arith.subf %add3A_788, %add3A_771 : vector<16xf32>
          %exp3A_790 = math.exp %sub3A_789 : vector<16xf32>
          %add3A_791 = arith.addf %mul3A_754, %mul3A_770 : vector<16xf32>
          %broadcast_in_dim3A_792 = arith.constant true
          %broadcast_in_dim3A_793 = vector.broadcast %broadcast_in_dim3A_792 : i1 to vector<16xi1>
          %masked_cumsum3A_794 = tpu.scan <sum>, %add3A_791 masked %broadcast_in_dim3A_793 : vector<16xf32>, vector<16xi1> -> vector<16xf32>
          %rev3A_795 = arith.constant 15 : i32
          %rev3A_796 = vector.broadcast %rev3A_795 : i32 to vector<16xi32>
          %rev3A_797 = tpu.iota {dimensions = array<i32: 0>} : vector<16xi32>
          %rev3A_798 = arith.subi %rev3A_796, %rev3A_797 : vector<16xi32>
          %rev3A_799 = tpu.dynamic_gather %add3A_791[%rev3A_798] in [0] : vector<16xf32>, vector<16xi32> -> vector<16xf32>
          %broadcast_in_dim3A_800 = arith.constant true
          %broadcast_in_dim3A_801 = vector.broadcast %broadcast_in_dim3A_800 : i1 to vector<16xi1>
          %masked_cumsum3A_802 = tpu.scan <sum>, %rev3A_799 masked %broadcast_in_dim3A_801 : vector<16xf32>, vector<16xi1> -> vector<16xf32>
          %rev3A_803 = arith.constant 15 : i32
          %rev3A_804 = vector.broadcast %rev3A_803 : i32 to vector<16xi32>
          %rev3A_805 = tpu.iota {dimensions = array<i32: 0>} : vector<16xi32>
          %rev3A_806 = arith.subi %rev3A_804, %rev3A_805 : vector<16xi32>
          %rev3A_807 = tpu.dynamic_gather %masked_cumsum3A_802[%rev3A_806] in [0] : vector<16xf32>, vector<16xi32> -> vector<16xf32>
          %add3A_808 = arith.addf %masked_cumsum3A_794, %rev3A_807 : vector<16xf32>
          %sub3A_809 = arith.subf %add3A_808, %add3A_791 : vector<16xf32>
          %exp3A_810 = math.exp %sub3A_809 : vector<16xf32>
          %mul3A_811 = arith.mulf %get3A_709, %exp3A_790 : vector<16xf32>
          %swap3A_812 = arith.index_cast %add3A_699 : i32 to index
          %swap3A_813 = arith.constant 0 : index
          %swap3A_814 = tpu.vector_load %arg22[%swap3A_812, %swap3A_813] {strides = array<i32>} : memref<80x64xf32, #tpu.memory_space<vmem>>, vector<16xf32>,
          tpu.vector_store %arg22[%swap3A_812, %swap3A_813], %mul3A_811 {strides = array<i32>} : memref<80x64xf32, #tpu.memory_space<vmem>>, vector<16xf32>,
          %mul3A_815 = arith.mulf %get3A_725, %exp3A_790 : vector<16xf32>
          %swap3A_816 = arith.index_cast %add3A_699 : i32 to index
          %swap3A_817 = arith.constant 16 : index
          %swap3A_818 = tpu.vector_load %arg22[%swap3A_816, %swap3A_817] {strides = array<i32>} : memref<80x64xf32, #tpu.memory_space<vmem>>, vector<16xf32>,
          tpu.vector_store %arg22[%swap3A_816, %swap3A_817], %mul3A_815 {strides = array<i32>} : memref<80x64xf32, #tpu.memory_space<vmem>>, vector<16xf32>,
          %mul3A_819 = arith.mulf %get3A_741, %exp3A_810 : vector<16xf32>
          %swap3A_820 = arith.index_cast %add3A_699 : i32 to index
          %swap3A_821 = arith.constant 32 : index
          %swap3A_822 = tpu.vector_load %arg22[%swap3A_820, %swap3A_821] {strides = array<i32>} : memref<80x64xf32, #tpu.memory_space<vmem>>, vector<16xf32>,
          tpu.vector_store %arg22[%swap3A_820, %swap3A_821], %mul3A_819 {strides = array<i32>} : memref<80x64xf32, #tpu.memory_space<vmem>>, vector<16xf32>,
          %mul3A_823 = arith.mulf %get3A_757, %exp3A_810 : vector<16xf32>
          %swap3A_824 = arith.index_cast %add3A_699 : i32 to index
          %swap3A_825 = arith.constant 48 : index
          %swap3A_826 = tpu.vector_load %arg22[%swap3A_824, %swap3A_825] {strides = array<i32>} : memref<80x64xf32, #tpu.memory_space<vmem>>, vector<16xf32>,
          tpu.vector_store %arg22[%swap3A_824, %swap3A_825], %mul3A_823 {strides = array<i32>} : memref<80x64xf32, #tpu.memory_space<vmem>>, vector<16xf32>,
          %broadcast_in_dim3A_827 = arith.constant 0.000000e+00 : f32
          %broadcast_in_dim3A_828 = vector.broadcast %broadcast_in_dim3A_827 : f32 to vector<16xf32>
          %select_n3A_829 = arith.select %eq3A_66, %exp3A_790, %broadcast_in_dim3A_828 : vector<16xi1>, vector<16xf32>
          %select_n3A_830 = arith.select %eq3A_69, %exp3A_810, %select_n3A_829 : vector<16xi1>, vector<16xf32>
          %jit3A_831 = arith.constant 1.000000e+00 : f32
          %broadcast_in_dim3A_832 = vector.broadcast %jit3A_831 : f32 to vector<16xf32>
          %select_n3A_833 = arith.select %eq3A_72, %broadcast_in_dim3A_832, %select_n3A_830 : vector<16xi1>, vector<16xf32>
          %select_n3A_834 = arith.select %eq3A_75, %gather3A_705, %select_n3A_833 : vector<16xi1>, vector<16xf32>
          %select_n3A_835 = arith.select %eq3A_78, %gather3A_706, %select_n3A_834 : vector<16xi1>, vector<16xf32>
          %swap3A_836 = arith.index_cast %add3A_699 : i32 to index
          %swap3A_837 = arith.constant 0 : index
          %swap3A_838 = tpu.vector_load %arg23[%swap3A_836, %swap3A_837] {strides = array<i32>} : memref<80x16xf32, #tpu.memory_space<vmem>>, vector<16xf32>,
          tpu.vector_store %arg23[%swap3A_836, %swap3A_837], %select_n3A_835 {strides = array<i32>} : memref<80x16xf32, #tpu.memory_space<vmem>>, vector<16xf32>,
          %scan3A_839 = arith.constant 0 : i32
          scf.yield %scan3A_839 : i32
        }
        %scan3A_260 = arith.constant 20 : i32
        %dma_start3A_261 = arith.constant 0 : i32
        %dma_start3A_262 = tpu.memref_slice %arg12[%add3A_181, %dma_start3A_261] : memref<50x80xi32, #tpu.memory_space<vmem>> -> memref<1x80xi32, #tpu.memory_space<vmem>>
        %dma_start3A_263 = tpu.memref_squeeze %dma_start3A_262 : memref<1x80xi32, #tpu.memory_space<vmem>> -> memref<80xi32, #tpu.memory_space<vmem>>
        %dma_start3A_264 = arith.constant 0 : i32
        %dma_start3A_265 = arith.constant 0 : i32
        %dma_start3A_266 = tpu.memref_slice %arg28[%dma_start3A_264, %dma_start3A_265] : memref<10240x64xf32, #tpu.memory_space<vmem_shared>> -> memref<10240x64xf32, #tpu.memory_space<vmem_shared>>
        tpu.enqueue_indirect_dma source(%arg22 : memref<80x64xf32, #tpu.memory_space<vmem>>) target(%dma_start3A_266 : memref<10240x64xf32, #tpu.memory_space<vmem_shared>>) offsets(%dma_start3A_263 : memref<80xi32, #tpu.memory_space<vmem>>) semaphore(%arg33 : memref<!tpu.dma_semaphore, #tpu.memory_space<semaphore_mem>>) {add = true}
        %dma_start3A_267 = arith.constant 0 : i32
        %dma_start3A_268 = tpu.memref_slice %arg12[%add3A_181, %dma_start3A_267] : memref<50x80xi32, #tpu.memory_space<vmem>> -> memref<1x80xi32, #tpu.memory_space<vmem>>
        %dma_start3A_269 = tpu.memref_squeeze %dma_start3A_268 : memref<1x80xi32, #tpu.memory_space<vmem>> -> memref<80xi32, #tpu.memory_space<vmem>>
        %dma_start3A_270 = arith.constant 0 : i32
        %dma_start3A_271 = arith.constant 0 : i32
        %dma_start3A_272 = tpu.memref_slice %arg29[%dma_start3A_270, %dma_start3A_271] : memref<10240x16xf32, #tpu.memory_space<vmem_shared>> -> memref<10240x16xf32, #tpu.memory_space<vmem_shared>>
        tpu.enqueue_indirect_dma source(%arg23 : memref<80x16xf32, #tpu.memory_space<vmem>>) target(%dma_start3A_272 : memref<10240x16xf32, #tpu.memory_space<vmem_shared>>) offsets(%dma_start3A_269 : memref<80xi32, #tpu.memory_space<vmem>>) semaphore(%arg33 : memref<!tpu.dma_semaphore, #tpu.memory_space<semaphore_mem>>) {add = true}
        %scan3A_273 = arith.constant 0 : i32
        scf.yield %scan3A_273 : i32
      }
      %scan3A_147 = arith.constant 25 : i32
      %dma_wait3A = arith.constant 48 : i32
      %dma_wait3A_148 = arith.constant 0 : i32
      %dma_wait3A_149 = tpu.memref_slice %arg12[%dma_wait3A, %dma_wait3A_148] : memref<50x80xi32, #tpu.memory_space<vmem>> -> memref<1x80xi32, #tpu.memory_space<vmem>>
      %dma_wait3A_150 = tpu.memref_squeeze %dma_wait3A_149 : memref<1x80xi32, #tpu.memory_space<vmem>> -> memref<80xi32, #tpu.memory_space<vmem>>
      %dma_wait3A_151 = arith.constant 0 : i32
      %dma_wait3A_152 = arith.constant 0 : i32
      %dma_wait3A_153 = tpu.memref_slice %arg28[%dma_wait3A_151, %dma_wait3A_152] : memref<10240x64xf32, #tpu.memory_space<vmem_shared>> -> memref<10240x64xf32, #tpu.memory_space<vmem_shared>>
      tpu.wait_indirect_dma semaphore(%arg32 : memref<!tpu.dma_semaphore, #tpu.memory_space<semaphore_mem>>) src(%arg18 : memref<80x64xf32, #tpu.memory_space<vmem>>) dst(%dma_wait3A_153 : memref<10240x64xf32, #tpu.memory_space<vmem_shared>>)
      %dma_wait3A_154 = arith.constant 48 : i32
      %dma_wait3A_155 = arith.constant 0 : i32
      %dma_wait3A_156 = tpu.memref_slice %arg12[%dma_wait3A_154, %dma_wait3A_155] : memref<50x80xi32, #tpu.memory_space<vmem>> -> memref<1x80xi32, #tpu.memory_space<vmem>>
      %dma_wait3A_157 = tpu.memref_squeeze %dma_wait3A_156 : memref<1x80xi32, #tpu.memory_space<vmem>> -> memref<80xi32, #tpu.memory_space<vmem>>
      %dma_wait3A_158 = arith.constant 0 : i32
      %dma_wait3A_159 = arith.constant 0 : i32
      %dma_wait3A_160 = tpu.memref_slice %arg29[%dma_wait3A_158, %dma_wait3A_159] : memref<10240x16xf32, #tpu.memory_space<vmem_shared>> -> memref<10240x16xf32, #tpu.memory_space<vmem_shared>>
      tpu.wait_indirect_dma semaphore(%arg32 : memref<!tpu.dma_semaphore, #tpu.memory_space<semaphore_mem>>) src(%arg19 : memref<80x16xf32, #tpu.memory_space<vmem>>) dst(%dma_wait3A_160 : memref<10240x16xf32, #tpu.memory_space<vmem_shared>>)
      %dma_wait3A_161 = arith.constant 49 : i32
      %dma_wait3A_162 = arith.constant 0 : i32
      %dma_wait3A_163 = tpu.memref_slice %arg12[%dma_wait3A_161, %dma_wait3A_162] : memref<50x80xi32, #tpu.memory_space<vmem>> -> memref<1x80xi32, #tpu.memory_space<vmem>>
      %dma_wait3A_164 = tpu.memref_squeeze %dma_wait3A_163 : memref<1x80xi32, #tpu.memory_space<vmem>> -> memref<80xi32, #tpu.memory_space<vmem>>
      %dma_wait3A_165 = arith.constant 0 : i32
      %dma_wait3A_166 = arith.constant 0 : i32
      %dma_wait3A_167 = tpu.memref_slice %arg28[%dma_wait3A_165, %dma_wait3A_166] : memref<10240x64xf32, #tpu.memory_space<vmem_shared>> -> memref<10240x64xf32, #tpu.memory_space<vmem_shared>>
      tpu.wait_indirect_dma semaphore(%arg33 : memref<!tpu.dma_semaphore, #tpu.memory_space<semaphore_mem>>) src(%arg22 : memref<80x64xf32, #tpu.memory_space<vmem>>) dst(%dma_wait3A_167 : memref<10240x64xf32, #tpu.memory_space<vmem_shared>>)
      %dma_wait3A_168 = arith.constant 49 : i32
      %dma_wait3A_169 = arith.constant 0 : i32
      %dma_wait3A_170 = tpu.memref_slice %arg12[%dma_wait3A_168, %dma_wait3A_169] : memref<50x80xi32, #tpu.memory_space<vmem>> -> memref<1x80xi32, #tpu.memory_space<vmem>>
      %dma_wait3A_171 = tpu.memref_squeeze %dma_wait3A_170 : memref<1x80xi32, #tpu.memory_space<vmem>> -> memref<80xi32, #tpu.memory_space<vmem>>
      %dma_wait3A_172 = arith.constant 0 : i32
      %dma_wait3A_173 = arith.constant 0 : i32
      %dma_wait3A_174 = tpu.memref_slice %arg29[%dma_wait3A_172, %dma_wait3A_173] : memref<10240x16xf32, #tpu.memory_space<vmem_shared>> -> memref<10240x16xf32, #tpu.memory_space<vmem_shared>>
      tpu.wait_indirect_dma semaphore(%arg33 : memref<!tpu.dma_semaphore, #tpu.memory_space<semaphore_mem>>) src(%arg23 : memref<80x16xf32, #tpu.memory_space<vmem>>) dst(%dma_wait3A_174 : memref<10240x16xf32, #tpu.memory_space<vmem_shared>>)
      %scan3A_175 = arith.constant 0 : i32
      scf.yield %scan3A_175 : i32
    }
    %scan3A_102 = arith.constant 5 : i32
    %barrier3A_103 = arith.constant 0 : index
    tpu.barrier barrier_id(%barrier3A_103)
    %scan3A_104 = arith.constant 0 : i32
    %scan3A_105 = arith.constant 0 : i32
    %scan3A_106 = arith.constant 5 : i32
    %scan3A_107 = arith.addi %scan3A_105, %scan3A_106 : i32
    %scan3A_108 = arith.constant 1 : i32
    %scan3A_109 = scf.for %scan3A_111 = %scan3A_105 to %scan3A_107 step %scan3A_108 iter_args(%scan3A_112 = %scan3A_104) -> (i32)  : i32 {
      %mul3A_113 = arith.constant 128 : i32
      %mul3A_114 = arith.muli %scan3A_111, %mul3A_113 : i32
      %add3A_115 = arith.addi %mul3A_86, %mul3A_114 : i32
      %multiple_of3A = tpu.assume_multiple %add3A_115, 8 : i32
      "tpu.region"() ({
        %run_scoped3A = tpu.sem_alloc : memref<!tpu.dma_semaphore, #tpu.memory_space<semaphore_mem>>
        %dma_start3A = arith.constant 0 : i32
        %dma_start3A_125 = tpu.memref_slice %arg28[%multiple_of3A, %dma_start3A] : memref<10240x64xf32, #tpu.memory_space<vmem_shared>> -> memref<128x64xf32, #tpu.memory_space<vmem_shared>>
        %dma_start3A_126 = arith.constant 0 : i32
        %dma_start3A_127 = tpu.memref_slice %arg28[%multiple_of3A, %dma_start3A_126] : memref<10240x64xf32, #tpu.memory_space<vmem_shared>> -> memref<128x64xf32, #tpu.memory_space<vmem_shared>>
        tpu.enqueue_dma source(%dma_start3A_127 : memref<128x64xf32, #tpu.memory_space<vmem_shared>>) target(%arg26 : memref<128x64xf32, #tpu.memory_space<vmem>>) target_semaphore(%run_scoped3A : memref<!tpu.dma_semaphore, #tpu.memory_space<semaphore_mem>>)
        %dma_wait3A = arith.constant 0 : i32
        %dma_wait3A_128 = tpu.memref_slice %arg28[%multiple_of3A, %dma_wait3A] : memref<10240x64xf32, #tpu.memory_space<vmem_shared>> -> memref<128x64xf32, #tpu.memory_space<vmem_shared>>
        %dma_wait3A_129 = arith.constant 0 : i32
        %dma_wait3A_130 = tpu.memref_slice %arg28[%multiple_of3A, %dma_wait3A_129] : memref<10240x64xf32, #tpu.memory_space<vmem_shared>> -> memref<128x64xf32, #tpu.memory_space<vmem_shared>>
        tpu.wait_dma2 semaphore(%run_scoped3A : memref<!tpu.dma_semaphore, #tpu.memory_space<semaphore_mem>>) src(%dma_wait3A_130 : memref<128x64xf32, #tpu.memory_space<vmem_shared>>) dst(%arg26 : memref<128x64xf32, #tpu.memory_space<vmem>>)
        tpu.yield
      }) : () -> ()
      %mul3A_116 = arith.constant 10240 : i32
      %mul3A_117 = arith.muli %arg0, %mul3A_116 : i32
      %add3A_118 = arith.addi %mul3A_117, %multiple_of3A : i32
      %multiple_of3A_119 = tpu.assume_multiple %add3A_118, 8 : i32
      "tpu.region"() ({
        %run_scoped3A = tpu.sem_alloc : memref<!tpu.dma_semaphore, #tpu.memory_space<semaphore_mem>>
        %dma_start3A = arith.constant 0 : i32
        %dma_start3A_125 = tpu.memref_slice %arg9[%multiple_of3A_119, %dma_start3A] : memref<20480x64xf32, #tpu.memory_space<hbm>> -> memref<128x64xf32, #tpu.memory_space<hbm>>
        %dma_start3A_126 = arith.constant 0 : i32
        %dma_start3A_127 = tpu.memref_slice %arg9[%multiple_of3A_119, %dma_start3A_126] : memref<20480x64xf32, #tpu.memory_space<hbm>> -> memref<128x64xf32, #tpu.memory_space<hbm>>
        tpu.enqueue_dma source(%arg26 : memref<128x64xf32, #tpu.memory_space<vmem>>) target(%dma_start3A_127 : memref<128x64xf32, #tpu.memory_space<hbm>>) target_semaphore(%run_scoped3A : memref<!tpu.dma_semaphore, #tpu.memory_space<semaphore_mem>>)
        %dma_wait3A = arith.constant 0 : i32
        %dma_wait3A_128 = tpu.memref_slice %arg9[%multiple_of3A_119, %dma_wait3A] : memref<20480x64xf32, #tpu.memory_space<hbm>> -> memref<128x64xf32, #tpu.memory_space<hbm>>
        %dma_wait3A_129 = arith.constant 0 : i32
        %dma_wait3A_130 = tpu.memref_slice %arg9[%multiple_of3A_119, %dma_wait3A_129] : memref<20480x64xf32, #tpu.memory_space<hbm>> -> memref<128x64xf32, #tpu.memory_space<hbm>>
        tpu.wait_dma2 semaphore(%run_scoped3A : memref<!tpu.dma_semaphore, #tpu.memory_space<semaphore_mem>>) src(%arg26 : memref<128x64xf32, #tpu.memory_space<vmem>>) dst(%dma_wait3A_130 : memref<128x64xf32, #tpu.memory_space<hbm>>)
        tpu.yield
      }) : () -> ()
      "tpu.region"() ({
        %run_scoped3A = tpu.sem_alloc : memref<!tpu.dma_semaphore, #tpu.memory_space<semaphore_mem>>
        %dma_start3A = arith.constant 0 : i32
        %dma_start3A_125 = tpu.memref_slice %arg29[%multiple_of3A, %dma_start3A] : memref<10240x16xf32, #tpu.memory_space<vmem_shared>> -> memref<128x16xf32, #tpu.memory_space<vmem_shared>>
        %dma_start3A_126 = arith.constant 0 : i32
        %dma_start3A_127 = tpu.memref_slice %arg29[%multiple_of3A, %dma_start3A_126] : memref<10240x16xf32, #tpu.memory_space<vmem_shared>> -> memref<128x16xf32, #tpu.memory_space<vmem_shared>>
        tpu.enqueue_dma source(%dma_start3A_127 : memref<128x16xf32, #tpu.memory_space<vmem_shared>>) target(%arg27 : memref<128x16xf32, #tpu.memory_space<vmem>>) target_semaphore(%run_scoped3A : memref<!tpu.dma_semaphore, #tpu.memory_space<semaphore_mem>>)
        %dma_wait3A = arith.constant 0 : i32
        %dma_wait3A_128 = tpu.memref_slice %arg29[%multiple_of3A, %dma_wait3A] : memref<10240x16xf32, #tpu.memory_space<vmem_shared>> -> memref<128x16xf32, #tpu.memory_space<vmem_shared>>
        %dma_wait3A_129 = arith.constant 0 : i32
        %dma_wait3A_130 = tpu.memref_slice %arg29[%multiple_of3A, %dma_wait3A_129] : memref<10240x16xf32, #tpu.memory_space<vmem_shared>> -> memref<128x16xf32, #tpu.memory_space<vmem_shared>>
        tpu.wait_dma2 semaphore(%run_scoped3A : memref<!tpu.dma_semaphore, #tpu.memory_space<semaphore_mem>>) src(%dma_wait3A_130 : memref<128x16xf32, #tpu.memory_space<vmem_shared>>) dst(%arg27 : memref<128x16xf32, #tpu.memory_space<vmem>>)
        tpu.yield
      }) : () -> ()
      %mul3A_120 = arith.constant 10240 : i32
      %mul3A_121 = arith.muli %arg0, %mul3A_120 : i32
      %add3A_122 = arith.addi %mul3A_121, %multiple_of3A : i32
      %multiple_of3A_123 = tpu.assume_multiple %add3A_122, 8 : i32
      "tpu.region"() ({
        %run_scoped3A = tpu.sem_alloc : memref<!tpu.dma_semaphore, #tpu.memory_space<semaphore_mem>>
        %dma_start3A = arith.constant 0 : i32
        %dma_start3A_125 = tpu.memref_slice %arg10[%multiple_of3A_123, %dma_start3A] : memref<20480x16xf32, #tpu.memory_space<hbm>> -> memref<128x16xf32, #tpu.memory_space<hbm>>
        %dma_start3A_126 = arith.constant 0 : i32
        %dma_start3A_127 = tpu.memref_slice %arg10[%multiple_of3A_123, %dma_start3A_126] : memref<20480x16xf32, #tpu.memory_space<hbm>> -> memref<128x16xf32, #tpu.memory_space<hbm>>
        tpu.enqueue_dma source(%arg27 : memref<128x16xf32, #tpu.memory_space<vmem>>) target(%dma_start3A_127 : memref<128x16xf32, #tpu.memory_space<hbm>>) target_semaphore(%run_scoped3A : memref<!tpu.dma_semaphore, #tpu.memory_space<semaphore_mem>>)
        %dma_wait3A = arith.constant 0 : i32
        %dma_wait3A_128 = tpu.memref_slice %arg10[%multiple_of3A_123, %dma_wait3A] : memref<20480x16xf32, #tpu.memory_space<hbm>> -> memref<128x16xf32, #tpu.memory_space<hbm>>
        %dma_wait3A_129 = arith.constant 0 : i32
        %dma_wait3A_130 = tpu.memref_slice %arg10[%multiple_of3A_123, %dma_wait3A_129] : memref<20480x16xf32, #tpu.memory_space<hbm>> -> memref<128x16xf32, #tpu.memory_space<hbm>>
        tpu.wait_dma2 semaphore(%run_scoped3A : memref<!tpu.dma_semaphore, #tpu.memory_space<semaphore_mem>>) src(%arg27 : memref<128x16xf32, #tpu.memory_space<vmem>>) dst(%dma_wait3A_130 : memref<128x16xf32, #tpu.memory_space<hbm>>)
        tpu.yield
      }) : () -> ()
      %scan3A_124 = arith.constant 0 : i32
      scf.yield %scan3A_124 : i32
    }
    %scan3A_110 = arith.constant 5 : i32
    return
  }
}

#map = affine_map<(d0, d1) -> (0, 0)>
#map1 = affine_map<(d0, d1) -> (0, 0, 0)>
module attributes {stable_mosaic.version = 14 : i64} {
  func.func @ek(%arg0: i32, %arg1: i32, %arg2: memref<10000x64xf32, #tpu.memory_space<hbm>>, %arg3: memref<10000x64xf32, #tpu.memory_space<hbm>>, %arg4: memref<8000x40xi32, #tpu.memory_space<hbm>>, %arg5: memref<8000x40xi32, #tpu.memory_space<hbm>>, %arg6: memref<2x320000xf32, #tpu.memory_space<hbm>>, %arg7: memref<1x2x64xf32, #tpu.memory_space<hbm>>, %arg8: memref<1x64xf32, #tpu.memory_space<hbm>>, %arg9: memref<20480x64xf32, #tpu.memory_space<hbm>>, %arg10: memref<20480x16xf32, #tpu.memory_space<hbm>>, %arg11: memref<50x40xi32, #tpu.memory_space<vmem>>, %arg12: memref<50x40xi32, #tpu.memory_space<vmem>>, %arg13: memref<50x40xi32, #tpu.memory_space<vmem>>, %arg14: memref<2000xf32, #tpu.memory_space<vmem>>, %arg15: memref<2000xf32, #tpu.memory_space<vmem>>, %arg16: memref<40x64xf32, #tpu.memory_space<vmem>>, %arg17: memref<40x64xf32, #tpu.memory_space<vmem>>, %arg18: memref<40x64xf32, #tpu.memory_space<vmem>>, %arg19: memref<40x16xf32, #tpu.memory_space<vmem>>, %arg20: memref<40x64xf32, #tpu.memory_space<vmem>>, %arg21: memref<40x64xf32, #tpu.memory_space<vmem>>, %arg22: memref<40x64xf32, #tpu.memory_space<vmem>>, %arg23: memref<40x16xf32, #tpu.memory_space<vmem>>, %arg24: memref<1x2x64xf32, #tpu.memory_space<vmem>>, %arg25: memref<1x64xf32, #tpu.memory_space<vmem>>, %arg26: memref<128x64xf32, #tpu.memory_space<vmem>>, %arg27: memref<128x16xf32, #tpu.memory_space<vmem>>, %arg28: memref<10240x64xf32, #tpu.memory_space<vmem_shared>>, %arg29: memref<10240x16xf32, #tpu.memory_space<vmem_shared>>, %arg30: memref<!tpu.dma_semaphore, #tpu.memory_space<semaphore_mem>>, %arg31: memref<!tpu.dma_semaphore, #tpu.memory_space<semaphore_mem>>, %arg32: memref<!tpu.dma_semaphore, #tpu.memory_space<semaphore_mem>>, %arg33: memref<!tpu.dma_semaphore, #tpu.memory_space<semaphore_mem>>) attributes {dimension_semantics = [#tpu.dimension_semantics<core_parallel>, #tpu.dimension_semantics<subcore_parallel>], iteration_bounds = array<i64: 2, 16>, scalar_prefetch = 0 : i64, scratch_operands = 23 : i64, tpu.core_type = #tpu.core_type<sc_vector_subcore>, window_params = [{transform_indices = #map}, {transform_indices = #map}, {transform_indices = #map}, {transform_indices = #map}, {transform_indices = #map}, {transform_indices = #map1}, {transform_indices = #map}, {transform_indices = #map}, {transform_indices = #map}]} {
    %mul3A = arith.constant 16 : i32
    %mul3A_0 = arith.muli %arg0, %mul3A : i32
    %add3A = arith.addi %mul3A_0, %arg1 : i32
    %iota3A = tpu.iota {dimensions = array<i32: 0>} : vector<16xi32>
    %broadcast_in_dim3A = arith.constant 0.000000e+00 : f32
    %broadcast_in_dim3A_1 = vector.broadcast %broadcast_in_dim3A : f32 to vector<16xf32>
    "tpu.region"() ({
      %run_scoped3A = tpu.sem_alloc : memref<!tpu.dma_semaphore, #tpu.memory_space<semaphore_mem>>
      %dma_start3A = arith.constant 0 : i32
      %dma_start3A_108 = arith.constant 0 : i32
      %dma_start3A_109 = arith.constant 0 : i32
      %dma_start3A_110 = tpu.memref_slice %arg7[%dma_start3A, %dma_start3A_108, %dma_start3A_109] : memref<1x2x64xf32, #tpu.memory_space<hbm>> -> memref<1x2x64xf32, #tpu.memory_space<hbm>>
      %dma_start3A_111 = arith.constant 0 : i32
      %dma_start3A_112 = arith.constant 0 : i32
      %dma_start3A_113 = arith.constant 0 : i32
      %dma_start3A_114 = tpu.memref_slice %arg7[%dma_start3A_111, %dma_start3A_112, %dma_start3A_113] : memref<1x2x64xf32, #tpu.memory_space<hbm>> -> memref<1x2x64xf32, #tpu.memory_space<hbm>>
      tpu.enqueue_dma source(%dma_start3A_114 : memref<1x2x64xf32, #tpu.memory_space<hbm>>) target(%arg24 : memref<1x2x64xf32, #tpu.memory_space<vmem>>) target_semaphore(%run_scoped3A : memref<!tpu.dma_semaphore, #tpu.memory_space<semaphore_mem>>)
      %dma_wait3A = arith.constant 0 : i32
      %dma_wait3A_115 = arith.constant 0 : i32
      %dma_wait3A_116 = arith.constant 0 : i32
      %dma_wait3A_117 = tpu.memref_slice %arg7[%dma_wait3A, %dma_wait3A_115, %dma_wait3A_116] : memref<1x2x64xf32, #tpu.memory_space<hbm>> -> memref<1x2x64xf32, #tpu.memory_space<hbm>>
      %dma_wait3A_118 = arith.constant 0 : i32
      %dma_wait3A_119 = arith.constant 0 : i32
      %dma_wait3A_120 = arith.constant 0 : i32
      %dma_wait3A_121 = tpu.memref_slice %arg7[%dma_wait3A_118, %dma_wait3A_119, %dma_wait3A_120] : memref<1x2x64xf32, #tpu.memory_space<hbm>> -> memref<1x2x64xf32, #tpu.memory_space<hbm>>
      tpu.wait_dma2 semaphore(%run_scoped3A : memref<!tpu.dma_semaphore, #tpu.memory_space<semaphore_mem>>) src(%dma_wait3A_121 : memref<1x2x64xf32, #tpu.memory_space<hbm>>) dst(%arg24 : memref<1x2x64xf32, #tpu.memory_space<vmem>>)
      tpu.yield
    }) : () -> ()
    "tpu.region"() ({
      %run_scoped3A = tpu.sem_alloc : memref<!tpu.dma_semaphore, #tpu.memory_space<semaphore_mem>>
      %dma_start3A = arith.constant 0 : i32
      %dma_start3A_108 = arith.constant 0 : i32
      %dma_start3A_109 = tpu.memref_slice %arg8[%dma_start3A, %dma_start3A_108] : memref<1x64xf32, #tpu.memory_space<hbm>> -> memref<1x64xf32, #tpu.memory_space<hbm>>
      %dma_start3A_110 = arith.constant 0 : i32
      %dma_start3A_111 = arith.constant 0 : i32
      %dma_start3A_112 = tpu.memref_slice %arg8[%dma_start3A_110, %dma_start3A_111] : memref<1x64xf32, #tpu.memory_space<hbm>> -> memref<1x64xf32, #tpu.memory_space<hbm>>
      tpu.enqueue_dma source(%dma_start3A_112 : memref<1x64xf32, #tpu.memory_space<hbm>>) target(%arg25 : memref<1x64xf32, #tpu.memory_space<vmem>>) target_semaphore(%run_scoped3A : memref<!tpu.dma_semaphore, #tpu.memory_space<semaphore_mem>>)
      %dma_wait3A = arith.constant 0 : i32
      %dma_wait3A_113 = arith.constant 0 : i32
      %dma_wait3A_114 = tpu.memref_slice %arg8[%dma_wait3A, %dma_wait3A_113] : memref<1x64xf32, #tpu.memory_space<hbm>> -> memref<1x64xf32, #tpu.memory_space<hbm>>
      %dma_wait3A_115 = arith.constant 0 : i32
      %dma_wait3A_116 = arith.constant 0 : i32
      %dma_wait3A_117 = tpu.memref_slice %arg8[%dma_wait3A_115, %dma_wait3A_116] : memref<1x64xf32, #tpu.memory_space<hbm>> -> memref<1x64xf32, #tpu.memory_space<hbm>>
      tpu.wait_dma2 semaphore(%run_scoped3A : memref<!tpu.dma_semaphore, #tpu.memory_space<semaphore_mem>>) src(%dma_wait3A_117 : memref<1x64xf32, #tpu.memory_space<hbm>>) dst(%arg25 : memref<1x64xf32, #tpu.memory_space<vmem>>)
      tpu.yield
    }) : () -> ()
    %get3A = arith.constant 0 : i32
    %get3A_2 = arith.constant 0 : i32
    %get3A_3 = arith.index_cast %get3A : i32 to index
    %get3A_4 = arith.index_cast %get3A_2 : i32 to index
    %get3A_5 = arith.constant 0 : index
    %get3A_6 = tpu.vector_load %arg24[%get3A_3, %get3A_4, %get3A_5] {strides = array<i32>} : memref<1x2x64xf32, #tpu.memory_space<vmem>>, vector<16xf32>,
    %get3A_7 = arith.constant 0 : i32
    %get3A_8 = arith.constant 0 : i32
    %get3A_9 = arith.index_cast %get3A_7 : i32 to index
    %get3A_10 = arith.index_cast %get3A_8 : i32 to index
    %get3A_11 = arith.constant 16 : index
    %get3A_12 = tpu.vector_load %arg24[%get3A_9, %get3A_10, %get3A_11] {strides = array<i32>} : memref<1x2x64xf32, #tpu.memory_space<vmem>>, vector<16xf32>,
    %get3A_13 = arith.constant 0 : i32
    %get3A_14 = arith.constant 0 : i32
    %get3A_15 = arith.index_cast %get3A_13 : i32 to index
    %get3A_16 = arith.index_cast %get3A_14 : i32 to index
    %get3A_17 = arith.constant 32 : index
    %get3A_18 = tpu.vector_load %arg24[%get3A_15, %get3A_16, %get3A_17] {strides = array<i32>} : memref<1x2x64xf32, #tpu.memory_space<vmem>>, vector<16xf32>,
    %get3A_19 = arith.constant 0 : i32
    %get3A_20 = arith.constant 0 : i32
    %get3A_21 = arith.index_cast %get3A_19 : i32 to index
    %get3A_22 = arith.index_cast %get3A_20 : i32 to index
    %get3A_23 = arith.constant 48 : index
    %get3A_24 = tpu.vector_load %arg24[%get3A_21, %get3A_22, %get3A_23] {strides = array<i32>} : memref<1x2x64xf32, #tpu.memory_space<vmem>>, vector<16xf32>,
    %get3A_25 = arith.constant 0 : i32
    %get3A_26 = arith.constant 1 : i32
    %get3A_27 = arith.index_cast %get3A_25 : i32 to index
    %get3A_28 = arith.index_cast %get3A_26 : i32 to index
    %get3A_29 = arith.constant 0 : index
    %get3A_30 = tpu.vector_load %arg24[%get3A_27, %get3A_28, %get3A_29] {strides = array<i32>} : memref<1x2x64xf32, #tpu.memory_space<vmem>>, vector<16xf32>,
    %get3A_31 = arith.constant 0 : i32
    %get3A_32 = arith.constant 1 : i32
    %get3A_33 = arith.index_cast %get3A_31 : i32 to index
    %get3A_34 = arith.index_cast %get3A_32 : i32 to index
    %get3A_35 = arith.constant 16 : index
    %get3A_36 = tpu.vector_load %arg24[%get3A_33, %get3A_34, %get3A_35] {strides = array<i32>} : memref<1x2x64xf32, #tpu.memory_space<vmem>>, vector<16xf32>,
    %get3A_37 = arith.constant 0 : i32
    %get3A_38 = arith.constant 1 : i32
    %get3A_39 = arith.index_cast %get3A_37 : i32 to index
    %get3A_40 = arith.index_cast %get3A_38 : i32 to index
    %get3A_41 = arith.constant 32 : index
    %get3A_42 = tpu.vector_load %arg24[%get3A_39, %get3A_40, %get3A_41] {strides = array<i32>} : memref<1x2x64xf32, #tpu.memory_space<vmem>>, vector<16xf32>,
    %get3A_43 = arith.constant 0 : i32
    %get3A_44 = arith.constant 1 : i32
    %get3A_45 = arith.index_cast %get3A_43 : i32 to index
    %get3A_46 = arith.index_cast %get3A_44 : i32 to index
    %get3A_47 = arith.constant 48 : index
    %get3A_48 = tpu.vector_load %arg24[%get3A_45, %get3A_46, %get3A_47] {strides = array<i32>} : memref<1x2x64xf32, #tpu.memory_space<vmem>>, vector<16xf32>,
    %get3A_49 = arith.constant 0 : i32
    %get3A_50 = arith.index_cast %get3A_49 : i32 to index
    %get3A_51 = arith.constant 0 : index
    %get3A_52 = tpu.vector_load %arg25[%get3A_50, %get3A_51] {strides = array<i32>} : memref<1x64xf32, #tpu.memory_space<vmem>>, vector<16xf32>,
    %get3A_53 = arith.constant 0 : i32
    %get3A_54 = arith.index_cast %get3A_53 : i32 to index
    %get3A_55 = arith.constant 16 : index
    %get3A_56 = tpu.vector_load %arg25[%get3A_54, %get3A_55] {strides = array<i32>} : memref<1x64xf32, #tpu.memory_space<vmem>>, vector<16xf32>,
    %get3A_57 = arith.constant 0 : i32
    %get3A_58 = arith.index_cast %get3A_57 : i32 to index
    %get3A_59 = arith.constant 32 : index
    %get3A_60 = tpu.vector_load %arg25[%get3A_58, %get3A_59] {strides = array<i32>} : memref<1x64xf32, #tpu.memory_space<vmem>>, vector<16xf32>,
    %get3A_61 = arith.constant 0 : i32
    %get3A_62 = arith.index_cast %get3A_61 : i32 to index
    %get3A_63 = arith.constant 48 : index
    %get3A_64 = tpu.vector_load %arg25[%get3A_62, %get3A_63] {strides = array<i32>} : memref<1x64xf32, #tpu.memory_space<vmem>>, vector<16xf32>,
    %eq3A = arith.constant 0 : i32
    %eq3A_65 = vector.broadcast %eq3A : i32 to vector<16xi32>
    %eq3A_66 = arith.cmpi eq, %iota3A, %eq3A_65 : vector<16xi32>
    %eq3A_67 = arith.constant 1 : i32
    %eq3A_68 = vector.broadcast %eq3A_67 : i32 to vector<16xi32>
    %eq3A_69 = arith.cmpi eq, %iota3A, %eq3A_68 : vector<16xi32>
    %eq3A_70 = arith.constant 2 : i32
    %eq3A_71 = vector.broadcast %eq3A_70 : i32 to vector<16xi32>
    %eq3A_72 = arith.cmpi eq, %iota3A, %eq3A_71 : vector<16xi32>
    %eq3A_73 = arith.constant 3 : i32
    %eq3A_74 = vector.broadcast %eq3A_73 : i32 to vector<16xi32>
    %eq3A_75 = arith.cmpi eq, %iota3A, %eq3A_74 : vector<16xi32>
    %scan3A = arith.constant 0 : i32
    %scan3A_76 = arith.constant 0 : i32
    %scan3A_77 = arith.constant 128 : i32
    %scan3A_78 = arith.addi %scan3A_76, %scan3A_77 : i32
    %scan3A_79 = arith.constant 1 : i32
    %scan3A_80 = scf.for %scan3A_108 = %scan3A_76 to %scan3A_78 step %scan3A_79 iter_args(%scan3A_109 = %scan3A) -> (i32)  : i32 {
      %swap3A = arith.index_cast %scan3A_108 : i32 to index
      %swap3A_110 = arith.constant 0 : index
      %swap3A_111 = tpu.vector_load %arg26[%swap3A, %swap3A_110] {strides = array<i32>} : memref<128x64xf32, #tpu.memory_space<vmem>>, vector<16xf32>,
      tpu.vector_store %arg26[%swap3A, %swap3A_110], %broadcast_in_dim3A_1 {strides = array<i32>} : memref<128x64xf32, #tpu.memory_space<vmem>>, vector<16xf32>,
      %swap3A_112 = arith.index_cast %scan3A_108 : i32 to index
      %swap3A_113 = arith.constant 16 : index
      %swap3A_114 = tpu.vector_load %arg26[%swap3A_112, %swap3A_113] {strides = array<i32>} : memref<128x64xf32, #tpu.memory_space<vmem>>, vector<16xf32>,
      tpu.vector_store %arg26[%swap3A_112, %swap3A_113], %broadcast_in_dim3A_1 {strides = array<i32>} : memref<128x64xf32, #tpu.memory_space<vmem>>, vector<16xf32>,
      %swap3A_115 = arith.index_cast %scan3A_108 : i32 to index
      %swap3A_116 = arith.constant 32 : index
      %swap3A_117 = tpu.vector_load %arg26[%swap3A_115, %swap3A_116] {strides = array<i32>} : memref<128x64xf32, #tpu.memory_space<vmem>>, vector<16xf32>,
      tpu.vector_store %arg26[%swap3A_115, %swap3A_116], %broadcast_in_dim3A_1 {strides = array<i32>} : memref<128x64xf32, #tpu.memory_space<vmem>>, vector<16xf32>,
      %swap3A_118 = arith.index_cast %scan3A_108 : i32 to index
      %swap3A_119 = arith.constant 48 : index
      %swap3A_120 = tpu.vector_load %arg26[%swap3A_118, %swap3A_119] {strides = array<i32>} : memref<128x64xf32, #tpu.memory_space<vmem>>, vector<16xf32>,
      tpu.vector_store %arg26[%swap3A_118, %swap3A_119], %broadcast_in_dim3A_1 {strides = array<i32>} : memref<128x64xf32, #tpu.memory_space<vmem>>, vector<16xf32>,
      %swap3A_121 = arith.index_cast %scan3A_108 : i32 to index
      %swap3A_122 = arith.constant 0 : index
      %swap3A_123 = tpu.vector_load %arg27[%swap3A_121, %swap3A_122] {strides = array<i32>} : memref<128x16xf32, #tpu.memory_space<vmem>>, vector<16xf32>,
      tpu.vector_store %arg27[%swap3A_121, %swap3A_122], %broadcast_in_dim3A_1 {strides = array<i32>} : memref<128x16xf32, #tpu.memory_space<vmem>>, vector<16xf32>,
      %scan3A_124 = arith.constant 0 : i32
      scf.yield %scan3A_124 : i32
    }
    %scan3A_81 = arith.constant 128 : i32
    %mul3A_82 = arith.constant 640 : i32
    %mul3A_83 = arith.muli %arg1, %mul3A_82 : i32
    %scan3A_84 = arith.constant 0 : i32
    %scan3A_85 = arith.constant 0 : i32
    %scan3A_86 = arith.constant 5 : i32
    %scan3A_87 = arith.addi %scan3A_85, %scan3A_86 : i32
    %scan3A_88 = arith.constant 1 : i32
    %scan3A_89 = scf.for %scan3A_108 = %scan3A_85 to %scan3A_87 step %scan3A_88 iter_args(%scan3A_109 = %scan3A_84) -> (i32)  : i32 {
      %mul3A_110 = arith.constant 128 : i32
      %mul3A_111 = arith.muli %scan3A_108, %mul3A_110 : i32
      %add3A_112 = arith.addi %mul3A_83, %mul3A_111 : i32
      %multiple_of3A = tpu.assume_multiple %add3A_112, 8 : i32
      "tpu.region"() ({
        %run_scoped3A = tpu.sem_alloc : memref<!tpu.dma_semaphore, #tpu.memory_space<semaphore_mem>>
        %dma_start3A = arith.constant 0 : i32
        %dma_start3A_114 = tpu.memref_slice %arg28[%multiple_of3A, %dma_start3A] : memref<10240x64xf32, #tpu.memory_space<vmem_shared>> -> memref<128x64xf32, #tpu.memory_space<vmem_shared>>
        %dma_start3A_115 = arith.constant 0 : i32
        %dma_start3A_116 = tpu.memref_slice %arg28[%multiple_of3A, %dma_start3A_115] : memref<10240x64xf32, #tpu.memory_space<vmem_shared>> -> memref<128x64xf32, #tpu.memory_space<vmem_shared>>
        tpu.enqueue_dma source(%arg26 : memref<128x64xf32, #tpu.memory_space<vmem>>) target(%dma_start3A_116 : memref<128x64xf32, #tpu.memory_space<vmem_shared>>) target_semaphore(%run_scoped3A : memref<!tpu.dma_semaphore, #tpu.memory_space<semaphore_mem>>)
        %dma_wait3A = arith.constant 0 : i32
        %dma_wait3A_117 = tpu.memref_slice %arg28[%multiple_of3A, %dma_wait3A] : memref<10240x64xf32, #tpu.memory_space<vmem_shared>> -> memref<128x64xf32, #tpu.memory_space<vmem_shared>>
        %dma_wait3A_118 = arith.constant 0 : i32
        %dma_wait3A_119 = tpu.memref_slice %arg28[%multiple_of3A, %dma_wait3A_118] : memref<10240x64xf32, #tpu.memory_space<vmem_shared>> -> memref<128x64xf32, #tpu.memory_space<vmem_shared>>
        tpu.wait_dma2 semaphore(%run_scoped3A : memref<!tpu.dma_semaphore, #tpu.memory_space<semaphore_mem>>) src(%arg26 : memref<128x64xf32, #tpu.memory_space<vmem>>) dst(%dma_wait3A_119 : memref<128x64xf32, #tpu.memory_space<vmem_shared>>)
        tpu.yield
      }) : () -> ()
      "tpu.region"() ({
        %run_scoped3A = tpu.sem_alloc : memref<!tpu.dma_semaphore, #tpu.memory_space<semaphore_mem>>
        %dma_start3A = arith.constant 0 : i32
        %dma_start3A_114 = tpu.memref_slice %arg29[%multiple_of3A, %dma_start3A] : memref<10240x16xf32, #tpu.memory_space<vmem_shared>> -> memref<128x16xf32, #tpu.memory_space<vmem_shared>>
        %dma_start3A_115 = arith.constant 0 : i32
        %dma_start3A_116 = tpu.memref_slice %arg29[%multiple_of3A, %dma_start3A_115] : memref<10240x16xf32, #tpu.memory_space<vmem_shared>> -> memref<128x16xf32, #tpu.memory_space<vmem_shared>>
        tpu.enqueue_dma source(%arg27 : memref<128x16xf32, #tpu.memory_space<vmem>>) target(%dma_start3A_116 : memref<128x16xf32, #tpu.memory_space<vmem_shared>>) target_semaphore(%run_scoped3A : memref<!tpu.dma_semaphore, #tpu.memory_space<semaphore_mem>>)
        %dma_wait3A = arith.constant 0 : i32
        %dma_wait3A_117 = tpu.memref_slice %arg29[%multiple_of3A, %dma_wait3A] : memref<10240x16xf32, #tpu.memory_space<vmem_shared>> -> memref<128x16xf32, #tpu.memory_space<vmem_shared>>
        %dma_wait3A_118 = arith.constant 0 : i32
        %dma_wait3A_119 = tpu.memref_slice %arg29[%multiple_of3A, %dma_wait3A_118] : memref<10240x16xf32, #tpu.memory_space<vmem_shared>> -> memref<128x16xf32, #tpu.memory_space<vmem_shared>>
        tpu.wait_dma2 semaphore(%run_scoped3A : memref<!tpu.dma_semaphore, #tpu.memory_space<semaphore_mem>>) src(%arg27 : memref<128x16xf32, #tpu.memory_space<vmem>>) dst(%dma_wait3A_119 : memref<128x16xf32, #tpu.memory_space<vmem_shared>>)
        tpu.yield
      }) : () -> ()
      %scan3A_113 = arith.constant 0 : i32
      scf.yield %scan3A_113 : i32
    }
    %scan3A_90 = arith.constant 5 : i32
    %barrier3A = arith.constant 0 : index
    tpu.barrier barrier_id(%barrier3A)
    %mul3A_91 = arith.constant 250 : i32
    %mul3A_92 = arith.muli %add3A, %mul3A_91 : i32
    %scan3A_93 = arith.constant 0 : i32
    %scan3A_94 = arith.constant 0 : i32
    %scan3A_95 = arith.constant 5 : i32
    %scan3A_96 = arith.addi %scan3A_94, %scan3A_95 : i32
    %scan3A_97 = arith.constant 1 : i32
    %scan3A_98 = scf.for %scan3A_108 = %scan3A_94 to %scan3A_96 step %scan3A_97 iter_args(%scan3A_109 = %scan3A_93) -> (i32)  : i32 {
      %mul3A_110 = arith.constant 50 : i32
      %mul3A_111 = arith.muli %scan3A_108, %mul3A_110 : i32
      %add3A_112 = arith.addi %mul3A_92, %mul3A_111 : i32
      %mul3A_113 = arith.constant 40 : i32
      %mul3A_114 = arith.muli %add3A_112, %mul3A_113 : i32
      "tpu.region"() ({
        %run_scoped3A_164 = tpu.sem_alloc : memref<!tpu.dma_semaphore, #tpu.memory_space<semaphore_mem>>
        %dma_start3A_165 = arith.constant 0 : i32
        %dma_start3A_166 = tpu.memref_slice %arg4[%add3A_112, %dma_start3A_165] : memref<8000x40xi32, #tpu.memory_space<hbm>> -> memref<50x40xi32, #tpu.memory_space<hbm>>
        %dma_start3A_167 = arith.constant 0 : i32
        %dma_start3A_168 = tpu.memref_slice %arg4[%add3A_112, %dma_start3A_167] : memref<8000x40xi32, #tpu.memory_space<hbm>> -> memref<50x40xi32, #tpu.memory_space<hbm>>
        tpu.enqueue_dma source(%dma_start3A_168 : memref<50x40xi32, #tpu.memory_space<hbm>>) target(%arg11 : memref<50x40xi32, #tpu.memory_space<vmem>>) target_semaphore(%run_scoped3A_164 : memref<!tpu.dma_semaphore, #tpu.memory_space<semaphore_mem>>)
        %dma_wait3A_169 = arith.constant 0 : i32
        %dma_wait3A_170 = tpu.memref_slice %arg4[%add3A_112, %dma_wait3A_169] : memref<8000x40xi32, #tpu.memory_space<hbm>> -> memref<50x40xi32, #tpu.memory_space<hbm>>
        %dma_wait3A_171 = arith.constant 0 : i32
        %dma_wait3A_172 = tpu.memref_slice %arg4[%add3A_112, %dma_wait3A_171] : memref<8000x40xi32, #tpu.memory_space<hbm>> -> memref<50x40xi32, #tpu.memory_space<hbm>>
        tpu.wait_dma2 semaphore(%run_scoped3A_164 : memref<!tpu.dma_semaphore, #tpu.memory_space<semaphore_mem>>) src(%dma_wait3A_172 : memref<50x40xi32, #tpu.memory_space<hbm>>) dst(%arg11 : memref<50x40xi32, #tpu.memory_space<vmem>>)
        tpu.yield
      }) : () -> ()
      "tpu.region"() ({
        %run_scoped3A_164 = tpu.sem_alloc : memref<!tpu.dma_semaphore, #tpu.memory_space<semaphore_mem>>
        %dma_start3A_165 = arith.constant 0 : i32
        %dma_start3A_166 = tpu.memref_slice %arg5[%add3A_112, %dma_start3A_165] : memref<8000x40xi32, #tpu.memory_space<hbm>> -> memref<50x40xi32, #tpu.memory_space<hbm>>
        %dma_start3A_167 = arith.constant 0 : i32
        %dma_start3A_168 = tpu.memref_slice %arg5[%add3A_112, %dma_start3A_167] : memref<8000x40xi32, #tpu.memory_space<hbm>> -> memref<50x40xi32, #tpu.memory_space<hbm>>
        tpu.enqueue_dma source(%dma_start3A_168 : memref<50x40xi32, #tpu.memory_space<hbm>>) target(%arg12 : memref<50x40xi32, #tpu.memory_space<vmem>>) target_semaphore(%run_scoped3A_164 : memref<!tpu.dma_semaphore, #tpu.memory_space<semaphore_mem>>)
        %dma_wait3A_169 = arith.constant 0 : i32
        %dma_wait3A_170 = tpu.memref_slice %arg5[%add3A_112, %dma_wait3A_169] : memref<8000x40xi32, #tpu.memory_space<hbm>> -> memref<50x40xi32, #tpu.memory_space<hbm>>
        %dma_wait3A_171 = arith.constant 0 : i32
        %dma_wait3A_172 = tpu.memref_slice %arg5[%add3A_112, %dma_wait3A_171] : memref<8000x40xi32, #tpu.memory_space<hbm>> -> memref<50x40xi32, #tpu.memory_space<hbm>>
        tpu.wait_dma2 semaphore(%run_scoped3A_164 : memref<!tpu.dma_semaphore, #tpu.memory_space<semaphore_mem>>) src(%dma_wait3A_172 : memref<50x40xi32, #tpu.memory_space<hbm>>) dst(%arg12 : memref<50x40xi32, #tpu.memory_space<vmem>>)
        tpu.yield
      }) : () -> ()
      %run_scoped3A = arith.constant 0 : i32
      "tpu.region"() ({
        %run_scoped3A_164 = tpu.sem_alloc : memref<!tpu.dma_semaphore, #tpu.memory_space<semaphore_mem>>
        %dma_start3A_165 = tpu.memref_slice %arg6[%run_scoped3A, %mul3A_114] : memref<2x320000xf32, #tpu.memory_space<hbm>> -> memref<1x2000xf32, #tpu.memory_space<hbm>>
        %dma_start3A_166 = tpu.memref_squeeze %dma_start3A_165 : memref<1x2000xf32, #tpu.memory_space<hbm>> -> memref<2000xf32, #tpu.memory_space<hbm>>
        %dma_start3A_167 = tpu.memref_slice %arg6[%run_scoped3A, %mul3A_114] : memref<2x320000xf32, #tpu.memory_space<hbm>> -> memref<1x2000xf32, #tpu.memory_space<hbm>>
        %dma_start3A_168 = tpu.memref_squeeze %dma_start3A_167 : memref<1x2000xf32, #tpu.memory_space<hbm>> -> memref<2000xf32, #tpu.memory_space<hbm>>
        tpu.enqueue_dma source(%dma_start3A_168 : memref<2000xf32, #tpu.memory_space<hbm>>) target(%arg14 : memref<2000xf32, #tpu.memory_space<vmem>>) target_semaphore(%run_scoped3A_164 : memref<!tpu.dma_semaphore, #tpu.memory_space<semaphore_mem>>)
        %dma_wait3A_169 = tpu.memref_slice %arg6[%run_scoped3A, %mul3A_114] : memref<2x320000xf32, #tpu.memory_space<hbm>> -> memref<1x2000xf32, #tpu.memory_space<hbm>>
        %dma_wait3A_170 = tpu.memref_squeeze %dma_wait3A_169 : memref<1x2000xf32, #tpu.memory_space<hbm>> -> memref<2000xf32, #tpu.memory_space<hbm>>
        %dma_wait3A_171 = tpu.memref_slice %arg6[%run_scoped3A, %mul3A_114] : memref<2x320000xf32, #tpu.memory_space<hbm>> -> memref<1x2000xf32, #tpu.memory_space<hbm>>
        %dma_wait3A_172 = tpu.memref_squeeze %dma_wait3A_171 : memref<1x2000xf32, #tpu.memory_space<hbm>> -> memref<2000xf32, #tpu.memory_space<hbm>>
        tpu.wait_dma2 semaphore(%run_scoped3A_164 : memref<!tpu.dma_semaphore, #tpu.memory_space<semaphore_mem>>) src(%dma_wait3A_172 : memref<2000xf32, #tpu.memory_space<hbm>>) dst(%arg14 : memref<2000xf32, #tpu.memory_space<vmem>>)
        tpu.yield
      }) : () -> ()
      %run_scoped3A_115 = arith.constant 1 : i32
      "tpu.region"() ({
        %run_scoped3A_164 = tpu.sem_alloc : memref<!tpu.dma_semaphore, #tpu.memory_space<semaphore_mem>>
        %dma_start3A_165 = tpu.memref_slice %arg6[%run_scoped3A_115, %mul3A_114] : memref<2x320000xf32, #tpu.memory_space<hbm>> -> memref<1x2000xf32, #tpu.memory_space<hbm>>
        %dma_start3A_166 = tpu.memref_squeeze %dma_start3A_165 : memref<1x2000xf32, #tpu.memory_space<hbm>> -> memref<2000xf32, #tpu.memory_space<hbm>>
        %dma_start3A_167 = tpu.memref_slice %arg6[%run_scoped3A_115, %mul3A_114] : memref<2x320000xf32, #tpu.memory_space<hbm>> -> memref<1x2000xf32, #tpu.memory_space<hbm>>
        %dma_start3A_168 = tpu.memref_squeeze %dma_start3A_167 : memref<1x2000xf32, #tpu.memory_space<hbm>> -> memref<2000xf32, #tpu.memory_space<hbm>>
        tpu.enqueue_dma source(%dma_start3A_168 : memref<2000xf32, #tpu.memory_space<hbm>>) target(%arg15 : memref<2000xf32, #tpu.memory_space<vmem>>) target_semaphore(%run_scoped3A_164 : memref<!tpu.dma_semaphore, #tpu.memory_space<semaphore_mem>>)
        %dma_wait3A_169 = tpu.memref_slice %arg6[%run_scoped3A_115, %mul3A_114] : memref<2x320000xf32, #tpu.memory_space<hbm>> -> memref<1x2000xf32, #tpu.memory_space<hbm>>
        %dma_wait3A_170 = tpu.memref_squeeze %dma_wait3A_169 : memref<1x2000xf32, #tpu.memory_space<hbm>> -> memref<2000xf32, #tpu.memory_space<hbm>>
        %dma_wait3A_171 = tpu.memref_slice %arg6[%run_scoped3A_115, %mul3A_114] : memref<2x320000xf32, #tpu.memory_space<hbm>> -> memref<1x2000xf32, #tpu.memory_space<hbm>>
        %dma_wait3A_172 = tpu.memref_squeeze %dma_wait3A_171 : memref<1x2000xf32, #tpu.memory_space<hbm>> -> memref<2000xf32, #tpu.memory_space<hbm>>
        tpu.wait_dma2 semaphore(%run_scoped3A_164 : memref<!tpu.dma_semaphore, #tpu.memory_space<semaphore_mem>>) src(%dma_wait3A_172 : memref<2000xf32, #tpu.memory_space<hbm>>) dst(%arg15 : memref<2000xf32, #tpu.memory_space<vmem>>)
        tpu.yield
      }) : () -> ()
      %dma_start3A = arith.constant 0 : i32
      %dma_start3A_116 = arith.constant 0 : i32
      %dma_start3A_117 = tpu.memref_slice %arg11[%dma_start3A, %dma_start3A_116] : memref<50x40xi32, #tpu.memory_space<vmem>> -> memref<1x40xi32, #tpu.memory_space<vmem>>
      %dma_start3A_118 = tpu.memref_squeeze %dma_start3A_117 : memref<1x40xi32, #tpu.memory_space<vmem>> -> memref<40xi32, #tpu.memory_space<vmem>>
      %dma_start3A_119 = arith.constant 0 : i32
      %dma_start3A_120 = arith.constant 0 : i32
      %dma_start3A_121 = tpu.memref_slice %arg2[%dma_start3A_119, %dma_start3A_120] : memref<10000x64xf32, #tpu.memory_space<hbm>> -> memref<10000x64xf32, #tpu.memory_space<hbm>>
      tpu.enqueue_indirect_dma source(%dma_start3A_121 : memref<10000x64xf32, #tpu.memory_space<hbm>>) target(%arg16 : memref<40x64xf32, #tpu.memory_space<vmem>>) offsets(%dma_start3A_118 : memref<40xi32, #tpu.memory_space<vmem>>) semaphore(%arg30 : memref<!tpu.dma_semaphore, #tpu.memory_space<semaphore_mem>>)
      %dma_start3A_122 = arith.constant 0 : i32
      %dma_start3A_123 = arith.constant 0 : i32
      %dma_start3A_124 = tpu.memref_slice %arg12[%dma_start3A_122, %dma_start3A_123] : memref<50x40xi32, #tpu.memory_space<vmem>> -> memref<1x40xi32, #tpu.memory_space<vmem>>
      %dma_start3A_125 = tpu.memref_squeeze %dma_start3A_124 : memref<1x40xi32, #tpu.memory_space<vmem>> -> memref<40xi32, #tpu.memory_space<vmem>>
      %dma_start3A_126 = arith.constant 0 : i32
      %dma_start3A_127 = arith.constant 0 : i32
      %dma_start3A_128 = tpu.memref_slice %arg3[%dma_start3A_126, %dma_start3A_127] : memref<10000x64xf32, #tpu.memory_space<hbm>> -> memref<10000x64xf32, #tpu.memory_space<hbm>>
      tpu.enqueue_indirect_dma source(%dma_start3A_128 : memref<10000x64xf32, #tpu.memory_space<hbm>>) target(%arg17 : memref<40x64xf32, #tpu.memory_space<vmem>>) offsets(%dma_start3A_125 : memref<40xi32, #tpu.memory_space<vmem>>) semaphore(%arg30 : memref<!tpu.dma_semaphore, #tpu.memory_space<semaphore_mem>>)
      %scan3A_129 = arith.constant 0 : i32
      %scan3A_130 = arith.constant 0 : i32
      %scan3A_131 = arith.constant 25 : i32
      %scan3A_132 = arith.addi %scan3A_130, %scan3A_131 : i32
      %scan3A_133 = arith.constant 1 : i32
      %scan3A_134 = scf.for %scan3A_164 = %scan3A_130 to %scan3A_132 step %scan3A_133 iter_args(%scan3A_165 = %scan3A_129) -> (i32)  : i32 {
        %mul3A_166 = arith.constant 2 : i32
        %mul3A_167 = arith.muli %scan3A_164, %mul3A_166 : i32
        %add3A_168 = arith.constant 1 : i32
        %add3A_169 = arith.addi %mul3A_167, %add3A_168 : i32
        %dma_start3A_170 = arith.constant 0 : i32
        %dma_start3A_171 = tpu.memref_slice %arg11[%add3A_169, %dma_start3A_170] : memref<50x40xi32, #tpu.memory_space<vmem>> -> memref<1x40xi32, #tpu.memory_space<vmem>>
        %dma_start3A_172 = tpu.memref_squeeze %dma_start3A_171 : memref<1x40xi32, #tpu.memory_space<vmem>> -> memref<40xi32, #tpu.memory_space<vmem>>
        %dma_start3A_173 = arith.constant 0 : i32
        %dma_start3A_174 = arith.constant 0 : i32
        %dma_start3A_175 = tpu.memref_slice %arg2[%dma_start3A_173, %dma_start3A_174] : memref<10000x64xf32, #tpu.memory_space<hbm>> -> memref<10000x64xf32, #tpu.memory_space<hbm>>
        tpu.enqueue_indirect_dma source(%dma_start3A_175 : memref<10000x64xf32, #tpu.memory_space<hbm>>) target(%arg20 : memref<40x64xf32, #tpu.memory_space<vmem>>) offsets(%dma_start3A_172 : memref<40xi32, #tpu.memory_space<vmem>>) semaphore(%arg31 : memref<!tpu.dma_semaphore, #tpu.memory_space<semaphore_mem>>)
        %dma_start3A_176 = arith.constant 0 : i32
        %dma_start3A_177 = tpu.memref_slice %arg12[%add3A_169, %dma_start3A_176] : memref<50x40xi32, #tpu.memory_space<vmem>> -> memref<1x40xi32, #tpu.memory_space<vmem>>
        %dma_start3A_178 = tpu.memref_squeeze %dma_start3A_177 : memref<1x40xi32, #tpu.memory_space<vmem>> -> memref<40xi32, #tpu.memory_space<vmem>>
        %dma_start3A_179 = arith.constant 0 : i32
        %dma_start3A_180 = arith.constant 0 : i32
        %dma_start3A_181 = tpu.memref_slice %arg3[%dma_start3A_179, %dma_start3A_180] : memref<10000x64xf32, #tpu.memory_space<hbm>> -> memref<10000x64xf32, #tpu.memory_space<hbm>>
        tpu.enqueue_indirect_dma source(%dma_start3A_181 : memref<10000x64xf32, #tpu.memory_space<hbm>>) target(%arg21 : memref<40x64xf32, #tpu.memory_space<vmem>>) offsets(%dma_start3A_178 : memref<40xi32, #tpu.memory_space<vmem>>) semaphore(%arg31 : memref<!tpu.dma_semaphore, #tpu.memory_space<semaphore_mem>>)
        %dma_wait3A_182 = arith.constant 0 : i32
        %dma_wait3A_183 = tpu.memref_slice %arg11[%mul3A_167, %dma_wait3A_182] : memref<50x40xi32, #tpu.memory_space<vmem>> -> memref<1x40xi32, #tpu.memory_space<vmem>>
        %dma_wait3A_184 = tpu.memref_squeeze %dma_wait3A_183 : memref<1x40xi32, #tpu.memory_space<vmem>> -> memref<40xi32, #tpu.memory_space<vmem>>
        %dma_wait3A_185 = arith.constant 0 : i32
        %dma_wait3A_186 = arith.constant 0 : i32
        %dma_wait3A_187 = tpu.memref_slice %arg2[%dma_wait3A_185, %dma_wait3A_186] : memref<10000x64xf32, #tpu.memory_space<hbm>> -> memref<10000x64xf32, #tpu.memory_space<hbm>>
        tpu.wait_indirect_dma semaphore(%arg30 : memref<!tpu.dma_semaphore, #tpu.memory_space<semaphore_mem>>) src(%dma_wait3A_187 : memref<10000x64xf32, #tpu.memory_space<hbm>>) dst(%arg16 : memref<40x64xf32, #tpu.memory_space<vmem>>)
        %dma_wait3A_188 = arith.constant 0 : i32
        %dma_wait3A_189 = tpu.memref_slice %arg12[%mul3A_167, %dma_wait3A_188] : memref<50x40xi32, #tpu.memory_space<vmem>> -> memref<1x40xi32, #tpu.memory_space<vmem>>
        %dma_wait3A_190 = tpu.memref_squeeze %dma_wait3A_189 : memref<1x40xi32, #tpu.memory_space<vmem>> -> memref<40xi32, #tpu.memory_space<vmem>>
        %dma_wait3A_191 = arith.constant 0 : i32
        %dma_wait3A_192 = arith.constant 0 : i32
        %dma_wait3A_193 = tpu.memref_slice %arg3[%dma_wait3A_191, %dma_wait3A_192] : memref<10000x64xf32, #tpu.memory_space<hbm>> -> memref<10000x64xf32, #tpu.memory_space<hbm>>
        tpu.wait_indirect_dma semaphore(%arg30 : memref<!tpu.dma_semaphore, #tpu.memory_space<semaphore_mem>>) src(%dma_wait3A_193 : memref<10000x64xf32, #tpu.memory_space<hbm>>) dst(%arg17 : memref<40x64xf32, #tpu.memory_space<vmem>>)
        %ge3A = arith.constant 1 : i32
        %ge3A_194 = arith.cmpi sge, %scan3A_164, %ge3A : i32
        %convert_element_type3A = arith.extui %ge3A_194 : i1 to i32
        %cond3A = arith.constant 0 : i32
        %cond3A_195 = arith.cmpi ne, %convert_element_type3A, %cond3A : i32
        scf.if %cond3A_195 {
          %sub3A = arith.constant 2 : i32
          %sub3A_262 = arith.subi %mul3A_167, %sub3A : i32
          %dma_wait3A_263 = arith.constant 0 : i32
          %dma_wait3A_264 = tpu.memref_slice %arg12[%sub3A_262, %dma_wait3A_263] : memref<50x40xi32, #tpu.memory_space<vmem>> -> memref<1x40xi32, #tpu.memory_space<vmem>>
          %dma_wait3A_265 = tpu.memref_squeeze %dma_wait3A_264 : memref<1x40xi32, #tpu.memory_space<vmem>> -> memref<40xi32, #tpu.memory_space<vmem>>
          %dma_wait3A_266 = arith.constant 0 : i32
          %dma_wait3A_267 = arith.constant 0 : i32
          %dma_wait3A_268 = tpu.memref_slice %arg28[%dma_wait3A_266, %dma_wait3A_267] : memref<10240x64xf32, #tpu.memory_space<vmem_shared>> -> memref<10240x64xf32, #tpu.memory_space<vmem_shared>>
          tpu.wait_indirect_dma semaphore(%arg32 : memref<!tpu.dma_semaphore, #tpu.memory_space<semaphore_mem>>) src(%arg18 : memref<40x64xf32, #tpu.memory_space<vmem>>) dst(%dma_wait3A_268 : memref<10240x64xf32, #tpu.memory_space<vmem_shared>>)
          %dma_wait3A_269 = arith.constant 0 : i32
          %dma_wait3A_270 = tpu.memref_slice %arg12[%sub3A_262, %dma_wait3A_269] : memref<50x40xi32, #tpu.memory_space<vmem>> -> memref<1x40xi32, #tpu.memory_space<vmem>>
          %dma_wait3A_271 = tpu.memref_squeeze %dma_wait3A_270 : memref<1x40xi32, #tpu.memory_space<vmem>> -> memref<40xi32, #tpu.memory_space<vmem>>
          %dma_wait3A_272 = arith.constant 0 : i32
          %dma_wait3A_273 = arith.constant 0 : i32
          %dma_wait3A_274 = tpu.memref_slice %arg29[%dma_wait3A_272, %dma_wait3A_273] : memref<10240x16xf32, #tpu.memory_space<vmem_shared>> -> memref<10240x16xf32, #tpu.memory_space<vmem_shared>>
          tpu.wait_indirect_dma semaphore(%arg32 : memref<!tpu.dma_semaphore, #tpu.memory_space<semaphore_mem>>) src(%arg19 : memref<40x16xf32, #tpu.memory_space<vmem>>) dst(%dma_wait3A_274 : memref<10240x16xf32, #tpu.memory_space<vmem_shared>>)
        } else {
        }
        %mul3A_196 = arith.constant 40 : i32
        %mul3A_197 = arith.muli %mul3A_167, %mul3A_196 : i32
        %scan3A_198 = arith.constant 0 : i32
        %scan3A_199 = arith.constant 0 : i32
        %scan3A_200 = arith.constant 10 : i32
        %scan3A_201 = arith.addi %scan3A_199, %scan3A_200 : i32
        %scan3A_202 = arith.constant 1 : i32
        %scan3A_203 = scf.for %scan3A_262 = %scan3A_199 to %scan3A_201 step %scan3A_202 iter_args(%scan3A_263 = %scan3A_198) -> (i32)  : i32 {
          %mul3A_264 = arith.constant 4 : i32
          %mul3A_265 = arith.muli %scan3A_262, %mul3A_264 : i32
          %add3A_266 = arith.constant 0 : i32
          %add3A_267 = arith.addi %mul3A_265, %add3A_266 : i32
          %broadcast_in_dim3A_268 = arith.constant 0 : i32
          %broadcast_in_dim3A_269 = vector.broadcast %broadcast_in_dim3A_268 : i32 to vector<16xi32>
          %add3A_270 = arith.addi %mul3A_197, %add3A_267 : i32
          %add3A_271 = vector.broadcast %add3A_270 : i32 to vector<16xi32>
          %add3A_272 = arith.addi %broadcast_in_dim3A_269, %add3A_271 : vector<16xi32>
          %gather3A = tpu.vector_load_idx %arg14[%add3A_272] : memref<2000xf32, #tpu.memory_space<vmem>>[vector<16xi32>], vector<16xf32>,
          %gather3A_273 = tpu.vector_load_idx %arg15[%add3A_272] : memref<2000xf32, #tpu.memory_space<vmem>>[vector<16xi32>], vector<16xf32>,
          %get3A_274 = arith.index_cast %add3A_267 : i32 to index
          %get3A_275 = arith.constant 0 : index
          %get3A_276 = tpu.vector_load %arg16[%get3A_274, %get3A_275] {strides = array<i32>} : memref<40x64xf32, #tpu.memory_space<vmem>>, vector<16xf32>,
          %get3A_277 = arith.index_cast %add3A_267 : i32 to index
          %get3A_278 = arith.constant 0 : index
          %get3A_279 = tpu.vector_load %arg17[%get3A_277, %get3A_278] {strides = array<i32>} : memref<40x64xf32, #tpu.memory_space<vmem>>, vector<16xf32>,
          %add3A_280 = arith.addf %get3A_276, %get3A_279 : vector<16xf32>
          %mul3A_281 = arith.mulf %gather3A, %get3A_6 : vector<16xf32>
          %add3A_282 = arith.addf %add3A_280, %mul3A_281 : vector<16xf32>
          %mul3A_283 = arith.mulf %gather3A_273, %get3A_30 : vector<16xf32>
          %add3A_284 = arith.addf %add3A_282, %mul3A_283 : vector<16xf32>
          %mul3A_285 = arith.constant 2.000000e-01 : f32
          %mul3A_286 = vector.broadcast %mul3A_285 : f32 to vector<16xf32>
          %mul3A_287 = arith.mulf %mul3A_286, %add3A_284 : vector<16xf32>
          %max3A = arith.maximumf %add3A_284, %mul3A_287 : vector<16xf32>
          %mul3A_288 = arith.mulf %max3A, %get3A_52 : vector<16xf32>
          %get3A_289 = arith.index_cast %add3A_267 : i32 to index
          %get3A_290 = arith.constant 16 : index
          %get3A_291 = tpu.vector_load %arg16[%get3A_289, %get3A_290] {strides = array<i32>} : memref<40x64xf32, #tpu.memory_space<vmem>>, vector<16xf32>,
          %get3A_292 = arith.index_cast %add3A_267 : i32 to index
          %get3A_293 = arith.constant 16 : index
          %get3A_294 = tpu.vector_load %arg17[%get3A_292, %get3A_293] {strides = array<i32>} : memref<40x64xf32, #tpu.memory_space<vmem>>, vector<16xf32>,
          %add3A_295 = arith.addf %get3A_291, %get3A_294 : vector<16xf32>
          %mul3A_296 = arith.mulf %gather3A, %get3A_12 : vector<16xf32>
          %add3A_297 = arith.addf %add3A_295, %mul3A_296 : vector<16xf32>
          %mul3A_298 = arith.mulf %gather3A_273, %get3A_36 : vector<16xf32>
          %add3A_299 = arith.addf %add3A_297, %mul3A_298 : vector<16xf32>
          %mul3A_300 = arith.constant 2.000000e-01 : f32
          %mul3A_301 = vector.broadcast %mul3A_300 : f32 to vector<16xf32>
          %mul3A_302 = arith.mulf %mul3A_301, %add3A_299 : vector<16xf32>
          %max3A_303 = arith.maximumf %add3A_299, %mul3A_302 : vector<16xf32>
          %mul3A_304 = arith.mulf %max3A_303, %get3A_56 : vector<16xf32>
          %get3A_305 = arith.index_cast %add3A_267 : i32 to index
          %get3A_306 = arith.constant 32 : index
          %get3A_307 = tpu.vector_load %arg16[%get3A_305, %get3A_306] {strides = array<i32>} : memref<40x64xf32, #tpu.memory_space<vmem>>, vector<16xf32>,
          %get3A_308 = arith.index_cast %add3A_267 : i32 to index
          %get3A_309 = arith.constant 32 : index
          %get3A_310 = tpu.vector_load %arg17[%get3A_308, %get3A_309] {strides = array<i32>} : memref<40x64xf32, #tpu.memory_space<vmem>>, vector<16xf32>,
          %add3A_311 = arith.addf %get3A_307, %get3A_310 : vector<16xf32>
          %mul3A_312 = arith.mulf %gather3A, %get3A_18 : vector<16xf32>
          %add3A_313 = arith.addf %add3A_311, %mul3A_312 : vector<16xf32>
          %mul3A_314 = arith.mulf %gather3A_273, %get3A_42 : vector<16xf32>
          %add3A_315 = arith.addf %add3A_313, %mul3A_314 : vector<16xf32>
          %mul3A_316 = arith.constant 2.000000e-01 : f32
          %mul3A_317 = vector.broadcast %mul3A_316 : f32 to vector<16xf32>
          %mul3A_318 = arith.mulf %mul3A_317, %add3A_315 : vector<16xf32>
          %max3A_319 = arith.maximumf %add3A_315, %mul3A_318 : vector<16xf32>
          %mul3A_320 = arith.mulf %max3A_319, %get3A_60 : vector<16xf32>
          %get3A_321 = arith.index_cast %add3A_267 : i32 to index
          %get3A_322 = arith.constant 48 : index
          %get3A_323 = tpu.vector_load %arg16[%get3A_321, %get3A_322] {strides = array<i32>} : memref<40x64xf32, #tpu.memory_space<vmem>>, vector<16xf32>,
          %get3A_324 = arith.index_cast %add3A_267 : i32 to index
          %get3A_325 = arith.constant 48 : index
          %get3A_326 = tpu.vector_load %arg17[%get3A_324, %get3A_325] {strides = array<i32>} : memref<40x64xf32, #tpu.memory_space<vmem>>, vector<16xf32>,
          %add3A_327 = arith.addf %get3A_323, %get3A_326 : vector<16xf32>
          %mul3A_328 = arith.mulf %gather3A, %get3A_24 : vector<16xf32>
          %add3A_329 = arith.addf %add3A_327, %mul3A_328 : vector<16xf32>
          %mul3A_330 = arith.mulf %gather3A_273, %get3A_48 : vector<16xf32>
          %add3A_331 = arith.addf %add3A_329, %mul3A_330 : vector<16xf32>
          %mul3A_332 = arith.constant 2.000000e-01 : f32
          %mul3A_333 = vector.broadcast %mul3A_332 : f32 to vector<16xf32>
          %mul3A_334 = arith.mulf %mul3A_333, %add3A_331 : vector<16xf32>
          %max3A_335 = arith.maximumf %add3A_331, %mul3A_334 : vector<16xf32>
          %mul3A_336 = arith.mulf %max3A_335, %get3A_64 : vector<16xf32>
          %add3A_337 = arith.addf %mul3A_288, %mul3A_304 : vector<16xf32>
          %add3A_338 = arith.addf %add3A_337, %mul3A_320 : vector<16xf32>
          %add3A_339 = arith.addf %add3A_338, %mul3A_336 : vector<16xf32>
          %broadcast_in_dim3A_340 = arith.constant true
          %broadcast_in_dim3A_341 = vector.broadcast %broadcast_in_dim3A_340 : i1 to vector<16xi1>
          %masked_cumsum3A = tpu.scan <sum>, %add3A_339 masked %broadcast_in_dim3A_341 : vector<16xf32>, vector<16xi1> -> vector<16xf32>
          %rev3A = arith.constant 15 : i32
          %rev3A_342 = vector.broadcast %rev3A : i32 to vector<16xi32>
          %rev3A_343 = tpu.iota {dimensions = array<i32: 0>} : vector<16xi32>
          %rev3A_344 = arith.subi %rev3A_342, %rev3A_343 : vector<16xi32>
          %rev3A_345 = tpu.dynamic_gather %add3A_339[%rev3A_344] in [0] : vector<16xf32>, vector<16xi32> -> vector<16xf32>
          %broadcast_in_dim3A_346 = arith.constant true
          %broadcast_in_dim3A_347 = vector.broadcast %broadcast_in_dim3A_346 : i1 to vector<16xi1>
          %masked_cumsum3A_348 = tpu.scan <sum>, %rev3A_345 masked %broadcast_in_dim3A_347 : vector<16xf32>, vector<16xi1> -> vector<16xf32>
          %rev3A_349 = arith.constant 15 : i32
          %rev3A_350 = vector.broadcast %rev3A_349 : i32 to vector<16xi32>
          %rev3A_351 = tpu.iota {dimensions = array<i32: 0>} : vector<16xi32>
          %rev3A_352 = arith.subi %rev3A_350, %rev3A_351 : vector<16xi32>
          %rev3A_353 = tpu.dynamic_gather %masked_cumsum3A_348[%rev3A_352] in [0] : vector<16xf32>, vector<16xi32> -> vector<16xf32>
          %add3A_354 = arith.addf %masked_cumsum3A, %rev3A_353 : vector<16xf32>
          %sub3A = arith.subf %add3A_354, %add3A_339 : vector<16xf32>
          %exp3A = math.exp %sub3A : vector<16xf32>
          %mul3A_355 = arith.mulf %get3A_276, %exp3A : vector<16xf32>
          %swap3A = arith.index_cast %add3A_267 : i32 to index
          %swap3A_356 = arith.constant 0 : index
          %swap3A_357 = tpu.vector_load %arg18[%swap3A, %swap3A_356] {strides = array<i32>} : memref<40x64xf32, #tpu.memory_space<vmem>>, vector<16xf32>,
          tpu.vector_store %arg18[%swap3A, %swap3A_356], %mul3A_355 {strides = array<i32>} : memref<40x64xf32, #tpu.memory_space<vmem>>, vector<16xf32>,
          %mul3A_358 = arith.mulf %get3A_291, %exp3A : vector<16xf32>
          %swap3A_359 = arith.index_cast %add3A_267 : i32 to index
          %swap3A_360 = arith.constant 16 : index
          %swap3A_361 = tpu.vector_load %arg18[%swap3A_359, %swap3A_360] {strides = array<i32>} : memref<40x64xf32, #tpu.memory_space<vmem>>, vector<16xf32>,
          tpu.vector_store %arg18[%swap3A_359, %swap3A_360], %mul3A_358 {strides = array<i32>} : memref<40x64xf32, #tpu.memory_space<vmem>>, vector<16xf32>,
          %mul3A_362 = arith.mulf %get3A_307, %exp3A : vector<16xf32>
          %swap3A_363 = arith.index_cast %add3A_267 : i32 to index
          %swap3A_364 = arith.constant 32 : index
          %swap3A_365 = tpu.vector_load %arg18[%swap3A_363, %swap3A_364] {strides = array<i32>} : memref<40x64xf32, #tpu.memory_space<vmem>>, vector<16xf32>,
          tpu.vector_store %arg18[%swap3A_363, %swap3A_364], %mul3A_362 {strides = array<i32>} : memref<40x64xf32, #tpu.memory_space<vmem>>, vector<16xf32>,
          %mul3A_366 = arith.mulf %get3A_323, %exp3A : vector<16xf32>
          %swap3A_367 = arith.index_cast %add3A_267 : i32 to index
          %swap3A_368 = arith.constant 48 : index
          %swap3A_369 = tpu.vector_load %arg18[%swap3A_367, %swap3A_368] {strides = array<i32>} : memref<40x64xf32, #tpu.memory_space<vmem>>, vector<16xf32>,
          tpu.vector_store %arg18[%swap3A_367, %swap3A_368], %mul3A_366 {strides = array<i32>} : memref<40x64xf32, #tpu.memory_space<vmem>>, vector<16xf32>,
          %broadcast_in_dim3A_370 = arith.constant 0.000000e+00 : f32
          %broadcast_in_dim3A_371 = vector.broadcast %broadcast_in_dim3A_370 : f32 to vector<16xf32>
          %select_n3A = arith.select %eq3A_66, %exp3A, %broadcast_in_dim3A_371 : vector<16xi1>, vector<16xf32>
          %swap3A_372 = arith.index_cast %add3A_267 : i32 to index
          %swap3A_373 = arith.constant 0 : index
          %swap3A_374 = tpu.vector_load %arg19[%swap3A_372, %swap3A_373] {strides = array<i32>} : memref<40x16xf32, #tpu.memory_space<vmem>>, vector<16xf32>,
          tpu.vector_store %arg19[%swap3A_372, %swap3A_373], %select_n3A {strides = array<i32>} : memref<40x16xf32, #tpu.memory_space<vmem>>, vector<16xf32>,
          %mul3A_375 = arith.constant 4 : i32
          %mul3A_376 = arith.muli %scan3A_262, %mul3A_375 : i32
          %add3A_377 = arith.constant 1 : i32
          %add3A_378 = arith.addi %mul3A_376, %add3A_377 : i32
          %broadcast_in_dim3A_379 = arith.constant 0 : i32
          %broadcast_in_dim3A_380 = vector.broadcast %broadcast_in_dim3A_379 : i32 to vector<16xi32>
          %add3A_381 = arith.addi %mul3A_197, %add3A_378 : i32
          %add3A_382 = vector.broadcast %add3A_381 : i32 to vector<16xi32>
          %add3A_383 = arith.addi %broadcast_in_dim3A_380, %add3A_382 : vector<16xi32>
          %gather3A_384 = tpu.vector_load_idx %arg14[%add3A_383] : memref<2000xf32, #tpu.memory_space<vmem>>[vector<16xi32>], vector<16xf32>,
          %gather3A_385 = tpu.vector_load_idx %arg15[%add3A_383] : memref<2000xf32, #tpu.memory_space<vmem>>[vector<16xi32>], vector<16xf32>,
          %get3A_386 = arith.index_cast %add3A_378 : i32 to index
          %get3A_387 = arith.constant 0 : index
          %get3A_388 = tpu.vector_load %arg16[%get3A_386, %get3A_387] {strides = array<i32>} : memref<40x64xf32, #tpu.memory_space<vmem>>, vector<16xf32>,
          %get3A_389 = arith.index_cast %add3A_378 : i32 to index
          %get3A_390 = arith.constant 0 : index
          %get3A_391 = tpu.vector_load %arg17[%get3A_389, %get3A_390] {strides = array<i32>} : memref<40x64xf32, #tpu.memory_space<vmem>>, vector<16xf32>,
          %add3A_392 = arith.addf %get3A_388, %get3A_391 : vector<16xf32>
          %mul3A_393 = arith.mulf %gather3A_384, %get3A_6 : vector<16xf32>
          %add3A_394 = arith.addf %add3A_392, %mul3A_393 : vector<16xf32>
          %mul3A_395 = arith.mulf %gather3A_385, %get3A_30 : vector<16xf32>
          %add3A_396 = arith.addf %add3A_394, %mul3A_395 : vector<16xf32>
          %mul3A_397 = arith.constant 2.000000e-01 : f32
          %mul3A_398 = vector.broadcast %mul3A_397 : f32 to vector<16xf32>
          %mul3A_399 = arith.mulf %mul3A_398, %add3A_396 : vector<16xf32>
          %max3A_400 = arith.maximumf %add3A_396, %mul3A_399 : vector<16xf32>
          %mul3A_401 = arith.mulf %max3A_400, %get3A_52 : vector<16xf32>
          %get3A_402 = arith.index_cast %add3A_378 : i32 to index
          %get3A_403 = arith.constant 16 : index
          %get3A_404 = tpu.vector_load %arg16[%get3A_402, %get3A_403] {strides = array<i32>} : memref<40x64xf32, #tpu.memory_space<vmem>>, vector<16xf32>,
          %get3A_405 = arith.index_cast %add3A_378 : i32 to index
          %get3A_406 = arith.constant 16 : index
          %get3A_407 = tpu.vector_load %arg17[%get3A_405, %get3A_406] {strides = array<i32>} : memref<40x64xf32, #tpu.memory_space<vmem>>, vector<16xf32>,
          %add3A_408 = arith.addf %get3A_404, %get3A_407 : vector<16xf32>
          %mul3A_409 = arith.mulf %gather3A_384, %get3A_12 : vector<16xf32>
          %add3A_410 = arith.addf %add3A_408, %mul3A_409 : vector<16xf32>
          %mul3A_411 = arith.mulf %gather3A_385, %get3A_36 : vector<16xf32>
          %add3A_412 = arith.addf %add3A_410, %mul3A_411 : vector<16xf32>
          %mul3A_413 = arith.constant 2.000000e-01 : f32
          %mul3A_414 = vector.broadcast %mul3A_413 : f32 to vector<16xf32>
          %mul3A_415 = arith.mulf %mul3A_414, %add3A_412 : vector<16xf32>
          %max3A_416 = arith.maximumf %add3A_412, %mul3A_415 : vector<16xf32>
          %mul3A_417 = arith.mulf %max3A_416, %get3A_56 : vector<16xf32>
          %get3A_418 = arith.index_cast %add3A_378 : i32 to index
          %get3A_419 = arith.constant 32 : index
          %get3A_420 = tpu.vector_load %arg16[%get3A_418, %get3A_419] {strides = array<i32>} : memref<40x64xf32, #tpu.memory_space<vmem>>, vector<16xf32>,
          %get3A_421 = arith.index_cast %add3A_378 : i32 to index
          %get3A_422 = arith.constant 32 : index
          %get3A_423 = tpu.vector_load %arg17[%get3A_421, %get3A_422] {strides = array<i32>} : memref<40x64xf32, #tpu.memory_space<vmem>>, vector<16xf32>,
          %add3A_424 = arith.addf %get3A_420, %get3A_423 : vector<16xf32>
          %mul3A_425 = arith.mulf %gather3A_384, %get3A_18 : vector<16xf32>
          %add3A_426 = arith.addf %add3A_424, %mul3A_425 : vector<16xf32>
          %mul3A_427 = arith.mulf %gather3A_385, %get3A_42 : vector<16xf32>
          %add3A_428 = arith.addf %add3A_426, %mul3A_427 : vector<16xf32>
          %mul3A_429 = arith.constant 2.000000e-01 : f32
          %mul3A_430 = vector.broadcast %mul3A_429 : f32 to vector<16xf32>
          %mul3A_431 = arith.mulf %mul3A_430, %add3A_428 : vector<16xf32>
          %max3A_432 = arith.maximumf %add3A_428, %mul3A_431 : vector<16xf32>
          %mul3A_433 = arith.mulf %max3A_432, %get3A_60 : vector<16xf32>
          %get3A_434 = arith.index_cast %add3A_378 : i32 to index
          %get3A_435 = arith.constant 48 : index
          %get3A_436 = tpu.vector_load %arg16[%get3A_434, %get3A_435] {strides = array<i32>} : memref<40x64xf32, #tpu.memory_space<vmem>>, vector<16xf32>,
          %get3A_437 = arith.index_cast %add3A_378 : i32 to index
          %get3A_438 = arith.constant 48 : index
          %get3A_439 = tpu.vector_load %arg17[%get3A_437, %get3A_438] {strides = array<i32>} : memref<40x64xf32, #tpu.memory_space<vmem>>, vector<16xf32>,
          %add3A_440 = arith.addf %get3A_436, %get3A_439 : vector<16xf32>
          %mul3A_441 = arith.mulf %gather3A_384, %get3A_24 : vector<16xf32>
          %add3A_442 = arith.addf %add3A_440, %mul3A_441 : vector<16xf32>
          %mul3A_443 = arith.mulf %gather3A_385, %get3A_48 : vector<16xf32>
          %add3A_444 = arith.addf %add3A_442, %mul3A_443 : vector<16xf32>
          %mul3A_445 = arith.constant 2.000000e-01 : f32
          %mul3A_446 = vector.broadcast %mul3A_445 : f32 to vector<16xf32>
          %mul3A_447 = arith.mulf %mul3A_446, %add3A_444 : vector<16xf32>
          %max3A_448 = arith.maximumf %add3A_444, %mul3A_447 : vector<16xf32>
          %mul3A_449 = arith.mulf %max3A_448, %get3A_64 : vector<16xf32>
          %add3A_450 = arith.addf %mul3A_401, %mul3A_417 : vector<16xf32>
          %add3A_451 = arith.addf %add3A_450, %mul3A_433 : vector<16xf32>
          %add3A_452 = arith.addf %add3A_451, %mul3A_449 : vector<16xf32>
          %broadcast_in_dim3A_453 = arith.constant true
          %broadcast_in_dim3A_454 = vector.broadcast %broadcast_in_dim3A_453 : i1 to vector<16xi1>
          %masked_cumsum3A_455 = tpu.scan <sum>, %add3A_452 masked %broadcast_in_dim3A_454 : vector<16xf32>, vector<16xi1> -> vector<16xf32>
          %rev3A_456 = arith.constant 15 : i32
          %rev3A_457 = vector.broadcast %rev3A_456 : i32 to vector<16xi32>
          %rev3A_458 = tpu.iota {dimensions = array<i32: 0>} : vector<16xi32>
          %rev3A_459 = arith.subi %rev3A_457, %rev3A_458 : vector<16xi32>
          %rev3A_460 = tpu.dynamic_gather %add3A_452[%rev3A_459] in [0] : vector<16xf32>, vector<16xi32> -> vector<16xf32>
          %broadcast_in_dim3A_461 = arith.constant true
          %broadcast_in_dim3A_462 = vector.broadcast %broadcast_in_dim3A_461 : i1 to vector<16xi1>
          %masked_cumsum3A_463 = tpu.scan <sum>, %rev3A_460 masked %broadcast_in_dim3A_462 : vector<16xf32>, vector<16xi1> -> vector<16xf32>
          %rev3A_464 = arith.constant 15 : i32
          %rev3A_465 = vector.broadcast %rev3A_464 : i32 to vector<16xi32>
          %rev3A_466 = tpu.iota {dimensions = array<i32: 0>} : vector<16xi32>
          %rev3A_467 = arith.subi %rev3A_465, %rev3A_466 : vector<16xi32>
          %rev3A_468 = tpu.dynamic_gather %masked_cumsum3A_463[%rev3A_467] in [0] : vector<16xf32>, vector<16xi32> -> vector<16xf32>
          %add3A_469 = arith.addf %masked_cumsum3A_455, %rev3A_468 : vector<16xf32>
          %sub3A_470 = arith.subf %add3A_469, %add3A_452 : vector<16xf32>
          %exp3A_471 = math.exp %sub3A_470 : vector<16xf32>
          %mul3A_472 = arith.mulf %get3A_388, %exp3A_471 : vector<16xf32>
          %swap3A_473 = arith.index_cast %add3A_378 : i32 to index
          %swap3A_474 = arith.constant 0 : index
          %swap3A_475 = tpu.vector_load %arg18[%swap3A_473, %swap3A_474] {strides = array<i32>} : memref<40x64xf32, #tpu.memory_space<vmem>>, vector<16xf32>,
          tpu.vector_store %arg18[%swap3A_473, %swap3A_474], %mul3A_472 {strides = array<i32>} : memref<40x64xf32, #tpu.memory_space<vmem>>, vector<16xf32>,
          %mul3A_476 = arith.mulf %get3A_404, %exp3A_471 : vector<16xf32>
          %swap3A_477 = arith.index_cast %add3A_378 : i32 to index
          %swap3A_478 = arith.constant 16 : index
          %swap3A_479 = tpu.vector_load %arg18[%swap3A_477, %swap3A_478] {strides = array<i32>} : memref<40x64xf32, #tpu.memory_space<vmem>>, vector<16xf32>,
          tpu.vector_store %arg18[%swap3A_477, %swap3A_478], %mul3A_476 {strides = array<i32>} : memref<40x64xf32, #tpu.memory_space<vmem>>, vector<16xf32>,
          %mul3A_480 = arith.mulf %get3A_420, %exp3A_471 : vector<16xf32>
          %swap3A_481 = arith.index_cast %add3A_378 : i32 to index
          %swap3A_482 = arith.constant 32 : index
          %swap3A_483 = tpu.vector_load %arg18[%swap3A_481, %swap3A_482] {strides = array<i32>} : memref<40x64xf32, #tpu.memory_space<vmem>>, vector<16xf32>,
          tpu.vector_store %arg18[%swap3A_481, %swap3A_482], %mul3A_480 {strides = array<i32>} : memref<40x64xf32, #tpu.memory_space<vmem>>, vector<16xf32>,
          %mul3A_484 = arith.mulf %get3A_436, %exp3A_471 : vector<16xf32>
          %swap3A_485 = arith.index_cast %add3A_378 : i32 to index
          %swap3A_486 = arith.constant 48 : index
          %swap3A_487 = tpu.vector_load %arg18[%swap3A_485, %swap3A_486] {strides = array<i32>} : memref<40x64xf32, #tpu.memory_space<vmem>>, vector<16xf32>,
          tpu.vector_store %arg18[%swap3A_485, %swap3A_486], %mul3A_484 {strides = array<i32>} : memref<40x64xf32, #tpu.memory_space<vmem>>, vector<16xf32>,
          %broadcast_in_dim3A_488 = arith.constant 0.000000e+00 : f32
          %broadcast_in_dim3A_489 = vector.broadcast %broadcast_in_dim3A_488 : f32 to vector<16xf32>
          %select_n3A_490 = arith.select %eq3A_66, %exp3A_471, %broadcast_in_dim3A_489 : vector<16xi1>, vector<16xf32>
          %swap3A_491 = arith.index_cast %add3A_378 : i32 to index
          %swap3A_492 = arith.constant 0 : index
          %swap3A_493 = tpu.vector_load %arg19[%swap3A_491, %swap3A_492] {strides = array<i32>} : memref<40x16xf32, #tpu.memory_space<vmem>>, vector<16xf32>,
          tpu.vector_store %arg19[%swap3A_491, %swap3A_492], %select_n3A_490 {strides = array<i32>} : memref<40x16xf32, #tpu.memory_space<vmem>>, vector<16xf32>,
          %mul3A_494 = arith.constant 4 : i32
          %mul3A_495 = arith.muli %scan3A_262, %mul3A_494 : i32
          %add3A_496 = arith.constant 2 : i32
          %add3A_497 = arith.addi %mul3A_495, %add3A_496 : i32
          %broadcast_in_dim3A_498 = arith.constant 0 : i32
          %broadcast_in_dim3A_499 = vector.broadcast %broadcast_in_dim3A_498 : i32 to vector<16xi32>
          %add3A_500 = arith.addi %mul3A_197, %add3A_497 : i32
          %add3A_501 = vector.broadcast %add3A_500 : i32 to vector<16xi32>
          %add3A_502 = arith.addi %broadcast_in_dim3A_499, %add3A_501 : vector<16xi32>
          %gather3A_503 = tpu.vector_load_idx %arg14[%add3A_502] : memref<2000xf32, #tpu.memory_space<vmem>>[vector<16xi32>], vector<16xf32>,
          %gather3A_504 = tpu.vector_load_idx %arg15[%add3A_502] : memref<2000xf32, #tpu.memory_space<vmem>>[vector<16xi32>], vector<16xf32>,
          %get3A_505 = arith.index_cast %add3A_497 : i32 to index
          %get3A_506 = arith.constant 0 : index
          %get3A_507 = tpu.vector_load %arg16[%get3A_505, %get3A_506] {strides = array<i32>} : memref<40x64xf32, #tpu.memory_space<vmem>>, vector<16xf32>,
          %get3A_508 = arith.index_cast %add3A_497 : i32 to index
          %get3A_509 = arith.constant 0 : index
          %get3A_510 = tpu.vector_load %arg17[%get3A_508, %get3A_509] {strides = array<i32>} : memref<40x64xf32, #tpu.memory_space<vmem>>, vector<16xf32>,
          %add3A_511 = arith.addf %get3A_507, %get3A_510 : vector<16xf32>
          %mul3A_512 = arith.mulf %gather3A_503, %get3A_6 : vector<16xf32>
          %add3A_513 = arith.addf %add3A_511, %mul3A_512 : vector<16xf32>
          %mul3A_514 = arith.mulf %gather3A_504, %get3A_30 : vector<16xf32>
          %add3A_515 = arith.addf %add3A_513, %mul3A_514 : vector<16xf32>
          %mul3A_516 = arith.constant 2.000000e-01 : f32
          %mul3A_517 = vector.broadcast %mul3A_516 : f32 to vector<16xf32>
          %mul3A_518 = arith.mulf %mul3A_517, %add3A_515 : vector<16xf32>
          %max3A_519 = arith.maximumf %add3A_515, %mul3A_518 : vector<16xf32>
          %mul3A_520 = arith.mulf %max3A_519, %get3A_52 : vector<16xf32>
          %get3A_521 = arith.index_cast %add3A_497 : i32 to index
          %get3A_522 = arith.constant 16 : index
          %get3A_523 = tpu.vector_load %arg16[%get3A_521, %get3A_522] {strides = array<i32>} : memref<40x64xf32, #tpu.memory_space<vmem>>, vector<16xf32>,
          %get3A_524 = arith.index_cast %add3A_497 : i32 to index
          %get3A_525 = arith.constant 16 : index
          %get3A_526 = tpu.vector_load %arg17[%get3A_524, %get3A_525] {strides = array<i32>} : memref<40x64xf32, #tpu.memory_space<vmem>>, vector<16xf32>,
          %add3A_527 = arith.addf %get3A_523, %get3A_526 : vector<16xf32>
          %mul3A_528 = arith.mulf %gather3A_503, %get3A_12 : vector<16xf32>
          %add3A_529 = arith.addf %add3A_527, %mul3A_528 : vector<16xf32>
          %mul3A_530 = arith.mulf %gather3A_504, %get3A_36 : vector<16xf32>
          %add3A_531 = arith.addf %add3A_529, %mul3A_530 : vector<16xf32>
          %mul3A_532 = arith.constant 2.000000e-01 : f32
          %mul3A_533 = vector.broadcast %mul3A_532 : f32 to vector<16xf32>
          %mul3A_534 = arith.mulf %mul3A_533, %add3A_531 : vector<16xf32>
          %max3A_535 = arith.maximumf %add3A_531, %mul3A_534 : vector<16xf32>
          %mul3A_536 = arith.mulf %max3A_535, %get3A_56 : vector<16xf32>
          %get3A_537 = arith.index_cast %add3A_497 : i32 to index
          %get3A_538 = arith.constant 32 : index
          %get3A_539 = tpu.vector_load %arg16[%get3A_537, %get3A_538] {strides = array<i32>} : memref<40x64xf32, #tpu.memory_space<vmem>>, vector<16xf32>,
          %get3A_540 = arith.index_cast %add3A_497 : i32 to index
          %get3A_541 = arith.constant 32 : index
          %get3A_542 = tpu.vector_load %arg17[%get3A_540, %get3A_541] {strides = array<i32>} : memref<40x64xf32, #tpu.memory_space<vmem>>, vector<16xf32>,
          %add3A_543 = arith.addf %get3A_539, %get3A_542 : vector<16xf32>
          %mul3A_544 = arith.mulf %gather3A_503, %get3A_18 : vector<16xf32>
          %add3A_545 = arith.addf %add3A_543, %mul3A_544 : vector<16xf32>
          %mul3A_546 = arith.mulf %gather3A_504, %get3A_42 : vector<16xf32>
          %add3A_547 = arith.addf %add3A_545, %mul3A_546 : vector<16xf32>
          %mul3A_548 = arith.constant 2.000000e-01 : f32
          %mul3A_549 = vector.broadcast %mul3A_548 : f32 to vector<16xf32>
          %mul3A_550 = arith.mulf %mul3A_549, %add3A_547 : vector<16xf32>
          %max3A_551 = arith.maximumf %add3A_547, %mul3A_550 : vector<16xf32>
          %mul3A_552 = arith.mulf %max3A_551, %get3A_60 : vector<16xf32>
          %get3A_553 = arith.index_cast %add3A_497 : i32 to index
          %get3A_554 = arith.constant 48 : index
          %get3A_555 = tpu.vector_load %arg16[%get3A_553, %get3A_554] {strides = array<i32>} : memref<40x64xf32, #tpu.memory_space<vmem>>, vector<16xf32>,
          %get3A_556 = arith.index_cast %add3A_497 : i32 to index
          %get3A_557 = arith.constant 48 : index
          %get3A_558 = tpu.vector_load %arg17[%get3A_556, %get3A_557] {strides = array<i32>} : memref<40x64xf32, #tpu.memory_space<vmem>>, vector<16xf32>,
          %add3A_559 = arith.addf %get3A_555, %get3A_558 : vector<16xf32>
          %mul3A_560 = arith.mulf %gather3A_503, %get3A_24 : vector<16xf32>
          %add3A_561 = arith.addf %add3A_559, %mul3A_560 : vector<16xf32>
          %mul3A_562 = arith.mulf %gather3A_504, %get3A_48 : vector<16xf32>
          %add3A_563 = arith.addf %add3A_561, %mul3A_562 : vector<16xf32>
          %mul3A_564 = arith.constant 2.000000e-01 : f32
          %mul3A_565 = vector.broadcast %mul3A_564 : f32 to vector<16xf32>
          %mul3A_566 = arith.mulf %mul3A_565, %add3A_563 : vector<16xf32>
          %max3A_567 = arith.maximumf %add3A_563, %mul3A_566 : vector<16xf32>
          %mul3A_568 = arith.mulf %max3A_567, %get3A_64 : vector<16xf32>
          %add3A_569 = arith.addf %mul3A_520, %mul3A_536 : vector<16xf32>
          %add3A_570 = arith.addf %add3A_569, %mul3A_552 : vector<16xf32>
          %add3A_571 = arith.addf %add3A_570, %mul3A_568 : vector<16xf32>
          %broadcast_in_dim3A_572 = arith.constant true
          %broadcast_in_dim3A_573 = vector.broadcast %broadcast_in_dim3A_572 : i1 to vector<16xi1>
          %masked_cumsum3A_574 = tpu.scan <sum>, %add3A_571 masked %broadcast_in_dim3A_573 : vector<16xf32>, vector<16xi1> -> vector<16xf32>
          %rev3A_575 = arith.constant 15 : i32
          %rev3A_576 = vector.broadcast %rev3A_575 : i32 to vector<16xi32>
          %rev3A_577 = tpu.iota {dimensions = array<i32: 0>} : vector<16xi32>
          %rev3A_578 = arith.subi %rev3A_576, %rev3A_577 : vector<16xi32>
          %rev3A_579 = tpu.dynamic_gather %add3A_571[%rev3A_578] in [0] : vector<16xf32>, vector<16xi32> -> vector<16xf32>
          %broadcast_in_dim3A_580 = arith.constant true
          %broadcast_in_dim3A_581 = vector.broadcast %broadcast_in_dim3A_580 : i1 to vector<16xi1>
          %masked_cumsum3A_582 = tpu.scan <sum>, %rev3A_579 masked %broadcast_in_dim3A_581 : vector<16xf32>, vector<16xi1> -> vector<16xf32>
          %rev3A_583 = arith.constant 15 : i32
          %rev3A_584 = vector.broadcast %rev3A_583 : i32 to vector<16xi32>
          %rev3A_585 = tpu.iota {dimensions = array<i32: 0>} : vector<16xi32>
          %rev3A_586 = arith.subi %rev3A_584, %rev3A_585 : vector<16xi32>
          %rev3A_587 = tpu.dynamic_gather %masked_cumsum3A_582[%rev3A_586] in [0] : vector<16xf32>, vector<16xi32> -> vector<16xf32>
          %add3A_588 = arith.addf %masked_cumsum3A_574, %rev3A_587 : vector<16xf32>
          %sub3A_589 = arith.subf %add3A_588, %add3A_571 : vector<16xf32>
          %exp3A_590 = math.exp %sub3A_589 : vector<16xf32>
          %mul3A_591 = arith.mulf %get3A_507, %exp3A_590 : vector<16xf32>
          %swap3A_592 = arith.index_cast %add3A_497 : i32 to index
          %swap3A_593 = arith.constant 0 : index
          %swap3A_594 = tpu.vector_load %arg18[%swap3A_592, %swap3A_593] {strides = array<i32>} : memref<40x64xf32, #tpu.memory_space<vmem>>, vector<16xf32>,
          tpu.vector_store %arg18[%swap3A_592, %swap3A_593], %mul3A_591 {strides = array<i32>} : memref<40x64xf32, #tpu.memory_space<vmem>>, vector<16xf32>,
          %mul3A_595 = arith.mulf %get3A_523, %exp3A_590 : vector<16xf32>
          %swap3A_596 = arith.index_cast %add3A_497 : i32 to index
          %swap3A_597 = arith.constant 16 : index
          %swap3A_598 = tpu.vector_load %arg18[%swap3A_596, %swap3A_597] {strides = array<i32>} : memref<40x64xf32, #tpu.memory_space<vmem>>, vector<16xf32>,
          tpu.vector_store %arg18[%swap3A_596, %swap3A_597], %mul3A_595 {strides = array<i32>} : memref<40x64xf32, #tpu.memory_space<vmem>>, vector<16xf32>,
          %mul3A_599 = arith.mulf %get3A_539, %exp3A_590 : vector<16xf32>
          %swap3A_600 = arith.index_cast %add3A_497 : i32 to index
          %swap3A_601 = arith.constant 32 : index
          %swap3A_602 = tpu.vector_load %arg18[%swap3A_600, %swap3A_601] {strides = array<i32>} : memref<40x64xf32, #tpu.memory_space<vmem>>, vector<16xf32>,
          tpu.vector_store %arg18[%swap3A_600, %swap3A_601], %mul3A_599 {strides = array<i32>} : memref<40x64xf32, #tpu.memory_space<vmem>>, vector<16xf32>,
          %mul3A_603 = arith.mulf %get3A_555, %exp3A_590 : vector<16xf32>
          %swap3A_604 = arith.index_cast %add3A_497 : i32 to index
          %swap3A_605 = arith.constant 48 : index
          %swap3A_606 = tpu.vector_load %arg18[%swap3A_604, %swap3A_605] {strides = array<i32>} : memref<40x64xf32, #tpu.memory_space<vmem>>, vector<16xf32>,
          tpu.vector_store %arg18[%swap3A_604, %swap3A_605], %mul3A_603 {strides = array<i32>} : memref<40x64xf32, #tpu.memory_space<vmem>>, vector<16xf32>,
          %broadcast_in_dim3A_607 = arith.constant 0.000000e+00 : f32
          %broadcast_in_dim3A_608 = vector.broadcast %broadcast_in_dim3A_607 : f32 to vector<16xf32>
          %select_n3A_609 = arith.select %eq3A_66, %exp3A_590, %broadcast_in_dim3A_608 : vector<16xi1>, vector<16xf32>
          %swap3A_610 = arith.index_cast %add3A_497 : i32 to index
          %swap3A_611 = arith.constant 0 : index
          %swap3A_612 = tpu.vector_load %arg19[%swap3A_610, %swap3A_611] {strides = array<i32>} : memref<40x16xf32, #tpu.memory_space<vmem>>, vector<16xf32>,
          tpu.vector_store %arg19[%swap3A_610, %swap3A_611], %select_n3A_609 {strides = array<i32>} : memref<40x16xf32, #tpu.memory_space<vmem>>, vector<16xf32>,
          %mul3A_613 = arith.constant 4 : i32
          %mul3A_614 = arith.muli %scan3A_262, %mul3A_613 : i32
          %add3A_615 = arith.constant 3 : i32
          %add3A_616 = arith.addi %mul3A_614, %add3A_615 : i32
          %broadcast_in_dim3A_617 = arith.constant 0 : i32
          %broadcast_in_dim3A_618 = vector.broadcast %broadcast_in_dim3A_617 : i32 to vector<16xi32>
          %add3A_619 = arith.addi %mul3A_197, %add3A_616 : i32
          %add3A_620 = vector.broadcast %add3A_619 : i32 to vector<16xi32>
          %add3A_621 = arith.addi %broadcast_in_dim3A_618, %add3A_620 : vector<16xi32>
          %gather3A_622 = tpu.vector_load_idx %arg14[%add3A_621] : memref<2000xf32, #tpu.memory_space<vmem>>[vector<16xi32>], vector<16xf32>,
          %gather3A_623 = tpu.vector_load_idx %arg15[%add3A_621] : memref<2000xf32, #tpu.memory_space<vmem>>[vector<16xi32>], vector<16xf32>,
          %get3A_624 = arith.index_cast %add3A_616 : i32 to index
          %get3A_625 = arith.constant 0 : index
          %get3A_626 = tpu.vector_load %arg16[%get3A_624, %get3A_625] {strides = array<i32>} : memref<40x64xf32, #tpu.memory_space<vmem>>, vector<16xf32>,
          %get3A_627 = arith.index_cast %add3A_616 : i32 to index
          %get3A_628 = arith.constant 0 : index
          %get3A_629 = tpu.vector_load %arg17[%get3A_627, %get3A_628] {strides = array<i32>} : memref<40x64xf32, #tpu.memory_space<vmem>>, vector<16xf32>,
          %add3A_630 = arith.addf %get3A_626, %get3A_629 : vector<16xf32>
          %mul3A_631 = arith.mulf %gather3A_622, %get3A_6 : vector<16xf32>
          %add3A_632 = arith.addf %add3A_630, %mul3A_631 : vector<16xf32>
          %mul3A_633 = arith.mulf %gather3A_623, %get3A_30 : vector<16xf32>
          %add3A_634 = arith.addf %add3A_632, %mul3A_633 : vector<16xf32>
          %mul3A_635 = arith.constant 2.000000e-01 : f32
          %mul3A_636 = vector.broadcast %mul3A_635 : f32 to vector<16xf32>
          %mul3A_637 = arith.mulf %mul3A_636, %add3A_634 : vector<16xf32>
          %max3A_638 = arith.maximumf %add3A_634, %mul3A_637 : vector<16xf32>
          %mul3A_639 = arith.mulf %max3A_638, %get3A_52 : vector<16xf32>
          %get3A_640 = arith.index_cast %add3A_616 : i32 to index
          %get3A_641 = arith.constant 16 : index
          %get3A_642 = tpu.vector_load %arg16[%get3A_640, %get3A_641] {strides = array<i32>} : memref<40x64xf32, #tpu.memory_space<vmem>>, vector<16xf32>,
          %get3A_643 = arith.index_cast %add3A_616 : i32 to index
          %get3A_644 = arith.constant 16 : index
          %get3A_645 = tpu.vector_load %arg17[%get3A_643, %get3A_644] {strides = array<i32>} : memref<40x64xf32, #tpu.memory_space<vmem>>, vector<16xf32>,
          %add3A_646 = arith.addf %get3A_642, %get3A_645 : vector<16xf32>
          %mul3A_647 = arith.mulf %gather3A_622, %get3A_12 : vector<16xf32>
          %add3A_648 = arith.addf %add3A_646, %mul3A_647 : vector<16xf32>
          %mul3A_649 = arith.mulf %gather3A_623, %get3A_36 : vector<16xf32>
          %add3A_650 = arith.addf %add3A_648, %mul3A_649 : vector<16xf32>
          %mul3A_651 = arith.constant 2.000000e-01 : f32
          %mul3A_652 = vector.broadcast %mul3A_651 : f32 to vector<16xf32>
          %mul3A_653 = arith.mulf %mul3A_652, %add3A_650 : vector<16xf32>
          %max3A_654 = arith.maximumf %add3A_650, %mul3A_653 : vector<16xf32>
          %mul3A_655 = arith.mulf %max3A_654, %get3A_56 : vector<16xf32>
          %get3A_656 = arith.index_cast %add3A_616 : i32 to index
          %get3A_657 = arith.constant 32 : index
          %get3A_658 = tpu.vector_load %arg16[%get3A_656, %get3A_657] {strides = array<i32>} : memref<40x64xf32, #tpu.memory_space<vmem>>, vector<16xf32>,
          %get3A_659 = arith.index_cast %add3A_616 : i32 to index
          %get3A_660 = arith.constant 32 : index
          %get3A_661 = tpu.vector_load %arg17[%get3A_659, %get3A_660] {strides = array<i32>} : memref<40x64xf32, #tpu.memory_space<vmem>>, vector<16xf32>,
          %add3A_662 = arith.addf %get3A_658, %get3A_661 : vector<16xf32>
          %mul3A_663 = arith.mulf %gather3A_622, %get3A_18 : vector<16xf32>
          %add3A_664 = arith.addf %add3A_662, %mul3A_663 : vector<16xf32>
          %mul3A_665 = arith.mulf %gather3A_623, %get3A_42 : vector<16xf32>
          %add3A_666 = arith.addf %add3A_664, %mul3A_665 : vector<16xf32>
          %mul3A_667 = arith.constant 2.000000e-01 : f32
          %mul3A_668 = vector.broadcast %mul3A_667 : f32 to vector<16xf32>
          %mul3A_669 = arith.mulf %mul3A_668, %add3A_666 : vector<16xf32>
          %max3A_670 = arith.maximumf %add3A_666, %mul3A_669 : vector<16xf32>
          %mul3A_671 = arith.mulf %max3A_670, %get3A_60 : vector<16xf32>
          %get3A_672 = arith.index_cast %add3A_616 : i32 to index
          %get3A_673 = arith.constant 48 : index
          %get3A_674 = tpu.vector_load %arg16[%get3A_672, %get3A_673] {strides = array<i32>} : memref<40x64xf32, #tpu.memory_space<vmem>>, vector<16xf32>,
          %get3A_675 = arith.index_cast %add3A_616 : i32 to index
          %get3A_676 = arith.constant 48 : index
          %get3A_677 = tpu.vector_load %arg17[%get3A_675, %get3A_676] {strides = array<i32>} : memref<40x64xf32, #tpu.memory_space<vmem>>, vector<16xf32>,
          %add3A_678 = arith.addf %get3A_674, %get3A_677 : vector<16xf32>
          %mul3A_679 = arith.mulf %gather3A_622, %get3A_24 : vector<16xf32>
          %add3A_680 = arith.addf %add3A_678, %mul3A_679 : vector<16xf32>
          %mul3A_681 = arith.mulf %gather3A_623, %get3A_48 : vector<16xf32>
          %add3A_682 = arith.addf %add3A_680, %mul3A_681 : vector<16xf32>
          %mul3A_683 = arith.constant 2.000000e-01 : f32
          %mul3A_684 = vector.broadcast %mul3A_683 : f32 to vector<16xf32>
          %mul3A_685 = arith.mulf %mul3A_684, %add3A_682 : vector<16xf32>
          %max3A_686 = arith.maximumf %add3A_682, %mul3A_685 : vector<16xf32>
          %mul3A_687 = arith.mulf %max3A_686, %get3A_64 : vector<16xf32>
          %add3A_688 = arith.addf %mul3A_639, %mul3A_655 : vector<16xf32>
          %add3A_689 = arith.addf %add3A_688, %mul3A_671 : vector<16xf32>
          %add3A_690 = arith.addf %add3A_689, %mul3A_687 : vector<16xf32>
          %broadcast_in_dim3A_691 = arith.constant true
          %broadcast_in_dim3A_692 = vector.broadcast %broadcast_in_dim3A_691 : i1 to vector<16xi1>
          %masked_cumsum3A_693 = tpu.scan <sum>, %add3A_690 masked %broadcast_in_dim3A_692 : vector<16xf32>, vector<16xi1> -> vector<16xf32>
          %rev3A_694 = arith.constant 15 : i32
          %rev3A_695 = vector.broadcast %rev3A_694 : i32 to vector<16xi32>
          %rev3A_696 = tpu.iota {dimensions = array<i32: 0>} : vector<16xi32>
          %rev3A_697 = arith.subi %rev3A_695, %rev3A_696 : vector<16xi32>
          %rev3A_698 = tpu.dynamic_gather %add3A_690[%rev3A_697] in [0] : vector<16xf32>, vector<16xi32> -> vector<16xf32>
          %broadcast_in_dim3A_699 = arith.constant true
          %broadcast_in_dim3A_700 = vector.broadcast %broadcast_in_dim3A_699 : i1 to vector<16xi1>
          %masked_cumsum3A_701 = tpu.scan <sum>, %rev3A_698 masked %broadcast_in_dim3A_700 : vector<16xf32>, vector<16xi1> -> vector<16xf32>
          %rev3A_702 = arith.constant 15 : i32
          %rev3A_703 = vector.broadcast %rev3A_702 : i32 to vector<16xi32>
          %rev3A_704 = tpu.iota {dimensions = array<i32: 0>} : vector<16xi32>
          %rev3A_705 = arith.subi %rev3A_703, %rev3A_704 : vector<16xi32>
          %rev3A_706 = tpu.dynamic_gather %masked_cumsum3A_701[%rev3A_705] in [0] : vector<16xf32>, vector<16xi32> -> vector<16xf32>
          %add3A_707 = arith.addf %masked_cumsum3A_693, %rev3A_706 : vector<16xf32>
          %sub3A_708 = arith.subf %add3A_707, %add3A_690 : vector<16xf32>
          %exp3A_709 = math.exp %sub3A_708 : vector<16xf32>
          %mul3A_710 = arith.mulf %get3A_626, %exp3A_709 : vector<16xf32>
          %swap3A_711 = arith.index_cast %add3A_616 : i32 to index
          %swap3A_712 = arith.constant 0 : index
          %swap3A_713 = tpu.vector_load %arg18[%swap3A_711, %swap3A_712] {strides = array<i32>} : memref<40x64xf32, #tpu.memory_space<vmem>>, vector<16xf32>,
          tpu.vector_store %arg18[%swap3A_711, %swap3A_712], %mul3A_710 {strides = array<i32>} : memref<40x64xf32, #tpu.memory_space<vmem>>, vector<16xf32>,
          %mul3A_714 = arith.mulf %get3A_642, %exp3A_709 : vector<16xf32>
          %swap3A_715 = arith.index_cast %add3A_616 : i32 to index
          %swap3A_716 = arith.constant 16 : index
          %swap3A_717 = tpu.vector_load %arg18[%swap3A_715, %swap3A_716] {strides = array<i32>} : memref<40x64xf32, #tpu.memory_space<vmem>>, vector<16xf32>,
          tpu.vector_store %arg18[%swap3A_715, %swap3A_716], %mul3A_714 {strides = array<i32>} : memref<40x64xf32, #tpu.memory_space<vmem>>, vector<16xf32>,
          %mul3A_718 = arith.mulf %get3A_658, %exp3A_709 : vector<16xf32>
          %swap3A_719 = arith.index_cast %add3A_616 : i32 to index
          %swap3A_720 = arith.constant 32 : index
          %swap3A_721 = tpu.vector_load %arg18[%swap3A_719, %swap3A_720] {strides = array<i32>} : memref<40x64xf32, #tpu.memory_space<vmem>>, vector<16xf32>,
          tpu.vector_store %arg18[%swap3A_719, %swap3A_720], %mul3A_718 {strides = array<i32>} : memref<40x64xf32, #tpu.memory_space<vmem>>, vector<16xf32>,
          %mul3A_722 = arith.mulf %get3A_674, %exp3A_709 : vector<16xf32>
          %swap3A_723 = arith.index_cast %add3A_616 : i32 to index
          %swap3A_724 = arith.constant 48 : index
          %swap3A_725 = tpu.vector_load %arg18[%swap3A_723, %swap3A_724] {strides = array<i32>} : memref<40x64xf32, #tpu.memory_space<vmem>>, vector<16xf32>,
          tpu.vector_store %arg18[%swap3A_723, %swap3A_724], %mul3A_722 {strides = array<i32>} : memref<40x64xf32, #tpu.memory_space<vmem>>, vector<16xf32>,
          %broadcast_in_dim3A_726 = arith.constant 0.000000e+00 : f32
          %broadcast_in_dim3A_727 = vector.broadcast %broadcast_in_dim3A_726 : f32 to vector<16xf32>
          %select_n3A_728 = arith.select %eq3A_66, %exp3A_709, %broadcast_in_dim3A_727 : vector<16xi1>, vector<16xf32>
          %swap3A_729 = arith.index_cast %add3A_616 : i32 to index
          %swap3A_730 = arith.constant 0 : index
          %swap3A_731 = tpu.vector_load %arg19[%swap3A_729, %swap3A_730] {strides = array<i32>} : memref<40x16xf32, #tpu.memory_space<vmem>>, vector<16xf32>,
          tpu.vector_store %arg19[%swap3A_729, %swap3A_730], %select_n3A_728 {strides = array<i32>} : memref<40x16xf32, #tpu.memory_space<vmem>>, vector<16xf32>,
          %scan3A_732 = arith.constant 0 : i32
          scf.yield %scan3A_732 : i32
        }
        %scan3A_204 = arith.constant 10 : i32
        %dma_start3A_205 = arith.constant 0 : i32
        %dma_start3A_206 = tpu.memref_slice %arg12[%mul3A_167, %dma_start3A_205] : memref<50x40xi32, #tpu.memory_space<vmem>> -> memref<1x40xi32, #tpu.memory_space<vmem>>
        %dma_start3A_207 = tpu.memref_squeeze %dma_start3A_206 : memref<1x40xi32, #tpu.memory_space<vmem>> -> memref<40xi32, #tpu.memory_space<vmem>>
        %dma_start3A_208 = arith.constant 0 : i32
        %dma_start3A_209 = arith.constant 0 : i32
        %dma_start3A_210 = tpu.memref_slice %arg28[%dma_start3A_208, %dma_start3A_209] : memref<10240x64xf32, #tpu.memory_space<vmem_shared>> -> memref<10240x64xf32, #tpu.memory_space<vmem_shared>>
        tpu.enqueue_indirect_dma source(%arg18 : memref<40x64xf32, #tpu.memory_space<vmem>>) target(%dma_start3A_210 : memref<10240x64xf32, #tpu.memory_space<vmem_shared>>) offsets(%dma_start3A_207 : memref<40xi32, #tpu.memory_space<vmem>>) semaphore(%arg32 : memref<!tpu.dma_semaphore, #tpu.memory_space<semaphore_mem>>) {add = true}
        %dma_start3A_211 = arith.constant 0 : i32
        %dma_start3A_212 = tpu.memref_slice %arg12[%mul3A_167, %dma_start3A_211] : memref<50x40xi32, #tpu.memory_space<vmem>> -> memref<1x40xi32, #tpu.memory_space<vmem>>
        %dma_start3A_213 = tpu.memref_squeeze %dma_start3A_212 : memref<1x40xi32, #tpu.memory_space<vmem>> -> memref<40xi32, #tpu.memory_space<vmem>>
        %dma_start3A_214 = arith.constant 0 : i32
        %dma_start3A_215 = arith.constant 0 : i32
        %dma_start3A_216 = tpu.memref_slice %arg29[%dma_start3A_214, %dma_start3A_215] : memref<10240x16xf32, #tpu.memory_space<vmem_shared>> -> memref<10240x16xf32, #tpu.memory_space<vmem_shared>>
        tpu.enqueue_indirect_dma source(%arg19 : memref<40x16xf32, #tpu.memory_space<vmem>>) target(%dma_start3A_216 : memref<10240x16xf32, #tpu.memory_space<vmem_shared>>) offsets(%dma_start3A_213 : memref<40xi32, #tpu.memory_space<vmem>>) semaphore(%arg32 : memref<!tpu.dma_semaphore, #tpu.memory_space<semaphore_mem>>) {add = true}
        %add3A_217 = arith.constant 2 : i32
        %add3A_218 = arith.addi %mul3A_167, %add3A_217 : i32
        %lt3A = arith.constant 50 : i32
        %lt3A_219 = arith.cmpi slt, %add3A_218, %lt3A : i32
        %convert_element_type3A_220 = arith.extui %lt3A_219 : i1 to i32
        %cond3A_221 = arith.constant 0 : i32
        %cond3A_222 = arith.cmpi ne, %convert_element_type3A_220, %cond3A_221 : i32
        scf.if %cond3A_222 {
          %add3A_262 = arith.constant 2 : i32
          %add3A_263 = arith.addi %mul3A_167, %add3A_262 : i32
          %dma_start3A_264 = arith.constant 0 : i32
          %dma_start3A_265 = tpu.memref_slice %arg11[%add3A_263, %dma_start3A_264] : memref<50x40xi32, #tpu.memory_space<vmem>> -> memref<1x40xi32, #tpu.memory_space<vmem>>
          %dma_start3A_266 = tpu.memref_squeeze %dma_start3A_265 : memref<1x40xi32, #tpu.memory_space<vmem>> -> memref<40xi32, #tpu.memory_space<vmem>>
          %dma_start3A_267 = arith.constant 0 : i32
          %dma_start3A_268 = arith.constant 0 : i32
          %dma_start3A_269 = tpu.memref_slice %arg2[%dma_start3A_267, %dma_start3A_268] : memref<10000x64xf32, #tpu.memory_space<hbm>> -> memref<10000x64xf32, #tpu.memory_space<hbm>>
          tpu.enqueue_indirect_dma source(%dma_start3A_269 : memref<10000x64xf32, #tpu.memory_space<hbm>>) target(%arg16 : memref<40x64xf32, #tpu.memory_space<vmem>>) offsets(%dma_start3A_266 : memref<40xi32, #tpu.memory_space<vmem>>) semaphore(%arg30 : memref<!tpu.dma_semaphore, #tpu.memory_space<semaphore_mem>>)
          %dma_start3A_270 = arith.constant 0 : i32
          %dma_start3A_271 = tpu.memref_slice %arg12[%add3A_263, %dma_start3A_270] : memref<50x40xi32, #tpu.memory_space<vmem>> -> memref<1x40xi32, #tpu.memory_space<vmem>>
          %dma_start3A_272 = tpu.memref_squeeze %dma_start3A_271 : memref<1x40xi32, #tpu.memory_space<vmem>> -> memref<40xi32, #tpu.memory_space<vmem>>
          %dma_start3A_273 = arith.constant 0 : i32
          %dma_start3A_274 = arith.constant 0 : i32
          %dma_start3A_275 = tpu.memref_slice %arg3[%dma_start3A_273, %dma_start3A_274] : memref<10000x64xf32, #tpu.memory_space<hbm>> -> memref<10000x64xf32, #tpu.memory_space<hbm>>
          tpu.enqueue_indirect_dma source(%dma_start3A_275 : memref<10000x64xf32, #tpu.memory_space<hbm>>) target(%arg17 : memref<40x64xf32, #tpu.memory_space<vmem>>) offsets(%dma_start3A_272 : memref<40xi32, #tpu.memory_space<vmem>>) semaphore(%arg30 : memref<!tpu.dma_semaphore, #tpu.memory_space<semaphore_mem>>)
        } else {
        }
        %dma_wait3A_223 = arith.constant 0 : i32
        %dma_wait3A_224 = tpu.memref_slice %arg11[%add3A_169, %dma_wait3A_223] : memref<50x40xi32, #tpu.memory_space<vmem>> -> memref<1x40xi32, #tpu.memory_space<vmem>>
        %dma_wait3A_225 = tpu.memref_squeeze %dma_wait3A_224 : memref<1x40xi32, #tpu.memory_space<vmem>> -> memref<40xi32, #tpu.memory_space<vmem>>
        %dma_wait3A_226 = arith.constant 0 : i32
        %dma_wait3A_227 = arith.constant 0 : i32
        %dma_wait3A_228 = tpu.memref_slice %arg2[%dma_wait3A_226, %dma_wait3A_227] : memref<10000x64xf32, #tpu.memory_space<hbm>> -> memref<10000x64xf32, #tpu.memory_space<hbm>>
        tpu.wait_indirect_dma semaphore(%arg31 : memref<!tpu.dma_semaphore, #tpu.memory_space<semaphore_mem>>) src(%dma_wait3A_228 : memref<10000x64xf32, #tpu.memory_space<hbm>>) dst(%arg20 : memref<40x64xf32, #tpu.memory_space<vmem>>)
        %dma_wait3A_229 = arith.constant 0 : i32
        %dma_wait3A_230 = tpu.memref_slice %arg12[%add3A_169, %dma_wait3A_229] : memref<50x40xi32, #tpu.memory_space<vmem>> -> memref<1x40xi32, #tpu.memory_space<vmem>>
        %dma_wait3A_231 = tpu.memref_squeeze %dma_wait3A_230 : memref<1x40xi32, #tpu.memory_space<vmem>> -> memref<40xi32, #tpu.memory_space<vmem>>
        %dma_wait3A_232 = arith.constant 0 : i32
        %dma_wait3A_233 = arith.constant 0 : i32
        %dma_wait3A_234 = tpu.memref_slice %arg3[%dma_wait3A_232, %dma_wait3A_233] : memref<10000x64xf32, #tpu.memory_space<hbm>> -> memref<10000x64xf32, #tpu.memory_space<hbm>>
        tpu.wait_indirect_dma semaphore(%arg31 : memref<!tpu.dma_semaphore, #tpu.memory_space<semaphore_mem>>) src(%dma_wait3A_234 : memref<10000x64xf32, #tpu.memory_space<hbm>>) dst(%arg21 : memref<40x64xf32, #tpu.memory_space<vmem>>)
        %ge3A_235 = arith.constant 1 : i32
        %ge3A_236 = arith.cmpi sge, %scan3A_164, %ge3A_235 : i32
        %convert_element_type3A_237 = arith.extui %ge3A_236 : i1 to i32
        %cond3A_238 = arith.constant 0 : i32
        %cond3A_239 = arith.cmpi ne, %convert_element_type3A_237, %cond3A_238 : i32
        scf.if %cond3A_239 {
          %sub3A = arith.constant 2 : i32
          %sub3A_262 = arith.subi %add3A_169, %sub3A : i32
          %dma_wait3A_263 = arith.constant 0 : i32
          %dma_wait3A_264 = tpu.memref_slice %arg12[%sub3A_262, %dma_wait3A_263] : memref<50x40xi32, #tpu.memory_space<vmem>> -> memref<1x40xi32, #tpu.memory_space<vmem>>
          %dma_wait3A_265 = tpu.memref_squeeze %dma_wait3A_264 : memref<1x40xi32, #tpu.memory_space<vmem>> -> memref<40xi32, #tpu.memory_space<vmem>>
          %dma_wait3A_266 = arith.constant 0 : i32
          %dma_wait3A_267 = arith.constant 0 : i32
          %dma_wait3A_268 = tpu.memref_slice %arg28[%dma_wait3A_266, %dma_wait3A_267] : memref<10240x64xf32, #tpu.memory_space<vmem_shared>> -> memref<10240x64xf32, #tpu.memory_space<vmem_shared>>
          tpu.wait_indirect_dma semaphore(%arg33 : memref<!tpu.dma_semaphore, #tpu.memory_space<semaphore_mem>>) src(%arg22 : memref<40x64xf32, #tpu.memory_space<vmem>>) dst(%dma_wait3A_268 : memref<10240x64xf32, #tpu.memory_space<vmem_shared>>)
          %dma_wait3A_269 = arith.constant 0 : i32
          %dma_wait3A_270 = tpu.memref_slice %arg12[%sub3A_262, %dma_wait3A_269] : memref<50x40xi32, #tpu.memory_space<vmem>> -> memref<1x40xi32, #tpu.memory_space<vmem>>
          %dma_wait3A_271 = tpu.memref_squeeze %dma_wait3A_270 : memref<1x40xi32, #tpu.memory_space<vmem>> -> memref<40xi32, #tpu.memory_space<vmem>>
          %dma_wait3A_272 = arith.constant 0 : i32
          %dma_wait3A_273 = arith.constant 0 : i32
          %dma_wait3A_274 = tpu.memref_slice %arg29[%dma_wait3A_272, %dma_wait3A_273] : memref<10240x16xf32, #tpu.memory_space<vmem_shared>> -> memref<10240x16xf32, #tpu.memory_space<vmem_shared>>
          tpu.wait_indirect_dma semaphore(%arg33 : memref<!tpu.dma_semaphore, #tpu.memory_space<semaphore_mem>>) src(%arg23 : memref<40x16xf32, #tpu.memory_space<vmem>>) dst(%dma_wait3A_274 : memref<10240x16xf32, #tpu.memory_space<vmem_shared>>)
        } else {
        }
        %mul3A_240 = arith.constant 40 : i32
        %mul3A_241 = arith.muli %add3A_169, %mul3A_240 : i32
        %scan3A_242 = arith.constant 0 : i32
        %scan3A_243 = arith.constant 0 : i32
        %scan3A_244 = arith.constant 10 : i32
        %scan3A_245 = arith.addi %scan3A_243, %scan3A_244 : i32
        %scan3A_246 = arith.constant 1 : i32
        %scan3A_247 = scf.for %scan3A_262 = %scan3A_243 to %scan3A_245 step %scan3A_246 iter_args(%scan3A_263 = %scan3A_242) -> (i32)  : i32 {
          %mul3A_264 = arith.constant 4 : i32
          %mul3A_265 = arith.muli %scan3A_262, %mul3A_264 : i32
          %add3A_266 = arith.constant 0 : i32
          %add3A_267 = arith.addi %mul3A_265, %add3A_266 : i32
          %broadcast_in_dim3A_268 = arith.constant 0 : i32
          %broadcast_in_dim3A_269 = vector.broadcast %broadcast_in_dim3A_268 : i32 to vector<16xi32>
          %add3A_270 = arith.addi %mul3A_241, %add3A_267 : i32
          %add3A_271 = vector.broadcast %add3A_270 : i32 to vector<16xi32>
          %add3A_272 = arith.addi %broadcast_in_dim3A_269, %add3A_271 : vector<16xi32>
          %gather3A = tpu.vector_load_idx %arg14[%add3A_272] : memref<2000xf32, #tpu.memory_space<vmem>>[vector<16xi32>], vector<16xf32>,
          %gather3A_273 = tpu.vector_load_idx %arg15[%add3A_272] : memref<2000xf32, #tpu.memory_space<vmem>>[vector<16xi32>], vector<16xf32>,
          %get3A_274 = arith.index_cast %add3A_267 : i32 to index
          %get3A_275 = arith.constant 0 : index
          %get3A_276 = tpu.vector_load %arg20[%get3A_274, %get3A_275] {strides = array<i32>} : memref<40x64xf32, #tpu.memory_space<vmem>>, vector<16xf32>,
          %get3A_277 = arith.index_cast %add3A_267 : i32 to index
          %get3A_278 = arith.constant 0 : index
          %get3A_279 = tpu.vector_load %arg21[%get3A_277, %get3A_278] {strides = array<i32>} : memref<40x64xf32, #tpu.memory_space<vmem>>, vector<16xf32>,
          %add3A_280 = arith.addf %get3A_276, %get3A_279 : vector<16xf32>
          %mul3A_281 = arith.mulf %gather3A, %get3A_6 : vector<16xf32>
          %add3A_282 = arith.addf %add3A_280, %mul3A_281 : vector<16xf32>
          %mul3A_283 = arith.mulf %gather3A_273, %get3A_30 : vector<16xf32>
          %add3A_284 = arith.addf %add3A_282, %mul3A_283 : vector<16xf32>
          %mul3A_285 = arith.constant 2.000000e-01 : f32
          %mul3A_286 = vector.broadcast %mul3A_285 : f32 to vector<16xf32>
          %mul3A_287 = arith.mulf %mul3A_286, %add3A_284 : vector<16xf32>
          %max3A = arith.maximumf %add3A_284, %mul3A_287 : vector<16xf32>
          %mul3A_288 = arith.mulf %max3A, %get3A_52 : vector<16xf32>
          %get3A_289 = arith.index_cast %add3A_267 : i32 to index
          %get3A_290 = arith.constant 16 : index
          %get3A_291 = tpu.vector_load %arg20[%get3A_289, %get3A_290] {strides = array<i32>} : memref<40x64xf32, #tpu.memory_space<vmem>>, vector<16xf32>,
          %get3A_292 = arith.index_cast %add3A_267 : i32 to index
          %get3A_293 = arith.constant 16 : index
          %get3A_294 = tpu.vector_load %arg21[%get3A_292, %get3A_293] {strides = array<i32>} : memref<40x64xf32, #tpu.memory_space<vmem>>, vector<16xf32>,
          %add3A_295 = arith.addf %get3A_291, %get3A_294 : vector<16xf32>
          %mul3A_296 = arith.mulf %gather3A, %get3A_12 : vector<16xf32>
          %add3A_297 = arith.addf %add3A_295, %mul3A_296 : vector<16xf32>
          %mul3A_298 = arith.mulf %gather3A_273, %get3A_36 : vector<16xf32>
          %add3A_299 = arith.addf %add3A_297, %mul3A_298 : vector<16xf32>
          %mul3A_300 = arith.constant 2.000000e-01 : f32
          %mul3A_301 = vector.broadcast %mul3A_300 : f32 to vector<16xf32>
          %mul3A_302 = arith.mulf %mul3A_301, %add3A_299 : vector<16xf32>
          %max3A_303 = arith.maximumf %add3A_299, %mul3A_302 : vector<16xf32>
          %mul3A_304 = arith.mulf %max3A_303, %get3A_56 : vector<16xf32>
          %get3A_305 = arith.index_cast %add3A_267 : i32 to index
          %get3A_306 = arith.constant 32 : index
          %get3A_307 = tpu.vector_load %arg20[%get3A_305, %get3A_306] {strides = array<i32>} : memref<40x64xf32, #tpu.memory_space<vmem>>, vector<16xf32>,
          %get3A_308 = arith.index_cast %add3A_267 : i32 to index
          %get3A_309 = arith.constant 32 : index
          %get3A_310 = tpu.vector_load %arg21[%get3A_308, %get3A_309] {strides = array<i32>} : memref<40x64xf32, #tpu.memory_space<vmem>>, vector<16xf32>,
          %add3A_311 = arith.addf %get3A_307, %get3A_310 : vector<16xf32>
          %mul3A_312 = arith.mulf %gather3A, %get3A_18 : vector<16xf32>
          %add3A_313 = arith.addf %add3A_311, %mul3A_312 : vector<16xf32>
          %mul3A_314 = arith.mulf %gather3A_273, %get3A_42 : vector<16xf32>
          %add3A_315 = arith.addf %add3A_313, %mul3A_314 : vector<16xf32>
          %mul3A_316 = arith.constant 2.000000e-01 : f32
          %mul3A_317 = vector.broadcast %mul3A_316 : f32 to vector<16xf32>
          %mul3A_318 = arith.mulf %mul3A_317, %add3A_315 : vector<16xf32>
          %max3A_319 = arith.maximumf %add3A_315, %mul3A_318 : vector<16xf32>
          %mul3A_320 = arith.mulf %max3A_319, %get3A_60 : vector<16xf32>
          %get3A_321 = arith.index_cast %add3A_267 : i32 to index
          %get3A_322 = arith.constant 48 : index
          %get3A_323 = tpu.vector_load %arg20[%get3A_321, %get3A_322] {strides = array<i32>} : memref<40x64xf32, #tpu.memory_space<vmem>>, vector<16xf32>,
          %get3A_324 = arith.index_cast %add3A_267 : i32 to index
          %get3A_325 = arith.constant 48 : index
          %get3A_326 = tpu.vector_load %arg21[%get3A_324, %get3A_325] {strides = array<i32>} : memref<40x64xf32, #tpu.memory_space<vmem>>, vector<16xf32>,
          %add3A_327 = arith.addf %get3A_323, %get3A_326 : vector<16xf32>
          %mul3A_328 = arith.mulf %gather3A, %get3A_24 : vector<16xf32>
          %add3A_329 = arith.addf %add3A_327, %mul3A_328 : vector<16xf32>
          %mul3A_330 = arith.mulf %gather3A_273, %get3A_48 : vector<16xf32>
          %add3A_331 = arith.addf %add3A_329, %mul3A_330 : vector<16xf32>
          %mul3A_332 = arith.constant 2.000000e-01 : f32
          %mul3A_333 = vector.broadcast %mul3A_332 : f32 to vector<16xf32>
          %mul3A_334 = arith.mulf %mul3A_333, %add3A_331 : vector<16xf32>
          %max3A_335 = arith.maximumf %add3A_331, %mul3A_334 : vector<16xf32>
          %mul3A_336 = arith.mulf %max3A_335, %get3A_64 : vector<16xf32>
          %add3A_337 = arith.addf %mul3A_288, %mul3A_304 : vector<16xf32>
          %add3A_338 = arith.addf %add3A_337, %mul3A_320 : vector<16xf32>
          %add3A_339 = arith.addf %add3A_338, %mul3A_336 : vector<16xf32>
          %broadcast_in_dim3A_340 = arith.constant true
          %broadcast_in_dim3A_341 = vector.broadcast %broadcast_in_dim3A_340 : i1 to vector<16xi1>
          %masked_cumsum3A = tpu.scan <sum>, %add3A_339 masked %broadcast_in_dim3A_341 : vector<16xf32>, vector<16xi1> -> vector<16xf32>
          %rev3A = arith.constant 15 : i32
          %rev3A_342 = vector.broadcast %rev3A : i32 to vector<16xi32>
          %rev3A_343 = tpu.iota {dimensions = array<i32: 0>} : vector<16xi32>
          %rev3A_344 = arith.subi %rev3A_342, %rev3A_343 : vector<16xi32>
          %rev3A_345 = tpu.dynamic_gather %add3A_339[%rev3A_344] in [0] : vector<16xf32>, vector<16xi32> -> vector<16xf32>
          %broadcast_in_dim3A_346 = arith.constant true
          %broadcast_in_dim3A_347 = vector.broadcast %broadcast_in_dim3A_346 : i1 to vector<16xi1>
          %masked_cumsum3A_348 = tpu.scan <sum>, %rev3A_345 masked %broadcast_in_dim3A_347 : vector<16xf32>, vector<16xi1> -> vector<16xf32>
          %rev3A_349 = arith.constant 15 : i32
          %rev3A_350 = vector.broadcast %rev3A_349 : i32 to vector<16xi32>
          %rev3A_351 = tpu.iota {dimensions = array<i32: 0>} : vector<16xi32>
          %rev3A_352 = arith.subi %rev3A_350, %rev3A_351 : vector<16xi32>
          %rev3A_353 = tpu.dynamic_gather %masked_cumsum3A_348[%rev3A_352] in [0] : vector<16xf32>, vector<16xi32> -> vector<16xf32>
          %add3A_354 = arith.addf %masked_cumsum3A, %rev3A_353 : vector<16xf32>
          %sub3A = arith.subf %add3A_354, %add3A_339 : vector<16xf32>
          %exp3A = math.exp %sub3A : vector<16xf32>
          %mul3A_355 = arith.mulf %get3A_276, %exp3A : vector<16xf32>
          %swap3A = arith.index_cast %add3A_267 : i32 to index
          %swap3A_356 = arith.constant 0 : index
          %swap3A_357 = tpu.vector_load %arg22[%swap3A, %swap3A_356] {strides = array<i32>} : memref<40x64xf32, #tpu.memory_space<vmem>>, vector<16xf32>,
          tpu.vector_store %arg22[%swap3A, %swap3A_356], %mul3A_355 {strides = array<i32>} : memref<40x64xf32, #tpu.memory_space<vmem>>, vector<16xf32>,
          %mul3A_358 = arith.mulf %get3A_291, %exp3A : vector<16xf32>
          %swap3A_359 = arith.index_cast %add3A_267 : i32 to index
          %swap3A_360 = arith.constant 16 : index
          %swap3A_361 = tpu.vector_load %arg22[%swap3A_359, %swap3A_360] {strides = array<i32>} : memref<40x64xf32, #tpu.memory_space<vmem>>, vector<16xf32>,
          tpu.vector_store %arg22[%swap3A_359, %swap3A_360], %mul3A_358 {strides = array<i32>} : memref<40x64xf32, #tpu.memory_space<vmem>>, vector<16xf32>,
          %mul3A_362 = arith.mulf %get3A_307, %exp3A : vector<16xf32>
          %swap3A_363 = arith.index_cast %add3A_267 : i32 to index
          %swap3A_364 = arith.constant 32 : index
          %swap3A_365 = tpu.vector_load %arg22[%swap3A_363, %swap3A_364] {strides = array<i32>} : memref<40x64xf32, #tpu.memory_space<vmem>>, vector<16xf32>,
          tpu.vector_store %arg22[%swap3A_363, %swap3A_364], %mul3A_362 {strides = array<i32>} : memref<40x64xf32, #tpu.memory_space<vmem>>, vector<16xf32>,
          %mul3A_366 = arith.mulf %get3A_323, %exp3A : vector<16xf32>
          %swap3A_367 = arith.index_cast %add3A_267 : i32 to index
          %swap3A_368 = arith.constant 48 : index
          %swap3A_369 = tpu.vector_load %arg22[%swap3A_367, %swap3A_368] {strides = array<i32>} : memref<40x64xf32, #tpu.memory_space<vmem>>, vector<16xf32>,
          tpu.vector_store %arg22[%swap3A_367, %swap3A_368], %mul3A_366 {strides = array<i32>} : memref<40x64xf32, #tpu.memory_space<vmem>>, vector<16xf32>,
          %broadcast_in_dim3A_370 = arith.constant 0.000000e+00 : f32
          %broadcast_in_dim3A_371 = vector.broadcast %broadcast_in_dim3A_370 : f32 to vector<16xf32>
          %select_n3A = arith.select %eq3A_66, %exp3A, %broadcast_in_dim3A_371 : vector<16xi1>, vector<16xf32>
          %swap3A_372 = arith.index_cast %add3A_267 : i32 to index
          %swap3A_373 = arith.constant 0 : index
          %swap3A_374 = tpu.vector_load %arg23[%swap3A_372, %swap3A_373] {strides = array<i32>} : memref<40x16xf32, #tpu.memory_space<vmem>>, vector<16xf32>,
          tpu.vector_store %arg23[%swap3A_372, %swap3A_373], %select_n3A {strides = array<i32>} : memref<40x16xf32, #tpu.memory_space<vmem>>, vector<16xf32>,
          %mul3A_375 = arith.constant 4 : i32
          %mul3A_376 = arith.muli %scan3A_262, %mul3A_375 : i32
          %add3A_377 = arith.constant 1 : i32
          %add3A_378 = arith.addi %mul3A_376, %add3A_377 : i32
          %broadcast_in_dim3A_379 = arith.constant 0 : i32
          %broadcast_in_dim3A_380 = vector.broadcast %broadcast_in_dim3A_379 : i32 to vector<16xi32>
          %add3A_381 = arith.addi %mul3A_241, %add3A_378 : i32
          %add3A_382 = vector.broadcast %add3A_381 : i32 to vector<16xi32>
          %add3A_383 = arith.addi %broadcast_in_dim3A_380, %add3A_382 : vector<16xi32>
          %gather3A_384 = tpu.vector_load_idx %arg14[%add3A_383] : memref<2000xf32, #tpu.memory_space<vmem>>[vector<16xi32>], vector<16xf32>,
          %gather3A_385 = tpu.vector_load_idx %arg15[%add3A_383] : memref<2000xf32, #tpu.memory_space<vmem>>[vector<16xi32>], vector<16xf32>,
          %get3A_386 = arith.index_cast %add3A_378 : i32 to index
          %get3A_387 = arith.constant 0 : index
          %get3A_388 = tpu.vector_load %arg20[%get3A_386, %get3A_387] {strides = array<i32>} : memref<40x64xf32, #tpu.memory_space<vmem>>, vector<16xf32>,
          %get3A_389 = arith.index_cast %add3A_378 : i32 to index
          %get3A_390 = arith.constant 0 : index
          %get3A_391 = tpu.vector_load %arg21[%get3A_389, %get3A_390] {strides = array<i32>} : memref<40x64xf32, #tpu.memory_space<vmem>>, vector<16xf32>,
          %add3A_392 = arith.addf %get3A_388, %get3A_391 : vector<16xf32>
          %mul3A_393 = arith.mulf %gather3A_384, %get3A_6 : vector<16xf32>
          %add3A_394 = arith.addf %add3A_392, %mul3A_393 : vector<16xf32>
          %mul3A_395 = arith.mulf %gather3A_385, %get3A_30 : vector<16xf32>
          %add3A_396 = arith.addf %add3A_394, %mul3A_395 : vector<16xf32>
          %mul3A_397 = arith.constant 2.000000e-01 : f32
          %mul3A_398 = vector.broadcast %mul3A_397 : f32 to vector<16xf32>
          %mul3A_399 = arith.mulf %mul3A_398, %add3A_396 : vector<16xf32>
          %max3A_400 = arith.maximumf %add3A_396, %mul3A_399 : vector<16xf32>
          %mul3A_401 = arith.mulf %max3A_400, %get3A_52 : vector<16xf32>
          %get3A_402 = arith.index_cast %add3A_378 : i32 to index
          %get3A_403 = arith.constant 16 : index
          %get3A_404 = tpu.vector_load %arg20[%get3A_402, %get3A_403] {strides = array<i32>} : memref<40x64xf32, #tpu.memory_space<vmem>>, vector<16xf32>,
          %get3A_405 = arith.index_cast %add3A_378 : i32 to index
          %get3A_406 = arith.constant 16 : index
          %get3A_407 = tpu.vector_load %arg21[%get3A_405, %get3A_406] {strides = array<i32>} : memref<40x64xf32, #tpu.memory_space<vmem>>, vector<16xf32>,
          %add3A_408 = arith.addf %get3A_404, %get3A_407 : vector<16xf32>
          %mul3A_409 = arith.mulf %gather3A_384, %get3A_12 : vector<16xf32>
          %add3A_410 = arith.addf %add3A_408, %mul3A_409 : vector<16xf32>
          %mul3A_411 = arith.mulf %gather3A_385, %get3A_36 : vector<16xf32>
          %add3A_412 = arith.addf %add3A_410, %mul3A_411 : vector<16xf32>
          %mul3A_413 = arith.constant 2.000000e-01 : f32
          %mul3A_414 = vector.broadcast %mul3A_413 : f32 to vector<16xf32>
          %mul3A_415 = arith.mulf %mul3A_414, %add3A_412 : vector<16xf32>
          %max3A_416 = arith.maximumf %add3A_412, %mul3A_415 : vector<16xf32>
          %mul3A_417 = arith.mulf %max3A_416, %get3A_56 : vector<16xf32>
          %get3A_418 = arith.index_cast %add3A_378 : i32 to index
          %get3A_419 = arith.constant 32 : index
          %get3A_420 = tpu.vector_load %arg20[%get3A_418, %get3A_419] {strides = array<i32>} : memref<40x64xf32, #tpu.memory_space<vmem>>, vector<16xf32>,
          %get3A_421 = arith.index_cast %add3A_378 : i32 to index
          %get3A_422 = arith.constant 32 : index
          %get3A_423 = tpu.vector_load %arg21[%get3A_421, %get3A_422] {strides = array<i32>} : memref<40x64xf32, #tpu.memory_space<vmem>>, vector<16xf32>,
          %add3A_424 = arith.addf %get3A_420, %get3A_423 : vector<16xf32>
          %mul3A_425 = arith.mulf %gather3A_384, %get3A_18 : vector<16xf32>
          %add3A_426 = arith.addf %add3A_424, %mul3A_425 : vector<16xf32>
          %mul3A_427 = arith.mulf %gather3A_385, %get3A_42 : vector<16xf32>
          %add3A_428 = arith.addf %add3A_426, %mul3A_427 : vector<16xf32>
          %mul3A_429 = arith.constant 2.000000e-01 : f32
          %mul3A_430 = vector.broadcast %mul3A_429 : f32 to vector<16xf32>
          %mul3A_431 = arith.mulf %mul3A_430, %add3A_428 : vector<16xf32>
          %max3A_432 = arith.maximumf %add3A_428, %mul3A_431 : vector<16xf32>
          %mul3A_433 = arith.mulf %max3A_432, %get3A_60 : vector<16xf32>
          %get3A_434 = arith.index_cast %add3A_378 : i32 to index
          %get3A_435 = arith.constant 48 : index
          %get3A_436 = tpu.vector_load %arg20[%get3A_434, %get3A_435] {strides = array<i32>} : memref<40x64xf32, #tpu.memory_space<vmem>>, vector<16xf32>,
          %get3A_437 = arith.index_cast %add3A_378 : i32 to index
          %get3A_438 = arith.constant 48 : index
          %get3A_439 = tpu.vector_load %arg21[%get3A_437, %get3A_438] {strides = array<i32>} : memref<40x64xf32, #tpu.memory_space<vmem>>, vector<16xf32>,
          %add3A_440 = arith.addf %get3A_436, %get3A_439 : vector<16xf32>
          %mul3A_441 = arith.mulf %gather3A_384, %get3A_24 : vector<16xf32>
          %add3A_442 = arith.addf %add3A_440, %mul3A_441 : vector<16xf32>
          %mul3A_443 = arith.mulf %gather3A_385, %get3A_48 : vector<16xf32>
          %add3A_444 = arith.addf %add3A_442, %mul3A_443 : vector<16xf32>
          %mul3A_445 = arith.constant 2.000000e-01 : f32
          %mul3A_446 = vector.broadcast %mul3A_445 : f32 to vector<16xf32>
          %mul3A_447 = arith.mulf %mul3A_446, %add3A_444 : vector<16xf32>
          %max3A_448 = arith.maximumf %add3A_444, %mul3A_447 : vector<16xf32>
          %mul3A_449 = arith.mulf %max3A_448, %get3A_64 : vector<16xf32>
          %add3A_450 = arith.addf %mul3A_401, %mul3A_417 : vector<16xf32>
          %add3A_451 = arith.addf %add3A_450, %mul3A_433 : vector<16xf32>
          %add3A_452 = arith.addf %add3A_451, %mul3A_449 : vector<16xf32>
          %broadcast_in_dim3A_453 = arith.constant true
          %broadcast_in_dim3A_454 = vector.broadcast %broadcast_in_dim3A_453 : i1 to vector<16xi1>
          %masked_cumsum3A_455 = tpu.scan <sum>, %add3A_452 masked %broadcast_in_dim3A_454 : vector<16xf32>, vector<16xi1> -> vector<16xf32>
          %rev3A_456 = arith.constant 15 : i32
          %rev3A_457 = vector.broadcast %rev3A_456 : i32 to vector<16xi32>
          %rev3A_458 = tpu.iota {dimensions = array<i32: 0>} : vector<16xi32>
          %rev3A_459 = arith.subi %rev3A_457, %rev3A_458 : vector<16xi32>
          %rev3A_460 = tpu.dynamic_gather %add3A_452[%rev3A_459] in [0] : vector<16xf32>, vector<16xi32> -> vector<16xf32>
          %broadcast_in_dim3A_461 = arith.constant true
          %broadcast_in_dim3A_462 = vector.broadcast %broadcast_in_dim3A_461 : i1 to vector<16xi1>
          %masked_cumsum3A_463 = tpu.scan <sum>, %rev3A_460 masked %broadcast_in_dim3A_462 : vector<16xf32>, vector<16xi1> -> vector<16xf32>
          %rev3A_464 = arith.constant 15 : i32
          %rev3A_465 = vector.broadcast %rev3A_464 : i32 to vector<16xi32>
          %rev3A_466 = tpu.iota {dimensions = array<i32: 0>} : vector<16xi32>
          %rev3A_467 = arith.subi %rev3A_465, %rev3A_466 : vector<16xi32>
          %rev3A_468 = tpu.dynamic_gather %masked_cumsum3A_463[%rev3A_467] in [0] : vector<16xf32>, vector<16xi32> -> vector<16xf32>
          %add3A_469 = arith.addf %masked_cumsum3A_455, %rev3A_468 : vector<16xf32>
          %sub3A_470 = arith.subf %add3A_469, %add3A_452 : vector<16xf32>
          %exp3A_471 = math.exp %sub3A_470 : vector<16xf32>
          %mul3A_472 = arith.mulf %get3A_388, %exp3A_471 : vector<16xf32>
          %swap3A_473 = arith.index_cast %add3A_378 : i32 to index
          %swap3A_474 = arith.constant 0 : index
          %swap3A_475 = tpu.vector_load %arg22[%swap3A_473, %swap3A_474] {strides = array<i32>} : memref<40x64xf32, #tpu.memory_space<vmem>>, vector<16xf32>,
          tpu.vector_store %arg22[%swap3A_473, %swap3A_474], %mul3A_472 {strides = array<i32>} : memref<40x64xf32, #tpu.memory_space<vmem>>, vector<16xf32>,
          %mul3A_476 = arith.mulf %get3A_404, %exp3A_471 : vector<16xf32>
          %swap3A_477 = arith.index_cast %add3A_378 : i32 to index
          %swap3A_478 = arith.constant 16 : index
          %swap3A_479 = tpu.vector_load %arg22[%swap3A_477, %swap3A_478] {strides = array<i32>} : memref<40x64xf32, #tpu.memory_space<vmem>>, vector<16xf32>,
          tpu.vector_store %arg22[%swap3A_477, %swap3A_478], %mul3A_476 {strides = array<i32>} : memref<40x64xf32, #tpu.memory_space<vmem>>, vector<16xf32>,
          %mul3A_480 = arith.mulf %get3A_420, %exp3A_471 : vector<16xf32>
          %swap3A_481 = arith.index_cast %add3A_378 : i32 to index
          %swap3A_482 = arith.constant 32 : index
          %swap3A_483 = tpu.vector_load %arg22[%swap3A_481, %swap3A_482] {strides = array<i32>} : memref<40x64xf32, #tpu.memory_space<vmem>>, vector<16xf32>,
          tpu.vector_store %arg22[%swap3A_481, %swap3A_482], %mul3A_480 {strides = array<i32>} : memref<40x64xf32, #tpu.memory_space<vmem>>, vector<16xf32>,
          %mul3A_484 = arith.mulf %get3A_436, %exp3A_471 : vector<16xf32>
          %swap3A_485 = arith.index_cast %add3A_378 : i32 to index
          %swap3A_486 = arith.constant 48 : index
          %swap3A_487 = tpu.vector_load %arg22[%swap3A_485, %swap3A_486] {strides = array<i32>} : memref<40x64xf32, #tpu.memory_space<vmem>>, vector<16xf32>,
          tpu.vector_store %arg22[%swap3A_485, %swap3A_486], %mul3A_484 {strides = array<i32>} : memref<40x64xf32, #tpu.memory_space<vmem>>, vector<16xf32>,
          %broadcast_in_dim3A_488 = arith.constant 0.000000e+00 : f32
          %broadcast_in_dim3A_489 = vector.broadcast %broadcast_in_dim3A_488 : f32 to vector<16xf32>
          %select_n3A_490 = arith.select %eq3A_66, %exp3A_471, %broadcast_in_dim3A_489 : vector<16xi1>, vector<16xf32>
          %swap3A_491 = arith.index_cast %add3A_378 : i32 to index
          %swap3A_492 = arith.constant 0 : index
          %swap3A_493 = tpu.vector_load %arg23[%swap3A_491, %swap3A_492] {strides = array<i32>} : memref<40x16xf32, #tpu.memory_space<vmem>>, vector<16xf32>,
          tpu.vector_store %arg23[%swap3A_491, %swap3A_492], %select_n3A_490 {strides = array<i32>} : memref<40x16xf32, #tpu.memory_space<vmem>>, vector<16xf32>,
          %mul3A_494 = arith.constant 4 : i32
          %mul3A_495 = arith.muli %scan3A_262, %mul3A_494 : i32
          %add3A_496 = arith.constant 2 : i32
          %add3A_497 = arith.addi %mul3A_495, %add3A_496 : i32
          %broadcast_in_dim3A_498 = arith.constant 0 : i32
          %broadcast_in_dim3A_499 = vector.broadcast %broadcast_in_dim3A_498 : i32 to vector<16xi32>
          %add3A_500 = arith.addi %mul3A_241, %add3A_497 : i32
          %add3A_501 = vector.broadcast %add3A_500 : i32 to vector<16xi32>
          %add3A_502 = arith.addi %broadcast_in_dim3A_499, %add3A_501 : vector<16xi32>
          %gather3A_503 = tpu.vector_load_idx %arg14[%add3A_502] : memref<2000xf32, #tpu.memory_space<vmem>>[vector<16xi32>], vector<16xf32>,
          %gather3A_504 = tpu.vector_load_idx %arg15[%add3A_502] : memref<2000xf32, #tpu.memory_space<vmem>>[vector<16xi32>], vector<16xf32>,
          %get3A_505 = arith.index_cast %add3A_497 : i32 to index
          %get3A_506 = arith.constant 0 : index
          %get3A_507 = tpu.vector_load %arg20[%get3A_505, %get3A_506] {strides = array<i32>} : memref<40x64xf32, #tpu.memory_space<vmem>>, vector<16xf32>,
          %get3A_508 = arith.index_cast %add3A_497 : i32 to index
          %get3A_509 = arith.constant 0 : index
          %get3A_510 = tpu.vector_load %arg21[%get3A_508, %get3A_509] {strides = array<i32>} : memref<40x64xf32, #tpu.memory_space<vmem>>, vector<16xf32>,
          %add3A_511 = arith.addf %get3A_507, %get3A_510 : vector<16xf32>
          %mul3A_512 = arith.mulf %gather3A_503, %get3A_6 : vector<16xf32>
          %add3A_513 = arith.addf %add3A_511, %mul3A_512 : vector<16xf32>
          %mul3A_514 = arith.mulf %gather3A_504, %get3A_30 : vector<16xf32>
          %add3A_515 = arith.addf %add3A_513, %mul3A_514 : vector<16xf32>
          %mul3A_516 = arith.constant 2.000000e-01 : f32
          %mul3A_517 = vector.broadcast %mul3A_516 : f32 to vector<16xf32>
          %mul3A_518 = arith.mulf %mul3A_517, %add3A_515 : vector<16xf32>
          %max3A_519 = arith.maximumf %add3A_515, %mul3A_518 : vector<16xf32>
          %mul3A_520 = arith.mulf %max3A_519, %get3A_52 : vector<16xf32>
          %get3A_521 = arith.index_cast %add3A_497 : i32 to index
          %get3A_522 = arith.constant 16 : index
          %get3A_523 = tpu.vector_load %arg20[%get3A_521, %get3A_522] {strides = array<i32>} : memref<40x64xf32, #tpu.memory_space<vmem>>, vector<16xf32>,
          %get3A_524 = arith.index_cast %add3A_497 : i32 to index
          %get3A_525 = arith.constant 16 : index
          %get3A_526 = tpu.vector_load %arg21[%get3A_524, %get3A_525] {strides = array<i32>} : memref<40x64xf32, #tpu.memory_space<vmem>>, vector<16xf32>,
          %add3A_527 = arith.addf %get3A_523, %get3A_526 : vector<16xf32>
          %mul3A_528 = arith.mulf %gather3A_503, %get3A_12 : vector<16xf32>
          %add3A_529 = arith.addf %add3A_527, %mul3A_528 : vector<16xf32>
          %mul3A_530 = arith.mulf %gather3A_504, %get3A_36 : vector<16xf32>
          %add3A_531 = arith.addf %add3A_529, %mul3A_530 : vector<16xf32>
          %mul3A_532 = arith.constant 2.000000e-01 : f32
          %mul3A_533 = vector.broadcast %mul3A_532 : f32 to vector<16xf32>
          %mul3A_534 = arith.mulf %mul3A_533, %add3A_531 : vector<16xf32>
          %max3A_535 = arith.maximumf %add3A_531, %mul3A_534 : vector<16xf32>
          %mul3A_536 = arith.mulf %max3A_535, %get3A_56 : vector<16xf32>
          %get3A_537 = arith.index_cast %add3A_497 : i32 to index
          %get3A_538 = arith.constant 32 : index
          %get3A_539 = tpu.vector_load %arg20[%get3A_537, %get3A_538] {strides = array<i32>} : memref<40x64xf32, #tpu.memory_space<vmem>>, vector<16xf32>,
          %get3A_540 = arith.index_cast %add3A_497 : i32 to index
          %get3A_541 = arith.constant 32 : index
          %get3A_542 = tpu.vector_load %arg21[%get3A_540, %get3A_541] {strides = array<i32>} : memref<40x64xf32, #tpu.memory_space<vmem>>, vector<16xf32>,
          %add3A_543 = arith.addf %get3A_539, %get3A_542 : vector<16xf32>
          %mul3A_544 = arith.mulf %gather3A_503, %get3A_18 : vector<16xf32>
          %add3A_545 = arith.addf %add3A_543, %mul3A_544 : vector<16xf32>
          %mul3A_546 = arith.mulf %gather3A_504, %get3A_42 : vector<16xf32>
          %add3A_547 = arith.addf %add3A_545, %mul3A_546 : vector<16xf32>
          %mul3A_548 = arith.constant 2.000000e-01 : f32
          %mul3A_549 = vector.broadcast %mul3A_548 : f32 to vector<16xf32>
          %mul3A_550 = arith.mulf %mul3A_549, %add3A_547 : vector<16xf32>
          %max3A_551 = arith.maximumf %add3A_547, %mul3A_550 : vector<16xf32>
          %mul3A_552 = arith.mulf %max3A_551, %get3A_60 : vector<16xf32>
          %get3A_553 = arith.index_cast %add3A_497 : i32 to index
          %get3A_554 = arith.constant 48 : index
          %get3A_555 = tpu.vector_load %arg20[%get3A_553, %get3A_554] {strides = array<i32>} : memref<40x64xf32, #tpu.memory_space<vmem>>, vector<16xf32>,
          %get3A_556 = arith.index_cast %add3A_497 : i32 to index
          %get3A_557 = arith.constant 48 : index
          %get3A_558 = tpu.vector_load %arg21[%get3A_556, %get3A_557] {strides = array<i32>} : memref<40x64xf32, #tpu.memory_space<vmem>>, vector<16xf32>,
          %add3A_559 = arith.addf %get3A_555, %get3A_558 : vector<16xf32>
          %mul3A_560 = arith.mulf %gather3A_503, %get3A_24 : vector<16xf32>
          %add3A_561 = arith.addf %add3A_559, %mul3A_560 : vector<16xf32>
          %mul3A_562 = arith.mulf %gather3A_504, %get3A_48 : vector<16xf32>
          %add3A_563 = arith.addf %add3A_561, %mul3A_562 : vector<16xf32>
          %mul3A_564 = arith.constant 2.000000e-01 : f32
          %mul3A_565 = vector.broadcast %mul3A_564 : f32 to vector<16xf32>
          %mul3A_566 = arith.mulf %mul3A_565, %add3A_563 : vector<16xf32>
          %max3A_567 = arith.maximumf %add3A_563, %mul3A_566 : vector<16xf32>
          %mul3A_568 = arith.mulf %max3A_567, %get3A_64 : vector<16xf32>
          %add3A_569 = arith.addf %mul3A_520, %mul3A_536 : vector<16xf32>
          %add3A_570 = arith.addf %add3A_569, %mul3A_552 : vector<16xf32>
          %add3A_571 = arith.addf %add3A_570, %mul3A_568 : vector<16xf32>
          %broadcast_in_dim3A_572 = arith.constant true
          %broadcast_in_dim3A_573 = vector.broadcast %broadcast_in_dim3A_572 : i1 to vector<16xi1>
          %masked_cumsum3A_574 = tpu.scan <sum>, %add3A_571 masked %broadcast_in_dim3A_573 : vector<16xf32>, vector<16xi1> -> vector<16xf32>
          %rev3A_575 = arith.constant 15 : i32
          %rev3A_576 = vector.broadcast %rev3A_575 : i32 to vector<16xi32>
          %rev3A_577 = tpu.iota {dimensions = array<i32: 0>} : vector<16xi32>
          %rev3A_578 = arith.subi %rev3A_576, %rev3A_577 : vector<16xi32>
          %rev3A_579 = tpu.dynamic_gather %add3A_571[%rev3A_578] in [0] : vector<16xf32>, vector<16xi32> -> vector<16xf32>
          %broadcast_in_dim3A_580 = arith.constant true
          %broadcast_in_dim3A_581 = vector.broadcast %broadcast_in_dim3A_580 : i1 to vector<16xi1>
          %masked_cumsum3A_582 = tpu.scan <sum>, %rev3A_579 masked %broadcast_in_dim3A_581 : vector<16xf32>, vector<16xi1> -> vector<16xf32>
          %rev3A_583 = arith.constant 15 : i32
          %rev3A_584 = vector.broadcast %rev3A_583 : i32 to vector<16xi32>
          %rev3A_585 = tpu.iota {dimensions = array<i32: 0>} : vector<16xi32>
          %rev3A_586 = arith.subi %rev3A_584, %rev3A_585 : vector<16xi32>
          %rev3A_587 = tpu.dynamic_gather %masked_cumsum3A_582[%rev3A_586] in [0] : vector<16xf32>, vector<16xi32> -> vector<16xf32>
          %add3A_588 = arith.addf %masked_cumsum3A_574, %rev3A_587 : vector<16xf32>
          %sub3A_589 = arith.subf %add3A_588, %add3A_571 : vector<16xf32>
          %exp3A_590 = math.exp %sub3A_589 : vector<16xf32>
          %mul3A_591 = arith.mulf %get3A_507, %exp3A_590 : vector<16xf32>
          %swap3A_592 = arith.index_cast %add3A_497 : i32 to index
          %swap3A_593 = arith.constant 0 : index
          %swap3A_594 = tpu.vector_load %arg22[%swap3A_592, %swap3A_593] {strides = array<i32>} : memref<40x64xf32, #tpu.memory_space<vmem>>, vector<16xf32>,
          tpu.vector_store %arg22[%swap3A_592, %swap3A_593], %mul3A_591 {strides = array<i32>} : memref<40x64xf32, #tpu.memory_space<vmem>>, vector<16xf32>,
          %mul3A_595 = arith.mulf %get3A_523, %exp3A_590 : vector<16xf32>
          %swap3A_596 = arith.index_cast %add3A_497 : i32 to index
          %swap3A_597 = arith.constant 16 : index
          %swap3A_598 = tpu.vector_load %arg22[%swap3A_596, %swap3A_597] {strides = array<i32>} : memref<40x64xf32, #tpu.memory_space<vmem>>, vector<16xf32>,
          tpu.vector_store %arg22[%swap3A_596, %swap3A_597], %mul3A_595 {strides = array<i32>} : memref<40x64xf32, #tpu.memory_space<vmem>>, vector<16xf32>,
          %mul3A_599 = arith.mulf %get3A_539, %exp3A_590 : vector<16xf32>
          %swap3A_600 = arith.index_cast %add3A_497 : i32 to index
          %swap3A_601 = arith.constant 32 : index
          %swap3A_602 = tpu.vector_load %arg22[%swap3A_600, %swap3A_601] {strides = array<i32>} : memref<40x64xf32, #tpu.memory_space<vmem>>, vector<16xf32>,
          tpu.vector_store %arg22[%swap3A_600, %swap3A_601], %mul3A_599 {strides = array<i32>} : memref<40x64xf32, #tpu.memory_space<vmem>>, vector<16xf32>,
          %mul3A_603 = arith.mulf %get3A_555, %exp3A_590 : vector<16xf32>
          %swap3A_604 = arith.index_cast %add3A_497 : i32 to index
          %swap3A_605 = arith.constant 48 : index
          %swap3A_606 = tpu.vector_load %arg22[%swap3A_604, %swap3A_605] {strides = array<i32>} : memref<40x64xf32, #tpu.memory_space<vmem>>, vector<16xf32>,
          tpu.vector_store %arg22[%swap3A_604, %swap3A_605], %mul3A_603 {strides = array<i32>} : memref<40x64xf32, #tpu.memory_space<vmem>>, vector<16xf32>,
          %broadcast_in_dim3A_607 = arith.constant 0.000000e+00 : f32
          %broadcast_in_dim3A_608 = vector.broadcast %broadcast_in_dim3A_607 : f32 to vector<16xf32>
          %select_n3A_609 = arith.select %eq3A_66, %exp3A_590, %broadcast_in_dim3A_608 : vector<16xi1>, vector<16xf32>
          %swap3A_610 = arith.index_cast %add3A_497 : i32 to index
          %swap3A_611 = arith.constant 0 : index
          %swap3A_612 = tpu.vector_load %arg23[%swap3A_610, %swap3A_611] {strides = array<i32>} : memref<40x16xf32, #tpu.memory_space<vmem>>, vector<16xf32>,
          tpu.vector_store %arg23[%swap3A_610, %swap3A_611], %select_n3A_609 {strides = array<i32>} : memref<40x16xf32, #tpu.memory_space<vmem>>, vector<16xf32>,
          %mul3A_613 = arith.constant 4 : i32
          %mul3A_614 = arith.muli %scan3A_262, %mul3A_613 : i32
          %add3A_615 = arith.constant 3 : i32
          %add3A_616 = arith.addi %mul3A_614, %add3A_615 : i32
          %broadcast_in_dim3A_617 = arith.constant 0 : i32
          %broadcast_in_dim3A_618 = vector.broadcast %broadcast_in_dim3A_617 : i32 to vector<16xi32>
          %add3A_619 = arith.addi %mul3A_241, %add3A_616 : i32
          %add3A_620 = vector.broadcast %add3A_619 : i32 to vector<16xi32>
          %add3A_621 = arith.addi %broadcast_in_dim3A_618, %add3A_620 : vector<16xi32>
          %gather3A_622 = tpu.vector_load_idx %arg14[%add3A_621] : memref<2000xf32, #tpu.memory_space<vmem>>[vector<16xi32>], vector<16xf32>,
          %gather3A_623 = tpu.vector_load_idx %arg15[%add3A_621] : memref<2000xf32, #tpu.memory_space<vmem>>[vector<16xi32>], vector<16xf32>,
          %get3A_624 = arith.index_cast %add3A_616 : i32 to index
          %get3A_625 = arith.constant 0 : index
          %get3A_626 = tpu.vector_load %arg20[%get3A_624, %get3A_625] {strides = array<i32>} : memref<40x64xf32, #tpu.memory_space<vmem>>, vector<16xf32>,
          %get3A_627 = arith.index_cast %add3A_616 : i32 to index
          %get3A_628 = arith.constant 0 : index
          %get3A_629 = tpu.vector_load %arg21[%get3A_627, %get3A_628] {strides = array<i32>} : memref<40x64xf32, #tpu.memory_space<vmem>>, vector<16xf32>,
          %add3A_630 = arith.addf %get3A_626, %get3A_629 : vector<16xf32>
          %mul3A_631 = arith.mulf %gather3A_622, %get3A_6 : vector<16xf32>
          %add3A_632 = arith.addf %add3A_630, %mul3A_631 : vector<16xf32>
          %mul3A_633 = arith.mulf %gather3A_623, %get3A_30 : vector<16xf32>
          %add3A_634 = arith.addf %add3A_632, %mul3A_633 : vector<16xf32>
          %mul3A_635 = arith.constant 2.000000e-01 : f32
          %mul3A_636 = vector.broadcast %mul3A_635 : f32 to vector<16xf32>
          %mul3A_637 = arith.mulf %mul3A_636, %add3A_634 : vector<16xf32>
          %max3A_638 = arith.maximumf %add3A_634, %mul3A_637 : vector<16xf32>
          %mul3A_639 = arith.mulf %max3A_638, %get3A_52 : vector<16xf32>
          %get3A_640 = arith.index_cast %add3A_616 : i32 to index
          %get3A_641 = arith.constant 16 : index
          %get3A_642 = tpu.vector_load %arg20[%get3A_640, %get3A_641] {strides = array<i32>} : memref<40x64xf32, #tpu.memory_space<vmem>>, vector<16xf32>,
          %get3A_643 = arith.index_cast %add3A_616 : i32 to index
          %get3A_644 = arith.constant 16 : index
          %get3A_645 = tpu.vector_load %arg21[%get3A_643, %get3A_644] {strides = array<i32>} : memref<40x64xf32, #tpu.memory_space<vmem>>, vector<16xf32>,
          %add3A_646 = arith.addf %get3A_642, %get3A_645 : vector<16xf32>
          %mul3A_647 = arith.mulf %gather3A_622, %get3A_12 : vector<16xf32>
          %add3A_648 = arith.addf %add3A_646, %mul3A_647 : vector<16xf32>
          %mul3A_649 = arith.mulf %gather3A_623, %get3A_36 : vector<16xf32>
          %add3A_650 = arith.addf %add3A_648, %mul3A_649 : vector<16xf32>
          %mul3A_651 = arith.constant 2.000000e-01 : f32
          %mul3A_652 = vector.broadcast %mul3A_651 : f32 to vector<16xf32>
          %mul3A_653 = arith.mulf %mul3A_652, %add3A_650 : vector<16xf32>
          %max3A_654 = arith.maximumf %add3A_650, %mul3A_653 : vector<16xf32>
          %mul3A_655 = arith.mulf %max3A_654, %get3A_56 : vector<16xf32>
          %get3A_656 = arith.index_cast %add3A_616 : i32 to index
          %get3A_657 = arith.constant 32 : index
          %get3A_658 = tpu.vector_load %arg20[%get3A_656, %get3A_657] {strides = array<i32>} : memref<40x64xf32, #tpu.memory_space<vmem>>, vector<16xf32>,
          %get3A_659 = arith.index_cast %add3A_616 : i32 to index
          %get3A_660 = arith.constant 32 : index
          %get3A_661 = tpu.vector_load %arg21[%get3A_659, %get3A_660] {strides = array<i32>} : memref<40x64xf32, #tpu.memory_space<vmem>>, vector<16xf32>,
          %add3A_662 = arith.addf %get3A_658, %get3A_661 : vector<16xf32>
          %mul3A_663 = arith.mulf %gather3A_622, %get3A_18 : vector<16xf32>
          %add3A_664 = arith.addf %add3A_662, %mul3A_663 : vector<16xf32>
          %mul3A_665 = arith.mulf %gather3A_623, %get3A_42 : vector<16xf32>
          %add3A_666 = arith.addf %add3A_664, %mul3A_665 : vector<16xf32>
          %mul3A_667 = arith.constant 2.000000e-01 : f32
          %mul3A_668 = vector.broadcast %mul3A_667 : f32 to vector<16xf32>
          %mul3A_669 = arith.mulf %mul3A_668, %add3A_666 : vector<16xf32>
          %max3A_670 = arith.maximumf %add3A_666, %mul3A_669 : vector<16xf32>
          %mul3A_671 = arith.mulf %max3A_670, %get3A_60 : vector<16xf32>
          %get3A_672 = arith.index_cast %add3A_616 : i32 to index
          %get3A_673 = arith.constant 48 : index
          %get3A_674 = tpu.vector_load %arg20[%get3A_672, %get3A_673] {strides = array<i32>} : memref<40x64xf32, #tpu.memory_space<vmem>>, vector<16xf32>,
          %get3A_675 = arith.index_cast %add3A_616 : i32 to index
          %get3A_676 = arith.constant 48 : index
          %get3A_677 = tpu.vector_load %arg21[%get3A_675, %get3A_676] {strides = array<i32>} : memref<40x64xf32, #tpu.memory_space<vmem>>, vector<16xf32>,
          %add3A_678 = arith.addf %get3A_674, %get3A_677 : vector<16xf32>
          %mul3A_679 = arith.mulf %gather3A_622, %get3A_24 : vector<16xf32>
          %add3A_680 = arith.addf %add3A_678, %mul3A_679 : vector<16xf32>
          %mul3A_681 = arith.mulf %gather3A_623, %get3A_48 : vector<16xf32>
          %add3A_682 = arith.addf %add3A_680, %mul3A_681 : vector<16xf32>
          %mul3A_683 = arith.constant 2.000000e-01 : f32
          %mul3A_684 = vector.broadcast %mul3A_683 : f32 to vector<16xf32>
          %mul3A_685 = arith.mulf %mul3A_684, %add3A_682 : vector<16xf32>
          %max3A_686 = arith.maximumf %add3A_682, %mul3A_685 : vector<16xf32>
          %mul3A_687 = arith.mulf %max3A_686, %get3A_64 : vector<16xf32>
          %add3A_688 = arith.addf %mul3A_639, %mul3A_655 : vector<16xf32>
          %add3A_689 = arith.addf %add3A_688, %mul3A_671 : vector<16xf32>
          %add3A_690 = arith.addf %add3A_689, %mul3A_687 : vector<16xf32>
          %broadcast_in_dim3A_691 = arith.constant true
          %broadcast_in_dim3A_692 = vector.broadcast %broadcast_in_dim3A_691 : i1 to vector<16xi1>
          %masked_cumsum3A_693 = tpu.scan <sum>, %add3A_690 masked %broadcast_in_dim3A_692 : vector<16xf32>, vector<16xi1> -> vector<16xf32>
          %rev3A_694 = arith.constant 15 : i32
          %rev3A_695 = vector.broadcast %rev3A_694 : i32 to vector<16xi32>
          %rev3A_696 = tpu.iota {dimensions = array<i32: 0>} : vector<16xi32>
          %rev3A_697 = arith.subi %rev3A_695, %rev3A_696 : vector<16xi32>
          %rev3A_698 = tpu.dynamic_gather %add3A_690[%rev3A_697] in [0] : vector<16xf32>, vector<16xi32> -> vector<16xf32>
          %broadcast_in_dim3A_699 = arith.constant true
          %broadcast_in_dim3A_700 = vector.broadcast %broadcast_in_dim3A_699 : i1 to vector<16xi1>
          %masked_cumsum3A_701 = tpu.scan <sum>, %rev3A_698 masked %broadcast_in_dim3A_700 : vector<16xf32>, vector<16xi1> -> vector<16xf32>
          %rev3A_702 = arith.constant 15 : i32
          %rev3A_703 = vector.broadcast %rev3A_702 : i32 to vector<16xi32>
          %rev3A_704 = tpu.iota {dimensions = array<i32: 0>} : vector<16xi32>
          %rev3A_705 = arith.subi %rev3A_703, %rev3A_704 : vector<16xi32>
          %rev3A_706 = tpu.dynamic_gather %masked_cumsum3A_701[%rev3A_705] in [0] : vector<16xf32>, vector<16xi32> -> vector<16xf32>
          %add3A_707 = arith.addf %masked_cumsum3A_693, %rev3A_706 : vector<16xf32>
          %sub3A_708 = arith.subf %add3A_707, %add3A_690 : vector<16xf32>
          %exp3A_709 = math.exp %sub3A_708 : vector<16xf32>
          %mul3A_710 = arith.mulf %get3A_626, %exp3A_709 : vector<16xf32>
          %swap3A_711 = arith.index_cast %add3A_616 : i32 to index
          %swap3A_712 = arith.constant 0 : index
          %swap3A_713 = tpu.vector_load %arg22[%swap3A_711, %swap3A_712] {strides = array<i32>} : memref<40x64xf32, #tpu.memory_space<vmem>>, vector<16xf32>,
          tpu.vector_store %arg22[%swap3A_711, %swap3A_712], %mul3A_710 {strides = array<i32>} : memref<40x64xf32, #tpu.memory_space<vmem>>, vector<16xf32>,
          %mul3A_714 = arith.mulf %get3A_642, %exp3A_709 : vector<16xf32>
          %swap3A_715 = arith.index_cast %add3A_616 : i32 to index
          %swap3A_716 = arith.constant 16 : index
          %swap3A_717 = tpu.vector_load %arg22[%swap3A_715, %swap3A_716] {strides = array<i32>} : memref<40x64xf32, #tpu.memory_space<vmem>>, vector<16xf32>,
          tpu.vector_store %arg22[%swap3A_715, %swap3A_716], %mul3A_714 {strides = array<i32>} : memref<40x64xf32, #tpu.memory_space<vmem>>, vector<16xf32>,
          %mul3A_718 = arith.mulf %get3A_658, %exp3A_709 : vector<16xf32>
          %swap3A_719 = arith.index_cast %add3A_616 : i32 to index
          %swap3A_720 = arith.constant 32 : index
          %swap3A_721 = tpu.vector_load %arg22[%swap3A_719, %swap3A_720] {strides = array<i32>} : memref<40x64xf32, #tpu.memory_space<vmem>>, vector<16xf32>,
          tpu.vector_store %arg22[%swap3A_719, %swap3A_720], %mul3A_718 {strides = array<i32>} : memref<40x64xf32, #tpu.memory_space<vmem>>, vector<16xf32>,
          %mul3A_722 = arith.mulf %get3A_674, %exp3A_709 : vector<16xf32>
          %swap3A_723 = arith.index_cast %add3A_616 : i32 to index
          %swap3A_724 = arith.constant 48 : index
          %swap3A_725 = tpu.vector_load %arg22[%swap3A_723, %swap3A_724] {strides = array<i32>} : memref<40x64xf32, #tpu.memory_space<vmem>>, vector<16xf32>,
          tpu.vector_store %arg22[%swap3A_723, %swap3A_724], %mul3A_722 {strides = array<i32>} : memref<40x64xf32, #tpu.memory_space<vmem>>, vector<16xf32>,
          %broadcast_in_dim3A_726 = arith.constant 0.000000e+00 : f32
          %broadcast_in_dim3A_727 = vector.broadcast %broadcast_in_dim3A_726 : f32 to vector<16xf32>
          %select_n3A_728 = arith.select %eq3A_66, %exp3A_709, %broadcast_in_dim3A_727 : vector<16xi1>, vector<16xf32>
          %swap3A_729 = arith.index_cast %add3A_616 : i32 to index
          %swap3A_730 = arith.constant 0 : index
          %swap3A_731 = tpu.vector_load %arg23[%swap3A_729, %swap3A_730] {strides = array<i32>} : memref<40x16xf32, #tpu.memory_space<vmem>>, vector<16xf32>,
          tpu.vector_store %arg23[%swap3A_729, %swap3A_730], %select_n3A_728 {strides = array<i32>} : memref<40x16xf32, #tpu.memory_space<vmem>>, vector<16xf32>,
          %scan3A_732 = arith.constant 0 : i32
          scf.yield %scan3A_732 : i32
        }
        %scan3A_248 = arith.constant 10 : i32
        %dma_start3A_249 = arith.constant 0 : i32
        %dma_start3A_250 = tpu.memref_slice %arg12[%add3A_169, %dma_start3A_249] : memref<50x40xi32, #tpu.memory_space<vmem>> -> memref<1x40xi32, #tpu.memory_space<vmem>>
        %dma_start3A_251 = tpu.memref_squeeze %dma_start3A_250 : memref<1x40xi32, #tpu.memory_space<vmem>> -> memref<40xi32, #tpu.memory_space<vmem>>
        %dma_start3A_252 = arith.constant 0 : i32
        %dma_start3A_253 = arith.constant 0 : i32
        %dma_start3A_254 = tpu.memref_slice %arg28[%dma_start3A_252, %dma_start3A_253] : memref<10240x64xf32, #tpu.memory_space<vmem_shared>> -> memref<10240x64xf32, #tpu.memory_space<vmem_shared>>
        tpu.enqueue_indirect_dma source(%arg22 : memref<40x64xf32, #tpu.memory_space<vmem>>) target(%dma_start3A_254 : memref<10240x64xf32, #tpu.memory_space<vmem_shared>>) offsets(%dma_start3A_251 : memref<40xi32, #tpu.memory_space<vmem>>) semaphore(%arg33 : memref<!tpu.dma_semaphore, #tpu.memory_space<semaphore_mem>>) {add = true}
        %dma_start3A_255 = arith.constant 0 : i32
        %dma_start3A_256 = tpu.memref_slice %arg12[%add3A_169, %dma_start3A_255] : memref<50x40xi32, #tpu.memory_space<vmem>> -> memref<1x40xi32, #tpu.memory_space<vmem>>
        %dma_start3A_257 = tpu.memref_squeeze %dma_start3A_256 : memref<1x40xi32, #tpu.memory_space<vmem>> -> memref<40xi32, #tpu.memory_space<vmem>>
        %dma_start3A_258 = arith.constant 0 : i32
        %dma_start3A_259 = arith.constant 0 : i32
        %dma_start3A_260 = tpu.memref_slice %arg29[%dma_start3A_258, %dma_start3A_259] : memref<10240x16xf32, #tpu.memory_space<vmem_shared>> -> memref<10240x16xf32, #tpu.memory_space<vmem_shared>>
        tpu.enqueue_indirect_dma source(%arg23 : memref<40x16xf32, #tpu.memory_space<vmem>>) target(%dma_start3A_260 : memref<10240x16xf32, #tpu.memory_space<vmem_shared>>) offsets(%dma_start3A_257 : memref<40xi32, #tpu.memory_space<vmem>>) semaphore(%arg33 : memref<!tpu.dma_semaphore, #tpu.memory_space<semaphore_mem>>) {add = true}
        %scan3A_261 = arith.constant 0 : i32
        scf.yield %scan3A_261 : i32
      }
      %scan3A_135 = arith.constant 25 : i32
      %dma_wait3A = arith.constant 48 : i32
      %dma_wait3A_136 = arith.constant 0 : i32
      %dma_wait3A_137 = tpu.memref_slice %arg12[%dma_wait3A, %dma_wait3A_136] : memref<50x40xi32, #tpu.memory_space<vmem>> -> memref<1x40xi32, #tpu.memory_space<vmem>>
      %dma_wait3A_138 = tpu.memref_squeeze %dma_wait3A_137 : memref<1x40xi32, #tpu.memory_space<vmem>> -> memref<40xi32, #tpu.memory_space<vmem>>
      %dma_wait3A_139 = arith.constant 0 : i32
      %dma_wait3A_140 = arith.constant 0 : i32
      %dma_wait3A_141 = tpu.memref_slice %arg28[%dma_wait3A_139, %dma_wait3A_140] : memref<10240x64xf32, #tpu.memory_space<vmem_shared>> -> memref<10240x64xf32, #tpu.memory_space<vmem_shared>>
      tpu.wait_indirect_dma semaphore(%arg32 : memref<!tpu.dma_semaphore, #tpu.memory_space<semaphore_mem>>) src(%arg18 : memref<40x64xf32, #tpu.memory_space<vmem>>) dst(%dma_wait3A_141 : memref<10240x64xf32, #tpu.memory_space<vmem_shared>>)
      %dma_wait3A_142 = arith.constant 48 : i32
      %dma_wait3A_143 = arith.constant 0 : i32
      %dma_wait3A_144 = tpu.memref_slice %arg12[%dma_wait3A_142, %dma_wait3A_143] : memref<50x40xi32, #tpu.memory_space<vmem>> -> memref<1x40xi32, #tpu.memory_space<vmem>>
      %dma_wait3A_145 = tpu.memref_squeeze %dma_wait3A_144 : memref<1x40xi32, #tpu.memory_space<vmem>> -> memref<40xi32, #tpu.memory_space<vmem>>
      %dma_wait3A_146 = arith.constant 0 : i32
      %dma_wait3A_147 = arith.constant 0 : i32
      %dma_wait3A_148 = tpu.memref_slice %arg29[%dma_wait3A_146, %dma_wait3A_147] : memref<10240x16xf32, #tpu.memory_space<vmem_shared>> -> memref<10240x16xf32, #tpu.memory_space<vmem_shared>>
      tpu.wait_indirect_dma semaphore(%arg32 : memref<!tpu.dma_semaphore, #tpu.memory_space<semaphore_mem>>) src(%arg19 : memref<40x16xf32, #tpu.memory_space<vmem>>) dst(%dma_wait3A_148 : memref<10240x16xf32, #tpu.memory_space<vmem_shared>>)
      %dma_wait3A_149 = arith.constant 49 : i32
      %dma_wait3A_150 = arith.constant 0 : i32
      %dma_wait3A_151 = tpu.memref_slice %arg12[%dma_wait3A_149, %dma_wait3A_150] : memref<50x40xi32, #tpu.memory_space<vmem>> -> memref<1x40xi32, #tpu.memory_space<vmem>>
      %dma_wait3A_152 = tpu.memref_squeeze %dma_wait3A_151 : memref<1x40xi32, #tpu.memory_space<vmem>> -> memref<40xi32, #tpu.memory_space<vmem>>
      %dma_wait3A_153 = arith.constant 0 : i32
      %dma_wait3A_154 = arith.constant 0 : i32
      %dma_wait3A_155 = tpu.memref_slice %arg28[%dma_wait3A_153, %dma_wait3A_154] : memref<10240x64xf32, #tpu.memory_space<vmem_shared>> -> memref<10240x64xf32, #tpu.memory_space<vmem_shared>>
      tpu.wait_indirect_dma semaphore(%arg33 : memref<!tpu.dma_semaphore, #tpu.memory_space<semaphore_mem>>) src(%arg22 : memref<40x64xf32, #tpu.memory_space<vmem>>) dst(%dma_wait3A_155 : memref<10240x64xf32, #tpu.memory_space<vmem_shared>>)
      %dma_wait3A_156 = arith.constant 49 : i32
      %dma_wait3A_157 = arith.constant 0 : i32
      %dma_wait3A_158 = tpu.memref_slice %arg12[%dma_wait3A_156, %dma_wait3A_157] : memref<50x40xi32, #tpu.memory_space<vmem>> -> memref<1x40xi32, #tpu.memory_space<vmem>>
      %dma_wait3A_159 = tpu.memref_squeeze %dma_wait3A_158 : memref<1x40xi32, #tpu.memory_space<vmem>> -> memref<40xi32, #tpu.memory_space<vmem>>
      %dma_wait3A_160 = arith.constant 0 : i32
      %dma_wait3A_161 = arith.constant 0 : i32
      %dma_wait3A_162 = tpu.memref_slice %arg29[%dma_wait3A_160, %dma_wait3A_161] : memref<10240x16xf32, #tpu.memory_space<vmem_shared>> -> memref<10240x16xf32, #tpu.memory_space<vmem_shared>>
      tpu.wait_indirect_dma semaphore(%arg33 : memref<!tpu.dma_semaphore, #tpu.memory_space<semaphore_mem>>) src(%arg23 : memref<40x16xf32, #tpu.memory_space<vmem>>) dst(%dma_wait3A_162 : memref<10240x16xf32, #tpu.memory_space<vmem_shared>>)
      %scan3A_163 = arith.constant 0 : i32
      scf.yield %scan3A_163 : i32
    }
    %scan3A_99 = arith.constant 5 : i32
    %barrier3A_100 = arith.constant 0 : index
    tpu.barrier barrier_id(%barrier3A_100)
    %scan3A_101 = arith.constant 0 : i32
    %scan3A_102 = arith.constant 0 : i32
    %scan3A_103 = arith.constant 5 : i32
    %scan3A_104 = arith.addi %scan3A_102, %scan3A_103 : i32
    %scan3A_105 = arith.constant 1 : i32
    %scan3A_106 = scf.for %scan3A_108 = %scan3A_102 to %scan3A_104 step %scan3A_105 iter_args(%scan3A_109 = %scan3A_101) -> (i32)  : i32 {
      %mul3A_110 = arith.constant 128 : i32
      %mul3A_111 = arith.muli %scan3A_108, %mul3A_110 : i32
      %add3A_112 = arith.addi %mul3A_83, %mul3A_111 : i32
      %multiple_of3A = tpu.assume_multiple %add3A_112, 8 : i32
      "tpu.region"() ({
        %run_scoped3A = tpu.sem_alloc : memref<!tpu.dma_semaphore, #tpu.memory_space<semaphore_mem>>
        %dma_start3A = arith.constant 0 : i32
        %dma_start3A_122 = tpu.memref_slice %arg28[%multiple_of3A, %dma_start3A] : memref<10240x64xf32, #tpu.memory_space<vmem_shared>> -> memref<128x64xf32, #tpu.memory_space<vmem_shared>>
        %dma_start3A_123 = arith.constant 0 : i32
        %dma_start3A_124 = tpu.memref_slice %arg28[%multiple_of3A, %dma_start3A_123] : memref<10240x64xf32, #tpu.memory_space<vmem_shared>> -> memref<128x64xf32, #tpu.memory_space<vmem_shared>>
        tpu.enqueue_dma source(%dma_start3A_124 : memref<128x64xf32, #tpu.memory_space<vmem_shared>>) target(%arg26 : memref<128x64xf32, #tpu.memory_space<vmem>>) target_semaphore(%run_scoped3A : memref<!tpu.dma_semaphore, #tpu.memory_space<semaphore_mem>>)
        %dma_wait3A = arith.constant 0 : i32
        %dma_wait3A_125 = tpu.memref_slice %arg28[%multiple_of3A, %dma_wait3A] : memref<10240x64xf32, #tpu.memory_space<vmem_shared>> -> memref<128x64xf32, #tpu.memory_space<vmem_shared>>
        %dma_wait3A_126 = arith.constant 0 : i32
        %dma_wait3A_127 = tpu.memref_slice %arg28[%multiple_of3A, %dma_wait3A_126] : memref<10240x64xf32, #tpu.memory_space<vmem_shared>> -> memref<128x64xf32, #tpu.memory_space<vmem_shared>>
        tpu.wait_dma2 semaphore(%run_scoped3A : memref<!tpu.dma_semaphore, #tpu.memory_space<semaphore_mem>>) src(%dma_wait3A_127 : memref<128x64xf32, #tpu.memory_space<vmem_shared>>) dst(%arg26 : memref<128x64xf32, #tpu.memory_space<vmem>>)
        tpu.yield
      }) : () -> ()
      %mul3A_113 = arith.constant 10240 : i32
      %mul3A_114 = arith.muli %arg0, %mul3A_113 : i32
      %add3A_115 = arith.addi %mul3A_114, %multiple_of3A : i32
      %multiple_of3A_116 = tpu.assume_multiple %add3A_115, 8 : i32
      "tpu.region"() ({
        %run_scoped3A = tpu.sem_alloc : memref<!tpu.dma_semaphore, #tpu.memory_space<semaphore_mem>>
        %dma_start3A = arith.constant 0 : i32
        %dma_start3A_122 = tpu.memref_slice %arg9[%multiple_of3A_116, %dma_start3A] : memref<20480x64xf32, #tpu.memory_space<hbm>> -> memref<128x64xf32, #tpu.memory_space<hbm>>
        %dma_start3A_123 = arith.constant 0 : i32
        %dma_start3A_124 = tpu.memref_slice %arg9[%multiple_of3A_116, %dma_start3A_123] : memref<20480x64xf32, #tpu.memory_space<hbm>> -> memref<128x64xf32, #tpu.memory_space<hbm>>
        tpu.enqueue_dma source(%arg26 : memref<128x64xf32, #tpu.memory_space<vmem>>) target(%dma_start3A_124 : memref<128x64xf32, #tpu.memory_space<hbm>>) target_semaphore(%run_scoped3A : memref<!tpu.dma_semaphore, #tpu.memory_space<semaphore_mem>>)
        %dma_wait3A = arith.constant 0 : i32
        %dma_wait3A_125 = tpu.memref_slice %arg9[%multiple_of3A_116, %dma_wait3A] : memref<20480x64xf32, #tpu.memory_space<hbm>> -> memref<128x64xf32, #tpu.memory_space<hbm>>
        %dma_wait3A_126 = arith.constant 0 : i32
        %dma_wait3A_127 = tpu.memref_slice %arg9[%multiple_of3A_116, %dma_wait3A_126] : memref<20480x64xf32, #tpu.memory_space<hbm>> -> memref<128x64xf32, #tpu.memory_space<hbm>>
        tpu.wait_dma2 semaphore(%run_scoped3A : memref<!tpu.dma_semaphore, #tpu.memory_space<semaphore_mem>>) src(%arg26 : memref<128x64xf32, #tpu.memory_space<vmem>>) dst(%dma_wait3A_127 : memref<128x64xf32, #tpu.memory_space<hbm>>)
        tpu.yield
      }) : () -> ()
      "tpu.region"() ({
        %run_scoped3A = tpu.sem_alloc : memref<!tpu.dma_semaphore, #tpu.memory_space<semaphore_mem>>
        %dma_start3A = arith.constant 0 : i32
        %dma_start3A_122 = tpu.memref_slice %arg29[%multiple_of3A, %dma_start3A] : memref<10240x16xf32, #tpu.memory_space<vmem_shared>> -> memref<128x16xf32, #tpu.memory_space<vmem_shared>>
        %dma_start3A_123 = arith.constant 0 : i32
        %dma_start3A_124 = tpu.memref_slice %arg29[%multiple_of3A, %dma_start3A_123] : memref<10240x16xf32, #tpu.memory_space<vmem_shared>> -> memref<128x16xf32, #tpu.memory_space<vmem_shared>>
        tpu.enqueue_dma source(%dma_start3A_124 : memref<128x16xf32, #tpu.memory_space<vmem_shared>>) target(%arg27 : memref<128x16xf32, #tpu.memory_space<vmem>>) target_semaphore(%run_scoped3A : memref<!tpu.dma_semaphore, #tpu.memory_space<semaphore_mem>>)
        %dma_wait3A = arith.constant 0 : i32
        %dma_wait3A_125 = tpu.memref_slice %arg29[%multiple_of3A, %dma_wait3A] : memref<10240x16xf32, #tpu.memory_space<vmem_shared>> -> memref<128x16xf32, #tpu.memory_space<vmem_shared>>
        %dma_wait3A_126 = arith.constant 0 : i32
        %dma_wait3A_127 = tpu.memref_slice %arg29[%multiple_of3A, %dma_wait3A_126] : memref<10240x16xf32, #tpu.memory_space<vmem_shared>> -> memref<128x16xf32, #tpu.memory_space<vmem_shared>>
        tpu.wait_dma2 semaphore(%run_scoped3A : memref<!tpu.dma_semaphore, #tpu.memory_space<semaphore_mem>>) src(%dma_wait3A_127 : memref<128x16xf32, #tpu.memory_space<vmem_shared>>) dst(%arg27 : memref<128x16xf32, #tpu.memory_space<vmem>>)
        tpu.yield
      }) : () -> ()
      %mul3A_117 = arith.constant 10240 : i32
      %mul3A_118 = arith.muli %arg0, %mul3A_117 : i32
      %add3A_119 = arith.addi %mul3A_118, %multiple_of3A : i32
      %multiple_of3A_120 = tpu.assume_multiple %add3A_119, 8 : i32
      "tpu.region"() ({
        %run_scoped3A = tpu.sem_alloc : memref<!tpu.dma_semaphore, #tpu.memory_space<semaphore_mem>>
        %dma_start3A = arith.constant 0 : i32
        %dma_start3A_122 = tpu.memref_slice %arg10[%multiple_of3A_120, %dma_start3A] : memref<20480x16xf32, #tpu.memory_space<hbm>> -> memref<128x16xf32, #tpu.memory_space<hbm>>
        %dma_start3A_123 = arith.constant 0 : i32
        %dma_start3A_124 = tpu.memref_slice %arg10[%multiple_of3A_120, %dma_start3A_123] : memref<20480x16xf32, #tpu.memory_space<hbm>> -> memref<128x16xf32, #tpu.memory_space<hbm>>
        tpu.enqueue_dma source(%arg27 : memref<128x16xf32, #tpu.memory_space<vmem>>) target(%dma_start3A_124 : memref<128x16xf32, #tpu.memory_space<hbm>>) target_semaphore(%run_scoped3A : memref<!tpu.dma_semaphore, #tpu.memory_space<semaphore_mem>>)
        %dma_wait3A = arith.constant 0 : i32
        %dma_wait3A_125 = tpu.memref_slice %arg10[%multiple_of3A_120, %dma_wait3A] : memref<20480x16xf32, #tpu.memory_space<hbm>> -> memref<128x16xf32, #tpu.memory_space<hbm>>
        %dma_wait3A_126 = arith.constant 0 : i32
        %dma_wait3A_127 = tpu.memref_slice %arg10[%multiple_of3A_120, %dma_wait3A_126] : memref<20480x16xf32, #tpu.memory_space<hbm>> -> memref<128x16xf32, #tpu.memory_space<hbm>>
        tpu.wait_dma2 semaphore(%run_scoped3A : memref<!tpu.dma_semaphore, #tpu.memory_space<semaphore_mem>>) src(%arg27 : memref<128x16xf32, #tpu.memory_space<vmem>>) dst(%dma_wait3A_127 : memref<128x16xf32, #tpu.memory_space<hbm>>)
        tpu.yield
      }) : () -> ()
      %scan3A_121 = arith.constant 0 : i32
      scf.yield %scan3A_121 : i32
    }
    %scan3A_107 = arith.constant 5 : i32
    return
  }
}

module attributes {stable_mosaic.version = 14 : i64} {
  func.func @_mm2_body(%arg0: i32, %arg1: memref<1000x128xf32, #tpu.memory_space<vmem>>, %arg2: memref<128x128xf32, #tpu.memory_space<vmem>>, %arg3: memref<1x128xf32, #tpu.memory_space<vmem>>, %arg4: memref<128x128xf32, #tpu.memory_space<vmem>>, %arg5: memref<1x128xf32, #tpu.memory_space<vmem>>, %arg6: memref<1000x128xf32, #tpu.memory_space<vmem>>, %arg7: memref<1000x128xf32, #tpu.memory_space<vmem>>) attributes {dimension_semantics = [#tpu.dimension_semantics<arbitrary>], iteration_bounds = array<i64: 10>, scalar_prefetch = 0 : i64, scratch_operands = 0 : i64, tpu.core_type = #tpu.core_type<tc>, window_params = [{transform_indices = @transform_0, window_bounds = array<i64: 1000, 128>}, {pipeline_mode = #tpu.pipeline_mode<synchronous>, transform_indices = @transform_1, window_bounds = array<i64: 128, 128>}, {pipeline_mode = #tpu.pipeline_mode<synchronous>, transform_indices = @transform_2, window_bounds = array<i64: 1, 128>}, {pipeline_mode = #tpu.pipeline_mode<synchronous>, transform_indices = @transform_3, window_bounds = array<i64: 128, 128>}, {pipeline_mode = #tpu.pipeline_mode<synchronous>, transform_indices = @transform_4, window_bounds = array<i64: 1, 128>}, {transform_indices = @transform_5, window_bounds = array<i64: 1000, 128>}, {transform_indices = @transform_6, window_bounds = array<i64: 1000, 128>}]} {
    %get3A = arith.constant 0 : index
    %get3A_0 = arith.constant 0 : index
    %get3A_1 = vector.load %arg1[%get3A, %get3A_0] : memref<1000x128xf32, #tpu.memory_space<vmem>>, vector<1000x128xf32>
    %get3A_2 = arith.constant 0 : index
    %get3A_3 = arith.constant 0 : index
    %get3A_4 = vector.load %arg2[%get3A_2, %get3A_3] : memref<128x128xf32, #tpu.memory_space<vmem>>, vector<128x128xf32>
    %dot_general3A = arith.constant dense<0.000000e+00> : vector<1000x128xf32>
    %dot_general3A_5 = tpu.matmul %get3A_1, %get3A_4, %dot_general3A {dimension_numbers = #tpu.dot_dimension_numbers<[1], [0], [0], [1], [0, 0, 1, 1], [], []>, transpose_lhs_hint = false} : vector<1000x128xf32>, vector<128x128xf32>, vector<1000x128xf32> -> vector<1000x128xf32>
    %get3A_6 = arith.constant 0 : index
    %get3A_7 = arith.constant 0 : index
    %get3A_8 = vector.load %arg3[%get3A_6, %get3A_7] : memref<1x128xf32, #tpu.memory_space<vmem>>, vector<1x128xf32>
    %add3A = vector.broadcast %get3A_8 : vector<1x128xf32> to vector<1000x128xf32>
    %add3A_9 = arith.addf %dot_general3A_5, %add3A : vector<1000x128xf32>
    %swap3A = arith.constant 0 : index
    %swap3A_10 = arith.constant 0 : index
    %swap3A_11 = vector.load %arg6[%swap3A, %swap3A_10] : memref<1000x128xf32, #tpu.memory_space<vmem>>, vector<1000x128xf32>
    tpu.vector_store %arg6[%swap3A, %swap3A_10], %add3A_9 {strides = array<i32>} : memref<1000x128xf32, #tpu.memory_space<vmem>>, vector<1000x128xf32>,
    %get3A_12 = arith.constant 0 : index
    %get3A_13 = arith.constant 0 : index
    %get3A_14 = vector.load %arg4[%get3A_12, %get3A_13] : memref<128x128xf32, #tpu.memory_space<vmem>>, vector<128x128xf32>
    %dot_general3A_15 = arith.constant dense<0.000000e+00> : vector<1000x128xf32>
    %dot_general3A_16 = tpu.matmul %get3A_1, %get3A_14, %dot_general3A_15 {dimension_numbers = #tpu.dot_dimension_numbers<[1], [0], [0], [1], [0, 0, 1, 1], [], []>, transpose_lhs_hint = false} : vector<1000x128xf32>, vector<128x128xf32>, vector<1000x128xf32> -> vector<1000x128xf32>
    %get3A_17 = arith.constant 0 : index
    %get3A_18 = arith.constant 0 : index
    %get3A_19 = vector.load %arg5[%get3A_17, %get3A_18] : memref<1x128xf32, #tpu.memory_space<vmem>>, vector<1x128xf32>
    %add3A_20 = vector.broadcast %get3A_19 : vector<1x128xf32> to vector<1000x128xf32>
    %add3A_21 = arith.addf %dot_general3A_16, %add3A_20 : vector<1000x128xf32>
    %swap3A_22 = arith.constant 0 : index
    %swap3A_23 = arith.constant 0 : index
    %swap3A_24 = vector.load %arg7[%swap3A_22, %swap3A_23] : memref<1000x128xf32, #tpu.memory_space<vmem>>, vector<1000x128xf32>
    tpu.vector_store %arg7[%swap3A_22, %swap3A_23], %add3A_21 {strides = array<i32>} : memref<1000x128xf32, #tpu.memory_space<vmem>>, vector<1000x128xf32>,
    return
  }
  func.func @transform_0(%arg0: i32) -> (i32, i32) {
    %c0_i32 = arith.constant 0 : i32
    %c0_i32_0 = arith.constant 0 : i32
    return %arg0, %c0_i32 : i32, i32
  }
  func.func @transform_1(%arg0: i32) -> (i32, i32) {
    %c0_i32 = arith.constant 0 : i32
    %c0_i32_0 = arith.constant 0 : i32
    %c0_i32_1 = arith.constant 0 : i32
    return %c0_i32, %c0_i32_0 : i32, i32
  }
  func.func @transform_2(%arg0: i32) -> (i32, i32) {
    %c0_i32 = arith.constant 0 : i32
    %c0_i32_0 = arith.constant 0 : i32
    %c0_i32_1 = arith.constant 0 : i32
    return %c0_i32, %c0_i32_0 : i32, i32
  }
  func.func @transform_3(%arg0: i32) -> (i32, i32) {
    %c0_i32 = arith.constant 0 : i32
    %c0_i32_0 = arith.constant 0 : i32
    %c0_i32_1 = arith.constant 0 : i32
    return %c0_i32, %c0_i32_0 : i32, i32
  }
  func.func @transform_4(%arg0: i32) -> (i32, i32) {
    %c0_i32 = arith.constant 0 : i32
    %c0_i32_0 = arith.constant 0 : i32
    %c0_i32_1 = arith.constant 0 : i32
    return %c0_i32, %c0_i32_0 : i32, i32
  }
  func.func @transform_5(%arg0: i32) -> (i32, i32) {
    %c0_i32 = arith.constant 0 : i32
    %c0_i32_0 = arith.constant 0 : i32
    return %arg0, %c0_i32 : i32, i32
  }
  func.func @transform_6(%arg0: i32) -> (i32, i32) {
    %c0_i32 = arith.constant 0 : i32
    %c0_i32_0 = arith.constant 0 : i32
    return %arg0, %c0_i32 : i32, i32
  }
}

module attributes {stable_mosaic.version = 14 : i64} {
  func.func @_combine1_body(%arg0: i32, %arg1: memref<1000x64xf32, #tpu.memory_space<vmem>>, %arg2: memref<1000x64xf32, #tpu.memory_space<vmem>>, %arg3: memref<1000x16xf32, #tpu.memory_space<vmem>>, %arg4: memref<1000x16xf32, #tpu.memory_space<vmem>>, %arg5: memref<1000x128xf32, #tpu.memory_space<vmem>>, %arg6: memref<1000x128xf32, #tpu.memory_space<vmem>>, %arg7: memref<2x128xf32, #tpu.memory_space<vmem>>, %arg8: memref<1x128xf32, #tpu.memory_space<vmem>>, %arg9: memref<1x128xf32, #tpu.memory_space<vmem>>, %arg10: memref<128x64xf32, #tpu.memory_space<vmem>>, %arg11: memref<1x64xf32, #tpu.memory_space<vmem>>, %arg12: memref<128x64xf32, #tpu.memory_space<vmem>>, %arg13: memref<1x64xf32, #tpu.memory_space<vmem>>, %arg14: memref<2x64xf32, #tpu.memory_space<vmem>>, %arg15: memref<1000x64xf32, #tpu.memory_space<vmem>>, %arg16: memref<1000x64xf32, #tpu.memory_space<vmem>>, %arg17: memref<1000x64xf32, #tpu.memory_space<vmem>>) attributes {dimension_semantics = [#tpu.dimension_semantics<arbitrary>], iteration_bounds = array<i64: 10>, scalar_prefetch = 0 : i64, scratch_operands = 0 : i64, tpu.core_type = #tpu.core_type<tc>, window_params = [{transform_indices = @transform_0, window_bounds = array<i64: 1000, 64>}, {transform_indices = @transform_1, window_bounds = array<i64: 1000, 64>}, {transform_indices = @transform_2, window_bounds = array<i64: 1000, 16>}, {transform_indices = @transform_3, window_bounds = array<i64: 1000, 16>}, {transform_indices = @transform_4, window_bounds = array<i64: 1000, 128>}, {transform_indices = @transform_5, window_bounds = array<i64: 1000, 128>}, {pipeline_mode = #tpu.pipeline_mode<synchronous>, transform_indices = @transform_6, window_bounds = array<i64: 2, 128>}, {pipeline_mode = #tpu.pipeline_mode<synchronous>, transform_indices = @transform_7, window_bounds = array<i64: 1, 128>}, {pipeline_mode = #tpu.pipeline_mode<synchronous>, transform_indices = @transform_8, window_bounds = array<i64: 1, 128>}, {pipeline_mode = #tpu.pipeline_mode<synchronous>, transform_indices = @transform_9, window_bounds = array<i64: 128, 64>}, {pipeline_mode = #tpu.pipeline_mode<synchronous>, transform_indices = @transform_10, window_bounds = array<i64: 1, 64>}, {pipeline_mode = #tpu.pipeline_mode<synchronous>, transform_indices = @transform_11, window_bounds = array<i64: 128, 64>}, {pipeline_mode = #tpu.pipeline_mode<synchronous>, transform_indices = @transform_12, window_bounds = array<i64: 1, 64>}, {pipeline_mode = #tpu.pipeline_mode<synchronous>, transform_indices = @transform_13, window_bounds = array<i64: 2, 64>}, {transform_indices = @transform_14, window_bounds = array<i64: 1000, 64>}, {transform_indices = @transform_15, window_bounds = array<i64: 1000, 64>}, {transform_indices = @transform_16, window_bounds = array<i64: 1000, 64>}]} {
    %get3A = arith.constant 0 : index
    %get3A_0 = arith.constant 0 : index
    %get3A_1 = vector.load %arg1[%get3A, %get3A_0] : memref<1000x64xf32, #tpu.memory_space<vmem>>, vector<1000x64xf32>
    %get3A_2 = arith.constant 0 : index
    %get3A_3 = arith.constant 0 : index
    %get3A_4 = vector.load %arg2[%get3A_2, %get3A_3] : memref<1000x64xf32, #tpu.memory_space<vmem>>, vector<1000x64xf32>
    %concatenate3A = tpu.concatenate %get3A_1, %get3A_4 in 1 : vector<1000x64xf32>, vector<1000x64xf32> -> vector<1000x128xf32>
    %get3A_5 = arith.constant 0 : index
    %get3A_6 = arith.constant 0 : index
    %get3A_7 = vector.load %arg3[%get3A_5, %get3A_6] : memref<1000x16xf32, #tpu.memory_space<vmem>>, vector<1000x16xf32>
    %get3A_8 = arith.constant 0 : index
    %get3A_9 = arith.constant 0 : index
    %get3A_10 = vector.load %arg4[%get3A_8, %get3A_9] : memref<1000x16xf32, #tpu.memory_space<vmem>>, vector<1000x16xf32>
    %slice3A = vector.extract_strided_slice %get3A_7 {offsets = [0, 0], sizes = [1000, 2], strides = [1, 1]} : vector<1000x16xf32> to vector<1000x2xf32>
    %slice3A_11 = vector.extract_strided_slice %get3A_10 {offsets = [0, 0], sizes = [1000, 2], strides = [1, 1]} : vector<1000x16xf32> to vector<1000x2xf32>
    %concatenate3A_12 = tpu.concatenate %slice3A, %slice3A_11 in 1 : vector<1000x2xf32>, vector<1000x2xf32> -> vector<1000x4xf32>
    %slice3A_13 = vector.extract_strided_slice %get3A_7 {offsets = [0, 2], sizes = [1000, 1], strides = [1, 1]} : vector<1000x16xf32> to vector<1000x1xf32>
    %slice3A_14 = vector.extract_strided_slice %get3A_7 {offsets = [0, 3], sizes = [1000, 2], strides = [1, 1]} : vector<1000x16xf32> to vector<1000x2xf32>
    %max3A = arith.constant 1.000000e+00 : f32
    %max3A_15 = vector.broadcast %max3A : f32 to vector<1000x1xf32>
    %max3A_16 = arith.maximumf %slice3A_13, %max3A_15 : vector<1000x1xf32>
    %div3A = vector.broadcast %max3A_16 : vector<1000x1xf32> to vector<1000x2xf32>
    %div3A_17 = arith.divf %slice3A_14, %div3A : vector<1000x2xf32>
    %get3A_18 = arith.constant 0 : index
    %get3A_19 = arith.constant 0 : index
    %get3A_20 = vector.load %arg5[%get3A_18, %get3A_19] : memref<1000x128xf32, #tpu.memory_space<vmem>>, vector<1000x128xf32>
    %get3A_21 = arith.constant 0 : index
    %get3A_22 = arith.constant 0 : index
    %get3A_23 = vector.load %arg7[%get3A_21, %get3A_22] : memref<2x128xf32, #tpu.memory_space<vmem>>, vector<2x128xf32>
    %get3A_24 = arith.constant 0 : index
    %get3A_25 = arith.constant 0 : index
    %get3A_26 = vector.load %arg6[%get3A_24, %get3A_25] : memref<1000x128xf32, #tpu.memory_space<vmem>>, vector<1000x128xf32>
    %add3A = arith.addf %get3A_20, %get3A_26 : vector<1000x128xf32>
    %slice3A_27 = vector.extract_strided_slice %div3A_17 {offsets = [0, 0], sizes = [1000, 1], strides = [1, 1]} : vector<1000x2xf32> to vector<1000x1xf32>
    %slice3A_28 = vector.extract_strided_slice %get3A_23 {offsets = [0, 0], sizes = [1, 128], strides = [1, 1]} : vector<2x128xf32> to vector<1x128xf32>
    %mul3A = vector.broadcast %slice3A_27 : vector<1000x1xf32> to vector<1000x128xf32>
    %mul3A_29 = vector.broadcast %slice3A_28 : vector<1x128xf32> to vector<1000x128xf32>
    %mul3A_30 = arith.mulf %mul3A, %mul3A_29 : vector<1000x128xf32>
    %add3A_31 = arith.addf %add3A, %mul3A_30 : vector<1000x128xf32>
    %slice3A_32 = vector.extract_strided_slice %div3A_17 {offsets = [0, 1], sizes = [1000, 1], strides = [1, 1]} : vector<1000x2xf32> to vector<1000x1xf32>
    %slice3A_33 = vector.extract_strided_slice %get3A_23 {offsets = [1, 0], sizes = [1, 128], strides = [1, 1]} : vector<2x128xf32> to vector<1x128xf32>
    %mul3A_34 = vector.broadcast %slice3A_32 : vector<1000x1xf32> to vector<1000x128xf32>
    %mul3A_35 = vector.broadcast %slice3A_33 : vector<1x128xf32> to vector<1000x128xf32>
    %mul3A_36 = arith.mulf %mul3A_34, %mul3A_35 : vector<1000x128xf32>
    %add3A_37 = arith.addf %add3A_31, %mul3A_36 : vector<1000x128xf32>
    %mul3A_38 = arith.constant 2.000000e-01 : f32
    %mul3A_39 = vector.broadcast %mul3A_38 : f32 to vector<1000x128xf32>
    %mul3A_40 = arith.mulf %mul3A_39, %add3A_37 : vector<1000x128xf32>
    %max3A_41 = arith.maximumf %add3A_37, %mul3A_40 : vector<1000x128xf32>
    %get3A_42 = arith.constant 0 : index
    %get3A_43 = arith.constant 0 : index
    %get3A_44 = vector.load %arg8[%get3A_42, %get3A_43] : memref<1x128xf32, #tpu.memory_space<vmem>>, vector<1x128xf32>
    %mul3A_45 = vector.broadcast %get3A_44 : vector<1x128xf32> to vector<1000x128xf32>
    %mul3A_46 = arith.mulf %max3A_41, %mul3A_45 : vector<1000x128xf32>
    %iota3A = tpu.iota {dimensions = array<i32: 0>} : vector<128x4xi32>
    %jit3A = arith.constant 32 : i32
    %div3A_47 = vector.broadcast %jit3A : i32 to vector<128x4xi32>
    %div3A_48 = arith.divsi %iota3A, %div3A_47 : vector<128x4xi32>
    %sign3A = arith.constant 0 : i32
    %sign3A_49 = vector.broadcast %sign3A : i32 to vector<128x4xi32>
    %sign3A_50 = arith.cmpi sgt, %iota3A, %sign3A_49 : vector<128x4xi32>
    %sign3A_51 = arith.extui %sign3A_50 : vector<128x4xi1> to vector<128x4xi32>
    %sign3A_52 = arith.constant 0 : i32
    %sign3A_53 = vector.broadcast %sign3A_52 : i32 to vector<128x4xi32>
    %sign3A_54 = arith.cmpi slt, %iota3A, %sign3A_53 : vector<128x4xi32>
    %sign3A_55 = arith.extui %sign3A_54 : vector<128x4xi1> to vector<128x4xi32>
    %sign3A_56 = arith.subi %sign3A_51, %sign3A_55 : vector<128x4xi32>
    %sign3A_57 = arith.constant 0 : i32
    %sign3A_58 = arith.cmpi sgt, %jit3A, %sign3A_57 : i32
    %sign3A_59 = arith.extui %sign3A_58 : i1 to i32
    %sign3A_60 = arith.constant 0 : i32
    %sign3A_61 = arith.cmpi slt, %jit3A, %sign3A_60 : i32
    %sign3A_62 = arith.extui %sign3A_61 : i1 to i32
    %sign3A_63 = arith.subi %sign3A_59, %sign3A_62 : i32
    %ne3A = vector.broadcast %sign3A_63 : i32 to vector<128x4xi32>
    %ne3A_64 = arith.cmpi ne, %sign3A_56, %ne3A : vector<128x4xi32>
    %rem3A = vector.broadcast %jit3A : i32 to vector<128x4xi32>
    %rem3A_65 = arith.remsi %iota3A, %rem3A : vector<128x4xi32>
    %ne3A_66 = arith.constant 0 : i32
    %ne3A_67 = vector.broadcast %ne3A_66 : i32 to vector<128x4xi32>
    %ne3A_68 = arith.cmpi ne, %rem3A_65, %ne3A_67 : vector<128x4xi32>
    %and3A = arith.andi %ne3A_64, %ne3A_68 : vector<128x4xi1>
    %sub3A = arith.constant 1 : i32
    %sub3A_69 = vector.broadcast %sub3A : i32 to vector<128x4xi32>
    %sub3A_70 = arith.subi %div3A_48, %sub3A_69 : vector<128x4xi32>
    %select_n3A = arith.select %and3A, %sub3A_70, %div3A_48 : vector<128x4xi1>, vector<128x4xi32>
    %iota3A_71 = tpu.iota {dimensions = array<i32: 1>} : vector<128x4xi32>
    %eq3A = arith.cmpi eq, %select_n3A, %iota3A_71 : vector<128x4xi32>
    %convert_element_type3A = arith.extui %eq3A : vector<128x4xi1> to vector<128x4xi32>
    %convert_element_type3A_72 = arith.sitofp %convert_element_type3A : vector<128x4xi32> to vector<128x4xf32>
    %dot_general3A = arith.constant dense<0.000000e+00> : vector<1000x4xf32>
    %dot_general3A_73 = tpu.matmul %mul3A_46, %convert_element_type3A_72, %dot_general3A {dimension_numbers = #tpu.dot_dimension_numbers<[1], [0], [0], [1], [0, 0, 1, 1], [], []>, transpose_lhs_hint = false} : vector<1000x128xf32>, vector<128x4xf32>, vector<1000x4xf32> -> vector<1000x4xf32>
    %exp3A = math.exp %dot_general3A_73 : vector<1000x4xf32>
    %add3A_74 = arith.addf %concatenate3A_12, %exp3A : vector<1000x4xf32>
    %iota3A_75 = tpu.iota {dimensions = array<i32: 0>} : vector<4x128xi32>
    %iota3A_76 = tpu.iota {dimensions = array<i32: 1>} : vector<4x128xi32>
    %jit3A_77 = arith.constant 32 : i32
    %div3A_78 = vector.broadcast %jit3A_77 : i32 to vector<4x128xi32>
    %div3A_79 = arith.divsi %iota3A_76, %div3A_78 : vector<4x128xi32>
    %sign3A_80 = arith.constant 0 : i32
    %sign3A_81 = vector.broadcast %sign3A_80 : i32 to vector<4x128xi32>
    %sign3A_82 = arith.cmpi sgt, %iota3A_76, %sign3A_81 : vector<4x128xi32>
    %sign3A_83 = arith.extui %sign3A_82 : vector<4x128xi1> to vector<4x128xi32>
    %sign3A_84 = arith.constant 0 : i32
    %sign3A_85 = vector.broadcast %sign3A_84 : i32 to vector<4x128xi32>
    %sign3A_86 = arith.cmpi slt, %iota3A_76, %sign3A_85 : vector<4x128xi32>
    %sign3A_87 = arith.extui %sign3A_86 : vector<4x128xi1> to vector<4x128xi32>
    %sign3A_88 = arith.subi %sign3A_83, %sign3A_87 : vector<4x128xi32>
    %sign3A_89 = arith.constant 0 : i32
    %sign3A_90 = arith.cmpi sgt, %jit3A_77, %sign3A_89 : i32
    %sign3A_91 = arith.extui %sign3A_90 : i1 to i32
    %sign3A_92 = arith.constant 0 : i32
    %sign3A_93 = arith.cmpi slt, %jit3A_77, %sign3A_92 : i32
    %sign3A_94 = arith.extui %sign3A_93 : i1 to i32
    %sign3A_95 = arith.subi %sign3A_91, %sign3A_94 : i32
    %ne3A_96 = vector.broadcast %sign3A_95 : i32 to vector<4x128xi32>
    %ne3A_97 = arith.cmpi ne, %sign3A_88, %ne3A_96 : vector<4x128xi32>
    %rem3A_98 = vector.broadcast %jit3A_77 : i32 to vector<4x128xi32>
    %rem3A_99 = arith.remsi %iota3A_76, %rem3A_98 : vector<4x128xi32>
    %ne3A_100 = arith.constant 0 : i32
    %ne3A_101 = vector.broadcast %ne3A_100 : i32 to vector<4x128xi32>
    %ne3A_102 = arith.cmpi ne, %rem3A_99, %ne3A_101 : vector<4x128xi32>
    %and3A_103 = arith.andi %ne3A_97, %ne3A_102 : vector<4x128xi1>
    %sub3A_104 = arith.constant 1 : i32
    %sub3A_105 = vector.broadcast %sub3A_104 : i32 to vector<4x128xi32>
    %sub3A_106 = arith.subi %div3A_79, %sub3A_105 : vector<4x128xi32>
    %select_n3A_107 = arith.select %and3A_103, %sub3A_106, %div3A_79 : vector<4x128xi1>, vector<4x128xi32>
    %eq3A_108 = arith.cmpi eq, %iota3A_75, %select_n3A_107 : vector<4x128xi32>
    %convert_element_type3A_109 = arith.extui %eq3A_108 : vector<4x128xi1> to vector<4x128xi32>
    %convert_element_type3A_110 = arith.sitofp %convert_element_type3A_109 : vector<4x128xi32> to vector<4x128xf32>
    %dot_general3A_111 = arith.constant dense<0.000000e+00> : vector<1000x128xf32>
    %dot_general3A_112 = tpu.matmul %exp3A, %convert_element_type3A_110, %dot_general3A_111 {dimension_numbers = #tpu.dot_dimension_numbers<[1], [0], [0], [1], [0, 0, 1, 1], [], []>, transpose_lhs_hint = false} : vector<1000x4xf32>, vector<4x128xf32>, vector<1000x128xf32> -> vector<1000x128xf32>
    %dot_general3A_113 = arith.constant dense<0.000000e+00> : vector<1000x128xf32>
    %dot_general3A_114 = tpu.matmul %add3A_74, %convert_element_type3A_110, %dot_general3A_113 {dimension_numbers = #tpu.dot_dimension_numbers<[1], [0], [0], [1], [0, 0, 1, 1], [], []>, transpose_lhs_hint = false} : vector<1000x4xf32>, vector<4x128xf32>, vector<1000x128xf32> -> vector<1000x128xf32>
    %mul3A_115 = arith.mulf %dot_general3A_112, %get3A_20 : vector<1000x128xf32>
    %add3A_116 = arith.addf %concatenate3A, %mul3A_115 : vector<1000x128xf32>
    %div3A_117 = arith.divf %add3A_116, %dot_general3A_114 : vector<1000x128xf32>
    %get3A_118 = arith.constant 0 : index
    %get3A_119 = arith.constant 0 : index
    %get3A_120 = vector.load %arg9[%get3A_118, %get3A_119] : memref<1x128xf32, #tpu.memory_space<vmem>>, vector<1x128xf32>
    %add3A_121 = vector.broadcast %get3A_120 : vector<1x128xf32> to vector<1000x128xf32>
    %add3A_122 = arith.addf %div3A_117, %add3A_121 : vector<1000x128xf32>
    %max3A_123 = arith.constant 0.000000e+00 : f32
    %max3A_124 = vector.broadcast %max3A_123 : f32 to vector<1000x128xf32>
    %max3A_125 = arith.maximumf %add3A_122, %max3A_124 : vector<1000x128xf32>
    %get3A_126 = arith.constant 0 : index
    %get3A_127 = arith.constant 0 : index
    %get3A_128 = vector.load %arg10[%get3A_126, %get3A_127] : memref<128x64xf32, #tpu.memory_space<vmem>>, vector<128x64xf32>
    %dot_general3A_129 = arith.constant dense<0.000000e+00> : vector<1000x64xf32>
    %dot_general3A_130 = tpu.matmul %max3A_125, %get3A_128, %dot_general3A_129 {dimension_numbers = #tpu.dot_dimension_numbers<[1], [0], [0], [1], [0, 0, 1, 1], [], []>, transpose_lhs_hint = false} : vector<1000x128xf32>, vector<128x64xf32>, vector<1000x64xf32> -> vector<1000x64xf32>
    %get3A_131 = arith.constant 0 : index
    %get3A_132 = arith.constant 0 : index
    %get3A_133 = vector.load %arg11[%get3A_131, %get3A_132] : memref<1x64xf32, #tpu.memory_space<vmem>>, vector<1x64xf32>
    %add3A_134 = vector.broadcast %get3A_133 : vector<1x64xf32> to vector<1000x64xf32>
    %add3A_135 = arith.addf %dot_general3A_130, %add3A_134 : vector<1000x64xf32>
    %swap3A = arith.constant 0 : index
    %swap3A_136 = arith.constant 0 : index
    %swap3A_137 = vector.load %arg15[%swap3A, %swap3A_136] : memref<1000x64xf32, #tpu.memory_space<vmem>>, vector<1000x64xf32>
    tpu.vector_store %arg15[%swap3A, %swap3A_136], %add3A_135 {strides = array<i32>} : memref<1000x64xf32, #tpu.memory_space<vmem>>, vector<1000x64xf32>,
    %get3A_138 = arith.constant 0 : index
    %get3A_139 = arith.constant 0 : index
    %get3A_140 = vector.load %arg12[%get3A_138, %get3A_139] : memref<128x64xf32, #tpu.memory_space<vmem>>, vector<128x64xf32>
    %dot_general3A_141 = arith.constant dense<0.000000e+00> : vector<1000x64xf32>
    %dot_general3A_142 = tpu.matmul %max3A_125, %get3A_140, %dot_general3A_141 {dimension_numbers = #tpu.dot_dimension_numbers<[1], [0], [0], [1], [0, 0, 1, 1], [], []>, transpose_lhs_hint = false} : vector<1000x128xf32>, vector<128x64xf32>, vector<1000x64xf32> -> vector<1000x64xf32>
    %get3A_143 = arith.constant 0 : index
    %get3A_144 = arith.constant 0 : index
    %get3A_145 = vector.load %arg13[%get3A_143, %get3A_144] : memref<1x64xf32, #tpu.memory_space<vmem>>, vector<1x64xf32>
    %add3A_146 = vector.broadcast %get3A_145 : vector<1x64xf32> to vector<1000x64xf32>
    %add3A_147 = arith.addf %dot_general3A_142, %add3A_146 : vector<1000x64xf32>
    %swap3A_148 = arith.constant 0 : index
    %swap3A_149 = arith.constant 0 : index
    %swap3A_150 = vector.load %arg16[%swap3A_148, %swap3A_149] : memref<1000x64xf32, #tpu.memory_space<vmem>>, vector<1000x64xf32>
    tpu.vector_store %arg16[%swap3A_148, %swap3A_149], %add3A_147 {strides = array<i32>} : memref<1000x64xf32, #tpu.memory_space<vmem>>, vector<1000x64xf32>,
    %get3A_151 = arith.constant 0 : index
    %get3A_152 = arith.constant 0 : index
    %get3A_153 = vector.load %arg14[%get3A_151, %get3A_152] : memref<2x64xf32, #tpu.memory_space<vmem>>, vector<2x64xf32>
    %slice3A_154 = vector.extract_strided_slice %div3A_17 {offsets = [0, 0], sizes = [1000, 1], strides = [1, 1]} : vector<1000x2xf32> to vector<1000x1xf32>
    %slice3A_155 = vector.extract_strided_slice %get3A_153 {offsets = [0, 0], sizes = [1, 64], strides = [1, 1]} : vector<2x64xf32> to vector<1x64xf32>
    %mul3A_156 = vector.broadcast %slice3A_154 : vector<1000x1xf32> to vector<1000x64xf32>
    %mul3A_157 = vector.broadcast %slice3A_155 : vector<1x64xf32> to vector<1000x64xf32>
    %mul3A_158 = arith.mulf %mul3A_156, %mul3A_157 : vector<1000x64xf32>
    %slice3A_159 = vector.extract_strided_slice %div3A_17 {offsets = [0, 1], sizes = [1000, 1], strides = [1, 1]} : vector<1000x2xf32> to vector<1000x1xf32>
    %slice3A_160 = vector.extract_strided_slice %get3A_153 {offsets = [1, 0], sizes = [1, 64], strides = [1, 1]} : vector<2x64xf32> to vector<1x64xf32>
    %mul3A_161 = vector.broadcast %slice3A_159 : vector<1000x1xf32> to vector<1000x64xf32>
    %mul3A_162 = vector.broadcast %slice3A_160 : vector<1x64xf32> to vector<1000x64xf32>
    %mul3A_163 = arith.mulf %mul3A_161, %mul3A_162 : vector<1000x64xf32>
    %add3A_164 = arith.addf %mul3A_158, %mul3A_163 : vector<1000x64xf32>
    %swap3A_165 = arith.constant 0 : index
    %swap3A_166 = arith.constant 0 : index
    %swap3A_167 = vector.load %arg17[%swap3A_165, %swap3A_166] : memref<1000x64xf32, #tpu.memory_space<vmem>>, vector<1000x64xf32>
    tpu.vector_store %arg17[%swap3A_165, %swap3A_166], %add3A_164 {strides = array<i32>} : memref<1000x64xf32, #tpu.memory_space<vmem>>, vector<1000x64xf32>,
    return
  }
  func.func @transform_0(%arg0: i32) -> (i32, i32) {
    %c0_i32 = arith.constant 0 : i32
    %c0_i32_0 = arith.constant 0 : i32
    return %arg0, %c0_i32 : i32, i32
  }
  func.func @transform_1(%arg0: i32) -> (i32, i32) {
    %c0_i32 = arith.constant 0 : i32
    %c0_i32_0 = arith.constant 0 : i32
    return %arg0, %c0_i32 : i32, i32
  }
  func.func @transform_2(%arg0: i32) -> (i32, i32) {
    %c0_i32 = arith.constant 0 : i32
    %c0_i32_0 = arith.constant 0 : i32
    return %arg0, %c0_i32 : i32, i32
  }
  func.func @transform_3(%arg0: i32) -> (i32, i32) {
    %c0_i32 = arith.constant 0 : i32
    %c0_i32_0 = arith.constant 0 : i32
    return %arg0, %c0_i32 : i32, i32
  }
  func.func @transform_4(%arg0: i32) -> (i32, i32) {
    %c0_i32 = arith.constant 0 : i32
    %c0_i32_0 = arith.constant 0 : i32
    return %arg0, %c0_i32 : i32, i32
  }
  func.func @transform_5(%arg0: i32) -> (i32, i32) {
    %c0_i32 = arith.constant 0 : i32
    %c0_i32_0 = arith.constant 0 : i32
    return %arg0, %c0_i32 : i32, i32
  }
  func.func @transform_6(%arg0: i32) -> (i32, i32) {
    %c0_i32 = arith.constant 0 : i32
    %c0_i32_0 = arith.constant 0 : i32
    %c0_i32_1 = arith.constant 0 : i32
    return %c0_i32, %c0_i32_0 : i32, i32
  }
  func.func @transform_7(%arg0: i32) -> (i32, i32) {
    %c0_i32 = arith.constant 0 : i32
    %c0_i32_0 = arith.constant 0 : i32
    %c0_i32_1 = arith.constant 0 : i32
    return %c0_i32, %c0_i32_0 : i32, i32
  }
  func.func @transform_8(%arg0: i32) -> (i32, i32) {
    %c0_i32 = arith.constant 0 : i32
    %c0_i32_0 = arith.constant 0 : i32
    %c0_i32_1 = arith.constant 0 : i32
    return %c0_i32, %c0_i32_0 : i32, i32
  }
  func.func @transform_9(%arg0: i32) -> (i32, i32) {
    %c0_i32 = arith.constant 0 : i32
    %c0_i32_0 = arith.constant 0 : i32
    %c0_i32_1 = arith.constant 0 : i32
    return %c0_i32, %c0_i32_0 : i32, i32
  }
  func.func @transform_10(%arg0: i32) -> (i32, i32) {
    %c0_i32 = arith.constant 0 : i32
    %c0_i32_0 = arith.constant 0 : i32
    %c0_i32_1 = arith.constant 0 : i32
    return %c0_i32, %c0_i32_0 : i32, i32
  }
  func.func @transform_11(%arg0: i32) -> (i32, i32) {
    %c0_i32 = arith.constant 0 : i32
    %c0_i32_0 = arith.constant 0 : i32
    %c0_i32_1 = arith.constant 0 : i32
    return %c0_i32, %c0_i32_0 : i32, i32
  }
  func.func @transform_12(%arg0: i32) -> (i32, i32) {
    %c0_i32 = arith.constant 0 : i32
    %c0_i32_0 = arith.constant 0 : i32
    %c0_i32_1 = arith.constant 0 : i32
    return %c0_i32, %c0_i32_0 : i32, i32
  }
  func.func @transform_13(%arg0: i32) -> (i32, i32) {
    %c0_i32 = arith.constant 0 : i32
    %c0_i32_0 = arith.constant 0 : i32
    %c0_i32_1 = arith.constant 0 : i32
    return %c0_i32, %c0_i32_0 : i32, i32
  }
  func.func @transform_14(%arg0: i32) -> (i32, i32) {
    %c0_i32 = arith.constant 0 : i32
    %c0_i32_0 = arith.constant 0 : i32
    return %arg0, %c0_i32 : i32, i32
  }
  func.func @transform_15(%arg0: i32) -> (i32, i32) {
    %c0_i32 = arith.constant 0 : i32
    %c0_i32_0 = arith.constant 0 : i32
    return %arg0, %c0_i32 : i32, i32
  }
  func.func @transform_16(%arg0: i32) -> (i32, i32) {
    %c0_i32 = arith.constant 0 : i32
    %c0_i32_0 = arith.constant 0 : i32
    return %arg0, %c0_i32 : i32, i32
  }
}

module attributes {stable_mosaic.version = 14 : i64} {
  func.func @_combine2_body(%arg0: i32, %arg1: memref<1000x64xf32, #tpu.memory_space<vmem>>, %arg2: memref<1000x64xf32, #tpu.memory_space<vmem>>, %arg3: memref<1000x16xf32, #tpu.memory_space<vmem>>, %arg4: memref<1000x16xf32, #tpu.memory_space<vmem>>, %arg5: memref<1000x64xf32, #tpu.memory_space<vmem>>, %arg6: memref<1000x64xf32, #tpu.memory_space<vmem>>, %arg7: memref<1000x64xf32, #tpu.memory_space<vmem>>, %arg8: memref<1x64xf32, #tpu.memory_space<vmem>>, %arg9: memref<1x64xf32, #tpu.memory_space<vmem>>, %arg10: memref<1000x64xf32, #tpu.memory_space<vmem>>) attributes {dimension_semantics = [#tpu.dimension_semantics<arbitrary>], iteration_bounds = array<i64: 10>, scalar_prefetch = 0 : i64, scratch_operands = 0 : i64, tpu.core_type = #tpu.core_type<tc>, window_params = [{transform_indices = @transform_0, window_bounds = array<i64: 1000, 64>}, {transform_indices = @transform_1, window_bounds = array<i64: 1000, 64>}, {transform_indices = @transform_2, window_bounds = array<i64: 1000, 16>}, {transform_indices = @transform_3, window_bounds = array<i64: 1000, 16>}, {transform_indices = @transform_4, window_bounds = array<i64: 1000, 64>}, {transform_indices = @transform_5, window_bounds = array<i64: 1000, 64>}, {transform_indices = @transform_6, window_bounds = array<i64: 1000, 64>}, {pipeline_mode = #tpu.pipeline_mode<synchronous>, transform_indices = @transform_7, window_bounds = array<i64: 1, 64>}, {pipeline_mode = #tpu.pipeline_mode<synchronous>, transform_indices = @transform_8, window_bounds = array<i64: 1, 64>}, {transform_indices = @transform_9, window_bounds = array<i64: 1000, 64>}]} {
    %get3A = arith.constant 0 : index
    %get3A_0 = arith.constant 0 : index
    %get3A_1 = vector.load %arg1[%get3A, %get3A_0] : memref<1000x64xf32, #tpu.memory_space<vmem>>, vector<1000x64xf32>
    %get3A_2 = arith.constant 0 : index
    %get3A_3 = arith.constant 0 : index
    %get3A_4 = vector.load %arg2[%get3A_2, %get3A_3] : memref<1000x64xf32, #tpu.memory_space<vmem>>, vector<1000x64xf32>
    %add3A = arith.addf %get3A_1, %get3A_4 : vector<1000x64xf32>
    %get3A_5 = arith.constant 0 : index
    %get3A_6 = arith.constant 0 : index
    %get3A_7 = vector.load %arg3[%get3A_5, %get3A_6] : memref<1000x16xf32, #tpu.memory_space<vmem>>, vector<1000x16xf32>
    %slice3A = vector.extract_strided_slice %get3A_7 {offsets = [0, 0], sizes = [1000, 1], strides = [1, 1]} : vector<1000x16xf32> to vector<1000x1xf32>
    %get3A_8 = arith.constant 0 : index
    %get3A_9 = arith.constant 0 : index
    %get3A_10 = vector.load %arg4[%get3A_8, %get3A_9] : memref<1000x16xf32, #tpu.memory_space<vmem>>, vector<1000x16xf32>
    %slice3A_11 = vector.extract_strided_slice %get3A_10 {offsets = [0, 0], sizes = [1000, 1], strides = [1, 1]} : vector<1000x16xf32> to vector<1000x1xf32>
    %add3A_12 = arith.addf %slice3A, %slice3A_11 : vector<1000x1xf32>
    %get3A_13 = arith.constant 0 : index
    %get3A_14 = arith.constant 0 : index
    %get3A_15 = vector.load %arg5[%get3A_13, %get3A_14] : memref<1000x64xf32, #tpu.memory_space<vmem>>, vector<1000x64xf32>
    %get3A_16 = arith.constant 0 : index
    %get3A_17 = arith.constant 0 : index
    %get3A_18 = vector.load %arg6[%get3A_16, %get3A_17] : memref<1000x64xf32, #tpu.memory_space<vmem>>, vector<1000x64xf32>
    %add3A_19 = arith.addf %get3A_15, %get3A_18 : vector<1000x64xf32>
    %get3A_20 = arith.constant 0 : index
    %get3A_21 = arith.constant 0 : index
    %get3A_22 = vector.load %arg7[%get3A_20, %get3A_21] : memref<1000x64xf32, #tpu.memory_space<vmem>>, vector<1000x64xf32>
    %add3A_23 = arith.addf %add3A_19, %get3A_22 : vector<1000x64xf32>
    %mul3A = arith.constant 2.000000e-01 : f32
    %mul3A_24 = vector.broadcast %mul3A : f32 to vector<1000x64xf32>
    %mul3A_25 = arith.mulf %mul3A_24, %add3A_23 : vector<1000x64xf32>
    %max3A = arith.maximumf %add3A_23, %mul3A_25 : vector<1000x64xf32>
    %get3A_26 = arith.constant 0 : index
    %get3A_27 = arith.constant 0 : index
    %get3A_28 = vector.load %arg8[%get3A_26, %get3A_27] : memref<1x64xf32, #tpu.memory_space<vmem>>, vector<1x64xf32>
    %mul3A_29 = vector.broadcast %get3A_28 : vector<1x64xf32> to vector<1000x64xf32>
    %mul3A_30 = arith.mulf %max3A, %mul3A_29 : vector<1000x64xf32>
    %reduce_sum3A = arith.constant dense<0.000000e+00> : vector<1000xf32>
    %reduce_sum3A_31 = vector.multi_reduction <add>, %mul3A_30, %reduce_sum3A [1] : vector<1000x64xf32> to vector<1000xf32>
    %broadcast_in_dim3A = vector.shape_cast %reduce_sum3A_31 : vector<1000xf32> to vector<1000x1xf32>
    %exp3A = math.exp %broadcast_in_dim3A : vector<1000x1xf32>
    %mul3A_32 = vector.broadcast %exp3A : vector<1000x1xf32> to vector<1000x64xf32>
    %mul3A_33 = arith.mulf %mul3A_32, %get3A_15 : vector<1000x64xf32>
    %add3A_34 = arith.addf %add3A, %mul3A_33 : vector<1000x64xf32>
    %add3A_35 = arith.addf %add3A_12, %exp3A : vector<1000x1xf32>
    %div3A = vector.broadcast %add3A_35 : vector<1000x1xf32> to vector<1000x64xf32>
    %div3A_36 = arith.divf %add3A_34, %div3A : vector<1000x64xf32>
    %get3A_37 = arith.constant 0 : index
    %get3A_38 = arith.constant 0 : index
    %get3A_39 = vector.load %arg9[%get3A_37, %get3A_38] : memref<1x64xf32, #tpu.memory_space<vmem>>, vector<1x64xf32>
    %add3A_40 = vector.broadcast %get3A_39 : vector<1x64xf32> to vector<1000x64xf32>
    %add3A_41 = arith.addf %div3A_36, %add3A_40 : vector<1000x64xf32>
    %swap3A = arith.constant 0 : index
    %swap3A_42 = arith.constant 0 : index
    %swap3A_43 = vector.load %arg10[%swap3A, %swap3A_42] : memref<1000x64xf32, #tpu.memory_space<vmem>>, vector<1000x64xf32>
    tpu.vector_store %arg10[%swap3A, %swap3A_42], %add3A_41 {strides = array<i32>} : memref<1000x64xf32, #tpu.memory_space<vmem>>, vector<1000x64xf32>,
    return
  }
  func.func @transform_0(%arg0: i32) -> (i32, i32) {
    %c0_i32 = arith.constant 0 : i32
    %c0_i32_0 = arith.constant 0 : i32
    return %arg0, %c0_i32 : i32, i32
  }
  func.func @transform_1(%arg0: i32) -> (i32, i32) {
    %c0_i32 = arith.constant 0 : i32
    %c0_i32_0 = arith.constant 0 : i32
    return %arg0, %c0_i32 : i32, i32
  }
  func.func @transform_2(%arg0: i32) -> (i32, i32) {
    %c0_i32 = arith.constant 0 : i32
    %c0_i32_0 = arith.constant 0 : i32
    return %arg0, %c0_i32 : i32, i32
  }
  func.func @transform_3(%arg0: i32) -> (i32, i32) {
    %c0_i32 = arith.constant 0 : i32
    %c0_i32_0 = arith.constant 0 : i32
    return %arg0, %c0_i32 : i32, i32
  }
  func.func @transform_4(%arg0: i32) -> (i32, i32) {
    %c0_i32 = arith.constant 0 : i32
    %c0_i32_0 = arith.constant 0 : i32
    return %arg0, %c0_i32 : i32, i32
  }
  func.func @transform_5(%arg0: i32) -> (i32, i32) {
    %c0_i32 = arith.constant 0 : i32
    %c0_i32_0 = arith.constant 0 : i32
    return %arg0, %c0_i32 : i32, i32
  }
  func.func @transform_6(%arg0: i32) -> (i32, i32) {
    %c0_i32 = arith.constant 0 : i32
    %c0_i32_0 = arith.constant 0 : i32
    return %arg0, %c0_i32 : i32, i32
  }
  func.func @transform_7(%arg0: i32) -> (i32, i32) {
    %c0_i32 = arith.constant 0 : i32
    %c0_i32_0 = arith.constant 0 : i32
    %c0_i32_1 = arith.constant 0 : i32
    return %c0_i32, %c0_i32_0 : i32, i32
  }
  func.func @transform_8(%arg0: i32) -> (i32, i32) {
    %c0_i32 = arith.constant 0 : i32
    %c0_i32_0 = arith.constant 0 : i32
    %c0_i32_1 = arith.constant 0 : i32
    return %c0_i32, %c0_i32_0 : i32, i32
  }
  func.func @transform_9(%arg0: i32) -> (i32, i32) {
    %c0_i32 = arith.constant 0 : i32
    %c0_i32_0 = arith.constant 0 : i32
    return %arg0, %c0_i32 : i32, i32
  }
}

</mosaic_0001>

<sc_bundles>
// kernel: kernel.10.cloned.1.call-start
scs
__scs_entry_jumppad:
0x0: {  	(pc) =	sbr.rel $0x88, $3  }
0x1: {  	(tag) =	ssettag $0x0;
	lr =	simm.s32 $0x1  }
0x2: {  	[smem:$0x3F90] =	sst lr;
	_ =	strace $0xD0000000  }
0x3: {  	_ = 	snop  }
0x4: {  	_ = 	snop  }
0x5: {  	_ = 	snop  }
0x6: {  	_ = 	snop  }
0x7: {  	_ = 	snop  }
__scs_overlays_trampoline_lowered:
0x8: {  	[smem:$0x3F9F] =	sst s0  }
0x9: {  	[smem:$0x3FA0] =	sst s1  }
0xa: {  	[smem:$0x3FA1] =	sst s2  }
0xb: {  	[smem:$0x3FA2] =	sst s3  }
0xc: {  	[smem:$0x3FA3] =	sst s4  }
0xd: {  	[smem:$0x3FA4] =	sst s5  }
0xe: {  	[smem:$0x3FA5] =	sst s6  }
0xf: {  	[smem:$0x3FA6] =	sst s7  }
0x10: {  	[smem:$0x3FA7] =	sst s8  }
0x11: {  	[smem:$0x3FA8] =	sst s9;
	s0 =	simm.s32 @!p0 $0x0  }
0x12: {  	s1 =	sld [smem:$0x3F8E];
	s0 =	simm.s32 @p0 $0x1  }
0x13: {  	[smem:$0x3FA9] =	sst s0;
	s0 =	simm.s32 @!p1 $0x0  }
0x14: {  	s2 =	sld [smem:$0x3F8D];
	s0 =	simm.s32 @p1 $0x1  }
0x15: {  	[smem:$0x3FAA] =	sst s0;
	s0 =	simm.s32 @!p2 $0x0  }
0x16: {  	s3 =	sld [smem:$0x3FDB];
	s0 =	simm.s32 @p2 $0x1  }
0x17: {  	s4 =	simm.s32 $0x1BF5;
	[smem:$0x3FAC] =	sst s0  }
0x18: {  	s0 =	sld [smem:$0x3F8F];
	_ =	swait.ge [sflag:s4], $0x0  }
0x19: {  	s7 =	sld [smem:$0x3F90]  }
0x1a: {  	s8 =	sadd.s32 $0xFFFFE003, lr  }
0x1b: {  	s9 =	sadd.s32 $0xFFFFFEF7, lr;
	s5 =	simm.s32 $0xFFFFFFFF;
	p2 =	slt.u32 s8, $0xFFFFF086  }
0x1c: {  	p1 =	slt.u32 s9, $0xF7A;
	s5 =	simm.s32 @!p2 $0x0  }
0x1d: {  	s5 =	simm.s32 @p1 $0x1;
	p0 =	seq.s32 s7, s2  }
0x1e: {  	s7 =	smul.u32 @!p0 $0xF7A, s2;
	p2 =	seq.s32 @!p0 s5, $0x0  }
0x1f: {  	s9 =	smul.u32 $0xF7A, s1;
	s8 =	simm.s32 @!p0 $0x1BF5;
	p2 =	por !p2, p0  }
0x20: {  	[sflag:s8] =	ssyncset.s32 @!p0 $0xFFFFF086;
	s6 =	sadd.s32 @!p0 s3, s7;
	s7 =	simm.s32 @!p0 $0x108  }
0x21: {  	s3 =	sadd.s32 s3, s9;
	s6 =	sadd.s32 @!p0 $0x88, s6;
	s7 =	simm.s32 @p2 $0x1082  }
0x22: {  	[simem:s7], [sflag:s8] =	dma.local @!p0 [hbm:s6], $0xF7A  }
0x23: {  	s9 =	sor.u32 $0xD0000000, s2;
	s6 =	simm.s32 $0x108;
	_ =	swait.ge @!p0 [sflag:s8], $0x0  }
0x24: {  	s3 =	sadd.s32 $0x88, s3;
	s6 =	simm.s32 @!p1 $0x1082;
	[sflag:s4] =	ssyncset.s32 $0xFFFFF086  }
0x25: {  	[simem:s6], [sflag:s4] =	dma.local [hbm:s3], $0xF7A  }
0x26: {  	[smem:$0x3F90] =	sst s1;
	(tag) =	ssettag s2;
	_ =	strace s9  }
0x27: {  	s1 =	sld [smem:$0x3FA0]  }
0x28: {  	s2 =	sld [smem:$0x3FA1]  }
0x29: {  	s4 =	sld [smem:$0x3FA3]  }
0x2a: {  	p0 =	seq.s32 s5, $0x0;
	s5 =	sld [smem:$0x3FA4]  }
0x2b: {  	s6 =	sld [smem:$0x3FA5]  }
0x2c: {  	s7 =	sld [smem:$0x3FA6]  }
0x2d: {  	s3 =	simm.s32 $0x108;
	s8 =	sld [smem:$0x3FA7]  }
0x2e: {  	s3 =	simm.s32 @!p0 $0x1082;
	s9 =	sld [smem:$0x3FA8]  }
0x2f: {  	lr =	sadd.s32 s0, s3;
	s0 =	sld [smem:$0x3F9F]  }
0x30: {  	s3 =	sld [smem:$0x3FA2]  }
0x31: {  	[smem:$0x3FAB] =	sst s10  }
0x32: {  	s10 =	sld [smem:$0x3FA9];
	_ =	sdelay $0x3  }
0x33: {  	p0 =	seq.s32 s10, $0x1;
	s10 =	sld [smem:$0x3FAB];
	_ =	sdelay $0x3  }
0x34: {  	[smem:$0x3FAB] =	sst s10  }
0x35: {  	s10 =	sld [smem:$0x3FAA];
	_ =	sdelay $0x3  }
0x36: {  	p1 =	seq.s32 s10, $0x1;
	s10 =	sld [smem:$0x3FAB];
	_ =	sdelay $0x3  }
0x37: {  	[smem:$0x3FAB] =	sst s10  }
0x38: {  	s10 =	sld [smem:$0x3FAC]  }
0x39: {  	_ = 	snop;
	(pc) =	sbr.ind lr, $3  }
0x3a: {  	_ = 	snop  }
0x3b: {  	_ = 	snop  }
0x3c: {  	p2 =	seq.s32 s10, $0x1;
	s10 =	sld [smem:$0x3FAB]  }
0x3d: {  	_ =	shalt  }
0x3e: {  	_ =	shalt  }
0x3f: {  	_ =	shalt  }
0x40: {  	_ =	shalt  }
0x41: {  	_ =	shalt  }
0x42: {  	_ =	shalt  }
0x43: {  	_ =	shalt  }
0x44: {  	_ =	shalt  }
0x45: {  	_ =	shalt  }
0x46: {  	_ =	shalt  }
0x47: {  	_ =	shalt  }
0x48: {  	_ =	shalt  }
0x49: {  	_ =	shalt  }
0x4a: {  	_ =	shalt  }
0x4b: {  	_ =	shalt  }
0x4c: {  	_ =	shalt  }
0x4d: {  	_ =	shalt  }
0x4e: {  	_ =	shalt  }
0x4f: {  	_ =	shalt  }
0x50: {  	_ =	shalt  }
0x51: {  	_ =	shalt  }
0x52: {  	_ =	shalt  }
0x53: {  	_ =	shalt  }
0x54: {  	_ =	shalt  }
0x55: {  	_ =	shalt  }
0x56: {  	_ =	shalt  }
0x57: {  	_ =	shalt  }
0x58: {  	_ =	shalt  }
0x59: {  	_ =	shalt  }
0x5a: {  	_ =	shalt  }
0x5b: {  	_ =	shalt  }
0x5c: {  	_ =	shalt  }
0x5d: {  	_ =	shalt  }
0x5e: {  	_ =	shalt  }
0x5f: {  	_ =	shalt  }
0x60: {  	_ =	shalt  }
0x61: {  	_ =	shalt  }
0x62: {  	_ =	shalt  }
0x63: {  	_ =	shalt  }
0x64: {  	_ =	shalt  }
0x65: {  	_ =	shalt  }
0x66: {  	_ =	shalt  }
0x67: {  	_ =	shalt  }
0x68: {  	_ =	shalt  }
0x69: {  	_ =	shalt  }
0x6a: {  	_ =	shalt  }
0x6b: {  	_ =	shalt  }
0x6c: {  	_ =	shalt  }
0x6d: {  	_ =	shalt  }
0x6e: {  	_ =	shalt  }
0x6f: {  	_ =	shalt  }
0x70: {  	_ =	shalt  }
0x71: {  	_ =	shalt  }
0x72: {  	_ =	shalt  }
0x73: {  	_ =	shalt  }
0x74: {  	_ =	shalt  }
0x75: {  	_ =	shalt  }
0x76: {  	_ =	shalt  }
0x77: {  	_ =	shalt  }
0x78: {  	_ =	shalt  }
0x79: {  	_ =	shalt  }
0x7a: {  	_ =	shalt  }
0x7b: {  	_ =	shalt  }
0x7c: {  	_ =	shalt  }
0x7d: {  	_ =	shalt  }
0x7e: {  	_ =	shalt  }
0x7f: {  	_ =	shalt  }
0x80: {  	_ =	shalt  }
0x81: {  	_ =	shalt  }
0x82: {  	_ =	shalt  }
0x83: {  	_ =	shalt  }
0x84: {  	_ =	shalt  }
0x85: {  	_ =	shalt  }
0x86: {  	_ =	shalt  }
0x87: {  	_ =	shalt  }
.Lfunc_end0:
.L_simem_size_0:
called_computation.1_lowered:
.L_overlay_start_0:
0x88: {  	s2 =	sld [smem:$0x3FD9]  }
0x89: {  	s3 =	sld [smem:$0x3FFE];
	_ =	sdelay $0x1  }
0x8a: {  	s1 =	srdreg.scid  }
0x8b: {  	s0 =	sand.u32 $0x1, s1  }
0x8c: {  	s17 =	sshll.u32 s0, $0xA;
	s2 =	sadd.s32 s3, s2  }
0x8d: {  	s2 =	sadd.s32 s2, s17  }
0x8e: {  	[smem:$0x3FB7] =	sst s2  }
0x8f: {  	_ = 	snop  }
0x90: {  	s2 =	sld [smem:$0x3FBA]  }
0x91: {  	s18 =	sld [smem:$0x3FD0];
	(tm) =	ssettm $0x1  }
0x92: {  	s4 =	sld [smem:$0x3FFB];
	_ =	sdelay $0x3  }
0x93: {  	_ =	strace s4  }
0x94: {  	s4 =	sld [smem:$0x3FFC];
	_ =	sdelay $0x3  }
0x95: {  	_ =	strace s4  }
0x96: {  	s4 =	sld [smem:$0x3FFD];
	_ =	sdelay $0x3  }
0x97: {  	_ =	strace s4  }
0x98: {  	_ =	strace $0x8FFFFFFF  }
0x99: {  	s19 =	sld [smem:$0x3FDB];
	_ =	sdelay $0x1  }
0x9a: {  	s5 =	simm.s32 $_scs_section_size  }
0x9b: {  	s6 =	simm.s32 $_size__tile_overlayer_lowered;
	s7 =	simm.s32 $_tile_overlayer_lowered  }
0x9c: {  	s22 =	simm.s32 $0x1BFF;
	s21 =	sshll.u32 s7, $0x1;
	s4 =	sadd.s32 s5, s19  }
0x9d: {  	s8 =	simm.s32 $0x0;
	s20 =	sshll.u32 s6, $0x1;
	s6 =	sadd.s32 s21, s4  }
0x9e: {  	[timem:s8], [sflag:s22] =	dma.local [hbm:s6], s20  }
0x9f: {  	_ =	swait.ge [sflag:s22], s20  }
0xa0: {  	s5 =	ssub.s32 $0x0, s20;
	[sflag:s22] =	ssyncset.done $0x0  }
0xa1: {  	[sflag:s22] =	ssyncadd.s32 s5;
	_ =	sdelay $0x1  }
0xa2: {  	s23 =	simm.s32 $0x1B8B  }
0xa3: {  	_ =	swait.ge [sflag:s23], $0x1  }
0xa4: {  	[sflag:s23] =	ssyncset.done $0x0  }
0xa5: {  	s25 =	simm.s32 $0x1B8E;
	s24 =	sld [smem:$0x3FFE];
	[sflag:s23] =	ssyncadd.s32 $0xFFFFFFFF  }
0xa6: {  	s26 =	simm.s32 $execute0_lowered;
	[smem:$0x3FD2] =	sst s25  }
0xa7: {  	s6 =	sshll.u32 s26, $0x1;
	_ =	strace $0x80000049;
	[dreg:$0x1] =	wrdreg $0xFFFFFFFF  }
0xa8: {  	s28 =	simm.s32 $_size_execute0_lowered;
	s4 =	sadd.s32 s4, s6;
	[dreg:$0x0] =	wrdreg $0x0  }
0xa9: {  	s6 =	sshll.u32 s28, $0x1;
	[dreg:$0x2] =	wrdreg s4  }
0xaa: {  	[dreg:$0x3] =	wrdreg s6  }
0xab: {  	[dreg:$0x4] =	wrdreg $0xC0  }
0xac: {  	_ =	task [dreg:s8], $0x5FFFF  }
0xad: {  	[dreg:$0x1] =	wrdreg $0xFFFFFFFF  }
0xae: {  	[dreg:$0x0] =	wrdreg $0x60  }
0xaf: {  	[dreg:$0x2] =	wrdreg s24  }
0xb0: {  	[dreg:$0x3] =	wrdreg s18  }
0xb1: {  	[dreg:$0x4] =	wrdreg s2  }
0xb2: {  	[dreg:$0x5] =	wrdreg $0x89000  }
0xb3: {  	[dreg:$0x6] =	wrdreg $0x129000  }
0xb4: {  	[dreg:$0x7] =	wrdreg $0x9  }
0xb5: {  	_ =	task.clear_ibuf [dreg:s8], $0x8FFFF;
	_ =	strace $0x90000049  }
0xb6: {  	s29 =	simm.s32 $0x9;
	_ =	strace $0x8000004B  }
0xb7: {  	_ =	swait.ge [sflag:s29], $0x1  }
0xb8: {  	[sflag:s29] =	ssyncadd.s32 $0xFFFFFFFF  }
0xb9: {  	_ =	strace $0x9000004B  }
0xba: {  	_ =	sfence  }
0xbb: {  	s30 =	sld [smem:$0x0];
	_ =	sdelay $0x2  }
0xbc: {  	s31 =	sshll.u32 s1, $0xD;
	s1 =	sshrl.u32 s1, $0x2  }
0xbd: {  	s3 =	sand.u32 $0x4000, s31;
	s1 =	sadd.s32 s1, s30  }
0xbe: {  	s0 =	sor.u32 s3, s0;
	s1 =	sshll.u32 s1, $0x11  }
0xbf: {  	s0 =	sor.u32 s1, s0  }
0xc0: {  	s0 =	sadd.s32 $0x8F2B, s0  }
0xc1: {  	[sflag:s0] =	ssyncadd.remote.s32 $0x1  }
0xc2: {  	_ =	sfence.sel $0xFFFF  }
0xc3: {  	[dreg:$0x0] =	wrdreg $0xFFFFFFFF;
	(pc) =	sbr.abs _section_cstart, $3  }
0xc4: {  	[dreg:$0x1] =	wrdreg $0xFFFFFFFF  }
0xc5: {  	_ =	task.clear_ibuf [dreg:s8], $0x2FFFF;
	_ =	strace $0x9FFFFFFF  }
0xc6: {  	(tm) =	ssettm $0x7FFFFFFF  }
0xc7: {  	_ =	shalt  }
tec
execute0_lowered:
.L_overlay_start_1:
0x0: {  	(tag) =	ssettag $0x1  }
0x1: {  	s0 =	rddreg [dreg:$0x0]  }
0x2: {  	s3 =	rddreg [dreg:$0x3]  }
0x3: {  	s4 =	rddreg [dreg:$0x4];
	s20 =	simm.s32 $0x0;
	s1 =	srdreg.scid  }
0x4: {  	s19 =	stileid.u32;
	s28 =	simm.s32 $0x53C0;
	s29 =	simm.s32 $0x5DC0  }
0x5: {  	s30 =	simm.s32 $0x3;
	s31 =	simm.s32 $0x4;
	[smem:$0x7FF] =	sst s20  }
0x6: {  	s1 =	sand.u32 $0x1, s1;
	s5 =	smul.u32 $0x280, s19;
	s7 =	sadd.s32 $0x66600, s0  }
0x7: {  	s9 =	sadd.s32 $0xE7200, s0;
	_ =	strace $0x8000004A;
	s2 =	ssub.s32 $0x2, s1  }
0x8: {  	s8 =	smul.u32 $0x2800, s1;
	s1 =	sshll.u32 s1, $0x4;
	s6 =	sshrl.u32 s2, $0x1  }
0x9: {  	s10 =	sadd.s32 $0x100, s5;
	s13 =	sadd.s32 $0x180, s5;
	s1 =	sor.u32 s19, s1  }
0xa: {  	s2 =	ssub.s32 s2, s6;
	s6 =	sadd.s32 $0x80, s5;
	s11 =	sadd.s32 s8, s5  }
0xb: {  	s5 =	sadd.s32 $0x200, s5;
	s24 =	sadd.s32 s8, s10;
	s25 =	sadd.s32 s8, s13  }
0xc: {  	s12 =	sadd.s32 s8, s6;
	s14 =	sshll.u32 s11, $0x3;
	s8 =	sadd.s32 s8, s5  }
0xd: {  	s16 =	sshll.u32 s24, $0x3;
	s17 =	sshll.u32 s25, $0x3;
	s11 =	sshll.u32 s11, $0x1  }
0xe: {  	s21 =	sshll.u32 s25, $0x1;
	s25 =	sadd.s32 $0xA1000, s0;
	s15 =	sshll.u32 s12, $0x3  }
0xf: {  	s14 =	sadd.s32 s9, s14;
	s18 =	sshll.u32 s8, $0x3;
	[dreg:$0x11] =	wrdreg s25  }
0x10: {  	s16 =	sadd.s32 s9, s16;
	s26 =	sadd.s32 s9, s17;
	[dreg:$0x6] =	wrdreg s14  }
0x11: {  	s12 =	sshll.u32 s12, $0x1;
	s8 =	sshll.u32 s8, $0x1;
	[dreg:$0x8] =	wrdreg s16  }
0x12: {  	s25 =	sshll.u32 s5, $0x4;
	s23 =	sadd.s32 s9, s15;
	[dreg:$0x9] =	wrdreg s26  }
0x13: {  	s9 =	sadd.s32 s9, s18;
	s16 =	sadd.s32 $0xDBE00, s0;
	[dreg:$0x7] =	wrdreg s23  }
0x14: {  	s18 =	sshll.u32 s24, $0x1;
	s24 =	sadd.s32 $0xAAE00, s0;
	[dreg:$0xa] =	wrdreg s9  }
0x15: {  	s26 =	smul.u32 $0xA000, s19;
	s14 =	smax.u32 s2, $0x1;
	[dreg:$0x10] =	wrdreg s24  }
0x16: {  	s11 =	sadd.s32 s16, s11;
	s17 =	sadd.s32 s16, s12;
	[dreg:$0x15] =	wrdreg s14  }
0x17: {  	s22 =	sadd.s32 s16, s21;
	s8 =	sadd.s32 s16, s8;
	[dreg:$0xb] =	wrdreg s11  }
0x18: {  	s23 =	smul.u32 $0x28000, s19;
	s19 =	sshll.u32 s10, $0x6;
	[dreg:$0xc] =	wrdreg s17  }
0x19: {  	s21 =	sshll.u32 s10, $0x4;
	s24 =	sshll.u32 s5, $0x6;
	[dreg:$0xe] =	wrdreg s22  }
0x1a: {  	s14 =	simm.s32 $0x28;
	s11 =	sadd.s32 s16, s18;
	[dreg:$0xf] =	wrdreg s8  }
0x1b: {  	s18 =	sadd.s32 $0x52C00, s0;
	s0 =	sadd.s32 $0xE7000, s0;
	s15 =	sshrl.u32 s26, $0x2  }
0x1c: {  	s16 =	sshll.u32 s6, $0x6;
	s17 =	sshll.u32 s6, $0x4;
	[dreg:$0xd] =	wrdreg s11  }
0x1d: {  	s22 =	sshll.u32 s13, $0x6;
	s26 =	sadd.s32 s25, s4;
	[dreg:$0x12] =	wrdreg s0  }
0x1e: {  	s10 =	sadd.s32 s21, s4;
	s5 =	sadd.s32 s24, s3;
	[dreg:$0x1e] =	wrdreg s26  }
0x1f: {  	s8 =	simm.s32 $0x5;
	s21 =	simm.s32 $0x49C0;
	[dreg:$0x1a] =	wrdreg s10  }
0x20: {  	s24 =	simm.s32 $0x1;
	s9 =	sadd.s32 s15, s4;
	[dreg:$0x1d] =	wrdreg s5  }
0x21: {  	s25 =	simm.s32 $0x3D40;
	s6 =	sadd.s32 s16, s3;
	[dreg:$0x16] =	wrdreg s9  }
0x22: {  	s11 =	smul.u32 $0xFA, s1;
	s15 =	sadd.s32 s17, s4;
	[dreg:$0x17] =	wrdreg s6  }
0x23: {  	s12 =	sshrl.u32 s23, $0x2;
	s16 =	sadd.s32 s19, s3;
	[dreg:$0x18] =	wrdreg s15  }
0x24: {  	s19 =	sadd.s32 s22, s3;
	s23 =	sshll.u32 s13, $0x4;
	[dreg:$0x19] =	wrdreg s16  }
0x25: {  	v0 =	vlaneseq.u32;
	s13 =	simm.s32 $0x1770;
	s17 =	simm.s32 $0x3FC0;
	[dreg:$0x1b] =	wrdreg s19  }
0x26: {  	v1 =	vmul.u32 $0xFFFFFFFF, v0;
	s26 =	simm.s32 $0x2;
	s22 =	sadd.s32 s23, s4;
	[dreg:$0x13] =	wrdreg s11  }
0x27: {  	s1 =	simm.s32 $0x0;
	s11 =	sadd.s32 s12, s3;
	[dreg:$0x1c] =	wrdreg s22  }
0x28: {  	vm0 =	vmmov $0x1;
	v0 =	vimm.f32 $0.0e+00;
	v1 =	vadd.s32 $0xF, v1;
	s23 =	simm.s32 $0x3340;
	s12 =	simm.s32 $0xFA0;
	[dreg:$0x14] =	wrdreg s11  }
.LBB2_1:
0x29: {  	[dreg:$0x1f] =	wrdreg s1  }
0x2a: {  	s0 =	rddreg [dreg:$0x12];
	s2 =	simm.s32 $0x6040  }
0x2b: {  	[tilespmem:s2], [sflag:$0x5] =	stream.linear.gather [hbm4b:s0+s20], $0x80, $0x38;
	[tilespmem:$0x15100] =	vst v63  }
0x2c: {  	_ =	swait.ge [sflag:s8], $0x80  }
0x2d: {  	[sflag:s8] =	ssyncset.done $0x0  }
0x2e: {  	[sflag:s8] =	ssyncadd.s32 $0xFFFFFF80  }
0x2f: {  	s2 =	simm.s32 $0x60C0;
	s1 =	rddreg [dreg:$0x2]  }
0x30: {  	[tilespmem:s2], [sflag:$0x5] =	stream.linear.gather [hbm4b:s1+s20], $0x40, $0x38;
	[tilespmem:$0x15100] =	vst v63  }
0x31: {  	_ =	swait.ge [sflag:s8], $0x40  }
0x32: {  	[sflag:s8] =	ssyncset.done $0x0  }
0x33: {  	[sflag:s8] =	ssyncadd.s32 $0xFFFFFFC0  }
0x34: {  	v2 =	vld [tilespmem:$0x6040]  }
0x35: {  	v3 =	vld [tilespmem:$0x6050]  }
0x36: {  	v4 =	vld [tilespmem:$0x6060]  }
0x37: {  	v5 =	vld [tilespmem:$0x6070]  }
0x38: {  	v6 =	vld [tilespmem:$0x6080]  }
0x39: {  	v7 =	vld [tilespmem:$0x6090]  }
0x3a: {  	v8 =	vld [tilespmem:$0x60A0]  }
0x3b: {  	v9 =	vld [tilespmem:$0x60B0]  }
0x3c: {  	v10 =	vld [tilespmem:$0x60C0]  }
0x3d: {  	v11 =	vld [tilespmem:$0x60D0]  }
0x3e: {  	s0 =	simm.s32 $0x6120;
	v12 =	vld [tilespmem:$0x60E0]  }
0x3f: {  	v13 =	vld [tilespmem:$0x60F0];
	[tilespmem:s0+$0x0] =	vst v0  }
0x40: {  	[tilespmem:s0+$0xFFFFFFE0] =	vst v0  }
0x41: {  	[tilespmem:s0+$0x10] =	vst v0  }
0x42: {  	s1 =	simm.s32 $0x40;
	s2 =	simm.s32 $0x0;
	[tilespmem:s0+$0xFFFFFFF0] =	vst v0  }
.LBB2_2:
0x43: {  	p0 =	sne.s32 s1, $0x1FC0  }
0x44: {  	[tilespmem:s2+$0x8100] =	vst v0;
	s0 =	sadd.s32 $0x40, s0;
	s2 =	smov.u32 s1;
	s1 =	sadd.s32 $0x40, s1  }
.Ltmp0:
0x45: {  	[tilespmem:s0+$0x0] =	vst v0;
	(pc) =	sbr.rel @p0 .LBB2_2-.Ltmp0, $4  }
0x46: {  	_ = 	snop  }
0x47: {  	[tilespmem:s0+$0xFFFFFFE0] =	vst v0  }
0x48: {  	[tilespmem:s0+$0x10] =	vst v0  }
0x49: {  	s2 =	sshra.s32 s2, $0x2;
	[tilespmem:s0+$0xFFFFFFF0] =	vst v0  }
0x4a: {  	[tilespmem:s2+$0x8100] =	vst v0;
	s0 =	simm.s32 $0x6100  }
0x4b: {  	[spmem:s11] =	stream.linear.scatter [tilespmem:s0], [sflag:$0x5], $0x2000, $0x38;
	[tilespmem:$0x15100] =	vst v63  }
0x4c: {  	_ =	swait.ge [sflag:s8], $0x2000  }
0x4d: {  	[sflag:s8] =	ssyncset.done $0x0  }
0x4e: {  	s1 =	simm.s32 $0x8100;
	[sflag:s8] =	ssyncadd.s32 $0xFFFFE000  }
0x4f: {  	[spmem:s9] =	stream.linear.scatter [tilespmem:s1], [sflag:$0x5], $0x800, $0x38;
	[tilespmem:$0x15100] =	vst v63  }
0x50: {  	_ =	swait.ge [sflag:s8], $0x800  }
0x51: {  	[sflag:s8] =	ssyncset.done $0x0  }
0x52: {  	[sflag:s8] =	ssyncadd.s32 $0xFFFFF800  }
0x53: {  	[spmem:s6] =	stream.linear.scatter [tilespmem:s0], [sflag:$0x5], $0x2000, $0x38;
	[tilespmem:$0x15100] =	vst v63  }
0x54: {  	_ =	swait.ge [sflag:s8], $0x2000  }
0x55: {  	[sflag:s8] =	ssyncset.done $0x0  }
0x56: {  	[sflag:s8] =	ssyncadd.s32 $0xFFFFE000  }
0x57: {  	[spmem:s15] =	stream.linear.scatter [tilespmem:s1], [sflag:$0x5], $0x800, $0x38;
	[tilespmem:$0x15100] =	vst v63  }
0x58: {  	_ =	swait.ge [sflag:s8], $0x800  }
0x59: {  	[sflag:s8] =	ssyncset.done $0x0  }
0x5a: {  	[sflag:s8] =	ssyncadd.s32 $0xFFFFF800  }
0x5b: {  	[spmem:s16] =	stream.linear.scatter [tilespmem:s0], [sflag:$0x5], $0x2000, $0x38;
	[tilespmem:$0x15100] =	vst v63  }
0x5c: {  	_ =	swait.ge [sflag:s8], $0x2000  }
0x5d: {  	[sflag:s8] =	ssyncset.done $0x0  }
0x5e: {  	[sflag:s8] =	ssyncadd.s32 $0xFFFFE000  }
0x5f: {  	[spmem:s10] =	stream.linear.scatter [tilespmem:s1], [sflag:$0x5], $0x800, $0x38;
	[tilespmem:$0x15100] =	vst v63  }
0x60: {  	_ =	swait.ge [sflag:s8], $0x800  }
0x61: {  	[sflag:s8] =	ssyncset.done $0x0  }
0x62: {  	[sflag:s8] =	ssyncadd.s32 $0xFFFFF800  }
0x63: {  	[spmem:s19] =	stream.linear.scatter [tilespmem:s0], [sflag:$0x5], $0x2000, $0x38;
	[tilespmem:$0x15100] =	vst v63  }
0x64: {  	_ =	swait.ge [sflag:s8], $0x2000  }
0x65: {  	[sflag:s8] =	ssyncset.done $0x0  }
0x66: {  	[sflag:s8] =	ssyncadd.s32 $0xFFFFE000  }
0x67: {  	[spmem:s22] =	stream.linear.scatter [tilespmem:s1], [sflag:$0x5], $0x800, $0x38;
	[tilespmem:$0x15100] =	vst v63  }
0x68: {  	_ =	swait.ge [sflag:s8], $0x800  }
0x69: {  	[sflag:s8] =	ssyncset.done $0x0  }
0x6a: {  	[sflag:s8] =	ssyncadd.s32 $0xFFFFF800  }
0x6b: {  	[spmem:s5] =	stream.linear.scatter [tilespmem:s0], [sflag:$0x5], $0x2000, $0x38;
	[tilespmem:$0x15100] =	vst v63  }
0x6c: {  	_ =	swait.ge [sflag:s8], $0x2000  }
0x6d: {  	[sflag:s8] =	ssyncset.done $0x0  }
0x6e: {  	s22 =	rddreg [dreg:$0x1e];
	[sflag:s8] =	ssyncadd.s32 $0xFFFFE000  }
0x6f: {  	[spmem:s22] =	stream.linear.scatter [tilespmem:s1], [sflag:$0x5], $0x800, $0x38;
	[tilespmem:$0x15100] =	vst v63  }
0x70: {  	_ =	swait.ge [sflag:s8], $0x800  }
0x71: {  	[sflag:s8] =	ssyncset.done $0x0  }
0x72: {  	[sflag:s8] =	ssyncadd.s32 $0xFFFFF800  }
0x73: {  	s2 =	simm.s32 $0x0;
	s5 =	simm.s32 $0x0;
	[bflag:$0x0] =	sbarrier.arrive $0xFFFF  }
.LBB2_4:
0x74: {  	s0 =	smul.u32 $0x32, s2  }
0x75: {  	s1 =	rddreg [dreg:$0x13]  }
0x76: {  	s0 =	sadd.s32 s1, s0  }
0x77: {  	s0 =	smul.u32 $0x28, s0;
	_ =	sdelay $0x1  }
0x78: {  	s15 =	rddreg [dreg:$0x10];
	s0 =	sshrl.u32 s0, $0x3  }
0x79: {  	s1 =	sadd.s32 s15, s0  }
0x7a: {  	[tilespmem:s5], [sflag:$0x5] =	stream.linear.gather [hbm4b:s1+s5], $0x7D0, $0x38;
	[tilespmem:$0x15100] =	vst v63  }
0x7b: {  	_ =	swait.ge [sflag:s8], $0x7D0  }
0x7c: {  	[sflag:s8] =	ssyncset.done $0x0;
	s16 =	rddreg [dreg:$0x11]  }
0x7d: {  	s6 =	simm.s32 $0x7D0;
	[sflag:s8] =	ssyncadd.s32 $0xFFFFF830;
	s1 =	sadd.s32 s16, s0  }
0x7e: {  	[tilespmem:s6], [sflag:$0x5] =	stream.linear.gather [hbm4b:s1+s5], $0x7D0, $0x38;
	[tilespmem:$0x15100] =	vst v63  }
0x7f: {  	_ =	swait.ge [sflag:s8], $0x7D0  }
0x80: {  	[sflag:s8] =	ssyncset.done $0x0  }
0x81: {  	[sflag:s8] =	ssyncadd.s32 $0xFFFFF830  }
0x82: {  	s19 =	rddreg [dreg:$0x1]  }
0x83: {  	s0 =	sadd.s32 s19, s0  }
0x84: {  	[tilespmem:s12], [sflag:$0x5] =	stream.linear.gather [hbm4b:s0+s5], $0x7D0, $0x38;
	[tilespmem:$0x15100] =	vst v63  }
0x85: {  	_ =	swait.ge [sflag:s8], $0x7D0  }
0x86: {  	[sflag:s8] =	ssyncset.done $0x0  }
0x87: {  	s0 =	sadd.s32 $0x9C40, s0;
	[sflag:s8] =	ssyncadd.s32 $0xFFFFF830  }
0x88: {  	[tilespmem:s13], [sflag:$0x5] =	stream.linear.gather [hbm4b:s0+s5], $0x7D0, $0x38;
	[tilespmem:$0x15100] =	vst v63  }
0x89: {  	_ =	swait.ge [sflag:s8], $0x7D0  }
0x8a: {  	[sflag:s8] =	ssyncset.done $0x0  }
0x8b: {  	s20 =	simm.s32 $0x1F40;
	[sflag:s8] =	ssyncadd.s32 $0xFFFFF830  }
0x8c: {  	[tilespmem:s20], [sflag:$0x1] =	stream.indirect.gather [hbm4b:s7+s14], $0x40, s5, s14, $0xb8;
	[tilespmem:$0x15100] =	vst v63  }
0x8d: {  	s22 =	simm.s32 $0x2940  }
0x8e: {  	[tilespmem:s22], [sflag:$0x1] =	stream.indirect.gather [hbm4b:s18+s14], $0x40, s6, s14, $0xb8;
	[tilespmem:$0x15100] =	vst v63  }
0x8f: {  	s0 =	simm.s32 $0x0;
	s6 =	simm.s32 $0x0  }
.LBB2_5:
0x90: {  	s10 =	smul.u32 $0x50, s0;
	_ =	sdelay $0x1  }
0x91: {  	s1 =	sadd.s32 $0x28, s10  }
0x92: {  	[tilespmem:s17], [sflag:$0x2] =	stream.indirect.gather [hbm4b:s7+s14], $0x40, s1, s14, $0xb8;
	[tilespmem:$0x15100] =	vst v63  }
0x93: {  	s9 =	sadd.s32 $0x7F8, s10  }
0x94: {  	[tilespmem:s21], [sflag:$0x2] =	stream.indirect.gather [hbm4b:s18+s14], $0x40, s9, s14, $0xb8;
	[tilespmem:$0x15100] =	vst v63  }
0x95: {  	_ =	swait.ge [sflag:s24], $0xA00  }
0x96: {  	[sflag:s24] =	ssyncset.done $0x0  }
0x97: {  	[sflag:s24] =	ssyncadd.s32 $0xFFFFF600  }
0x98: {  	_ =	swait.ge [sflag:s24], $0xA00  }
0x99: {  	p0 =	seq.s32 s0, $0x0;
	[sflag:s24] =	ssyncset.done $0x0  }
0x9a: {  	s1 =	simm.s32 @!p0 $0x3;
	[sflag:s24] =	ssyncadd.s32 $0xFFFFF600  }
0x9b: {  	_ =	swait.ge @!p0 [sflag:s1], $0xA00  }
0x9c: {  	[sflag:s1] =	ssyncset.done @!p0 $0x0  }
0x9d: {  	[sflag:s1] =	ssyncadd.s32 @!p0 $0xFFFFF600  }
0x9e: {  	s15 =	simm.s32 $0x3D60;
	_ =	swait.ge @!p0 [sflag:s1], $0x280  }
0x9f: {  	s16 =	simm.s32 $0x1FC0;
	s19 =	simm.s32 $0x29C0;
	[sflag:s1] =	ssyncset.done @!p0 $0x0  }
0xa0: {  	s20 =	simm.s32 $0x33C0;
	[sflag:s1] =	ssyncadd.s32 @!p0 $0xFFFFFD80;
	s1 =	simm.s32 $0x0  }
.LBB2_6:
0xa1: {  	s22 =	sadd.s32 s1, s6  }
0xa2: {  	v14 =	vmov s22  }
0xa3: {  	v14 =	vand.u32 $0xFFFFFFFC, v14  }
0xa4: {  	v16 =	vld [tilespmem:s16+$0xFFFFFF80];
	v14 =	vbroadcast v14, $0x0  }
0xa5: {  	v17 =	vld [tilespmem:s19+$0xFFFFFF80]  }
0xa6: {  	v18 =	vld [tilespmem:s16+$0xFFFFFF90]  }
0xa7: {  	v19 =	vld [tilespmem:s19+$0xFFFFFF90]  }
0xa8: {  	v20 =	vld [tilespmem:s16+$0xFFFFFFA0]  }
0xa9: {  	v21 =	vld [tilespmem:s19+$0xFFFFFFA0]  }
0xaa: {  	v15 =	vld.idx.msk [tilespmem:v14+s12+$0x0], $0xffff  }
0xab: {  	v14 =	vld.idx.msk [tilespmem:v14+s13+$0x0], $0xffff  }
0xac: {  	v24 =	vld [tilespmem:s16+$0xFFFFFFB0]  }
0xad: {  	v25 =	vld [tilespmem:s19+$0xFFFFFFB0]  }
0xae: {  	v17 =	vadd.f32 v17, v16  }
0xaf: {  	v19 =	vadd.f32 v19, v18;
	v22 =	vmul.f32 v15, v2;
	v23 =	vmul.f32 v15, v3  }
0xb0: {  	v21 =	vadd.f32 v21, v20;
	v58 =	vmul.f32 v14, v6;
	v26 =	vmul.f32 v15, v4  }
0xb1: {  	v59 =	vmul.f32 v14, v7;
	v17 =	vadd.f32 v17, v22;
	v19 =	vadd.f32 v19, v23  }
0xb2: {  	v61 =	vadd.f32 v25, v24;
	v15 =	vmul.f32 v15, v5;
	v21 =	vadd.f32 v21, v26  }
0xb3: {  	v60 =	vmul.f32 v14, v8;
	v17 =	vadd.f32 v17, v58;
	v19 =	vadd.f32 v19, v59  }
0xb4: {  	v14 =	vmul.f32 v14, v9;
	v15 =	vadd.f32 v61, v15  }
0xb5: {  	v21 =	vadd.f32 v21, v60;
	v62 =	vmul.f32 $2.000000030e-01, v17;
	v63 =	vmul.f32 $2.000000030e-01, v19  }
0xb6: {  	v14 =	vadd.f32 v15, v14  }
0xb7: {  	v22 =	vmul.f32 $2.000000030e-01, v21;
	v17 =	vmax.f32 v17, v62;
	v19 =	vmax.f32 v19, v63  }
0xb8: {  	v15 =	vmul.f32 v17, v10;
	v26 =	vmul.f32 v19, v11  }
0xb9: {  	v28 =	vmul.f32 $2.000000030e-01, v14;
	v27 =	vmax.f32 v21, v22  }
0xba: {  	v19 =	vmul.f32 v27, v12;
	v15 =	vadd.f32 v26, v15  }
0xbb: {  	v14 =	vmax.f32 v14, v28  }
0xbc: {  	v14 =	vmul.f32 v14, v13;
	v15 =	vadd.f32 v19, v15;
	_ =	sdelay $0x1  }
0xbd: {  	v14 =	vadd.f32 v14, v15;
	_ =	sdelay $0x1  }
0xbe: {  	v15 =	vperm.xlane v14, v1  }
0xbf: {  	(xrf2) =	vadd.scan.msk.f32 $0xffff, v14  }
0xc0: {  	(xrf2) =	vadd.scan.msk.f32 $0xffff, v15;
	_ =	sdelay $0x8  }
0xc1: {  	v15, _, _ =	vpop (xrf2)  }
0xc2: {  	v29, _, _ =	vpop (xrf2)  }
0xc3: {  	v17 =	vperm.xlane v29, v1;
	_ =	sdelay $0x1  }
0xc4: {  	v15 =	vadd.f32 v15, v17;
	_ =	sdelay $0x1  }
0xc5: {  	v14 =	vsub.f32 v15, v14;
	_ =	sdelay $0x1  }
0xc6: {  	v14 =	vmul.f32 $1.442695020e+00, v14;
	_ =	sdelay $0x1  }
0xc7: {  	(erf) = vpow2.f32 v14;
	_ =	sdelay $0x7  }
0xc8: {  	s11 =	sadd.s32 $0x1, s22  }
0xc9: {  	v15 =	vmov s11;
	v14 =	vpop (erf)  }
0xca: {  	v15 =	vand.u32 $0xFFFFFFFD, v15;
	v16 =	vmul.f32 v14, v16  }
0xcb: {  	v15 =	vbroadcast v15, $0x0;
	v30 =	vmul.f32 v14, v18  }
0xcc: {  	v31 =	vmul.f32 v14, v20;
	[tilespmem:s20+$0xFFFFFF80] =	vst v16  }
0xcd: {  	v32 =	vmul.f32 v14, v24;
	[tilespmem:s20+$0xFFFFFF90] =	vst v30  }
0xce: {  	[tilespmem:s20+$0xFFFFFFA0] =	vst v31  }
0xcf: {  	v14 =	vnsel vm0, $0x0, v14;
	[tilespmem:s20+$0xFFFFFFB0] =	vst v32  }
0xd0: {  	[tilespmem:s15+$0xFFFFFFE0] =	vst v14  }
0xd1: {  	v14 =	vld.idx.msk [tilespmem:v15+s12+$0x0], $0xffff  }
0xd2: {  	v16 =	vld [tilespmem:s16+$0xFFFFFFC0]  }
0xd3: {  	v17 =	vld [tilespmem:s19+$0xFFFFFFC0]  }
0xd4: {  	v33 =	vld [tilespmem:s16+$0xFFFFFFD0]  }
0xd5: {  	v34 =	vld [tilespmem:s19+$0xFFFFFFD0]  }
0xd6: {  	v15 =	vld.idx.msk [tilespmem:v15+s13+$0x0], $0xffff  }
0xd7: {  	v35 =	vld [tilespmem:s16+$0xFFFFFFE0]  }
0xd8: {  	v36 =	vld [tilespmem:s19+$0xFFFFFFE0]  }
0xd9: {  	v39 =	vld [tilespmem:s16+$0xFFFFFFF0]  }
0xda: {  	v40 =	vld [tilespmem:s19+$0xFFFFFFF0]  }
0xdb: {  	v17 =	vadd.f32 v17, v16  }
0xdc: {  	v37 =	vmul.f32 v14, v2;
	v19 =	vadd.f32 v34, v33;
	v38 =	vmul.f32 v14, v3  }
0xdd: {  	v41 =	vmul.f32 v15, v6;
	v21 =	vadd.f32 v36, v35;
	v43 =	vmul.f32 v14, v4  }
0xde: {  	v42 =	vmul.f32 v15, v7;
	v17 =	vadd.f32 v17, v37;
	v19 =	vadd.f32 v19, v38  }
0xdf: {  	v45 =	vadd.f32 v40, v39;
	v14 =	vmul.f32 v14, v5;
	v21 =	vadd.f32 v21, v43  }
0xe0: {  	v44 =	vmul.f32 v15, v8;
	v17 =	vadd.f32 v17, v41;
	v19 =	vadd.f32 v19, v42  }
0xe1: {  	v15 =	vmul.f32 v15, v9;
	v14 =	vadd.f32 v45, v14  }
0xe2: {  	v21 =	vadd.f32 v21, v44;
	v46 =	vmul.f32 $2.000000030e-01, v17;
	v47 =	vmul.f32 $2.000000030e-01, v19  }
0xe3: {  	v14 =	vadd.f32 v14, v15  }
0xe4: {  	v22 =	vmul.f32 $2.000000030e-01, v21;
	v17 =	vmax.f32 v17, v46;
	v19 =	vmax.f32 v19, v47  }
0xe5: {  	v15 =	vmul.f32 v17, v10;
	v48 =	vmul.f32 v19, v11  }
0xe6: {  	v50 =	vmul.f32 $2.000000030e-01, v14;
	v49 =	vmax.f32 v21, v22  }
0xe7: {  	v19 =	vmul.f32 v49, v12;
	v15 =	vadd.f32 v48, v15  }
0xe8: {  	v14 =	vmax.f32 v14, v50  }
0xe9: {  	v14 =	vmul.f32 v14, v13;
	v15 =	vadd.f32 v19, v15;
	_ =	sdelay $0x1  }
0xea: {  	v14 =	vadd.f32 v14, v15;
	_ =	sdelay $0x1  }
0xeb: {  	v15 =	vperm.xlane v14, v1  }
0xec: {  	(xrf2) =	vadd.scan.msk.f32 $0xffff, v14  }
0xed: {  	(xrf2) =	vadd.scan.msk.f32 $0xffff, v15;
	_ =	sdelay $0x8  }
0xee: {  	v15, _, _ =	vpop (xrf2)  }
0xef: {  	v51, _, _ =	vpop (xrf2)  }
0xf0: {  	v17 =	vperm.xlane v51, v1;
	_ =	sdelay $0x1  }
0xf1: {  	v15 =	vadd.f32 v15, v17;
	_ =	sdelay $0x1  }
0xf2: {  	v14 =	vsub.f32 v15, v14;
	_ =	sdelay $0x1  }
0xf3: {  	v14 =	vmul.f32 $1.442695020e+00, v14;
	_ =	sdelay $0x1  }
0xf4: {  	(erf) = vpow2.f32 v14;
	_ =	sdelay $0x7  }
0xf5: {  	s11 =	sadd.s32 $0x2, s22  }
0xf6: {  	v15 =	vmov s11;
	v14 =	vpop (erf)  }
0xf7: {  	v15 =	vand.u32 $0xFFFFFFFE, v15;
	v16 =	vmul.f32 v14, v16  }
0xf8: {  	v15 =	vbroadcast v15, $0x0;
	v52 =	vmul.f32 v14, v33  }
0xf9: {  	v53 =	vmul.f32 v14, v35;
	[tilespmem:s20+$0xFFFFFFC0] =	vst v16  }
0xfa: {  	v54 =	vmul.f32 v14, v39;
	[tilespmem:s20+$0xFFFFFFD0] =	vst v52  }
0xfb: {  	[tilespmem:s20+$0xFFFFFFE0] =	vst v53  }
0xfc: {  	v14 =	vnsel vm0, $0x0, v14;
	[tilespmem:s20+$0xFFFFFFF0] =	vst v54  }
0xfd: {  	[tilespmem:s15+$0xFFFFFFF0] =	vst v14  }
0xfe: {  	v14 =	vld.idx.msk [tilespmem:v15+s12+$0x0], $0xffff  }
0xff: {  	v16 =	vld [tilespmem:s16+$0x0]  }
0x100: {  	v17 =	vld [tilespmem:s19+$0x0]  }
0x101: {  	v55 =	vld [tilespmem:s16+$0x10]  }
0x102: {  	v56 =	vld [tilespmem:s19+$0x10]  }
0x103: {  	v15 =	vld.idx.msk [tilespmem:v15+s13+$0x0], $0xffff  }
0x104: {  	v57 =	vld [tilespmem:s16+$0x20]  }
0x105: {  	v58 =	vld [tilespmem:s19+$0x20]  }
0x106: {  	v61 =	vld [tilespmem:s16+$0x30]  }
0x107: {  	v62 =	vld [tilespmem:s19+$0x30]  }
0x108: {  	v17 =	vadd.f32 v17, v16  }
0x109: {  	v59 =	vmul.f32 v14, v2;
	v19 =	vadd.f32 v56, v55;
	v60 =	vmul.f32 v14, v3  }
0x10a: {  	v63 =	vmul.f32 v15, v6;
	v21 =	vadd.f32 v58, v57;
	v29 =	vmul.f32 v14, v4  }
0x10b: {  	v28 =	vmul.f32 v15, v7;
	v17 =	vadd.f32 v17, v59;
	v19 =	vadd.f32 v19, v60  }
0x10c: {  	v31 =	vadd.f32 v62, v61;
	v14 =	vmul.f32 v14, v5;
	v21 =	vadd.f32 v21, v29  }
0x10d: {  	v30 =	vmul.f32 v15, v8;
	v17 =	vadd.f32 v17, v63;
	v19 =	vadd.f32 v19, v28  }
0x10e: {  	v15 =	vmul.f32 v15, v9;
	v14 =	vadd.f32 v31, v14  }
0x10f: {  	v21 =	vadd.f32 v21, v30;
	v32 =	vmul.f32 $2.000000030e-01, v17;
	v33 =	vmul.f32 $2.000000030e-01, v19  }
0x110: {  	v14 =	vadd.f32 v14, v15  }
0x111: {  	v22 =	vmul.f32 $2.000000030e-01, v21;
	v17 =	vmax.f32 v17, v32;
	v19 =	vmax.f32 v19, v33  }
0x112: {  	v15 =	vmul.f32 v17, v10;
	v34 =	vmul.f32 v19, v11  }
0x113: {  	v36 =	vmul.f32 $2.000000030e-01, v14;
	v35 =	vmax.f32 v21, v22  }
0x114: {  	v19 =	vmul.f32 v35, v12;
	v15 =	vadd.f32 v34, v15  }
0x115: {  	v14 =	vmax.f32 v14, v36  }
0x116: {  	v14 =	vmul.f32 v14, v13;
	v15 =	vadd.f32 v19, v15;
	_ =	sdelay $0x1  }
0x117: {  	v14 =	vadd.f32 v14, v15;
	_ =	sdelay $0x1  }
0x118: {  	v15 =	vperm.xlane v14, v1  }
0x119: {  	(xrf2) =	vadd.scan.msk.f32 $0xffff, v14  }
0x11a: {  	(xrf2) =	vadd.scan.msk.f32 $0xffff, v15;
	_ =	sdelay $0x8  }
0x11b: {  	v15, _, _ =	vpop (xrf2)  }
0x11c: {  	v37, _, _ =	vpop (xrf2)  }
0x11d: {  	v17 =	vperm.xlane v37, v1;
	_ =	sdelay $0x1  }
0x11e: {  	v15 =	vadd.f32 v15, v17;
	_ =	sdelay $0x1  }
0x11f: {  	v14 =	vsub.f32 v15, v14;
	_ =	sdelay $0x1  }
0x120: {  	v14 =	vmul.f32 $1.442695020e+00, v14;
	_ =	sdelay $0x1  }
0x121: {  	(erf) = vpow2.f32 v14;
	_ =	sdelay $0x8  }
0x122: {  	v14 =	vpop (erf)  }
0x123: {  	v15 =	vmul.f32 v14, v16  }
0x124: {  	s22 =	sadd.s32 $0x3, s22;
	v38 =	vmul.f32 v14, v55  }
0x125: {  	v39 =	vmov s22;
	v40 =	vmul.f32 v14, v61;
	[tilespmem:s20+$0x0] =	vst v15  }
0x126: {  	v15 =	vmul.f32 v14, v57;
	[tilespmem:s20+$0x10] =	vst v38  }
0x127: {  	[tilespmem:s20+$0x30] =	vst v40  }
0x128: {  	v14 =	vnsel vm0, $0x0, v14;
	[tilespmem:s20+$0x20] =	vst v15  }
0x129: {  	[tilespmem:s15+$0x0] =	vst v14  }
0x12a: {  	v14 =	vld.idx.msk [tilespmem:v39+s12+$0x0], $0xffff  }
0x12b: {  	v15 =	vld.idx.msk [tilespmem:v39+s13+$0x0], $0xffff  }
0x12c: {  	v16 =	vld [tilespmem:s16+$0x40]  }
0x12d: {  	v41 =	vld [tilespmem:s19+$0x40]  }
0x12e: {  	v42 =	vld [tilespmem:s16+$0x50]  }
0x12f: {  	v43 =	vld [tilespmem:s19+$0x50]  }
0x130: {  	v44 =	vld [tilespmem:s16+$0x60]  }
0x131: {  	v45 =	vld [tilespmem:s19+$0x60]  }
0x132: {  	v47 =	vld [tilespmem:s16+$0x70]  }
0x133: {  	v48 =	vld [tilespmem:s19+$0x70]  }
0x134: {  	v17 =	vadd.f32 v41, v16  }
0x135: {  	v46 =	vmul.f32 v14, v2;
	v19 =	vadd.f32 v43, v42;
	v49 =	vmul.f32 v14, v3  }
0x136: {  	v50 =	vmul.f32 v15, v6;
	v21 =	vadd.f32 v45, v44;
	v51 =	vmul.f32 v14, v4  }
0x137: {  	v52 =	vmul.f32 v15, v7;
	v17 =	vadd.f32 v17, v46;
	v19 =	vadd.f32 v19, v49  }
0x138: {  	v54 =	vadd.f32 v48, v47;
	v14 =	vmul.f32 v14, v5;
	v21 =	vadd.f32 v21, v51  }
0x139: {  	v53 =	vmul.f32 v15, v8;
	v17 =	vadd.f32 v17, v50;
	v19 =	vadd.f32 v19, v52  }
0x13a: {  	v15 =	vmul.f32 v15, v9;
	v14 =	vadd.f32 v54, v14  }
0x13b: {  	v21 =	vadd.f32 v21, v53;
	v55 =	vmul.f32 $2.000000030e-01, v17;
	v56 =	vmul.f32 $2.000000030e-01, v19  }
0x13c: {  	v14 =	vadd.f32 v14, v15  }
0x13d: {  	v57 =	vmul.f32 $2.000000030e-01, v21;
	v17 =	vmax.f32 v17, v55;
	v19 =	vmax.f32 v19, v56  }
0x13e: {  	v15 =	vmul.f32 v17, v10;
	v58 =	vmul.f32 v19, v11  }
0x13f: {  	v60 =	vmul.f32 $2.000000030e-01, v14;
	v59 =	vmax.f32 v21, v57  }
0x140: {  	v19 =	vmul.f32 v59, v12;
	v15 =	vadd.f32 v58, v15  }
0x141: {  	v14 =	vmax.f32 v14, v60  }
0x142: {  	v14 =	vmul.f32 v14, v13;
	v15 =	vadd.f32 v19, v15;
	_ =	sdelay $0x1  }
0x143: {  	v14 =	vadd.f32 v14, v15;
	_ =	sdelay $0x1  }
0x144: {  	v15 =	vperm.xlane v14, v1  }
0x145: {  	(xrf2) =	vadd.scan.msk.f32 $0xffff, v14  }
0x146: {  	(xrf2) =	vadd.scan.msk.f32 $0xffff, v15;
	_ =	sdelay $0x8  }
0x147: {  	v15, _, _ =	vpop (xrf2)  }
0x148: {  	v61, _, _ =	vpop (xrf2)  }
0x149: {  	v17 =	vperm.xlane v61, v1;
	_ =	sdelay $0x1  }
0x14a: {  	v15 =	vadd.f32 v15, v17;
	_ =	sdelay $0x1  }
0x14b: {  	v14 =	vsub.f32 v15, v14;
	_ =	sdelay $0x1  }
0x14c: {  	v14 =	vmul.f32 $1.442695020e+00, v14;
	_ =	sdelay $0x1  }
0x14d: {  	(erf) = vpow2.f32 v14;
	_ =	sdelay $0x8  }
0x14e: {  	v14 =	vpop (erf)  }
0x14f: {  	v15 =	vmul.f32 v14, v16  }
0x150: {  	p1 =	sne.s32 s1, $0x24;
	v62 =	vmul.f32 v14, v42  }
.Ltmp1:
0x151: {  	v63 =	vmul.f32 v14, v47;
	[tilespmem:s20+$0x40] =	vst v15;
	(pc) =	sbr.rel @p1 .LBB2_6-.Ltmp1, $4  }
0x152: {  	v15 =	vmul.f32 v14, v44;
	[tilespmem:s20+$0x50] =	vst v62  }
0x153: {  	[tilespmem:s20+$0x70] =	vst v63  }
0x154: {  	s1 =	sadd.s32 $0x4, s1;
	s16 =	sadd.s32 $0x100, s16;
	v14 =	vnsel vm0, $0x0, v14;
	[tilespmem:s20+$0x60] =	vst v15  }
0x155: {  	s19 =	sadd.s32 $0x100, s19;
	s20 =	sadd.s32 $0x100, s20;
	[tilespmem:s15+$0x10] =	vst v14;
	s15 =	sadd.s32 $0x40, s15  }
0x156: {  	s1 =	smul.u32 $0x140, s0;
	_ =	sdelay $0x1  }
0x157: {  	s1 =	sshra.s32 s1, $0x2  }
0x158: {  	s1 =	sadd.s32 $0x7D0, s1  }
0x159: {  	[spmem:s3] =	stream.indirect.scatter.add.f32 [tilespmem:s23], [sflag:$0x3], $0x40, s1, s14, $0xb8;
	[tilespmem:$0x15100] =	vst v63  }
0x15a: {  	p1 =	seq.s32 s0, $0x18  }
0x15b: {  	[spmem:s4] =	stream.indirect.scatter.add.f32 [tilespmem:s25], [sflag:$0x3], $0x10, s1, s14, $0xb8;
	[tilespmem:$0x15100] =	vst v63  }
0x15c: {  	s11 =	simm.s32 @!p1 $0x28;
	s15 =	simm.s32 @!p1 $0x1F40;
	s1 =	sadd.s32 @!p1 $0x50, s10  }
0x15d: {  	[tilespmem:s15], [sflag:$0x1] =	stream.indirect.gather @!p1 [hbm4b:s7+s11], $0x40, s1, s11, $0xb8;
	[tilespmem:$0x15100] =	vst v63  }
0x15e: {  	s1 =	sadd.s32 @!p1 $0x820, s10;
	s10 =	simm.s32 @!p1 $0x2940  }
0x15f: {  	[tilespmem:s10], [sflag:$0x1] =	stream.indirect.gather @!p1 [hbm4b:s18+s11], $0x40, s1, s11, $0xb8;
	[tilespmem:$0x15100] =	vst v63  }
0x160: {  	_ =	swait.ge [sflag:s26], $0xA00  }
0x161: {  	[sflag:s26] =	ssyncset.done $0x0  }
0x162: {  	[sflag:s26] =	ssyncadd.s32 $0xFFFFF600  }
0x163: {  	_ =	swait.ge [sflag:s26], $0xA00  }
0x164: {  	[sflag:s26] =	ssyncset.done $0x0  }
0x165: {  	s1 =	simm.s32 @!p0 $0x4;
	[sflag:s26] =	ssyncadd.s32 $0xFFFFF600  }
0x166: {  	_ =	swait.ge @!p0 [sflag:s1], $0xA00  }
0x167: {  	[sflag:s1] =	ssyncset.done @!p0 $0x0  }
0x168: {  	[sflag:s1] =	ssyncadd.s32 @!p0 $0xFFFFF600  }
0x169: {  	s16 =	simm.s32 $0x4A40;
	_ =	swait.ge @!p0 [sflag:s1], $0x280  }
0x16a: {  	s19 =	simm.s32 $0x5440;
	s15 =	simm.s32 $0x4040;
	[sflag:s1] =	ssyncset.done @!p0 $0x0  }
0x16b: {  	s10 =	simm.s32 $0x0;
	[sflag:s1] =	ssyncadd.s32 @!p0 $0xFFFFFD80;
	s1 =	simm.s32 $0x5DE0  }
.LBB2_8:
0x16c: {  	s20 =	sadd.s32 s10, s6  }
0x16d: {  	s11 =	sadd.s32 $0x28, s20  }
0x16e: {  	v14 =	vmov s11  }
0x16f: {  	v14 =	vand.u32 $0xFFFFFFFC, v14  }
0x170: {  	v16 =	vld [tilespmem:s15+$0xFFFFFF80];
	v14 =	vbroadcast v14, $0x0  }
0x171: {  	v17 =	vld [tilespmem:s16+$0xFFFFFF80]  }
0x172: {  	v18 =	vld [tilespmem:s15+$0xFFFFFF90]  }
0x173: {  	v19 =	vld [tilespmem:s16+$0xFFFFFF90]  }
0x174: {  	v20 =	vld [tilespmem:s15+$0xFFFFFFA0]  }
0x175: {  	v21 =	vld [tilespmem:s16+$0xFFFFFFA0]  }
0x176: {  	v15 =	vld.idx.msk [tilespmem:v14+s12+$0x0], $0xffff  }
0x177: {  	v14 =	vld.idx.msk [tilespmem:v14+s13+$0x0], $0xffff  }
0x178: {  	v24 =	vld [tilespmem:s15+$0xFFFFFFB0]  }
0x179: {  	v25 =	vld [tilespmem:s16+$0xFFFFFFB0]  }
0x17a: {  	v17 =	vadd.f32 v17, v16  }
0x17b: {  	v19 =	vadd.f32 v19, v18;
	v22 =	vmul.f32 v15, v2;
	v23 =	vmul.f32 v15, v3  }
0x17c: {  	v21 =	vadd.f32 v21, v20;
	v58 =	vmul.f32 v14, v6;
	v26 =	vmul.f32 v15, v4  }
0x17d: {  	v59 =	vmul.f32 v14, v7;
	v17 =	vadd.f32 v17, v22;
	v19 =	vadd.f32 v19, v23  }
0x17e: {  	v61 =	vadd.f32 v25, v24;
	v15 =	vmul.f32 v15, v5;
	v21 =	vadd.f32 v21, v26  }
0x17f: {  	v60 =	vmul.f32 v14, v8;
	v17 =	vadd.f32 v17, v58;
	v19 =	vadd.f32 v19, v59  }
0x180: {  	v14 =	vmul.f32 v14, v9;
	v15 =	vadd.f32 v61, v15  }
0x181: {  	v21 =	vadd.f32 v21, v60;
	v62 =	vmul.f32 $2.000000030e-01, v17;
	v63 =	vmul.f32 $2.000000030e-01, v19  }
0x182: {  	v14 =	vadd.f32 v15, v14  }
0x183: {  	v22 =	vmul.f32 $2.000000030e-01, v21;
	v17 =	vmax.f32 v17, v62;
	v19 =	vmax.f32 v19, v63  }
0x184: {  	v15 =	vmul.f32 v17, v10;
	v26 =	vmul.f32 v19, v11  }
0x185: {  	v28 =	vmul.f32 $2.000000030e-01, v14;
	v27 =	vmax.f32 v21, v22  }
0x186: {  	v19 =	vmul.f32 v27, v12;
	v15 =	vadd.f32 v26, v15  }
0x187: {  	v14 =	vmax.f32 v14, v28  }
0x188: {  	v14 =	vmul.f32 v14, v13;
	v15 =	vadd.f32 v19, v15;
	_ =	sdelay $0x1  }
0x189: {  	v14 =	vadd.f32 v14, v15;
	_ =	sdelay $0x1  }
0x18a: {  	v15 =	vperm.xlane v14, v1  }
0x18b: {  	(xrf2) =	vadd.scan.msk.f32 $0xffff, v14  }
0x18c: {  	(xrf2) =	vadd.scan.msk.f32 $0xffff, v15;
	_ =	sdelay $0x8  }
0x18d: {  	v15, _, _ =	vpop (xrf2)  }
0x18e: {  	v29, _, _ =	vpop (xrf2)  }
0x18f: {  	v17 =	vperm.xlane v29, v1;
	_ =	sdelay $0x1  }
0x190: {  	v15 =	vadd.f32 v15, v17;
	_ =	sdelay $0x1  }
0x191: {  	v14 =	vsub.f32 v15, v14;
	_ =	sdelay $0x1  }
0x192: {  	v14 =	vmul.f32 $1.442695020e+00, v14;
	_ =	sdelay $0x1  }
0x193: {  	(erf) = vpow2.f32 v14;
	_ =	sdelay $0x7  }
0x194: {  	s22 =	sadd.s32 $0x29, s20  }
0x195: {  	v15 =	vmov s22;
	v14 =	vpop (erf)  }
0x196: {  	v15 =	vand.u32 $0xFFFFFFFD, v15;
	v16 =	vmul.f32 v14, v16  }
0x197: {  	v15 =	vbroadcast v15, $0x0;
	v30 =	vmul.f32 v14, v18  }
0x198: {  	v31 =	vmul.f32 v14, v20;
	[tilespmem:s19+$0xFFFFFF80] =	vst v16  }
0x199: {  	v32 =	vmul.f32 v14, v24;
	[tilespmem:s19+$0xFFFFFF90] =	vst v30  }
0x19a: {  	[tilespmem:s19+$0xFFFFFFA0] =	vst v31  }
0x19b: {  	v14 =	vnsel vm0, $0x0, v14;
	[tilespmem:s19+$0xFFFFFFB0] =	vst v32  }
0x19c: {  	[tilespmem:s1+$0xFFFFFFE0] =	vst v14  }
0x19d: {  	v14 =	vld.idx.msk [tilespmem:v15+s12+$0x0], $0xffff  }
0x19e: {  	v16 =	vld [tilespmem:s15+$0xFFFFFFC0]  }
0x19f: {  	v17 =	vld [tilespmem:s16+$0xFFFFFFC0]  }
0x1a0: {  	v33 =	vld [tilespmem:s15+$0xFFFFFFD0]  }
0x1a1: {  	v34 =	vld [tilespmem:s16+$0xFFFFFFD0]  }
0x1a2: {  	v15 =	vld.idx.msk [tilespmem:v15+s13+$0x0], $0xffff  }
0x1a3: {  	v35 =	vld [tilespmem:s15+$0xFFFFFFE0]  }
0x1a4: {  	v36 =	vld [tilespmem:s16+$0xFFFFFFE0]  }
0x1a5: {  	v39 =	vld [tilespmem:s15+$0xFFFFFFF0]  }
0x1a6: {  	v40 =	vld [tilespmem:s16+$0xFFFFFFF0]  }
0x1a7: {  	v17 =	vadd.f32 v17, v16  }
0x1a8: {  	v37 =	vmul.f32 v14, v2;
	v19 =	vadd.f32 v34, v33;
	v38 =	vmul.f32 v14, v3  }
0x1a9: {  	v41 =	vmul.f32 v15, v6;
	v21 =	vadd.f32 v36, v35;
	v43 =	vmul.f32 v14, v4  }
0x1aa: {  	v42 =	vmul.f32 v15, v7;
	v17 =	vadd.f32 v17, v37;
	v19 =	vadd.f32 v19, v38  }
0x1ab: {  	v45 =	vadd.f32 v40, v39;
	v14 =	vmul.f32 v14, v5;
	v21 =	vadd.f32 v21, v43  }
0x1ac: {  	v44 =	vmul.f32 v15, v8;
	v17 =	vadd.f32 v17, v41;
	v19 =	vadd.f32 v19, v42  }
0x1ad: {  	v15 =	vmul.f32 v15, v9;
	v14 =	vadd.f32 v45, v14  }
0x1ae: {  	v21 =	vadd.f32 v21, v44;
	v46 =	vmul.f32 $2.000000030e-01, v17;
	v47 =	vmul.f32 $2.000000030e-01, v19  }
0x1af: {  	v14 =	vadd.f32 v14, v15  }
0x1b0: {  	v22 =	vmul.f32 $2.000000030e-01, v21;
	v17 =	vmax.f32 v17, v46;
	v19 =	vmax.f32 v19, v47  }
0x1b1: {  	v15 =	vmul.f32 v17, v10;
	v48 =	vmul.f32 v19, v11  }
0x1b2: {  	v50 =	vmul.f32 $2.000000030e-01, v14;
	v49 =	vmax.f32 v21, v22  }
0x1b3: {  	v19 =	vmul.f32 v49, v12;
	v15 =	vadd.f32 v48, v15  }
0x1b4: {  	v14 =	vmax.f32 v14, v50  }
0x1b5: {  	v14 =	vmul.f32 v14, v13;
	v15 =	vadd.f32 v19, v15;
	_ =	sdelay $0x1  }
0x1b6: {  	v14 =	vadd.f32 v14, v15;
	_ =	sdelay $0x1  }
0x1b7: {  	v15 =	vperm.xlane v14, v1  }
0x1b8: {  	(xrf2) =	vadd.scan.msk.f32 $0xffff, v14  }
0x1b9: {  	(xrf2) =	vadd.scan.msk.f32 $0xffff, v15;
	_ =	sdelay $0x8  }
0x1ba: {  	v15, _, _ =	vpop (xrf2)  }
0x1bb: {  	v51, _, _ =	vpop (xrf2)  }
0x1bc: {  	v17 =	vperm.xlane v51, v1;
	_ =	sdelay $0x1  }
0x1bd: {  	v15 =	vadd.f32 v15, v17;
	_ =	sdelay $0x1  }
0x1be: {  	v14 =	vsub.f32 v15, v14;
	_ =	sdelay $0x1  }
0x1bf: {  	v14 =	vmul.f32 $1.442695020e+00, v14;
	_ =	sdelay $0x1  }
0x1c0: {  	(erf) = vpow2.f32 v14;
	_ =	sdelay $0x7  }
0x1c1: {  	s22 =	sadd.s32 $0x2A, s20  }
0x1c2: {  	v15 =	vmov s22;
	v14 =	vpop (erf)  }
0x1c3: {  	v15 =	vand.u32 $0xFFFFFFFE, v15;
	v16 =	vmul.f32 v14, v16  }
0x1c4: {  	v15 =	vbroadcast v15, $0x0;
	v52 =	vmul.f32 v14, v33  }
0x1c5: {  	v53 =	vmul.f32 v14, v35;
	[tilespmem:s19+$0xFFFFFFC0] =	vst v16  }
0x1c6: {  	v54 =	vmul.f32 v14, v39;
	[tilespmem:s19+$0xFFFFFFD0] =	vst v52  }
0x1c7: {  	[tilespmem:s19+$0xFFFFFFE0] =	vst v53  }
0x1c8: {  	v14 =	vnsel vm0, $0x0, v14;
	[tilespmem:s19+$0xFFFFFFF0] =	vst v54  }
0x1c9: {  	[tilespmem:s1+$0xFFFFFFF0] =	vst v14  }
0x1ca: {  	v14 =	vld.idx.msk [tilespmem:v15+s12+$0x0], $0xffff  }
0x1cb: {  	v16 =	vld [tilespmem:s15+$0x0]  }
0x1cc: {  	v17 =	vld [tilespmem:s16+$0x0]  }
0x1cd: {  	v55 =	vld [tilespmem:s15+$0x10]  }
0x1ce: {  	v56 =	vld [tilespmem:s16+$0x10]  }
0x1cf: {  	v15 =	vld.idx.msk [tilespmem:v15+s13+$0x0], $0xffff  }
0x1d0: {  	v57 =	vld [tilespmem:s15+$0x20]  }
0x1d1: {  	v58 =	vld [tilespmem:s16+$0x20]  }
0x1d2: {  	v61 =	vld [tilespmem:s15+$0x30]  }
0x1d3: {  	v62 =	vld [tilespmem:s16+$0x30]  }
0x1d4: {  	v17 =	vadd.f32 v17, v16  }
0x1d5: {  	v59 =	vmul.f32 v14, v2;
	v19 =	vadd.f32 v56, v55;
	v60 =	vmul.f32 v14, v3  }
0x1d6: {  	v63 =	vmul.f32 v15, v6;
	v21 =	vadd.f32 v58, v57;
	v29 =	vmul.f32 v14, v4  }
0x1d7: {  	v28 =	vmul.f32 v15, v7;
	v17 =	vadd.f32 v17, v59;
	v19 =	vadd.f32 v19, v60  }
0x1d8: {  	v31 =	vadd.f32 v62, v61;
	v14 =	vmul.f32 v14, v5;
	v21 =	vadd.f32 v21, v29  }
0x1d9: {  	v30 =	vmul.f32 v15, v8;
	v17 =	vadd.f32 v17, v63;
	v19 =	vadd.f32 v19, v28  }
0x1da: {  	v15 =	vmul.f32 v15, v9;
	v14 =	vadd.f32 v31, v14  }
0x1db: {  	v21 =	vadd.f32 v21, v30;
	v32 =	vmul.f32 $2.000000030e-01, v17;
	v33 =	vmul.f32 $2.000000030e-01, v19  }
0x1dc: {  	v14 =	vadd.f32 v14, v15  }
0x1dd: {  	v22 =	vmul.f32 $2.000000030e-01, v21;
	v17 =	vmax.f32 v17, v32;
	v19 =	vmax.f32 v19, v33  }
0x1de: {  	v15 =	vmul.f32 v17, v10;
	v34 =	vmul.f32 v19, v11  }
0x1df: {  	v36 =	vmul.f32 $2.000000030e-01, v14;
	v35 =	vmax.f32 v21, v22  }
0x1e0: {  	v19 =	vmul.f32 v35, v12;
	v15 =	vadd.f32 v34, v15  }
0x1e1: {  	v14 =	vmax.f32 v14, v36  }
0x1e2: {  	v14 =	vmul.f32 v14, v13;
	v15 =	vadd.f32 v19, v15;
	_ =	sdelay $0x1  }
0x1e3: {  	v14 =	vadd.f32 v14, v15;
	_ =	sdelay $0x1  }
0x1e4: {  	v15 =	vperm.xlane v14, v1  }
0x1e5: {  	(xrf2) =	vadd.scan.msk.f32 $0xffff, v14  }
0x1e6: {  	(xrf2) =	vadd.scan.msk.f32 $0xffff, v15;
	_ =	sdelay $0x8  }
0x1e7: {  	v15, _, _ =	vpop (xrf2)  }
0x1e8: {  	v37, _, _ =	vpop (xrf2)  }
0x1e9: {  	v17 =	vperm.xlane v37, v1;
	_ =	sdelay $0x1  }
0x1ea: {  	v15 =	vadd.f32 v15, v17;
	_ =	sdelay $0x1  }
0x1eb: {  	v14 =	vsub.f32 v15, v14;
	_ =	sdelay $0x1  }
0x1ec: {  	v14 =	vmul.f32 $1.442695020e+00, v14;
	_ =	sdelay $0x1  }
0x1ed: {  	(erf) = vpow2.f32 v14;
	_ =	sdelay $0x8  }
0x1ee: {  	v14 =	vpop (erf)  }
0x1ef: {  	v15 =	vmul.f32 v14, v16  }
0x1f0: {  	s22 =	sadd.s32 $0x2B, s20;
	v38 =	vmul.f32 v14, v55  }
0x1f1: {  	v39 =	vmov s22;
	v40 =	vmul.f32 v14, v61;
	[tilespmem:s19+$0x0] =	vst v15  }
0x1f2: {  	v15 =	vmul.f32 v14, v57;
	[tilespmem:s19+$0x10] =	vst v38  }
0x1f3: {  	[tilespmem:s19+$0x30] =	vst v40  }
0x1f4: {  	v14 =	vnsel vm0, $0x0, v14;
	[tilespmem:s19+$0x20] =	vst v15  }
0x1f5: {  	[tilespmem:s1+$0x0] =	vst v14  }
0x1f6: {  	v14 =	vld.idx.msk [tilespmem:v39+s12+$0x0], $0xffff  }
0x1f7: {  	v15 =	vld.idx.msk [tilespmem:v39+s13+$0x0], $0xffff  }
0x1f8: {  	v16 =	vld [tilespmem:s15+$0x40]  }
0x1f9: {  	v41 =	vld [tilespmem:s16+$0x40]  }
0x1fa: {  	v42 =	vld [tilespmem:s15+$0x50]  }
0x1fb: {  	v43 =	vld [tilespmem:s16+$0x50]  }
0x1fc: {  	v44 =	vld [tilespmem:s15+$0x60]  }
0x1fd: {  	v45 =	vld [tilespmem:s16+$0x60]  }
0x1fe: {  	v47 =	vld [tilespmem:s15+$0x70]  }
0x1ff: {  	v48 =	vld [tilespmem:s16+$0x70]  }
0x200: {  	v17 =	vadd.f32 v41, v16  }
0x201: {  	v46 =	vmul.f32 v14, v2;
	v19 =	vadd.f32 v43, v42;
	v49 =	vmul.f32 v14, v3  }
0x202: {  	v50 =	vmul.f32 v15, v6;
	v21 =	vadd.f32 v45, v44;
	v51 =	vmul.f32 v14, v4  }
0x203: {  	v52 =	vmul.f32 v15, v7;
	v17 =	vadd.f32 v17, v46;
	v19 =	vadd.f32 v19, v49  }
0x204: {  	v54 =	vadd.f32 v48, v47;
	v14 =	vmul.f32 v14, v5;
	v21 =	vadd.f32 v21, v51  }
0x205: {  	v53 =	vmul.f32 v15, v8;
	v17 =	vadd.f32 v17, v50;
	v19 =	vadd.f32 v19, v52  }
0x206: {  	v15 =	vmul.f32 v15, v9;
	v14 =	vadd.f32 v54, v14  }
0x207: {  	v21 =	vadd.f32 v21, v53;
	v55 =	vmul.f32 $2.000000030e-01, v17;
	v56 =	vmul.f32 $2.000000030e-01, v19  }
0x208: {  	v14 =	vadd.f32 v14, v15  }
0x209: {  	v57 =	vmul.f32 $2.000000030e-01, v21;
	v17 =	vmax.f32 v17, v55;
	v19 =	vmax.f32 v19, v56  }
0x20a: {  	v15 =	vmul.f32 v17, v10;
	v58 =	vmul.f32 v19, v11  }
0x20b: {  	v60 =	vmul.f32 $2.000000030e-01, v14;
	v59 =	vmax.f32 v21, v57  }
0x20c: {  	v19 =	vmul.f32 v59, v12;
	v15 =	vadd.f32 v58, v15  }
0x20d: {  	v14 =	vmax.f32 v14, v60  }
0x20e: {  	v14 =	vmul.f32 v14, v13;
	v15 =	vadd.f32 v19, v15;
	_ =	sdelay $0x1  }
0x20f: {  	v14 =	vadd.f32 v14, v15;
	_ =	sdelay $0x1  }
0x210: {  	v15 =	vperm.xlane v14, v1  }
0x211: {  	(xrf2) =	vadd.scan.msk.f32 $0xffff, v14  }
0x212: {  	(xrf2) =	vadd.scan.msk.f32 $0xffff, v15;
	_ =	sdelay $0x8  }
0x213: {  	v15, _, _ =	vpop (xrf2)  }
0x214: {  	v61, _, _ =	vpop (xrf2)  }
0x215: {  	v17 =	vperm.xlane v61, v1;
	_ =	sdelay $0x1  }
0x216: {  	v15 =	vadd.f32 v15, v17;
	_ =	sdelay $0x1  }
0x217: {  	v14 =	vsub.f32 v15, v14;
	_ =	sdelay $0x1  }
0x218: {  	v14 =	vmul.f32 $1.442695020e+00, v14;
	_ =	sdelay $0x1  }
0x219: {  	(erf) = vpow2.f32 v14;
	_ =	sdelay $0x8  }
0x21a: {  	v14 =	vpop (erf)  }
0x21b: {  	v15 =	vmul.f32 v14, v16  }
0x21c: {  	p0 =	sne.s32 s10, $0x24;
	v62 =	vmul.f32 v14, v42  }
.Ltmp2:
0x21d: {  	v63 =	vmul.f32 v14, v47;
	[tilespmem:s19+$0x40] =	vst v15;
	(pc) =	sbr.rel @p0 .LBB2_8-.Ltmp2, $4  }
0x21e: {  	v15 =	vmul.f32 v14, v44;
	[tilespmem:s19+$0x50] =	vst v62  }
0x21f: {  	[tilespmem:s19+$0x70] =	vst v63  }
0x220: {  	s10 =	sadd.s32 $0x4, s10;
	s15 =	sadd.s32 $0x100, s15;
	v14 =	vnsel vm0, $0x0, v14;
	[tilespmem:s19+$0x60] =	vst v15  }
0x221: {  	s16 =	sadd.s32 $0x100, s16;
	s19 =	sadd.s32 $0x100, s19;
	[tilespmem:s1+$0x10] =	vst v14;
	s1 =	sadd.s32 $0x40, s1  }
0x222: {  	s0 =	sadd.s32 $0x1, s0  }
0x223: {  	p0 =	sne.s32 s0, $0x19  }
.Ltmp3:
0x224: {  	_ = 	snop;
	(pc) =	sbr.rel @p0 .LBB2_5-.Ltmp3, $4  }
0x225: {  	_ = 	snop  }
0x226: {  	[spmem:s3] =	stream.indirect.scatter.add.f32 [tilespmem:s28], [sflag:$0x4], $0x40, s9, s14, $0xb8;
	[tilespmem:$0x15100] =	vst v63  }
0x227: {  	s6 =	sadd.s32 $0x50, s6  }
0x228: {  	[spmem:s4] =	stream.indirect.scatter.add.f32 [tilespmem:s29], [sflag:$0x4], $0x10, s9, s14, $0xb8;
	[tilespmem:$0x15100] =	vst v63  }
0x229: {  	_ =	swait.ge [sflag:s30], $0xA00  }
0x22a: {  	[sflag:s30] =	ssyncset.done $0x0  }
0x22b: {  	[sflag:s30] =	ssyncadd.s32 $0xFFFFF600  }
0x22c: {  	_ =	swait.ge [sflag:s30], $0x280  }
0x22d: {  	[sflag:s30] =	ssyncset.done $0x0  }
0x22e: {  	s2 =	sadd.s32 $0x1, s2;
	[sflag:s30] =	ssyncadd.s32 $0xFFFFFD80  }
0x22f: {  	p0 =	sne.s32 s2, $0x5;
	_ =	swait.ge [sflag:s31], $0xA00  }
.Ltmp4:
0x230: {  	[sflag:s31] =	ssyncset.done $0x0;
	(pc) =	sbr.rel @p0 .LBB2_4-.Ltmp4, $4  }
0x231: {  	[sflag:s31] =	ssyncadd.s32 $0xFFFFF600  }
0x232: {  	_ =	swait.ge [sflag:s31], $0x280  }
0x233: {  	[sflag:s31] =	ssyncset.done $0x0  }
0x234: {  	[sflag:s31] =	ssyncadd.s32 $0xFFFFFD80  }
0x235: {  	[bflag:$0x0] =	sbarrier.arrive $0xFFFF  }
0x236: {  	s1 =	simm.s32 $0x6100;
	s11 =	rddreg [dreg:$0x14]  }
0x237: {  	[tilespmem:s1], [sflag:$0x5] =	stream.linear.gather [spmem:s11], $0x2000, $0x38;
	[tilespmem:$0x15100] =	vst v63  }
0x238: {  	_ =	swait.ge [sflag:s8], $0x2000  }
0x239: {  	[sflag:s8] =	ssyncset.done $0x0  }
0x23a: {  	s20 =	simm.s32 $0x0;
	s0 =	rddreg [dreg:$0x6];
	[sflag:s8] =	ssyncadd.s32 $0xFFFFE000  }
0x23b: {  	[hbm4b:s0+s20] =	stream.linear.scatter [tilespmem:s1], [sflag:$0x5], $0x2000, $0x38;
	[tilespmem:$0x15100] =	vst v63  }
0x23c: {  	_ =	swait.ge [sflag:s8], $0x2000  }
0x23d: {  	[sflag:s8] =	ssyncset.done $0x0  }
0x23e: {  	s2 =	simm.s32 $0x8100;
	s9 =	rddreg [dreg:$0x16];
	[sflag:s8] =	ssyncadd.s32 $0xFFFFE000  }
0x23f: {  	[tilespmem:s2], [sflag:$0x5] =	stream.linear.gather [spmem:s9], $0x800, $0x38;
	[tilespmem:$0x15100] =	vst v63  }
0x240: {  	_ =	swait.ge [sflag:s8], $0x800  }
0x241: {  	[sflag:s8] =	ssyncset.done $0x0  }
0x242: {  	s19 =	rddreg [dreg:$0xb];
	[sflag:s8] =	ssyncadd.s32 $0xFFFFF800  }
0x243: {  	[hbm4b:s19+s20] =	stream.linear.scatter [tilespmem:s2], [sflag:$0x5], $0x800, $0x38;
	[tilespmem:$0x15100] =	vst v63  }
0x244: {  	_ =	swait.ge [sflag:s8], $0x800  }
0x245: {  	[sflag:s8] =	ssyncset.done $0x0  }
0x246: {  	s6 =	rddreg [dreg:$0x17];
	[sflag:s8] =	ssyncadd.s32 $0xFFFFF800  }
0x247: {  	[tilespmem:s1], [sflag:$0x5] =	stream.linear.gather [spmem:s6], $0x2000, $0x38;
	[tilespmem:$0x15100] =	vst v63  }
0x248: {  	_ =	swait.ge [sflag:s8], $0x2000  }
0x249: {  	[sflag:s8] =	ssyncset.done $0x0  }
0x24a: {  	s22 =	rddreg [dreg:$0x7];
	[sflag:s8] =	ssyncadd.s32 $0xFFFFE000  }
0x24b: {  	[hbm4b:s22+s20] =	stream.linear.scatter [tilespmem:s1], [sflag:$0x5], $0x2000, $0x38;
	[tilespmem:$0x15100] =	vst v63  }
0x24c: {  	_ =	swait.ge [sflag:s8], $0x2000  }
0x24d: {  	[sflag:s8] =	ssyncset.done $0x0  }
0x24e: {  	s15 =	rddreg [dreg:$0x18];
	[sflag:s8] =	ssyncadd.s32 $0xFFFFE000  }
0x24f: {  	[tilespmem:s2], [sflag:$0x5] =	stream.linear.gather [spmem:s15], $0x800, $0x38;
	[tilespmem:$0x15100] =	vst v63  }
0x250: {  	_ =	swait.ge [sflag:s8], $0x800  }
0x251: {  	[sflag:s8] =	ssyncset.done $0x0  }
0x252: {  	s5 =	rddreg [dreg:$0xc];
	[sflag:s8] =	ssyncadd.s32 $0xFFFFF800  }
0x253: {  	[hbm4b:s5+s20] =	stream.linear.scatter [tilespmem:s2], [sflag:$0x5], $0x800, $0x38;
	[tilespmem:$0x15100] =	vst v63  }
0x254: {  	_ =	swait.ge [sflag:s8], $0x800  }
0x255: {  	[sflag:s8] =	ssyncset.done $0x0  }
0x256: {  	s16 =	rddreg [dreg:$0x19];
	[sflag:s8] =	ssyncadd.s32 $0xFFFFF800  }
0x257: {  	[tilespmem:s1], [sflag:$0x5] =	stream.linear.gather [spmem:s16], $0x2000, $0x38;
	[tilespmem:$0x15100] =	vst v63  }
0x258: {  	_ =	swait.ge [sflag:s8], $0x2000  }
0x259: {  	[sflag:s8] =	ssyncset.done $0x0  }
0x25a: {  	s10 =	rddreg [dreg:$0x8];
	[sflag:s8] =	ssyncadd.s32 $0xFFFFE000  }
0x25b: {  	[hbm4b:s10+s20] =	stream.linear.scatter [tilespmem:s1], [sflag:$0x5], $0x2000, $0x38;
	[tilespmem:$0x15100] =	vst v63  }
0x25c: {  	_ =	swait.ge [sflag:s8], $0x2000  }
0x25d: {  	[sflag:s8] =	ssyncset.done $0x0  }
0x25e: {  	s10 =	rddreg [dreg:$0x1a];
	[sflag:s8] =	ssyncadd.s32 $0xFFFFE000  }
0x25f: {  	[tilespmem:s2], [sflag:$0x5] =	stream.linear.gather [spmem:s10], $0x800, $0x38;
	[tilespmem:$0x15100] =	vst v63  }
0x260: {  	_ =	swait.ge [sflag:s8], $0x800  }
0x261: {  	[sflag:s8] =	ssyncset.done $0x0  }
0x262: {  	s19 =	rddreg [dreg:$0xd];
	[sflag:s8] =	ssyncadd.s32 $0xFFFFF800  }
0x263: {  	[hbm4b:s19+s20] =	stream.linear.scatter [tilespmem:s2], [sflag:$0x5], $0x800, $0x38;
	[tilespmem:$0x15100] =	vst v63  }
0x264: {  	_ =	swait.ge [sflag:s8], $0x800  }
0x265: {  	[sflag:s8] =	ssyncset.done $0x0  }
0x266: {  	s19 =	rddreg [dreg:$0x1b];
	[sflag:s8] =	ssyncadd.s32 $0xFFFFF800  }
0x267: {  	[tilespmem:s1], [sflag:$0x5] =	stream.linear.gather [spmem:s19], $0x2000, $0x38;
	[tilespmem:$0x15100] =	vst v63  }
0x268: {  	_ =	swait.ge [sflag:s8], $0x2000  }
0x269: {  	[sflag:s8] =	ssyncset.done $0x0  }
0x26a: {  	s22 =	rddreg [dreg:$0x9];
	[sflag:s8] =	ssyncadd.s32 $0xFFFFE000  }
0x26b: {  	[hbm4b:s22+s20] =	stream.linear.scatter [tilespmem:s1], [sflag:$0x5], $0x2000, $0x38;
	[tilespmem:$0x15100] =	vst v63  }
0x26c: {  	_ =	swait.ge [sflag:s8], $0x2000  }
0x26d: {  	[sflag:s8] =	ssyncset.done $0x0  }
0x26e: {  	s22 =	rddreg [dreg:$0x1c];
	[sflag:s8] =	ssyncadd.s32 $0xFFFFE000  }
0x26f: {  	[tilespmem:s2], [sflag:$0x5] =	stream.linear.gather [spmem:s22], $0x800, $0x38;
	[tilespmem:$0x15100] =	vst v63  }
0x270: {  	_ =	swait.ge [sflag:s8], $0x800  }
0x271: {  	[sflag:s8] =	ssyncset.done $0x0  }
0x272: {  	s5 =	rddreg [dreg:$0xe];
	[sflag:s8] =	ssyncadd.s32 $0xFFFFF800  }
0x273: {  	[hbm4b:s5+s20] =	stream.linear.scatter [tilespmem:s2], [sflag:$0x5], $0x800, $0x38;
	[tilespmem:$0x15100] =	vst v63  }
0x274: {  	_ =	swait.ge [sflag:s8], $0x800  }
0x275: {  	[sflag:s8] =	ssyncset.done $0x0  }
0x276: {  	s5 =	rddreg [dreg:$0x1d];
	[sflag:s8] =	ssyncadd.s32 $0xFFFFF800  }
0x277: {  	[tilespmem:s1], [sflag:$0x5] =	stream.linear.gather [spmem:s5], $0x2000, $0x38;
	[tilespmem:$0x15100] =	vst v63  }
0x278: {  	_ =	swait.ge [sflag:s8], $0x2000  }
0x279: {  	[sflag:s8] =	ssyncset.done $0x0  }
0x27a: {  	s0 =	rddreg [dreg:$0xa];
	[sflag:s8] =	ssyncadd.s32 $0xFFFFE000  }
0x27b: {  	[hbm4b:s0+s20] =	stream.linear.scatter [tilespmem:s1], [sflag:$0x5], $0x2000, $0x38;
	[tilespmem:$0x15100] =	vst v63  }
0x27c: {  	_ =	swait.ge [sflag:s8], $0x2000  }
0x27d: {  	[sflag:s8] =	ssyncset.done $0x0  }
0x27e: {  	s1 =	rddreg [dreg:$0x1e];
	[sflag:s8] =	ssyncadd.s32 $0xFFFFE000  }
0x27f: {  	[tilespmem:s2], [sflag:$0x5] =	stream.linear.gather [spmem:s1], $0x800, $0x38;
	[tilespmem:$0x15100] =	vst v63  }
0x280: {  	_ =	swait.ge [sflag:s8], $0x800  }
0x281: {  	[sflag:s8] =	ssyncset.done $0x0  }
0x282: {  	s1 =	rddreg [dreg:$0xf];
	[sflag:s8] =	ssyncadd.s32 $0xFFFFF800  }
0x283: {  	[hbm4b:s1+s20] =	stream.linear.scatter [tilespmem:s2], [sflag:$0x5], $0x800, $0x38;
	[tilespmem:$0x15100] =	vst v63  }
0x284: {  	_ =	swait.ge [sflag:s8], $0x800  }
0x285: {  	s0 =	rddreg [dreg:$0x1f]  }
0x286: {  	s2 =	rddreg [dreg:$0x15];
	s1 =	sadd.s32 $0x1, s0  }
0x287: {  	p0 =	sne.s32 s1, s2  }
.Ltmp5:
0x288: {  	_ = 	snop;
	(pc) =	sbr.rel @p0 .LBB2_1-.Ltmp5, $3  }
0x289: {  	_ =	sdelay $0x1  }
0x28a: {  	[sflag:s8] =	ssyncset.done $0x0  }
0x28b: {  	[sflag:s8] =	ssyncadd.s32 $0xFFFFF800  }
0x28c: {  	_ =	sfence.sel $0x180000  }
0x28d: {  	[bflag:$0x0] =	sbarrier.arrive $0xFFFF  }
0x28e: {  	_ =	strace $0x9000004A  }
0x28f: {  	s0 =	stileid.u32;
	[bflag:$0x2] =	sbarrier.arrive $0xFFFF  }
0x290: {  	p0 =	sne.s32 s0, $0x0;
	s0 =	rddreg [dreg:$0x5]  }
0x291: {  	s0 =	sadd.s32 @!p0 $0x100000, s0  }
0x292: {  	[sflag:s0] =	ssyncadd.tile.s32 @!p0 $0x1;
	_ =	shalt  }
.Lfunc_end2:
_tile_overlayer_lowered:
.L_overlay_start_2:
0x293: {  	(tag) =	ssettag $0x2  }
0x294: {  	s0 =	rddreg [dreg:$0x0];
	s2 =	stileid.u32  }
0x295: {  	s1 =	rddreg [dreg:$0x1];
	p0 =	sne.s32 s2, $0x0  }
0x296: {  	s3 =	rddreg [dreg:$0x2];
	[bflag:$0x3] =	sbarrier.arrive $0xFFFF;
	s2 =	simm.s32 @!p0 $0x1C05  }
0x297: {  	[timem:s3], [sflag:s2] =	dma.local @!p0 [hbm:s0], s1  }
0x298: {  	s0 =	simm.s32 @!p0 $0x5  }
0x299: {  	_ =	swait.ge @!p0 [sflag:s0], s1  }
0x29a: {  	s1 =	ssub.s32 @!p0 $0x0, s1;
	[sflag:s0] =	ssyncset.done @!p0 $0x0  }
0x29b: {  	[sflag:s0] =	ssyncadd.s32 @!p0 s1  }
0x29c: {  	[bflag:$0x3] =	sbarrier.arrive $0xFFFF  }
0x29d: {  	_ =	shalt  }

// kernel: kernel.7.cloned.1.call-start
scs
__scs_entry_jumppad:
0x0: {  	(pc) =	sbr.rel $0x88, $3  }
0x1: {  	(tag) =	ssettag $0x0;
	lr =	simm.s32 $0x1  }
0x2: {  	[smem:$0x3F90] =	sst lr;
	_ =	strace $0xD0000000  }
0x3: {  	_ = 	snop  }
0x4: {  	_ = 	snop  }
0x5: {  	_ = 	snop  }
0x6: {  	_ = 	snop  }
0x7: {  	_ = 	snop  }
__scs_overlays_trampoline_lowered:
0x8: {  	[smem:$0x3F9F] =	sst s0  }
0x9: {  	[smem:$0x3FA0] =	sst s1  }
0xa: {  	[smem:$0x3FA1] =	sst s2  }
0xb: {  	[smem:$0x3FA2] =	sst s3  }
0xc: {  	[smem:$0x3FA3] =	sst s4  }
0xd: {  	[smem:$0x3FA4] =	sst s5  }
0xe: {  	[smem:$0x3FA5] =	sst s6  }
0xf: {  	[smem:$0x3FA6] =	sst s7  }
0x10: {  	[smem:$0x3FA7] =	sst s8  }
0x11: {  	[smem:$0x3FA8] =	sst s9;
	s0 =	simm.s32 @!p0 $0x0  }
0x12: {  	s1 =	sld [smem:$0x3F8E];
	s0 =	simm.s32 @p0 $0x1  }
0x13: {  	[smem:$0x3FA9] =	sst s0;
	s0 =	simm.s32 @!p1 $0x0  }
0x14: {  	s2 =	sld [smem:$0x3F8D];
	s0 =	simm.s32 @p1 $0x1  }
0x15: {  	[smem:$0x3FAA] =	sst s0;
	s0 =	simm.s32 @!p2 $0x0  }
0x16: {  	s3 =	sld [smem:$0x3FDB];
	s0 =	simm.s32 @p2 $0x1  }
0x17: {  	s4 =	simm.s32 $0x1BF5;
	[smem:$0x3FAC] =	sst s0  }
0x18: {  	s0 =	sld [smem:$0x3F8F];
	_ =	swait.ge [sflag:s4], $0x0  }
0x19: {  	s7 =	sld [smem:$0x3F90]  }
0x1a: {  	s8 =	sadd.s32 $0xFFFFE003, lr  }
0x1b: {  	s9 =	sadd.s32 $0xFFFFFEF7, lr;
	s5 =	simm.s32 $0xFFFFFFFF;
	p2 =	slt.u32 s8, $0xFFFFF086  }
0x1c: {  	p1 =	slt.u32 s9, $0xF7A;
	s5 =	simm.s32 @!p2 $0x0  }
0x1d: {  	s5 =	simm.s32 @p1 $0x1;
	p0 =	seq.s32 s7, s2  }
0x1e: {  	s7 =	smul.u32 @!p0 $0xF7A, s2;
	p2 =	seq.s32 @!p0 s5, $0x0  }
0x1f: {  	s9 =	smul.u32 $0xF7A, s1;
	s8 =	simm.s32 @!p0 $0x1BF5;
	p2 =	por !p2, p0  }
0x20: {  	[sflag:s8] =	ssyncset.s32 @!p0 $0xFFFFF086;
	s6 =	sadd.s32 @!p0 s3, s7;
	s7 =	simm.s32 @!p0 $0x108  }
0x21: {  	s3 =	sadd.s32 s3, s9;
	s6 =	sadd.s32 @!p0 $0x88, s6;
	s7 =	simm.s32 @p2 $0x1082  }
0x22: {  	[simem:s7], [sflag:s8] =	dma.local @!p0 [hbm:s6], $0xF7A  }
0x23: {  	s9 =	sor.u32 $0xD0000000, s2;
	s6 =	simm.s32 $0x108;
	_ =	swait.ge @!p0 [sflag:s8], $0x0  }
0x24: {  	s3 =	sadd.s32 $0x88, s3;
	s6 =	simm.s32 @!p1 $0x1082;
	[sflag:s4] =	ssyncset.s32 $0xFFFFF086  }
0x25: {  	[simem:s6], [sflag:s4] =	dma.local [hbm:s3], $0xF7A  }
0x26: {  	[smem:$0x3F90] =	sst s1;
	(tag) =	ssettag s2;
	_ =	strace s9  }
0x27: {  	s1 =	sld [smem:$0x3FA0]  }
0x28: {  	s2 =	sld [smem:$0x3FA1]  }
0x29: {  	s4 =	sld [smem:$0x3FA3]  }
0x2a: {  	p0 =	seq.s32 s5, $0x0;
	s5 =	sld [smem:$0x3FA4]  }
0x2b: {  	s6 =	sld [smem:$0x3FA5]  }
0x2c: {  	s7 =	sld [smem:$0x3FA6]  }
0x2d: {  	s3 =	simm.s32 $0x108;
	s8 =	sld [smem:$0x3FA7]  }
0x2e: {  	s3 =	simm.s32 @!p0 $0x1082;
	s9 =	sld [smem:$0x3FA8]  }
0x2f: {  	lr =	sadd.s32 s0, s3;
	s0 =	sld [smem:$0x3F9F]  }
0x30: {  	s3 =	sld [smem:$0x3FA2]  }
0x31: {  	[smem:$0x3FAB] =	sst s10  }
0x32: {  	s10 =	sld [smem:$0x3FA9];
	_ =	sdelay $0x3  }
0x33: {  	p0 =	seq.s32 s10, $0x1;
	s10 =	sld [smem:$0x3FAB];
	_ =	sdelay $0x3  }
0x34: {  	[smem:$0x3FAB] =	sst s10  }
0x35: {  	s10 =	sld [smem:$0x3FAA];
	_ =	sdelay $0x3  }
0x36: {  	p1 =	seq.s32 s10, $0x1;
	s10 =	sld [smem:$0x3FAB];
	_ =	sdelay $0x3  }
0x37: {  	[smem:$0x3FAB] =	sst s10  }
0x38: {  	s10 =	sld [smem:$0x3FAC]  }
0x39: {  	_ = 	snop;
	(pc) =	sbr.ind lr, $3  }
0x3a: {  	_ = 	snop  }
0x3b: {  	_ = 	snop  }
0x3c: {  	p2 =	seq.s32 s10, $0x1;
	s10 =	sld [smem:$0x3FAB]  }
0x3d: {  	_ =	shalt  }
0x3e: {  	_ =	shalt  }
0x3f: {  	_ =	shalt  }
0x40: {  	_ =	shalt  }
0x41: {  	_ =	shalt  }
0x42: {  	_ =	shalt  }
0x43: {  	_ =	shalt  }
0x44: {  	_ =	shalt  }
0x45: {  	_ =	shalt  }
0x46: {  	_ =	shalt  }
0x47: {  	_ =	shalt  }
0x48: {  	_ =	shalt  }
0x49: {  	_ =	shalt  }
0x4a: {  	_ =	shalt  }
0x4b: {  	_ =	shalt  }
0x4c: {  	_ =	shalt  }
0x4d: {  	_ =	shalt  }
0x4e: {  	_ =	shalt  }
0x4f: {  	_ =	shalt  }
0x50: {  	_ =	shalt  }
0x51: {  	_ =	shalt  }
0x52: {  	_ =	shalt  }
0x53: {  	_ =	shalt  }
0x54: {  	_ =	shalt  }
0x55: {  	_ =	shalt  }
0x56: {  	_ =	shalt  }
0x57: {  	_ =	shalt  }
0x58: {  	_ =	shalt  }
0x59: {  	_ =	shalt  }
0x5a: {  	_ =	shalt  }
0x5b: {  	_ =	shalt  }
0x5c: {  	_ =	shalt  }
0x5d: {  	_ =	shalt  }
0x5e: {  	_ =	shalt  }
0x5f: {  	_ =	shalt  }
0x60: {  	_ =	shalt  }
0x61: {  	_ =	shalt  }
0x62: {  	_ =	shalt  }
0x63: {  	_ =	shalt  }
0x64: {  	_ =	shalt  }
0x65: {  	_ =	shalt  }
0x66: {  	_ =	shalt  }
0x67: {  	_ =	shalt  }
0x68: {  	_ =	shalt  }
0x69: {  	_ =	shalt  }
0x6a: {  	_ =	shalt  }
0x6b: {  	_ =	shalt  }
0x6c: {  	_ =	shalt  }
0x6d: {  	_ =	shalt  }
0x6e: {  	_ =	shalt  }
0x6f: {  	_ =	shalt  }
0x70: {  	_ =	shalt  }
0x71: {  	_ =	shalt  }
0x72: {  	_ =	shalt  }
0x73: {  	_ =	shalt  }
0x74: {  	_ =	shalt  }
0x75: {  	_ =	shalt  }
0x76: {  	_ =	shalt  }
0x77: {  	_ =	shalt  }
0x78: {  	_ =	shalt  }
0x79: {  	_ =	shalt  }
0x7a: {  	_ =	shalt  }
0x7b: {  	_ =	shalt  }
0x7c: {  	_ =	shalt  }
0x7d: {  	_ =	shalt  }
0x7e: {  	_ =	shalt  }
0x7f: {  	_ =	shalt  }
0x80: {  	_ =	shalt  }
0x81: {  	_ =	shalt  }
0x82: {  	_ =	shalt  }
0x83: {  	_ =	shalt  }
0x84: {  	_ =	shalt  }
0x85: {  	_ =	shalt  }
0x86: {  	_ =	shalt  }
0x87: {  	_ =	shalt  }
.Lfunc_end0:
.L_simem_size_0:
called_computation_lowered:
.L_overlay_start_0:
0x88: {  	s2 =	sld [smem:$0x3FD9]  }
0x89: {  	s3 =	sld [smem:$0x3FFE];
	_ =	sdelay $0x1  }
0x8a: {  	s1 =	srdreg.scid  }
0x8b: {  	s0 =	sand.u32 $0x1, s1  }
0x8c: {  	s17 =	sshll.u32 s0, $0xA;
	s2 =	sadd.s32 s3, s2  }
0x8d: {  	s2 =	sadd.s32 s2, s17  }
0x8e: {  	[smem:$0x3FB7] =	sst s2  }
0x8f: {  	_ = 	snop  }
0x90: {  	s2 =	sld [smem:$0x3FD0];
	(tm) =	ssettm $0x1  }
0x91: {  	s18 =	sld [smem:$0x3FFB];
	_ =	sdelay $0x3  }
0x92: {  	_ =	strace s18  }
0x93: {  	s3 =	sld [smem:$0x3FFC];
	_ =	sdelay $0x3  }
0x94: {  	_ =	strace s3  }
0x95: {  	s3 =	sld [smem:$0x3FFD];
	_ =	sdelay $0x3  }
0x96: {  	_ =	strace s3  }
0x97: {  	_ =	strace $0x8FFFFFFF  }
0x98: {  	s19 =	sld [smem:$0x3FDB];
	_ =	sdelay $0x1  }
0x99: {  	s4 =	simm.s32 $_scs_section_size  }
0x9a: {  	s5 =	simm.s32 $_size__tile_overlayer_lowered;
	s6 =	simm.s32 $_tile_overlayer_lowered  }
0x9b: {  	s22 =	simm.s32 $0x1BFF;
	s21 =	sshll.u32 s6, $0x1;
	s3 =	sadd.s32 s4, s19  }
0x9c: {  	s7 =	simm.s32 $0x0;
	s20 =	sshll.u32 s5, $0x1;
	s5 =	sadd.s32 s21, s3  }
0x9d: {  	[timem:s7], [sflag:s22] =	dma.local [hbm:s5], s20  }
0x9e: {  	_ =	swait.ge [sflag:s22], s20  }
0x9f: {  	s4 =	ssub.s32 $0x0, s20;
	[sflag:s22] =	ssyncset.done $0x0  }
0xa0: {  	[sflag:s22] =	ssyncadd.s32 s4;
	_ =	sdelay $0x1  }
0xa1: {  	s23 =	simm.s32 $0x1B8B  }
0xa2: {  	_ =	swait.ge [sflag:s23], $0x1  }
0xa3: {  	[sflag:s23] =	ssyncset.done $0x0  }
0xa4: {  	s25 =	simm.s32 $0x1B8E;
	s24 =	sld [smem:$0x3FFE];
	[sflag:s23] =	ssyncadd.s32 $0xFFFFFFFF  }
0xa5: {  	s26 =	simm.s32 $execute0_lowered;
	[smem:$0x3FD2] =	sst s25  }
0xa6: {  	s5 =	sshll.u32 s26, $0x1;
	_ =	strace $0x80000046;
	[dreg:$0x1] =	wrdreg $0xFFFFFFFF  }
0xa7: {  	s28 =	simm.s32 $_size_execute0_lowered;
	s3 =	sadd.s32 s3, s5;
	[dreg:$0x0] =	wrdreg $0x0  }
0xa8: {  	s5 =	sshll.u32 s28, $0x1;
	[dreg:$0x2] =	wrdreg s3  }
0xa9: {  	[dreg:$0x3] =	wrdreg s5  }
0xaa: {  	[dreg:$0x4] =	wrdreg $0xC0  }
0xab: {  	_ =	task [dreg:s7], $0x5FFFF  }
0xac: {  	[dreg:$0x1] =	wrdreg $0xFFFFFFFF  }
0xad: {  	[dreg:$0x0] =	wrdreg $0x60  }
0xae: {  	[dreg:$0x2] =	wrdreg s24  }
0xaf: {  	[dreg:$0x3] =	wrdreg s2  }
0xb0: {  	[dreg:$0x4] =	wrdreg $0xF8E00  }
0xb1: {  	[dreg:$0x5] =	wrdreg $0x198E00  }
0xb2: {  	[dreg:$0x6] =	wrdreg $0x9  }
0xb3: {  	_ =	task.clear_ibuf [dreg:s7], $0x7FFFF;
	_ =	strace $0x90000046  }
0xb4: {  	s29 =	simm.s32 $0x9;
	_ =	strace $0x80000048  }
0xb5: {  	_ =	swait.ge [sflag:s29], $0x1  }
0xb6: {  	[sflag:s29] =	ssyncadd.s32 $0xFFFFFFFF  }
0xb7: {  	_ =	strace $0x90000048  }
0xb8: {  	_ =	sfence  }
0xb9: {  	s30 =	sld [smem:$0x0];
	_ =	sdelay $0x2  }
0xba: {  	s31 =	sshll.u32 s1, $0xD;
	s1 =	sshrl.u32 s1, $0x2  }
0xbb: {  	s3 =	sand.u32 $0x4000, s31;
	s1 =	sadd.s32 s1, s30  }
0xbc: {  	s0 =	sor.u32 s3, s0;
	s1 =	sshll.u32 s1, $0x11  }
0xbd: {  	s0 =	sor.u32 s1, s0  }
0xbe: {  	s0 =	sadd.s32 $0x8F2B, s0  }
0xbf: {  	[sflag:s0] =	ssyncadd.remote.s32 $0x1  }
0xc0: {  	_ =	sfence.sel $0xFFFF  }
0xc1: {  	[dreg:$0x0] =	wrdreg $0xFFFFFFFF;
	(pc) =	sbr.abs _section_cstart, $3  }
0xc2: {  	[dreg:$0x1] =	wrdreg $0xFFFFFFFF  }
0xc3: {  	_ =	task.clear_ibuf [dreg:s7], $0x2FFFF;
	_ =	strace $0x9FFFFFFF  }
0xc4: {  	(tm) =	ssettm $0x7FFFFFFF  }
0xc5: {  	_ =	shalt  }
tec
execute0_lowered:
.L_overlay_start_1:
0x0: {  	(tag) =	ssettag $0x1  }
0x1: {  	s0 =	rddreg [dreg:$0x0]  }
0x2: {  	s2 =	rddreg [dreg:$0x2]  }
0x3: {  	s3 =	rddreg [dreg:$0x3];
	s20 =	simm.s32 $0x0  }
0x4: {  	s1 =	srdreg.scid;
	s21 =	stileid.u32;
	s28 =	simm.s32 $0xB720  }
0x5: {  	s29 =	simm.s32 $0xCB20;
	s30 =	simm.s32 $0x3;
	s31 =	simm.s32 $0x4  }
0x6: {  	[smem:$0x7FF] =	sst s20;
	s6 =	sadd.s32 $0x79E00, s0;
	s1 =	sand.u32 $0x1, s1  }
0x7: {  	s7 =	smul.u32 $0x280, s21;
	s10 =	sadd.s32 $0xBF000, s0;
	s26 =	sadd.s32 $0xB5000, s0  }
0x8: {  	_ =	strace $0x80000047;
	s4 =	sshll.u32 s1, $0x4;
	s5 =	ssub.s32 $0x2, s1  }
0x9: {  	s9 =	smul.u32 $0x2800, s1;
	s4 =	sadd.s32 s4, s0;
	s8 =	sshrl.u32 s5, $0x1  }
0xa: {  	s11 =	sadd.s32 $0x100, s7;
	s14 =	sadd.s32 $0x180, s7;
	s5 =	ssub.s32 s5, s8  }
0xb: {  	s8 =	sadd.s32 $0x80, s7;
	s12 =	sadd.s32 s9, s7;
	s7 =	sadd.s32 $0x200, s7  }
0xc: {  	s23 =	sadd.s32 s9, s11;
	s24 =	sadd.s32 s9, s14;
	s13 =	sadd.s32 s9, s8  }
0xd: {  	s15 =	sshll.u32 s12, $0x3;
	s9 =	sadd.s32 s9, s7;
	s17 =	sshll.u32 s23, $0x3  }
0xe: {  	s18 =	sshll.u32 s24, $0x3;
	s12 =	sshll.u32 s12, $0x1;
	s16 =	sshll.u32 s13, $0x3  }
0xf: {  	s15 =	sadd.s32 s10, s15;
	s19 =	sshll.u32 s9, $0x3;
	s17 =	sadd.s32 s10, s17  }
0x10: {  	s25 =	sadd.s32 s10, s18;
	s13 =	sshll.u32 s13, $0x1;
	[dreg:$0x5] =	wrdreg s15  }
0x11: {  	s12 =	sadd.s32 s26, s12;
	s9 =	sshll.u32 s9, $0x1;
	[dreg:$0x7] =	wrdreg s17  }
0x12: {  	s18 =	smul.u32 $0x28000, s21;
	s22 =	sadd.s32 s10, s16;
	[dreg:$0x8] =	wrdreg s25  }
0x13: {  	s10 =	sadd.s32 s10, s19;
	[dreg:$0xa] =	wrdreg s12;
	s13 =	sadd.s32 s26, s13  }
0x14: {  	s15 =	sshll.u32 s23, $0x1;
	s16 =	sshll.u32 s24, $0x1;
	[dreg:$0x6] =	wrdreg s22  }
0x15: {  	s9 =	sadd.s32 s26, s9;
	s17 =	sshll.u32 s1, $0x3;
	[dreg:$0x9] =	wrdreg s10  }
0x16: {  	s19 =	sadd.s32 $0xAAE00, s0;
	s25 =	smul.u32 $0xA000, s21;
	[dreg:$0xb] =	wrdreg s13  }
0x17: {  	s1 =	smul.u32 $0x2710, s1;
	s12 =	sadd.s32 s26, s15;
	[dreg:$0xe] =	wrdreg s9  }
0x18: {  	s9 =	sadd.s32 s17, s0;
	s17 =	sadd.s32 $0x52C00, s0;
	[dreg:$0xf] =	wrdreg s19  }
0x19: {  	s0 =	sadd.s32 $0xA1000, s0;
	s22 =	sadd.s32 $0xB4C00, s4;
	s24 =	sshrl.u32 s18, $0x2  }
0x1a: {  	s13 =	sshll.u32 s11, $0x6;
	s18 =	sshll.u32 s11, $0x4;
	[dreg:$0xc] =	wrdreg s12  }
0x1b: {  	s19 =	sshll.u32 s14, $0x6;
	s12 =	sadd.s32 s26, s16;
	[dreg:$0x10] =	wrdreg s0  }
0x1c: {  	[dreg:$0x11] =	wrdreg s22;
	s23 =	sadd.s32 $0xB4E00, s9;
	s9 =	sadd.s32 s24, s2  }
0x1d: {  	s26 =	smax.u32 s5, $0x1;
	s4 =	sshrl.u32 s25, $0x2;
	[dreg:$0xd] =	wrdreg s12  }
0x1e: {  	s5 =	sshll.u32 s8, $0x6;
	s11 =	sadd.s32 s13, s2;
	[dreg:$0x12] =	wrdreg s23  }
0x1f: {  	s18 =	sadd.s32 s18, s3;
	s19 =	sadd.s32 s19, s2;
	[dreg:$0x14] =	wrdreg s26  }
0x20: {  	s22 =	sshll.u32 s14, $0x4;
	s24 =	sshll.u32 s7, $0x4;
	[dreg:$0x13] =	wrdreg s9  }
0x21: {  	s13 =	simm.s32 $0x3E80;
	s14 =	simm.s32 $0x50;
	[dreg:$0x18] =	wrdreg s11  }
0x22: {  	v1 =	vmov s1;
	s1 =	simm.s32 $0x0;
	s12 =	sshll.u32 s8, $0x4;
	[dreg:$0x19] =	wrdreg s18  }
0x23: {  	s10 =	sadd.s32 s4, s3;
	s15 =	sadd.s32 s5, s2;
	[dreg:$0x1a] =	wrdreg s19  }
0x24: {  	s23 =	sshll.u32 s7, $0x6;
	s7 =	sadd.s32 s22, s3;
	[dreg:$0x15] =	wrdreg s10  }
0x25: {  	s5 =	sadd.s32 s24, s3;
	s26 =	smul.u32 $0xFA, s21;
	[dreg:$0x16] =	wrdreg s15  }
0x26: {  	s8 =	simm.s32 $0x5;
	s21 =	simm.s32 $0x8F20;
	[dreg:$0x1b] =	wrdreg s7  }
0x27: {  	v0 =	vlaneseq.u32;
	s22 =	simm.s32 $0x1;
	s25 =	sadd.s32 s23, s2;
	[dreg:$0x1d] =	wrdreg s5  }
0x28: {  	v3 =	vmul.u32 $0xFFFFFFFF, v0;
	s24 =	simm.s32 $0x7620;
	s16 =	sadd.s32 s12, s3;
	[dreg:$0x1c] =	wrdreg s25  }
0x29: {  	v2 =	vimm.f32 $0.0e+00;
	vm0 =	vmmov $0x1;
	vm1 =	vcmask $0x314;
	s12 =	simm.s32 $0x2EE0;
	s23 =	simm.s32 $0xA320;
	[dreg:$0x1e] =	wrdreg s26  }
0x2a: {  	vm2 =	vcmask $0xB14;
	vm3 =	vcmask $0xF14;
	v3 =	vadd.s32 $0xF, v3;
	s25 =	simm.s32 $0x8A20;
	s26 =	simm.s32 $0x2;
	[dreg:$0x17] =	wrdreg s16  }
.LBB2_1:
0x2b: {  	[dreg:$0x1f] =	wrdreg s1  }
0x2c: {  	s0 =	rddreg [dreg:$0x11];
	s4 =	simm.s32 $0xD020  }
0x2d: {  	[tilespmem:s4], [sflag:$0x5] =	stream.linear.gather [hbm4b:s0+s20], $0x80, $0x38;
	[tilespmem:$0x1C0E0] =	vst v63  }
0x2e: {  	_ =	swait.ge [sflag:s8], $0x80  }
0x2f: {  	[sflag:s8] =	ssyncset.done $0x0  }
0x30: {  	s4 =	simm.s32 $0xD0A0;
	s1 =	rddreg [dreg:$0x12];
	[sflag:s8] =	ssyncadd.s32 $0xFFFFFF80  }
0x31: {  	[tilespmem:s4], [sflag:$0x5] =	stream.linear.gather [hbm4b:s1+s20], $0x40, $0x38;
	[tilespmem:$0x1C0E0] =	vst v63  }
0x32: {  	_ =	swait.ge [sflag:s8], $0x40  }
0x33: {  	[sflag:s8] =	ssyncset.done $0x0  }
0x34: {  	[sflag:s8] =	ssyncadd.s32 $0xFFFFFFC0  }
0x35: {  	v4 =	vld [tilespmem:$0xD020]  }
0x36: {  	v5 =	vld [tilespmem:$0xD030]  }
0x37: {  	v6 =	vld [tilespmem:$0xD040]  }
0x38: {  	v7 =	vld [tilespmem:$0xD050]  }
0x39: {  	v8 =	vld [tilespmem:$0xD060]  }
0x3a: {  	v9 =	vld [tilespmem:$0xD070]  }
0x3b: {  	v10 =	vld [tilespmem:$0xD080]  }
0x3c: {  	v11 =	vld [tilespmem:$0xD090]  }
0x3d: {  	v12 =	vld [tilespmem:$0xD0A0]  }
0x3e: {  	v13 =	vld [tilespmem:$0xD0B0]  }
0x3f: {  	s0 =	simm.s32 $0xD100;
	v14 =	vld [tilespmem:$0xD0C0]  }
0x40: {  	v15 =	vld [tilespmem:$0xD0D0];
	[tilespmem:s0+$0x0] =	vst v2  }
0x41: {  	[tilespmem:s0+$0xFFFFFFE0] =	vst v2  }
0x42: {  	[tilespmem:s0+$0x10] =	vst v2  }
0x43: {  	s1 =	simm.s32 $0x40;
	s4 =	simm.s32 $0x0;
	[tilespmem:s0+$0xFFFFFFF0] =	vst v2  }
.LBB2_2:
0x44: {  	p0 =	sne.s32 s1, $0x1FC0  }
0x45: {  	[tilespmem:s4+$0xF0E0] =	vst v2;
	s0 =	sadd.s32 $0x40, s0;
	s4 =	smov.u32 s1;
	s1 =	sadd.s32 $0x40, s1  }
.Ltmp0:
0x46: {  	[tilespmem:s0+$0x0] =	vst v2;
	(pc) =	sbr.rel @p0 .LBB2_2-.Ltmp0, $4  }
0x47: {  	_ = 	snop  }
0x48: {  	[tilespmem:s0+$0xFFFFFFE0] =	vst v2  }
0x49: {  	[tilespmem:s0+$0x10] =	vst v2  }
0x4a: {  	s4 =	sshra.s32 s4, $0x2;
	[tilespmem:s0+$0xFFFFFFF0] =	vst v2  }
0x4b: {  	[tilespmem:s4+$0xF0E0] =	vst v2;
	s1 =	simm.s32 $0xD0E0  }
0x4c: {  	[spmem:s9] =	stream.linear.scatter [tilespmem:s1], [sflag:$0x5], $0x2000, $0x38;
	[tilespmem:$0x1C0E0] =	vst v63  }
0x4d: {  	_ =	swait.ge [sflag:s8], $0x2000  }
0x4e: {  	[sflag:s8] =	ssyncset.done $0x0  }
0x4f: {  	s20 =	simm.s32 $0xF0E0;
	[sflag:s8] =	ssyncadd.s32 $0xFFFFE000  }
0x50: {  	[spmem:s10] =	stream.linear.scatter [tilespmem:s20], [sflag:$0x5], $0x800, $0x38;
	[tilespmem:$0x1C0E0] =	vst v63  }
0x51: {  	_ =	swait.ge [sflag:s8], $0x800  }
0x52: {  	[sflag:s8] =	ssyncset.done $0x0  }
0x53: {  	[sflag:s8] =	ssyncadd.s32 $0xFFFFF800  }
0x54: {  	[spmem:s15] =	stream.linear.scatter [tilespmem:s1], [sflag:$0x5], $0x2000, $0x38;
	[tilespmem:$0x1C0E0] =	vst v63  }
0x55: {  	_ =	swait.ge [sflag:s8], $0x2000  }
0x56: {  	[sflag:s8] =	ssyncset.done $0x0  }
0x57: {  	[sflag:s8] =	ssyncadd.s32 $0xFFFFE000  }
0x58: {  	[spmem:s16] =	stream.linear.scatter [tilespmem:s20], [sflag:$0x5], $0x800, $0x38;
	[tilespmem:$0x1C0E0] =	vst v63  }
0x59: {  	_ =	swait.ge [sflag:s8], $0x800  }
0x5a: {  	[sflag:s8] =	ssyncset.done $0x0  }
0x5b: {  	[sflag:s8] =	ssyncadd.s32 $0xFFFFF800  }
0x5c: {  	[spmem:s11] =	stream.linear.scatter [tilespmem:s1], [sflag:$0x5], $0x2000, $0x38;
	[tilespmem:$0x1C0E0] =	vst v63  }
0x5d: {  	_ =	swait.ge [sflag:s8], $0x2000  }
0x5e: {  	[sflag:s8] =	ssyncset.done $0x0  }
0x5f: {  	[sflag:s8] =	ssyncadd.s32 $0xFFFFE000  }
0x60: {  	[spmem:s18] =	stream.linear.scatter [tilespmem:s20], [sflag:$0x5], $0x800, $0x38;
	[tilespmem:$0x1C0E0] =	vst v63  }
0x61: {  	_ =	swait.ge [sflag:s8], $0x800  }
0x62: {  	[sflag:s8] =	ssyncset.done $0x0  }
0x63: {  	[sflag:s8] =	ssyncadd.s32 $0xFFFFF800  }
0x64: {  	[spmem:s19] =	stream.linear.scatter [tilespmem:s1], [sflag:$0x5], $0x2000, $0x38;
	[tilespmem:$0x1C0E0] =	vst v63  }
0x65: {  	_ =	swait.ge [sflag:s8], $0x2000  }
0x66: {  	[sflag:s8] =	ssyncset.done $0x0  }
0x67: {  	[sflag:s8] =	ssyncadd.s32 $0xFFFFE000  }
0x68: {  	[spmem:s7] =	stream.linear.scatter [tilespmem:s20], [sflag:$0x5], $0x800, $0x38;
	[tilespmem:$0x1C0E0] =	vst v63  }
0x69: {  	_ =	swait.ge [sflag:s8], $0x800  }
0x6a: {  	[sflag:s8] =	ssyncset.done $0x0  }
0x6b: {  	s0 =	rddreg [dreg:$0x1c];
	[sflag:s8] =	ssyncadd.s32 $0xFFFFF800  }
0x6c: {  	[spmem:s0] =	stream.linear.scatter [tilespmem:s1], [sflag:$0x5], $0x2000, $0x38;
	[tilespmem:$0x1C0E0] =	vst v63  }
0x6d: {  	_ =	swait.ge [sflag:s8], $0x2000  }
0x6e: {  	[sflag:s8] =	ssyncset.done $0x0  }
0x6f: {  	[sflag:s8] =	ssyncadd.s32 $0xFFFFE000  }
0x70: {  	[spmem:s5] =	stream.linear.scatter [tilespmem:s20], [sflag:$0x5], $0x800, $0x38;
	[tilespmem:$0x1C0E0] =	vst v63  }
0x71: {  	_ =	swait.ge [sflag:s8], $0x800  }
0x72: {  	[sflag:s8] =	ssyncset.done $0x0  }
0x73: {  	[sflag:s8] =	ssyncadd.s32 $0xFFFFF800  }
0x74: {  	s4 =	simm.s32 $0x0;
	s5 =	simm.s32 $0x0;
	[bflag:$0x0] =	sbarrier.arrive $0xFFFF  }
.LBB2_4:
0x75: {  	s0 =	smul.u32 $0x32, s4  }
0x76: {  	s1 =	rddreg [dreg:$0x1e]  }
0x77: {  	s0 =	sadd.s32 s1, s0  }
0x78: {  	s0 =	smul.u32 $0x50, s0;
	_ =	sdelay $0x1  }
0x79: {  	s18 =	rddreg [dreg:$0xf];
	s0 =	sshrl.u32 s0, $0x3  }
0x7a: {  	s1 =	sadd.s32 s18, s0  }
0x7b: {  	[tilespmem:s5], [sflag:$0x5] =	stream.linear.gather [hbm4b:s1+s5], $0xFA0, $0x38;
	[tilespmem:$0x1C0E0] =	vst v63  }
0x7c: {  	_ =	swait.ge [sflag:s8], $0xFA0  }
0x7d: {  	[sflag:s8] =	ssyncset.done $0x0;
	s19 =	rddreg [dreg:$0x10]  }
0x7e: {  	s7 =	simm.s32 $0xFA0;
	[sflag:s8] =	ssyncadd.s32 $0xFFFFF060;
	s1 =	sadd.s32 s19, s0  }
0x7f: {  	[tilespmem:s7], [sflag:$0x5] =	stream.linear.gather [hbm4b:s1+s5], $0xFA0, $0x38;
	[tilespmem:$0x1C0E0] =	vst v63  }
0x80: {  	_ =	swait.ge [sflag:s8], $0xFA0  }
0x81: {  	[sflag:s8] =	ssyncset.done $0x0  }
0x82: {  	[sflag:s8] =	ssyncadd.s32 $0xFFFFF060  }
0x83: {  	s20 =	rddreg [dreg:$0x1]  }
0x84: {  	s0 =	sadd.s32 s20, s0  }
0x85: {  	[tilespmem:s12], [sflag:$0x5] =	stream.linear.gather [hbm4b:s0+s5], $0xFA0, $0x38;
	[tilespmem:$0x1C0E0] =	vst v63  }
0x86: {  	_ =	swait.ge [sflag:s8], $0xFA0  }
0x87: {  	[sflag:s8] =	ssyncset.done $0x0  }
0x88: {  	s0 =	sadd.s32 $0x9C40, s0;
	[sflag:s8] =	ssyncadd.s32 $0xFFFFF060  }
0x89: {  	[tilespmem:s13], [sflag:$0x5] =	stream.linear.gather [hbm4b:s0+s5], $0xFA0, $0x38;
	[tilespmem:$0x1C0E0] =	vst v63  }
0x8a: {  	_ =	swait.ge [sflag:s8], $0xFA0  }
0x8b: {  	[sflag:s8] =	ssyncset.done $0x0  }
0x8c: {  	s0 =	simm.s32 $0x0;
	[sflag:s8] =	ssyncadd.s32 $0xFFFFF060  }
0x8d: {  	v16 =	vld [tilespmem:s0+$0x0]  }
0x8e: {  	v17 =	vld [tilespmem:s0+$0x10]  }
0x8f: {  	v18 =	vld [tilespmem:s0+$0x20]  }
0x90: {  	v19 =	vld [tilespmem:s0+$0x30]  }
0x91: {  	v20 =	vld [tilespmem:s0+$0x40]  }
0x92: {  	v21 =	vld [tilespmem:s0+$0xFA0];
	v16 =	vadd.s32 v1, v16  }
0x93: {  	[tilespmem:s0+$0x0] =	vst v16;
	v16 =	vadd.s32 v1, v17;
	v17 =	vld [tilespmem:s0+$0xFB0]  }
0x94: {  	[tilespmem:s0+$0x10] =	vst v16;
	v16 =	vadd.s32 v1, v18;
	v18 =	vld [tilespmem:s0+$0xFC0]  }
0x95: {  	v22 =	vld [tilespmem:s0+$0xFD0];
	[tilespmem:s0+$0x20] =	vst v16;
	v16 =	vadd.s32 v1, v19  }
0x96: {  	s1 =	simm.s32 $0x50;
	v19 =	vld [tilespmem:s0+$0xFE0];
	[tilespmem:s0+$0x30] =	vst v16;
	v16 =	vadd.s32 v1, v20  }
0x97: {  	v21 =	vadd.s32 v1, v21;
	v20 =	vld [tilespmem:s1+$0x0];
	[tilespmem:s0+$0x40] =	vst v16  }
0x98: {  	v16 =	vld [tilespmem:s1+$0x10];
	[tilespmem:s0+$0x1F40] =	vst v21;
	v21 =	vadd.s32 v1, v17  }
0x99: {  	v17 =	vld [tilespmem:s1+$0x20];
	[tilespmem:s0+$0x1F50] =	vst v21;
	v21 =	vadd.s32 v1, v18  }
0x9a: {  	s9 =	simm.s32 $0x280;
	v18 =	vld [tilespmem:s1+$0x30];
	[tilespmem:s0+$0x1F60] =	vst v21;
	v21 =	vadd.s32 v1, v22  }
.LBB2_5:
0x9b: {  	p0 =	sne.s32 s9, $0x3D40;
	v22 =	vld [tilespmem:s1+$0x40];
	[tilespmem:s0+$0x1F70] =	vst v21;
	v19 =	vadd.s32 v1, v19  }
0x9c: {  	v20 =	vadd.s32 v1, v20;
	v21 =	vld [tilespmem:s1+$0xFA0];
	[tilespmem:s0+$0x1F80] =	vst v19;
	s0 =	smov.u32 s1  }
0x9d: {  	[tilespmem:s0+$0x0] =	vst v20;
	v16 =	vadd.s32 v1, v16;
	v23 =	vld [tilespmem:s0+$0xFB0]  }
0x9e: {  	[tilespmem:s0+$0x10] =	vst v16;
	v16 =	vadd.s32 v1, v17;
	v24 =	vld [tilespmem:s0+$0xFC0]  }
0x9f: {  	[tilespmem:s0+$0x20] =	vst v16;
	v16 =	vadd.s32 v1, v18;
	v25 =	vld [tilespmem:s0+$0xFD0]  }
.Ltmp1:
0xa0: {  	s1 =	sshra.s32 s9, $0x2;
	[tilespmem:s0+$0x30] =	vst v16;
	v16 =	vadd.s32 v1, v22;
	v19 =	vld [tilespmem:s0+$0xFE0];
	(pc) =	sbr.rel @p0 .LBB2_5-.Ltmp1, $4  }
0xa1: {  	v20 =	vld [tilespmem:s1+$0x0];
	v17 =	vadd.s32 v1, v21;
	[tilespmem:s0+$0x40] =	vst v16  }
0xa2: {  	v16 =	vld [tilespmem:s1+$0x10];
	[tilespmem:s0+$0x1F40] =	vst v17;
	v18 =	vadd.s32 v1, v23  }
0xa3: {  	v17 =	vld [tilespmem:s1+$0x20];
	[tilespmem:s0+$0x1F50] =	vst v18;
	v21 =	vadd.s32 v1, v24  }
0xa4: {  	s9 =	sadd.s32 $0x140, s9;
	v18 =	vld [tilespmem:s1+$0x30];
	[tilespmem:s0+$0x1F60] =	vst v21;
	v21 =	vadd.s32 v1, v25  }
0xa5: {  	v22 =	vld [tilespmem:s1+$0x40];
	[tilespmem:s0+$0x1F70] =	vst v21;
	v19 =	vadd.s32 v1, v19  }
0xa6: {  	v21 =	vld [tilespmem:s1+$0xFA0];
	v20 =	vadd.s32 v1, v20;
	[tilespmem:s0+$0x1F80] =	vst v19  }
0xa7: {  	[tilespmem:s1+$0x0] =	vst v20;
	v16 =	vadd.s32 v1, v16;
	v19 =	vld [tilespmem:s1+$0xFB0]  }
0xa8: {  	[tilespmem:s1+$0x10] =	vst v16;
	v16 =	vadd.s32 v1, v17;
	v17 =	vld [tilespmem:s1+$0xFC0]  }
0xa9: {  	v62 =	vld [tilespmem:s1+$0xFD0];
	[tilespmem:s1+$0x20] =	vst v16;
	v16 =	vadd.s32 v1, v18  }
0xaa: {  	v63 =	vld [tilespmem:s1+$0xFE0];
	[tilespmem:s1+$0x30] =	vst v16;
	v16 =	vadd.s32 v1, v22  }
0xab: {  	v21 =	vadd.s32 v1, v21;
	[tilespmem:s1+$0x40] =	vst v16  }
0xac: {  	[tilespmem:s1+$0x1F40] =	vst v21;
	v16 =	vadd.s32 v1, v19  }
0xad: {  	[tilespmem:s1+$0x1F50] =	vst v16;
	v16 =	vadd.s32 v1, v17  }
0xae: {  	[tilespmem:s1+$0x1F60] =	vst v16;
	v16 =	vadd.s32 v1, v62  }
0xaf: {  	[tilespmem:s1+$0x1F70] =	vst v16;
	v16 =	vadd.s32 v1, v63  }
0xb0: {  	s19 =	simm.s32 $0x4E20;
	s0 =	simm.s32 $0x0;
	[tilespmem:s1+$0x1F80] =	vst v16  }
0xb1: {  	[tilespmem:s19], [sflag:$0x1] =	stream.indirect.gather [hbm4b:s6+s14], $0x40, s0, s14, $0xb8;
	[tilespmem:$0x1C0E0] =	vst v63  }
0xb2: {  	s20 =	simm.s32 $0x1F40;
	s7 =	simm.s32 $0x6220;
	s9 =	simm.s32 $0x0  }
0xb3: {  	[tilespmem:s7], [sflag:$0x1] =	stream.indirect.gather [hbm4b:s17+s14], $0x40, s20, s14, $0xb8;
	[tilespmem:$0x1C0E0] =	vst v63  }
.LBB2_7:
0xb4: {  	s1 =	smul.u32 $0xA0, s9;
	_ =	sdelay $0x1  }
0xb5: {  	s10 =	sadd.s32 $0x50, s1  }
0xb6: {  	[tilespmem:s21], [sflag:$0x2] =	stream.indirect.gather [hbm4b:s6+s14], $0x40, s10, s14, $0xb8;
	[tilespmem:$0x1C0E0] =	vst v63  }
0xb7: {  	s11 =	sadd.s32 $0x1F90, s1  }
0xb8: {  	[tilespmem:s23], [sflag:$0x2] =	stream.indirect.gather [hbm4b:s17+s14], $0x40, s11, s14, $0xb8;
	[tilespmem:$0x1C0E0] =	vst v63  }
0xb9: {  	_ =	swait.ge [sflag:s22], $0x1400  }
0xba: {  	[sflag:s22] =	ssyncset.done $0x0  }
0xbb: {  	[sflag:s22] =	ssyncadd.s32 $0xFFFFEC00  }
0xbc: {  	_ =	swait.ge [sflag:s22], $0x1400  }
0xbd: {  	p0 =	seq.s32 s9, $0x0;
	[sflag:s22] =	ssyncset.done $0x0  }
0xbe: {  	s11 =	simm.s32 @!p0 $0x3;
	[sflag:s22] =	ssyncadd.s32 $0xFFFFEC00  }
0xbf: {  	_ =	swait.ge @!p0 [sflag:s11], $0x1400  }
0xc0: {  	[sflag:s11] =	ssyncset.done @!p0 $0x0  }
0xc1: {  	[sflag:s11] =	ssyncadd.s32 @!p0 $0xFFFFEC00  }
0xc2: {  	s15 =	simm.s32 $0x4EA0;
	_ =	swait.ge @!p0 [sflag:s11], $0x500  }
0xc3: {  	s16 =	simm.s32 $0x62A0;
	s20 =	simm.s32 $0x76A0;
	[sflag:s11] =	ssyncset.done @!p0 $0x0  }
0xc4: {  	s18 =	simm.s32 $0x0;
	[sflag:s11] =	ssyncadd.s32 @!p0 $0xFFFFFB00;
	s11 =	simm.s32 $0x8A40  }
.LBB2_8:
0xc5: {  	s19 =	sadd.s32 s18, s0  }
0xc6: {  	v16 =	vmov s19  }
0xc7: {  	v18 =	vld [tilespmem:s15+$0xFFFFFF80];
	v16 =	vand.u32 $0xFFFFFFFC, v16  }
0xc8: {  	v19 =	vld [tilespmem:s16+$0xFFFFFF80];
	v16 =	vbroadcast v16, $0x0  }
0xc9: {  	v20 =	vld [tilespmem:s15+$0xFFFFFF90]  }
0xca: {  	v21 =	vld [tilespmem:s16+$0xFFFFFF90]  }
0xcb: {  	v22 =	vld [tilespmem:s15+$0xFFFFFFA0]  }
0xcc: {  	v23 =	vld [tilespmem:s16+$0xFFFFFFA0]  }
0xcd: {  	v24 =	vld [tilespmem:s15+$0xFFFFFFB0]  }
0xce: {  	v17 =	vld.idx.msk [tilespmem:v16+s12+$0x0], $0xffff  }
0xcf: {  	v16 =	vld.idx.msk [tilespmem:v16+s13+$0x0], $0xffff  }
0xd0: {  	v25 =	vld [tilespmem:s16+$0xFFFFFFB0];
	_ =	sdelay $0x2  }
0xd1: {  	v19 =	vadd.f32 v19, v18;
	v21 =	vadd.f32 v21, v20;
	v26 =	vmul.f32 v17, v4  }
0xd2: {  	v23 =	vadd.f32 v23, v22;
	v27 =	vmul.f32 v17, v5;
	v56 =	vmul.f32 v16, v8  }
0xd3: {  	v25 =	vadd.f32 v25, v24;
	v28 =	vmul.f32 v17, v6;
	v58 =	vmul.f32 v17, v7  }
0xd4: {  	v57 =	vmul.f32 v16, v9;
	v19 =	vadd.f32 v19, v26;
	v21 =	vadd.f32 v21, v27  }
0xd5: {  	v59 =	vmul.f32 v16, v10;
	v23 =	vadd.f32 v23, v28;
	v25 =	vadd.f32 v25, v58  }
0xd6: {  	v60 =	vmul.f32 v16, v11;
	v19 =	vadd.f32 v19, v56;
	v21 =	vadd.f32 v21, v57  }
0xd7: {  	v23 =	vadd.f32 v23, v59  }
0xd8: {  	v25 =	vadd.f32 v25, v60;
	v61 =	vmul.f32 $2.000000030e-01, v19;
	v62 =	vmul.f32 $2.000000030e-01, v21  }
0xd9: {  	v63 =	vmul.f32 $2.000000030e-01, v23  }
0xda: {  	v30 =	vmul.f32 $2.000000030e-01, v25;
	v19 =	vmax.f32 v19, v61;
	v21 =	vmax.f32 v21, v62  }
0xdb: {  	v19 =	vmul.f32 v19, v12;
	v21 =	vmul.f32 v21, v13  }
0xdc: {  	v23 =	vmax.f32 v23, v63;
	v25 =	vmax.f32 v25, v30  }
0xdd: {  	v23 =	vmul.f32 v23, v14;
	v25 =	vmul.f32 v25, v15;
	v19 =	vadd.f32 v21, v19;
	_ =	sdelay $0x1  }
0xde: {  	v23 =	vadd.f32 v25, v23;
	v21 =	vperm.xlane v19, v3  }
0xdf: {  	(xrf2) =	vadd.scan.msk.f32 $0xffff, v19  }
0xe0: {  	v31 =	vperm.xlane v23, v3;
	(xrf2) =	vadd.scan.msk.f32 $0xffff, v21  }
0xe1: {  	(xrf2) =	vadd.scan.msk.f32 $0xffff, v23  }
0xe2: {  	(xrf2) =	vadd.scan.msk.f32 $0xffff, v31;
	_ =	sdelay $0x6  }
0xe3: {  	v32, _, _ =	vpop (xrf2)  }
0xe4: {  	v33, _, _ =	vpop (xrf2)  }
0xe5: {  	v25 =	vperm.xlane v33, v3;
	v34, _, _ =	vpop (xrf2)  }
0xe6: {  	v35, _, _ =	vpop (xrf2)  }
0xe7: {  	v21 =	vadd.f32 v32, v25;
	v36 =	vperm.xlane v35, v3;
	_ =	sdelay $0x1  }
0xe8: {  	v19 =	vsub.f32 v21, v19;
	v37 =	vadd.f32 v34, v36;
	_ =	sdelay $0x1  }
0xe9: {  	v19 =	vmul.f32 $1.442695020e+00, v19;
	v21 =	vsub.f32 v37, v23;
	_ =	sdelay $0x1  }
0xea: {  	(erf) = vpow2.f32 v19;
	v38 =	vmul.f32 $1.442695020e+00, v21;
	_ =	sdelay $0x1  }
0xeb: {  	(erf) = vpow2.f32 v38;
	_ =	sdelay $0x5  }
0xec: {  	s7 =	sadd.s32 $0x1, s19  }
0xed: {  	v40 =	vmov s7;
	v39 =	vpop (erf)  }
0xee: {  	v21 =	vand.u32 $0xFFFFFFFD, v40;
	v18 =	vmul.f32 v39, v18  }
0xef: {  	v21 =	vbroadcast v21, $0x0;
	v20 =	vmul.f32 v39, v20;
	v19 =	vnsel vm0, $0x0, v39;
	v41 =	vpop (erf)  }
0xf0: {  	vm4 =	veq.s32 v0, $0x2;
	[tilespmem:s20+$0xFFFFFF80] =	vst v18;
	v42 =	vmul.f32 v41, v22;
	v19 =	vsel vm1, v19, v41  }
0xf1: {  	[tilespmem:s20+$0xFFFFFF90] =	vst v20;
	v43 =	vmul.f32 v41, v24;
	v19 =	vsel vm4, $0x3F800000, v19  }
0xf2: {  	[tilespmem:s20+$0xFFFFFFA0] =	vst v42;
	v17 =	vsel vm2, v19, v17  }
0xf3: {  	[tilespmem:s20+$0xFFFFFFB0] =	vst v43;
	v16 =	vsel vm3, v17, v16  }
0xf4: {  	[tilespmem:s11+$0xFFFFFFE0] =	vst v16  }
0xf5: {  	v16 =	vld.idx.msk [tilespmem:v21+s12+$0x0], $0xffff  }
0xf6: {  	v17 =	vld.idx.msk [tilespmem:v21+s13+$0x0], $0xffff  }
0xf7: {  	v18 =	vld [tilespmem:s15+$0xFFFFFFC0]  }
0xf8: {  	v44 =	vld [tilespmem:s16+$0xFFFFFFC0]  }
0xf9: {  	v20 =	vld [tilespmem:s15+$0xFFFFFFD0]  }
0xfa: {  	v45 =	vld [tilespmem:s16+$0xFFFFFFD0]  }
0xfb: {  	v46 =	vld [tilespmem:s15+$0xFFFFFFE0]  }
0xfc: {  	v47 =	vld [tilespmem:s16+$0xFFFFFFE0]  }
0xfd: {  	v48 =	vld [tilespmem:s15+$0xFFFFFFF0]  }
0xfe: {  	v49 =	vld [tilespmem:s16+$0xFFFFFFF0];
	_ =	sdelay $0x2  }
0xff: {  	v19 =	vadd.f32 v44, v18;
	v50 =	vmul.f32 v16, v4;
	v21 =	vadd.f32 v45, v20  }
0x100: {  	v51 =	vmul.f32 v16, v5;
	v52 =	vmul.f32 v17, v8;
	v23 =	vadd.f32 v47, v46  }
0x101: {  	v54 =	vmul.f32 v16, v6;
	v25 =	vadd.f32 v49, v48;
	v55 =	vmul.f32 v16, v7  }
0x102: {  	v53 =	vmul.f32 v17, v9;
	v19 =	vadd.f32 v19, v50;
	v21 =	vadd.f32 v21, v51  }
0x103: {  	v56 =	vmul.f32 v17, v10;
	v23 =	vadd.f32 v23, v54;
	v25 =	vadd.f32 v25, v55  }
0x104: {  	v57 =	vmul.f32 v17, v11;
	v19 =	vadd.f32 v19, v52;
	v21 =	vadd.f32 v21, v53  }
0x105: {  	v23 =	vadd.f32 v23, v56  }
0x106: {  	v25 =	vadd.f32 v25, v57;
	v58 =	vmul.f32 $2.000000030e-01, v19;
	v59 =	vmul.f32 $2.000000030e-01, v21  }
0x107: {  	v60 =	vmul.f32 $2.000000030e-01, v23  }
0x108: {  	v61 =	vmul.f32 $2.000000030e-01, v25;
	v19 =	vmax.f32 v19, v58;
	v21 =	vmax.f32 v21, v59  }
0x109: {  	v19 =	vmul.f32 v19, v12;
	v21 =	vmul.f32 v21, v13  }
0x10a: {  	v23 =	vmax.f32 v23, v60;
	v25 =	vmax.f32 v25, v61  }
0x10b: {  	v23 =	vmul.f32 v23, v14;
	v25 =	vmul.f32 v25, v15;
	v19 =	vadd.f32 v21, v19;
	_ =	sdelay $0x1  }
0x10c: {  	v23 =	vadd.f32 v25, v23;
	v21 =	vperm.xlane v19, v3  }
0x10d: {  	(xrf2) =	vadd.scan.msk.f32 $0xffff, v19  }
0x10e: {  	v62 =	vperm.xlane v23, v3;
	(xrf2) =	vadd.scan.msk.f32 $0xffff, v21  }
0x10f: {  	(xrf2) =	vadd.scan.msk.f32 $0xffff, v23  }
0x110: {  	(xrf2) =	vadd.scan.msk.f32 $0xffff, v62;
	_ =	sdelay $0x6  }
0x111: {  	v63, _, _ =	vpop (xrf2)  }
0x112: {  	v29, _, _ =	vpop (xrf2)  }
0x113: {  	v25 =	vperm.xlane v29, v3;
	v30, _, _ =	vpop (xrf2)  }
0x114: {  	v31, _, _ =	vpop (xrf2)  }
0x115: {  	v21 =	vadd.f32 v63, v25;
	v32 =	vperm.xlane v31, v3;
	_ =	sdelay $0x1  }
0x116: {  	v19 =	vsub.f32 v21, v19;
	v33 =	vadd.f32 v30, v32;
	_ =	sdelay $0x1  }
0x117: {  	v19 =	vmul.f32 $1.442695020e+00, v19;
	v21 =	vsub.f32 v33, v23;
	_ =	sdelay $0x1  }
0x118: {  	(erf) = vpow2.f32 v19;
	v34 =	vmul.f32 $1.442695020e+00, v21;
	_ =	sdelay $0x1  }
0x119: {  	(erf) = vpow2.f32 v34;
	_ =	sdelay $0x5  }
0x11a: {  	s7 =	sadd.s32 $0x2, s19  }
0x11b: {  	v36 =	vmov s7;
	v35 =	vpop (erf)  }
0x11c: {  	v21 =	vand.u32 $0xFFFFFFFE, v36;
	v18 =	vmul.f32 v35, v18  }
0x11d: {  	v21 =	vbroadcast v21, $0x0;
	v20 =	vmul.f32 v35, v20;
	v19 =	vnsel vm0, $0x0, v35;
	v37 =	vpop (erf)  }
0x11e: {  	[tilespmem:s20+$0xFFFFFFC0] =	vst v18;
	v38 =	vmul.f32 v37, v46;
	v19 =	vsel vm1, v19, v37  }
0x11f: {  	[tilespmem:s20+$0xFFFFFFD0] =	vst v20;
	v39 =	vmul.f32 v37, v48;
	v19 =	vsel vm4, $0x3F800000, v19  }
0x120: {  	[tilespmem:s20+$0xFFFFFFE0] =	vst v38;
	v16 =	vsel vm2, v19, v16  }
0x121: {  	[tilespmem:s20+$0xFFFFFFF0] =	vst v39;
	v16 =	vsel vm3, v16, v17  }
0x122: {  	[tilespmem:s11+$0xFFFFFFF0] =	vst v16  }
0x123: {  	v16 =	vld.idx.msk [tilespmem:v21+s12+$0x0], $0xffff  }
0x124: {  	v17 =	vld.idx.msk [tilespmem:v21+s13+$0x0], $0xffff  }
0x125: {  	v18 =	vld [tilespmem:s15+$0x0]  }
0x126: {  	v40 =	vld [tilespmem:s16+$0x0]  }
0x127: {  	v20 =	vld [tilespmem:s15+$0x10]  }
0x128: {  	v41 =	vld [tilespmem:s16+$0x10]  }
0x129: {  	v42 =	vld [tilespmem:s15+$0x20]  }
0x12a: {  	v43 =	vld [tilespmem:s16+$0x20]  }
0x12b: {  	v44 =	vld [tilespmem:s15+$0x30]  }
0x12c: {  	v45 =	vld [tilespmem:s16+$0x30];
	_ =	sdelay $0x2  }
0x12d: {  	v19 =	vadd.f32 v40, v18;
	v46 =	vmul.f32 v16, v4;
	v21 =	vadd.f32 v41, v20  }
0x12e: {  	v47 =	vmul.f32 v16, v5;
	v48 =	vmul.f32 v17, v8;
	v23 =	vadd.f32 v43, v42  }
0x12f: {  	v50 =	vmul.f32 v16, v6;
	v25 =	vadd.f32 v45, v44;
	v51 =	vmul.f32 v16, v7  }
0x130: {  	v49 =	vmul.f32 v17, v9;
	v19 =	vadd.f32 v19, v46;
	v21 =	vadd.f32 v21, v47  }
0x131: {  	v52 =	vmul.f32 v17, v10;
	v23 =	vadd.f32 v23, v50;
	v25 =	vadd.f32 v25, v51  }
0x132: {  	v53 =	vmul.f32 v17, v11;
	v19 =	vadd.f32 v19, v48;
	v21 =	vadd.f32 v21, v49  }
0x133: {  	v23 =	vadd.f32 v23, v52  }
0x134: {  	v25 =	vadd.f32 v25, v53;
	v54 =	vmul.f32 $2.000000030e-01, v19;
	v55 =	vmul.f32 $2.000000030e-01, v21  }
0x135: {  	v56 =	vmul.f32 $2.000000030e-01, v23  }
0x136: {  	v57 =	vmul.f32 $2.000000030e-01, v25;
	v19 =	vmax.f32 v19, v54;
	v21 =	vmax.f32 v21, v55  }
0x137: {  	v19 =	vmul.f32 v19, v12;
	v21 =	vmul.f32 v21, v13  }
0x138: {  	v23 =	vmax.f32 v23, v56;
	v25 =	vmax.f32 v25, v57  }
0x139: {  	v23 =	vmul.f32 v23, v14;
	v25 =	vmul.f32 v25, v15;
	v19 =	vadd.f32 v21, v19;
	_ =	sdelay $0x1  }
0x13a: {  	v23 =	vadd.f32 v25, v23;
	v21 =	vperm.xlane v19, v3  }
0x13b: {  	(xrf2) =	vadd.scan.msk.f32 $0xffff, v19  }
0x13c: {  	v58 =	vperm.xlane v23, v3;
	(xrf2) =	vadd.scan.msk.f32 $0xffff, v21  }
0x13d: {  	(xrf2) =	vadd.scan.msk.f32 $0xffff, v23  }
0x13e: {  	(xrf2) =	vadd.scan.msk.f32 $0xffff, v58;
	_ =	sdelay $0x6  }
0x13f: {  	v59, _, _ =	vpop (xrf2)  }
0x140: {  	v60, _, _ =	vpop (xrf2)  }
0x141: {  	v25 =	vperm.xlane v60, v3;
	v61, _, _ =	vpop (xrf2)  }
0x142: {  	v62, _, _ =	vpop (xrf2)  }
0x143: {  	v21 =	vadd.f32 v59, v25;
	v63 =	vperm.xlane v62, v3;
	_ =	sdelay $0x1  }
0x144: {  	v19 =	vsub.f32 v21, v19;
	v27 =	vadd.f32 v61, v63;
	_ =	sdelay $0x1  }
0x145: {  	v19 =	vmul.f32 $1.442695020e+00, v19;
	v21 =	vsub.f32 v27, v23;
	_ =	sdelay $0x1  }
0x146: {  	(erf) = vpow2.f32 v19;
	v28 =	vmul.f32 $1.442695020e+00, v21;
	_ =	sdelay $0x1  }
0x147: {  	(erf) = vpow2.f32 v28;
	_ =	sdelay $0x6  }
0x148: {  	v29 =	vpop (erf)  }
0x149: {  	v18 =	vmul.f32 v29, v18  }
0x14a: {  	s19 =	sadd.s32 $0x3, s19;
	v20 =	vmul.f32 v29, v20;
	v19 =	vnsel vm0, $0x0, v29;
	v30 =	vpop (erf)  }
0x14b: {  	v32 =	vmov s19;
	[tilespmem:s20+$0x0] =	vst v18;
	v31 =	vmul.f32 v30, v42;
	v19 =	vsel vm1, v19, v30  }
0x14c: {  	[tilespmem:s20+$0x10] =	vst v20;
	v33 =	vmul.f32 v30, v44;
	v19 =	vsel vm4, $0x3F800000, v19  }
0x14d: {  	[tilespmem:s20+$0x20] =	vst v31;
	v16 =	vsel vm2, v19, v16  }
0x14e: {  	[tilespmem:s20+$0x30] =	vst v33;
	v16 =	vsel vm3, v16, v17  }
0x14f: {  	[tilespmem:s11+$0x0] =	vst v16  }
0x150: {  	v16 =	vld.idx.msk [tilespmem:v32+s12+$0x0], $0xffff  }
0x151: {  	v17 =	vld.idx.msk [tilespmem:v32+s13+$0x0], $0xffff  }
0x152: {  	v18 =	vld [tilespmem:s15+$0x40]  }
0x153: {  	v34 =	vld [tilespmem:s16+$0x40]  }
0x154: {  	v20 =	vld [tilespmem:s15+$0x50]  }
0x155: {  	v35 =	vld [tilespmem:s16+$0x50]  }
0x156: {  	v36 =	vld [tilespmem:s15+$0x60]  }
0x157: {  	v37 =	vld [tilespmem:s16+$0x60]  }
0x158: {  	v38 =	vld [tilespmem:s15+$0x70]  }
0x159: {  	v39 =	vld [tilespmem:s16+$0x70];
	_ =	sdelay $0x2  }
0x15a: {  	v19 =	vadd.f32 v34, v18;
	v40 =	vmul.f32 v16, v4;
	v21 =	vadd.f32 v35, v20  }
0x15b: {  	v41 =	vmul.f32 v16, v5;
	v42 =	vmul.f32 v17, v8;
	v23 =	vadd.f32 v37, v36  }
0x15c: {  	v44 =	vmul.f32 v16, v6;
	v25 =	vadd.f32 v39, v38;
	v45 =	vmul.f32 v16, v7  }
0x15d: {  	v43 =	vmul.f32 v17, v9;
	v19 =	vadd.f32 v19, v40;
	v21 =	vadd.f32 v21, v41  }
0x15e: {  	v46 =	vmul.f32 v17, v10;
	v23 =	vadd.f32 v23, v44;
	v25 =	vadd.f32 v25, v45  }
0x15f: {  	v47 =	vmul.f32 v17, v11;
	v19 =	vadd.f32 v19, v42;
	v21 =	vadd.f32 v21, v43  }
0x160: {  	v23 =	vadd.f32 v23, v46  }
0x161: {  	v25 =	vadd.f32 v25, v47;
	v48 =	vmul.f32 $2.000000030e-01, v19;
	v49 =	vmul.f32 $2.000000030e-01, v21  }
0x162: {  	v50 =	vmul.f32 $2.000000030e-01, v23  }
0x163: {  	v51 =	vmul.f32 $2.000000030e-01, v25;
	v19 =	vmax.f32 v19, v48;
	v21 =	vmax.f32 v21, v49  }
0x164: {  	v19 =	vmul.f32 v19, v12;
	v21 =	vmul.f32 v21, v13  }
0x165: {  	v23 =	vmax.f32 v23, v50;
	v25 =	vmax.f32 v25, v51  }
0x166: {  	v23 =	vmul.f32 v23, v14;
	v25 =	vmul.f32 v25, v15;
	v19 =	vadd.f32 v21, v19;
	_ =	sdelay $0x1  }
0x167: {  	v23 =	vadd.f32 v25, v23;
	v21 =	vperm.xlane v19, v3  }
0x168: {  	(xrf2) =	vadd.scan.msk.f32 $0xffff, v19  }
0x169: {  	v52 =	vperm.xlane v23, v3;
	(xrf2) =	vadd.scan.msk.f32 $0xffff, v21  }
0x16a: {  	(xrf2) =	vadd.scan.msk.f32 $0xffff, v23  }
0x16b: {  	(xrf2) =	vadd.scan.msk.f32 $0xffff, v52;
	_ =	sdelay $0x6  }
0x16c: {  	v53, _, _ =	vpop (xrf2)  }
0x16d: {  	v54, _, _ =	vpop (xrf2)  }
0x16e: {  	v55, _, _ =	vpop (xrf2);
	v25 =	vperm.xlane v54, v3  }
0x16f: {  	v56, _, _ =	vpop (xrf2)  }
0x170: {  	v21 =	vadd.f32 v53, v25;
	v57 =	vperm.xlane v56, v3;
	_ =	sdelay $0x1  }
0x171: {  	v19 =	vsub.f32 v21, v19;
	v58 =	vadd.f32 v55, v57;
	_ =	sdelay $0x1  }
0x172: {  	v19 =	vmul.f32 $1.442695020e+00, v19;
	v21 =	vsub.f32 v58, v23;
	_ =	sdelay $0x1  }
0x173: {  	(erf) = vpow2.f32 v19;
	v59 =	vmul.f32 $1.442695020e+00, v21;
	_ =	sdelay $0x1  }
0x174: {  	(erf) = vpow2.f32 v59;
	_ =	sdelay $0x6  }
0x175: {  	v60 =	vpop (erf)  }
0x176: {  	v18 =	vmul.f32 v60, v18  }
0x177: {  	p1 =	sne.s32 s18, $0x4C;
	v20 =	vmul.f32 v60, v20;
	v19 =	vnsel vm0, $0x0, v60;
	v61 =	vpop (erf)  }
.Ltmp2:
0x178: {  	[tilespmem:s20+$0x40] =	vst v18;
	v62 =	vmul.f32 v61, v36;
	v19 =	vsel vm1, v19, v61;
	(pc) =	sbr.rel @p1 .LBB2_8-.Ltmp2, $4  }
0x179: {  	[tilespmem:s20+$0x50] =	vst v20;
	v63 =	vmul.f32 v61, v38;
	v19 =	vsel vm4, $0x3F800000, v19  }
0x17a: {  	[tilespmem:s20+$0x60] =	vst v62;
	v16 =	vsel vm2, v19, v16  }
0x17b: {  	s18 =	sadd.s32 $0x4, s18;
	s15 =	sadd.s32 $0x100, s15;
	[tilespmem:s20+$0x70] =	vst v63;
	v16 =	vsel vm3, v16, v17  }
0x17c: {  	s16 =	sadd.s32 $0x100, s16;
	s20 =	sadd.s32 $0x100, s20;
	[tilespmem:s11+$0x10] =	vst v16;
	s11 =	sadd.s32 $0x40, s11  }
0x17d: {  	s7 =	smul.u32 $0x280, s9;
	_ =	sdelay $0x1  }
0x17e: {  	s7 =	sshra.s32 s7, $0x2  }
0x17f: {  	s7 =	sadd.s32 $0xFA0, s7  }
0x180: {  	[spmem:s2] =	stream.indirect.scatter.add.f32 [tilespmem:s24], [sflag:$0x3], $0x40, s7, s14, $0xb8;
	[tilespmem:$0x1C0E0] =	vst v63  }
0x181: {  	p1 =	seq.s32 s9, $0x18  }
0x182: {  	[spmem:s3] =	stream.indirect.scatter.add.f32 [tilespmem:s25], [sflag:$0x3], $0x10, s7, s14, $0xb8;
	[tilespmem:$0x1C0E0] =	vst v63  }
0x183: {  	s11 =	simm.s32 @!p1 $0x50;
	s15 =	simm.s32 @!p1 $0x4E20;
	s7 =	sadd.s32 @!p1 $0xA0, s1  }
0x184: {  	[tilespmem:s15], [sflag:$0x1] =	stream.indirect.gather @!p1 [hbm4b:s6+s11], $0x40, s7, s11, $0xb8;
	[tilespmem:$0x1C0E0] =	vst v63  }
0x185: {  	s1 =	sadd.s32 @!p1 $0x1FE0, s1;
	s7 =	simm.s32 @!p1 $0x6220  }
0x186: {  	[tilespmem:s7], [sflag:$0x1] =	stream.indirect.gather @!p1 [hbm4b:s17+s11], $0x40, s1, s11, $0xb8;
	[tilespmem:$0x1C0E0] =	vst v63  }
0x187: {  	_ =	swait.ge [sflag:s26], $0x1400  }
0x188: {  	[sflag:s26] =	ssyncset.done $0x0  }
0x189: {  	[sflag:s26] =	ssyncadd.s32 $0xFFFFEC00  }
0x18a: {  	_ =	swait.ge [sflag:s26], $0x1400  }
0x18b: {  	[sflag:s26] =	ssyncset.done $0x0  }
0x18c: {  	s1 =	simm.s32 @!p0 $0x4;
	[sflag:s26] =	ssyncadd.s32 $0xFFFFEC00  }
0x18d: {  	_ =	swait.ge @!p0 [sflag:s1], $0x1400  }
0x18e: {  	[sflag:s1] =	ssyncset.done @!p0 $0x0  }
0x18f: {  	[sflag:s1] =	ssyncadd.s32 @!p0 $0xFFFFEC00  }
0x190: {  	s16 =	simm.s32 $0xA3A0;
	_ =	swait.ge @!p0 [sflag:s1], $0x500  }
0x191: {  	s20 =	simm.s32 $0xB7A0;
	s15 =	simm.s32 $0x8FA0;
	[sflag:s1] =	ssyncset.done @!p0 $0x0  }
0x192: {  	s11 =	simm.s32 $0xCB40;
	[sflag:s1] =	ssyncadd.s32 @!p0 $0xFFFFFB00;
	s1 =	simm.s32 $0x0  }
.LBB2_10:
0x193: {  	s18 =	sadd.s32 s1, s0  }
0x194: {  	s7 =	sadd.s32 $0x50, s18  }
0x195: {  	v16 =	vmov s7  }
0x196: {  	v18 =	vld [tilespmem:s15+$0xFFFFFF80];
	v16 =	vand.u32 $0xFFFFFFFC, v16  }
0x197: {  	v19 =	vld [tilespmem:s16+$0xFFFFFF80];
	v16 =	vbroadcast v16, $0x0  }
0x198: {  	v20 =	vld [tilespmem:s15+$0xFFFFFF90]  }
0x199: {  	v21 =	vld [tilespmem:s16+$0xFFFFFF90]  }
0x19a: {  	v22 =	vld [tilespmem:s15+$0xFFFFFFA0]  }
0x19b: {  	v23 =	vld [tilespmem:s16+$0xFFFFFFA0]  }
0x19c: {  	v24 =	vld [tilespmem:s15+$0xFFFFFFB0]  }
0x19d: {  	v17 =	vld.idx.msk [tilespmem:v16+s12+$0x0], $0xffff  }
0x19e: {  	v16 =	vld.idx.msk [tilespmem:v16+s13+$0x0], $0xffff  }
0x19f: {  	v25 =	vld [tilespmem:s16+$0xFFFFFFB0];
	_ =	sdelay $0x2  }
0x1a0: {  	v19 =	vadd.f32 v19, v18;
	v21 =	vadd.f32 v21, v20;
	v26 =	vmul.f32 v17, v4  }
0x1a1: {  	v23 =	vadd.f32 v23, v22;
	v27 =	vmul.f32 v17, v5;
	v56 =	vmul.f32 v16, v8  }
0x1a2: {  	v25 =	vadd.f32 v25, v24;
	v28 =	vmul.f32 v17, v6;
	v58 =	vmul.f32 v17, v7  }
0x1a3: {  	v57 =	vmul.f32 v16, v9;
	v19 =	vadd.f32 v19, v26;
	v21 =	vadd.f32 v21, v27  }
0x1a4: {  	v59 =	vmul.f32 v16, v10;
	v23 =	vadd.f32 v23, v28;
	v25 =	vadd.f32 v25, v58  }
0x1a5: {  	v60 =	vmul.f32 v16, v11;
	v19 =	vadd.f32 v19, v56;
	v21 =	vadd.f32 v21, v57  }
0x1a6: {  	v23 =	vadd.f32 v23, v59  }
0x1a7: {  	v25 =	vadd.f32 v25, v60;
	v61 =	vmul.f32 $2.000000030e-01, v19;
	v62 =	vmul.f32 $2.000000030e-01, v21  }
0x1a8: {  	v63 =	vmul.f32 $2.000000030e-01, v23  }
0x1a9: {  	v30 =	vmul.f32 $2.000000030e-01, v25;
	v19 =	vmax.f32 v19, v61;
	v21 =	vmax.f32 v21, v62  }
0x1aa: {  	v19 =	vmul.f32 v19, v12;
	v21 =	vmul.f32 v21, v13  }
0x1ab: {  	v23 =	vmax.f32 v23, v63;
	v25 =	vmax.f32 v25, v30  }
0x1ac: {  	v23 =	vmul.f32 v23, v14;
	v25 =	vmul.f32 v25, v15;
	v19 =	vadd.f32 v21, v19;
	_ =	sdelay $0x1  }
0x1ad: {  	v23 =	vadd.f32 v25, v23;
	v21 =	vperm.xlane v19, v3  }
0x1ae: {  	(xrf2) =	vadd.scan.msk.f32 $0xffff, v19  }
0x1af: {  	v31 =	vperm.xlane v23, v3;
	(xrf2) =	vadd.scan.msk.f32 $0xffff, v21  }
0x1b0: {  	(xrf2) =	vadd.scan.msk.f32 $0xffff, v23  }
0x1b1: {  	(xrf2) =	vadd.scan.msk.f32 $0xffff, v31;
	_ =	sdelay $0x6  }
0x1b2: {  	v32, _, _ =	vpop (xrf2)  }
0x1b3: {  	v33, _, _ =	vpop (xrf2)  }
0x1b4: {  	v25 =	vperm.xlane v33, v3;
	v34, _, _ =	vpop (xrf2)  }
0x1b5: {  	v35, _, _ =	vpop (xrf2)  }
0x1b6: {  	v21 =	vadd.f32 v32, v25;
	v36 =	vperm.xlane v35, v3;
	_ =	sdelay $0x1  }
0x1b7: {  	v19 =	vsub.f32 v21, v19;
	v37 =	vadd.f32 v34, v36;
	_ =	sdelay $0x1  }
0x1b8: {  	v19 =	vmul.f32 $1.442695020e+00, v19;
	v21 =	vsub.f32 v37, v23;
	_ =	sdelay $0x1  }
0x1b9: {  	(erf) = vpow2.f32 v19;
	v38 =	vmul.f32 $1.442695020e+00, v21;
	_ =	sdelay $0x1  }
0x1ba: {  	(erf) = vpow2.f32 v38;
	_ =	sdelay $0x5  }
0x1bb: {  	s19 =	sadd.s32 $0x51, s18  }
0x1bc: {  	v40 =	vmov s19;
	v39 =	vpop (erf)  }
0x1bd: {  	v21 =	vand.u32 $0xFFFFFFFD, v40;
	v18 =	vmul.f32 v39, v18  }
0x1be: {  	v21 =	vbroadcast v21, $0x0;
	v20 =	vmul.f32 v39, v20;
	v19 =	vnsel vm0, $0x0, v39;
	v41 =	vpop (erf)  }
0x1bf: {  	vm4 =	veq.s32 v0, $0x2;
	[tilespmem:s20+$0xFFFFFF80] =	vst v18;
	v42 =	vmul.f32 v41, v22;
	v19 =	vsel vm1, v19, v41  }
0x1c0: {  	[tilespmem:s20+$0xFFFFFF90] =	vst v20;
	v43 =	vmul.f32 v41, v24;
	v19 =	vsel vm4, $0x3F800000, v19  }
0x1c1: {  	[tilespmem:s20+$0xFFFFFFA0] =	vst v42;
	v17 =	vsel vm2, v19, v17  }
0x1c2: {  	[tilespmem:s20+$0xFFFFFFB0] =	vst v43;
	v16 =	vsel vm3, v17, v16  }
0x1c3: {  	[tilespmem:s11+$0xFFFFFFE0] =	vst v16  }
0x1c4: {  	v16 =	vld.idx.msk [tilespmem:v21+s12+$0x0], $0xffff  }
0x1c5: {  	v17 =	vld.idx.msk [tilespmem:v21+s13+$0x0], $0xffff  }
0x1c6: {  	v18 =	vld [tilespmem:s15+$0xFFFFFFC0]  }
0x1c7: {  	v44 =	vld [tilespmem:s16+$0xFFFFFFC0]  }
0x1c8: {  	v20 =	vld [tilespmem:s15+$0xFFFFFFD0]  }
0x1c9: {  	v45 =	vld [tilespmem:s16+$0xFFFFFFD0]  }
0x1ca: {  	v46 =	vld [tilespmem:s15+$0xFFFFFFE0]  }
0x1cb: {  	v47 =	vld [tilespmem:s16+$0xFFFFFFE0]  }
0x1cc: {  	v48 =	vld [tilespmem:s15+$0xFFFFFFF0]  }
0x1cd: {  	v49 =	vld [tilespmem:s16+$0xFFFFFFF0];
	_ =	sdelay $0x2  }
0x1ce: {  	v19 =	vadd.f32 v44, v18;
	v50 =	vmul.f32 v16, v4;
	v21 =	vadd.f32 v45, v20  }
0x1cf: {  	v51 =	vmul.f32 v16, v5;
	v52 =	vmul.f32 v17, v8;
	v23 =	vadd.f32 v47, v46  }
0x1d0: {  	v54 =	vmul.f32 v16, v6;
	v25 =	vadd.f32 v49, v48;
	v55 =	vmul.f32 v16, v7  }
0x1d1: {  	v53 =	vmul.f32 v17, v9;
	v19 =	vadd.f32 v19, v50;
	v21 =	vadd.f32 v21, v51  }
0x1d2: {  	v56 =	vmul.f32 v17, v10;
	v23 =	vadd.f32 v23, v54;
	v25 =	vadd.f32 v25, v55  }
0x1d3: {  	v57 =	vmul.f32 v17, v11;
	v19 =	vadd.f32 v19, v52;
	v21 =	vadd.f32 v21, v53  }
0x1d4: {  	v23 =	vadd.f32 v23, v56  }
0x1d5: {  	v25 =	vadd.f32 v25, v57;
	v58 =	vmul.f32 $2.000000030e-01, v19;
	v59 =	vmul.f32 $2.000000030e-01, v21  }
0x1d6: {  	v60 =	vmul.f32 $2.000000030e-01, v23  }
0x1d7: {  	v61 =	vmul.f32 $2.000000030e-01, v25;
	v19 =	vmax.f32 v19, v58;
	v21 =	vmax.f32 v21, v59  }
0x1d8: {  	v19 =	vmul.f32 v19, v12;
	v21 =	vmul.f32 v21, v13  }
0x1d9: {  	v23 =	vmax.f32 v23, v60;
	v25 =	vmax.f32 v25, v61  }
0x1da: {  	v23 =	vmul.f32 v23, v14;
	v25 =	vmul.f32 v25, v15;
	v19 =	vadd.f32 v21, v19;
	_ =	sdelay $0x1  }
0x1db: {  	v23 =	vadd.f32 v25, v23;
	v21 =	vperm.xlane v19, v3  }
0x1dc: {  	(xrf2) =	vadd.scan.msk.f32 $0xffff, v19  }
0x1dd: {  	v62 =	vperm.xlane v23, v3;
	(xrf2) =	vadd.scan.msk.f32 $0xffff, v21  }
0x1de: {  	(xrf2) =	vadd.scan.msk.f32 $0xffff, v23  }
0x1df: {  	(xrf2) =	vadd.scan.msk.f32 $0xffff, v62;
	_ =	sdelay $0x6  }
0x1e0: {  	v63, _, _ =	vpop (xrf2)  }
0x1e1: {  	v29, _, _ =	vpop (xrf2)  }
0x1e2: {  	v25 =	vperm.xlane v29, v3;
	v30, _, _ =	vpop (xrf2)  }
0x1e3: {  	v31, _, _ =	vpop (xrf2)  }
0x1e4: {  	v21 =	vadd.f32 v63, v25;
	v32 =	vperm.xlane v31, v3;
	_ =	sdelay $0x1  }
0x1e5: {  	v19 =	vsub.f32 v21, v19;
	v33 =	vadd.f32 v30, v32;
	_ =	sdelay $0x1  }
0x1e6: {  	v19 =	vmul.f32 $1.442695020e+00, v19;
	v21 =	vsub.f32 v33, v23;
	_ =	sdelay $0x1  }
0x1e7: {  	(erf) = vpow2.f32 v19;
	v34 =	vmul.f32 $1.442695020e+00, v21;
	_ =	sdelay $0x1  }
0x1e8: {  	(erf) = vpow2.f32 v34;
	_ =	sdelay $0x5  }
0x1e9: {  	s19 =	sadd.s32 $0x52, s18  }
0x1ea: {  	v36 =	vmov s19;
	v35 =	vpop (erf)  }
0x1eb: {  	v21 =	vand.u32 $0xFFFFFFFE, v36;
	v18 =	vmul.f32 v35, v18  }
0x1ec: {  	v21 =	vbroadcast v21, $0x0;
	v20 =	vmul.f32 v35, v20;
	v19 =	vnsel vm0, $0x0, v35;
	v37 =	vpop (erf)  }
0x1ed: {  	[tilespmem:s20+$0xFFFFFFC0] =	vst v18;
	v38 =	vmul.f32 v37, v46;
	v19 =	vsel vm1, v19, v37  }
0x1ee: {  	[tilespmem:s20+$0xFFFFFFD0] =	vst v20;
	v39 =	vmul.f32 v37, v48;
	v19 =	vsel vm4, $0x3F800000, v19  }
0x1ef: {  	[tilespmem:s20+$0xFFFFFFE0] =	vst v38;
	v16 =	vsel vm2, v19, v16  }
0x1f0: {  	[tilespmem:s20+$0xFFFFFFF0] =	vst v39;
	v16 =	vsel vm3, v16, v17  }
0x1f1: {  	[tilespmem:s11+$0xFFFFFFF0] =	vst v16  }
0x1f2: {  	v16 =	vld.idx.msk [tilespmem:v21+s12+$0x0], $0xffff  }
0x1f3: {  	v17 =	vld.idx.msk [tilespmem:v21+s13+$0x0], $0xffff  }
0x1f4: {  	v18 =	vld [tilespmem:s15+$0x0]  }
0x1f5: {  	v40 =	vld [tilespmem:s16+$0x0]  }
0x1f6: {  	v20 =	vld [tilespmem:s15+$0x10]  }
0x1f7: {  	v41 =	vld [tilespmem:s16+$0x10]  }
0x1f8: {  	v42 =	vld [tilespmem:s15+$0x20]  }
0x1f9: {  	v43 =	vld [tilespmem:s16+$0x20]  }
0x1fa: {  	v44 =	vld [tilespmem:s15+$0x30]  }
0x1fb: {  	v45 =	vld [tilespmem:s16+$0x30];
	_ =	sdelay $0x2  }
0x1fc: {  	v19 =	vadd.f32 v40, v18;
	v46 =	vmul.f32 v16, v4;
	v21 =	vadd.f32 v41, v20  }
0x1fd: {  	v47 =	vmul.f32 v16, v5;
	v48 =	vmul.f32 v17, v8;
	v23 =	vadd.f32 v43, v42  }
0x1fe: {  	v50 =	vmul.f32 v16, v6;
	v25 =	vadd.f32 v45, v44;
	v51 =	vmul.f32 v16, v7  }
0x1ff: {  	v49 =	vmul.f32 v17, v9;
	v19 =	vadd.f32 v19, v46;
	v21 =	vadd.f32 v21, v47  }
0x200: {  	v52 =	vmul.f32 v17, v10;
	v23 =	vadd.f32 v23, v50;
	v25 =	vadd.f32 v25, v51  }
0x201: {  	v53 =	vmul.f32 v17, v11;
	v19 =	vadd.f32 v19, v48;
	v21 =	vadd.f32 v21, v49  }
0x202: {  	v23 =	vadd.f32 v23, v52  }
0x203: {  	v25 =	vadd.f32 v25, v53;
	v54 =	vmul.f32 $2.000000030e-01, v19;
	v55 =	vmul.f32 $2.000000030e-01, v21  }
0x204: {  	v56 =	vmul.f32 $2.000000030e-01, v23  }
0x205: {  	v57 =	vmul.f32 $2.000000030e-01, v25;
	v19 =	vmax.f32 v19, v54;
	v21 =	vmax.f32 v21, v55  }
0x206: {  	v19 =	vmul.f32 v19, v12;
	v21 =	vmul.f32 v21, v13  }
0x207: {  	v23 =	vmax.f32 v23, v56;
	v25 =	vmax.f32 v25, v57  }
0x208: {  	v23 =	vmul.f32 v23, v14;
	v25 =	vmul.f32 v25, v15;
	v19 =	vadd.f32 v21, v19;
	_ =	sdelay $0x1  }
0x209: {  	v23 =	vadd.f32 v25, v23;
	v21 =	vperm.xlane v19, v3  }
0x20a: {  	(xrf2) =	vadd.scan.msk.f32 $0xffff, v19  }
0x20b: {  	v58 =	vperm.xlane v23, v3;
	(xrf2) =	vadd.scan.msk.f32 $0xffff, v21  }
0x20c: {  	(xrf2) =	vadd.scan.msk.f32 $0xffff, v23  }
0x20d: {  	(xrf2) =	vadd.scan.msk.f32 $0xffff, v58;
	_ =	sdelay $0x6  }
0x20e: {  	v59, _, _ =	vpop (xrf2)  }
0x20f: {  	v60, _, _ =	vpop (xrf2)  }
0x210: {  	v25 =	vperm.xlane v60, v3;
	v61, _, _ =	vpop (xrf2)  }
0x211: {  	v62, _, _ =	vpop (xrf2)  }
0x212: {  	v21 =	vadd.f32 v59, v25;
	v63 =	vperm.xlane v62, v3;
	_ =	sdelay $0x1  }
0x213: {  	v19 =	vsub.f32 v21, v19;
	v27 =	vadd.f32 v61, v63;
	_ =	sdelay $0x1  }
0x214: {  	v19 =	vmul.f32 $1.442695020e+00, v19;
	v21 =	vsub.f32 v27, v23;
	_ =	sdelay $0x1  }
0x215: {  	(erf) = vpow2.f32 v19;
	v28 =	vmul.f32 $1.442695020e+00, v21;
	_ =	sdelay $0x1  }
0x216: {  	(erf) = vpow2.f32 v28;
	_ =	sdelay $0x6  }
0x217: {  	v29 =	vpop (erf)  }
0x218: {  	v18 =	vmul.f32 v29, v18  }
0x219: {  	s19 =	sadd.s32 $0x53, s18;
	v20 =	vmul.f32 v29, v20;
	v19 =	vnsel vm0, $0x0, v29;
	v30 =	vpop (erf)  }
0x21a: {  	v32 =	vmov s19;
	[tilespmem:s20+$0x0] =	vst v18;
	v31 =	vmul.f32 v30, v42;
	v19 =	vsel vm1, v19, v30  }
0x21b: {  	[tilespmem:s20+$0x10] =	vst v20;
	v33 =	vmul.f32 v30, v44;
	v19 =	vsel vm4, $0x3F800000, v19  }
0x21c: {  	[tilespmem:s20+$0x20] =	vst v31;
	v16 =	vsel vm2, v19, v16  }
0x21d: {  	[tilespmem:s20+$0x30] =	vst v33;
	v16 =	vsel vm3, v16, v17  }
0x21e: {  	[tilespmem:s11+$0x0] =	vst v16  }
0x21f: {  	v16 =	vld.idx.msk [tilespmem:v32+s12+$0x0], $0xffff  }
0x220: {  	v17 =	vld.idx.msk [tilespmem:v32+s13+$0x0], $0xffff  }
0x221: {  	v18 =	vld [tilespmem:s15+$0x40]  }
0x222: {  	v34 =	vld [tilespmem:s16+$0x40]  }
0x223: {  	v20 =	vld [tilespmem:s15+$0x50]  }
0x224: {  	v35 =	vld [tilespmem:s16+$0x50]  }
0x225: {  	v36 =	vld [tilespmem:s15+$0x60]  }
0x226: {  	v37 =	vld [tilespmem:s16+$0x60]  }
0x227: {  	v38 =	vld [tilespmem:s15+$0x70]  }
0x228: {  	v39 =	vld [tilespmem:s16+$0x70];
	_ =	sdelay $0x2  }
0x229: {  	v19 =	vadd.f32 v34, v18;
	v40 =	vmul.f32 v16, v4;
	v21 =	vadd.f32 v35, v20  }
0x22a: {  	v41 =	vmul.f32 v16, v5;
	v42 =	vmul.f32 v17, v8;
	v23 =	vadd.f32 v37, v36  }
0x22b: {  	v44 =	vmul.f32 v16, v6;
	v25 =	vadd.f32 v39, v38;
	v45 =	vmul.f32 v16, v7  }
0x22c: {  	v43 =	vmul.f32 v17, v9;
	v19 =	vadd.f32 v19, v40;
	v21 =	vadd.f32 v21, v41  }
0x22d: {  	v46 =	vmul.f32 v17, v10;
	v23 =	vadd.f32 v23, v44;
	v25 =	vadd.f32 v25, v45  }
0x22e: {  	v47 =	vmul.f32 v17, v11;
	v19 =	vadd.f32 v19, v42;
	v21 =	vadd.f32 v21, v43  }
0x22f: {  	v23 =	vadd.f32 v23, v46  }
0x230: {  	v25 =	vadd.f32 v25, v47;
	v48 =	vmul.f32 $2.000000030e-01, v19;
	v49 =	vmul.f32 $2.000000030e-01, v21  }
0x231: {  	v50 =	vmul.f32 $2.000000030e-01, v23  }
0x232: {  	v51 =	vmul.f32 $2.000000030e-01, v25;
	v19 =	vmax.f32 v19, v48;
	v21 =	vmax.f32 v21, v49  }
0x233: {  	v19 =	vmul.f32 v19, v12;
	v21 =	vmul.f32 v21, v13  }
0x234: {  	v23 =	vmax.f32 v23, v50;
	v25 =	vmax.f32 v25, v51  }
0x235: {  	v23 =	vmul.f32 v23, v14;
	v25 =	vmul.f32 v25, v15;
	v19 =	vadd.f32 v21, v19;
	_ =	sdelay $0x1  }
0x236: {  	v23 =	vadd.f32 v25, v23;
	v21 =	vperm.xlane v19, v3  }
0x237: {  	(xrf2) =	vadd.scan.msk.f32 $0xffff, v19  }
0x238: {  	v52 =	vperm.xlane v23, v3;
	(xrf2) =	vadd.scan.msk.f32 $0xffff, v21  }
0x239: {  	(xrf2) =	vadd.scan.msk.f32 $0xffff, v23  }
0x23a: {  	(xrf2) =	vadd.scan.msk.f32 $0xffff, v52;
	_ =	sdelay $0x6  }
0x23b: {  	v53, _, _ =	vpop (xrf2)  }
0x23c: {  	v54, _, _ =	vpop (xrf2)  }
0x23d: {  	v55, _, _ =	vpop (xrf2);
	v25 =	vperm.xlane v54, v3  }
0x23e: {  	v56, _, _ =	vpop (xrf2)  }
0x23f: {  	v21 =	vadd.f32 v53, v25;
	v57 =	vperm.xlane v56, v3;
	_ =	sdelay $0x1  }
0x240: {  	v19 =	vsub.f32 v21, v19;
	v58 =	vadd.f32 v55, v57;
	_ =	sdelay $0x1  }
0x241: {  	v19 =	vmul.f32 $1.442695020e+00, v19;
	v21 =	vsub.f32 v58, v23;
	_ =	sdelay $0x1  }
0x242: {  	(erf) = vpow2.f32 v19;
	v59 =	vmul.f32 $1.442695020e+00, v21;
	_ =	sdelay $0x1  }
0x243: {  	(erf) = vpow2.f32 v59;
	_ =	sdelay $0x6  }
0x244: {  	v60 =	vpop (erf)  }
0x245: {  	v18 =	vmul.f32 v60, v18  }
0x246: {  	p0 =	sne.s32 s1, $0x4C;
	v20 =	vmul.f32 v60, v20;
	v19 =	vnsel vm0, $0x0, v60;
	v61 =	vpop (erf)  }
.Ltmp3:
0x247: {  	[tilespmem:s20+$0x40] =	vst v18;
	v62 =	vmul.f32 v61, v36;
	v19 =	vsel vm1, v19, v61;
	(pc) =	sbr.rel @p0 .LBB2_10-.Ltmp3, $4  }
0x248: {  	[tilespmem:s20+$0x50] =	vst v20;
	v63 =	vmul.f32 v61, v38;
	v19 =	vsel vm4, $0x3F800000, v19  }
0x249: {  	[tilespmem:s20+$0x60] =	vst v62;
	v16 =	vsel vm2, v19, v16  }
0x24a: {  	s1 =	sadd.s32 $0x4, s1;
	s15 =	sadd.s32 $0x100, s15;
	[tilespmem:s20+$0x70] =	vst v63;
	v16 =	vsel vm3, v16, v17  }
0x24b: {  	s16 =	sadd.s32 $0x100, s16;
	s20 =	sadd.s32 $0x100, s20;
	[tilespmem:s11+$0x10] =	vst v16;
	s11 =	sadd.s32 $0x40, s11  }
0x24c: {  	s9 =	sadd.s32 $0x1, s9  }
0x24d: {  	p0 =	sne.s32 s9, $0x19  }
.Ltmp4:
0x24e: {  	_ = 	snop;
	(pc) =	sbr.rel @p0 .LBB2_7-.Ltmp4, $4  }
0x24f: {  	s1 =	sadd.s32 $0xFA0, s10  }
0x250: {  	[spmem:s2] =	stream.indirect.scatter.add.f32 [tilespmem:s28], [sflag:$0x4], $0x40, s1, s14, $0xb8;
	[tilespmem:$0x1C0E0] =	vst v63  }
0x251: {  	s0 =	sadd.s32 $0xA0, s0  }
0x252: {  	[spmem:s3] =	stream.indirect.scatter.add.f32 [tilespmem:s29], [sflag:$0x4], $0x10, s1, s14, $0xb8;
	[tilespmem:$0x1C0E0] =	vst v63  }
0x253: {  	_ =	swait.ge [sflag:s30], $0x1400  }
0x254: {  	[sflag:s30] =	ssyncset.done $0x0  }
0x255: {  	[sflag:s30] =	ssyncadd.s32 $0xFFFFEC00  }
0x256: {  	_ =	swait.ge [sflag:s30], $0x500  }
0x257: {  	[sflag:s30] =	ssyncset.done $0x0  }
0x258: {  	s4 =	sadd.s32 $0x1, s4;
	[sflag:s30] =	ssyncadd.s32 $0xFFFFFB00  }
0x259: {  	p0 =	sne.s32 s4, $0x5;
	_ =	swait.ge [sflag:s31], $0x1400  }
.Ltmp5:
0x25a: {  	[sflag:s31] =	ssyncset.done $0x0;
	(pc) =	sbr.rel @p0 .LBB2_4-.Ltmp5, $4  }
0x25b: {  	[sflag:s31] =	ssyncadd.s32 $0xFFFFEC00  }
0x25c: {  	_ =	swait.ge [sflag:s31], $0x500  }
0x25d: {  	[sflag:s31] =	ssyncset.done $0x0  }
0x25e: {  	[sflag:s31] =	ssyncadd.s32 $0xFFFFFB00  }
0x25f: {  	[bflag:$0x0] =	sbarrier.arrive $0xFFFF  }
0x260: {  	s1 =	simm.s32 $0xD0E0;
	s9 =	rddreg [dreg:$0x13]  }
0x261: {  	[tilespmem:s1], [sflag:$0x5] =	stream.linear.gather [spmem:s9], $0x2000, $0x38;
	[tilespmem:$0x1C0E0] =	vst v63  }
0x262: {  	_ =	swait.ge [sflag:s8], $0x2000  }
0x263: {  	[sflag:s8] =	ssyncset.done $0x0  }
0x264: {  	s20 =	simm.s32 $0x0;
	s0 =	rddreg [dreg:$0x5];
	[sflag:s8] =	ssyncadd.s32 $0xFFFFE000  }
0x265: {  	[hbm4b:s0+s20] =	stream.linear.scatter [tilespmem:s1], [sflag:$0x5], $0x2000, $0x38;
	[tilespmem:$0x1C0E0] =	vst v63  }
0x266: {  	_ =	swait.ge [sflag:s8], $0x2000  }
0x267: {  	[sflag:s8] =	ssyncset.done $0x0  }
0x268: {  	s4 =	simm.s32 $0xF0E0;
	s10 =	rddreg [dreg:$0x15];
	[sflag:s8] =	ssyncadd.s32 $0xFFFFE000  }
0x269: {  	[tilespmem:s4], [sflag:$0x5] =	stream.linear.gather [spmem:s10], $0x800, $0x38;
	[tilespmem:$0x1C0E0] =	vst v63  }
0x26a: {  	_ =	swait.ge [sflag:s8], $0x800  }
0x26b: {  	[sflag:s8] =	ssyncset.done $0x0  }
0x26c: {  	s15 =	rddreg [dreg:$0xa];
	[sflag:s8] =	ssyncadd.s32 $0xFFFFF800  }
0x26d: {  	[hbm4b:s15+s20] =	stream.linear.scatter [tilespmem:s4], [sflag:$0x5], $0x800, $0x38;
	[tilespmem:$0x1C0E0] =	vst v63  }
0x26e: {  	_ =	swait.ge [sflag:s8], $0x800  }
0x26f: {  	[sflag:s8] =	ssyncset.done $0x0  }
0x270: {  	s15 =	rddreg [dreg:$0x16];
	[sflag:s8] =	ssyncadd.s32 $0xFFFFF800  }
0x271: {  	[tilespmem:s1], [sflag:$0x5] =	stream.linear.gather [spmem:s15], $0x2000, $0x38;
	[tilespmem:$0x1C0E0] =	vst v63  }
0x272: {  	_ =	swait.ge [sflag:s8], $0x2000  }
0x273: {  	[sflag:s8] =	ssyncset.done $0x0  }
0x274: {  	s16 =	rddreg [dreg:$0x6];
	[sflag:s8] =	ssyncadd.s32 $0xFFFFE000  }
0x275: {  	[hbm4b:s16+s20] =	stream.linear.scatter [tilespmem:s1], [sflag:$0x5], $0x2000, $0x38;
	[tilespmem:$0x1C0E0] =	vst v63  }
0x276: {  	_ =	swait.ge [sflag:s8], $0x2000  }
0x277: {  	[sflag:s8] =	ssyncset.done $0x0  }
0x278: {  	s16 =	rddreg [dreg:$0x17];
	[sflag:s8] =	ssyncadd.s32 $0xFFFFE000  }
0x279: {  	[tilespmem:s4], [sflag:$0x5] =	stream.linear.gather [spmem:s16], $0x800, $0x38;
	[tilespmem:$0x1C0E0] =	vst v63  }
0x27a: {  	_ =	swait.ge [sflag:s8], $0x800  }
0x27b: {  	[sflag:s8] =	ssyncset.done $0x0  }
0x27c: {  	s18 =	rddreg [dreg:$0xb];
	[sflag:s8] =	ssyncadd.s32 $0xFFFFF800  }
0x27d: {  	[hbm4b:s18+s20] =	stream.linear.scatter [tilespmem:s4], [sflag:$0x5], $0x800, $0x38;
	[tilespmem:$0x1C0E0] =	vst v63  }
0x27e: {  	_ =	swait.ge [sflag:s8], $0x800  }
0x27f: {  	[sflag:s8] =	ssyncset.done $0x0  }
0x280: {  	s11 =	rddreg [dreg:$0x18];
	[sflag:s8] =	ssyncadd.s32 $0xFFFFF800  }
0x281: {  	[tilespmem:s1], [sflag:$0x5] =	stream.linear.gather [spmem:s11], $0x2000, $0x38;
	[tilespmem:$0x1C0E0] =	vst v63  }
0x282: {  	_ =	swait.ge [sflag:s8], $0x2000  }
0x283: {  	[sflag:s8] =	ssyncset.done $0x0  }
0x284: {  	s19 =	rddreg [dreg:$0x7];
	[sflag:s8] =	ssyncadd.s32 $0xFFFFE000  }
0x285: {  	[hbm4b:s19+s20] =	stream.linear.scatter [tilespmem:s1], [sflag:$0x5], $0x2000, $0x38;
	[tilespmem:$0x1C0E0] =	vst v63  }
0x286: {  	_ =	swait.ge [sflag:s8], $0x2000  }
0x287: {  	[sflag:s8] =	ssyncset.done $0x0  }
0x288: {  	s18 =	rddreg [dreg:$0x19];
	[sflag:s8] =	ssyncadd.s32 $0xFFFFE000  }
0x289: {  	[tilespmem:s4], [sflag:$0x5] =	stream.linear.gather [spmem:s18], $0x800, $0x38;
	[tilespmem:$0x1C0E0] =	vst v63  }
0x28a: {  	_ =	swait.ge [sflag:s8], $0x800  }
0x28b: {  	[sflag:s8] =	ssyncset.done $0x0  }
0x28c: {  	s5 =	rddreg [dreg:$0xc];
	[sflag:s8] =	ssyncadd.s32 $0xFFFFF800  }
0x28d: {  	[hbm4b:s5+s20] =	stream.linear.scatter [tilespmem:s4], [sflag:$0x5], $0x800, $0x38;
	[tilespmem:$0x1C0E0] =	vst v63  }
0x28e: {  	_ =	swait.ge [sflag:s8], $0x800  }
0x28f: {  	[sflag:s8] =	ssyncset.done $0x0  }
0x290: {  	s19 =	rddreg [dreg:$0x1a];
	[sflag:s8] =	ssyncadd.s32 $0xFFFFF800  }
0x291: {  	[tilespmem:s1], [sflag:$0x5] =	stream.linear.gather [spmem:s19], $0x2000, $0x38;
	[tilespmem:$0x1C0E0] =	vst v63  }
0x292: {  	_ =	swait.ge [sflag:s8], $0x2000  }
0x293: {  	[sflag:s8] =	ssyncset.done $0x0  }
0x294: {  	s7 =	rddreg [dreg:$0x8];
	[sflag:s8] =	ssyncadd.s32 $0xFFFFE000  }
0x295: {  	[hbm4b:s7+s20] =	stream.linear.scatter [tilespmem:s1], [sflag:$0x5], $0x2000, $0x38;
	[tilespmem:$0x1C0E0] =	vst v63  }
0x296: {  	_ =	swait.ge [sflag:s8], $0x2000  }
0x297: {  	[sflag:s8] =	ssyncset.done $0x0  }
0x298: {  	s7 =	rddreg [dreg:$0x1b];
	[sflag:s8] =	ssyncadd.s32 $0xFFFFE000  }
0x299: {  	[tilespmem:s4], [sflag:$0x5] =	stream.linear.gather [spmem:s7], $0x800, $0x38;
	[tilespmem:$0x1C0E0] =	vst v63  }
0x29a: {  	_ =	swait.ge [sflag:s8], $0x800  }
0x29b: {  	[sflag:s8] =	ssyncset.done $0x0  }
0x29c: {  	s5 =	rddreg [dreg:$0xd];
	[sflag:s8] =	ssyncadd.s32 $0xFFFFF800  }
0x29d: {  	[hbm4b:s5+s20] =	stream.linear.scatter [tilespmem:s4], [sflag:$0x5], $0x800, $0x38;
	[tilespmem:$0x1C0E0] =	vst v63  }
0x29e: {  	_ =	swait.ge [sflag:s8], $0x800  }
0x29f: {  	[sflag:s8] =	ssyncset.done $0x0  }
0x2a0: {  	s5 =	rddreg [dreg:$0x1c];
	[sflag:s8] =	ssyncadd.s32 $0xFFFFF800  }
0x2a1: {  	[tilespmem:s1], [sflag:$0x5] =	stream.linear.gather [spmem:s5], $0x2000, $0x38;
	[tilespmem:$0x1C0E0] =	vst v63  }
0x2a2: {  	_ =	swait.ge [sflag:s8], $0x2000  }
0x2a3: {  	[sflag:s8] =	ssyncset.done $0x0  }
0x2a4: {  	s5 =	rddreg [dreg:$0x9];
	[sflag:s8] =	ssyncadd.s32 $0xFFFFE000  }
0x2a5: {  	[hbm4b:s5+s20] =	stream.linear.scatter [tilespmem:s1], [sflag:$0x5], $0x2000, $0x38;
	[tilespmem:$0x1C0E0] =	vst v63  }
0x2a6: {  	_ =	swait.ge [sflag:s8], $0x2000  }
0x2a7: {  	[sflag:s8] =	ssyncset.done $0x0  }
0x2a8: {  	s5 =	rddreg [dreg:$0x1d];
	[sflag:s8] =	ssyncadd.s32 $0xFFFFE000  }
0x2a9: {  	[tilespmem:s4], [sflag:$0x5] =	stream.linear.gather [spmem:s5], $0x800, $0x38;
	[tilespmem:$0x1C0E0] =	vst v63  }
0x2aa: {  	_ =	swait.ge [sflag:s8], $0x800  }
0x2ab: {  	[sflag:s8] =	ssyncset.done $0x0  }
0x2ac: {  	s1 =	rddreg [dreg:$0xe];
	[sflag:s8] =	ssyncadd.s32 $0xFFFFF800  }
0x2ad: {  	[hbm4b:s1+s20] =	stream.linear.scatter [tilespmem:s4], [sflag:$0x5], $0x800, $0x38;
	[tilespmem:$0x1C0E0] =	vst v63  }
0x2ae: {  	_ =	swait.ge [sflag:s8], $0x800  }
0x2af: {  	s0 =	rddreg [dreg:$0x1f]  }
0x2b0: {  	s4 =	rddreg [dreg:$0x14];
	s1 =	sadd.s32 $0x1, s0  }
0x2b1: {  	p0 =	sne.s32 s1, s4  }
.Ltmp6:
0x2b2: {  	_ = 	snop;
	(pc) =	sbr.rel @p0 .LBB2_1-.Ltmp6, $3  }
0x2b3: {  	_ =	sdelay $0x1  }
0x2b4: {  	[sflag:s8] =	ssyncset.done $0x0  }
0x2b5: {  	[sflag:s8] =	ssyncadd.s32 $0xFFFFF800  }
0x2b6: {  	_ =	sfence.sel $0x180000  }
0x2b7: {  	[bflag:$0x0] =	sbarrier.arrive $0xFFFF  }
0x2b8: {  	_ =	strace $0x90000047  }
0x2b9: {  	s0 =	stileid.u32;
	[bflag:$0x2] =	sbarrier.arrive $0xFFFF  }
0x2ba: {  	p0 =	sne.s32 s0, $0x0;
	s0 =	rddreg [dreg:$0x4]  }
0x2bb: {  	s0 =	sadd.s32 @!p0 $0x100000, s0  }
0x2bc: {  	[sflag:s0] =	ssyncadd.tile.s32 @!p0 $0x1;
	_ =	shalt  }
.Lfunc_end2:
_tile_overlayer_lowered:
.L_overlay_start_2:
0x2bd: {  	(tag) =	ssettag $0x2  }
0x2be: {  	s0 =	rddreg [dreg:$0x0];
	s2 =	stileid.u32  }
0x2bf: {  	s1 =	rddreg [dreg:$0x1];
	p0 =	sne.s32 s2, $0x0  }
0x2c0: {  	s3 =	rddreg [dreg:$0x2];
	[bflag:$0x3] =	sbarrier.arrive $0xFFFF;
	s2 =	simm.s32 @!p0 $0x1C05  }
0x2c1: {  	[timem:s3], [sflag:s2] =	dma.local @!p0 [hbm:s0], s1  }
0x2c2: {  	s0 =	simm.s32 @!p0 $0x5  }
0x2c3: {  	_ =	swait.ge @!p0 [sflag:s0], s1  }
0x2c4: {  	s1 =	ssub.s32 @!p0 $0x0, s1;
	[sflag:s0] =	ssyncset.done @!p0 $0x0  }
0x2c5: {  	[sflag:s0] =	ssyncadd.s32 @!p0 s1  }
0x2c6: {  	[bflag:$0x3] =	sbarrier.arrive $0xFFFF  }
0x2c7: {  	_ =	shalt  }

</sc_bundles>
